<compile_context>
chip_gen: v7x
topology: tpu7x:2x2x1
jax: 0.10.2.dev20260603
libtpu: 0.0.44.dev20260713+nightly
codegen_flags: <defaults>
</compile_context>

<pallas_src>
import functools

import jax
import jax.numpy as jnp
from jax import lax
from jax.experimental import pallas as pl
from jax.experimental.pallas import tpu as pltpu
from jax.experimental.pallas import tpu_sc as plsc

R = 11
N = 10000
E = 160000
NE = R * E
H = 64
VOCAB = 10000
NC, NS = 2, 16
NW = NC * NS
EXW = 16

NI = R * N
NI_PAD = 110592
GPW = NI_PAD // NW
GCH = 576

_mesh = plsc.VectorSubcoreMesh(core_axis_name="c", subcore_axis_name="s")
_SC_PARAMS = pltpu.CompilerParams(use_tc_tiling_on_sc=False,
                                  needs_layout_passes=False)


def _wid():
    return lax.axis_index("s") * NC + lax.axis_index("c")


@functools.partial(
    pl.kernel, mesh=_mesh, compiler_params=_SC_PARAMS,
    out_type=jax.ShapeDtypeStruct((NI_PAD, 2 * H), jnp.float32),
    scratch_types=[
        pltpu.VMEM((GPW,), jnp.int32),
        pltpu.VMEM((GCH, 2 * H), jnp.float32),
        pltpu.SemaphoreType.DMA,
    ],
)
def _sc_embed_gather(emb_hbm, idx_hbm, out_hbm, idx_v, rows_v, sem):
    base = _wid() * GPW
    pltpu.sync_copy(idx_hbm.at[pl.ds(base, GPW)], idx_v)

    def chunk(c, _):
        off = c * GCH
        pltpu.async_copy(emb_hbm.at[idx_v.at[pl.ds(off, GCH)]], rows_v,
                         sem).wait()
        pltpu.sync_copy(rows_v, out_hbm.at[pl.ds(base + off, GCH), :])
        return 0

    lax.fori_loop(0, GPW // GCH, chunk, 0)


ECH = 400
GRP = ECH // 16
EPC = E // NC
NCHK = EPC // ECH
RPW = N // NS


@functools.partial(
    pl.kernel, mesh=_mesh, compiler_params=_SC_PARAMS,
    out_type=[jax.ShapeDtypeStruct((NC, R, N, H), jnp.float32),
              jax.ShapeDtypeStruct((NC, R, N, EXW), jnp.float32)],
    scratch_types=[
        pltpu.VMEM((ECH,), jnp.int32),
        pltpu.VMEM((ECH, H), jnp.float32),
        pltpu.VMEM((ECH, H), jnp.float32),
        pltpu.VMEM((ECH,), jnp.float32),
        pltpu.VMEM((ECH, EXW), jnp.float32),
        pltpu.VMEM_SHARED((N, H), jnp.float32),
        pltpu.VMEM_SHARED((N, EXW), jnp.float32),
        pltpu.SemaphoreType.DMA,
    ],
)
def _sc_edge_attn(qk_hbm, vs_hbm, dst2_hbm, srck_hbm, srcv_hbm, dstr_hbm,
                  zn_hbm, zd_hbm, num_hbm, den_hbm,
                  ibuf, abuf, bbuf, exb, exw, num_sh, den_sh, sem):
    core = lax.axis_index("c")
    sid = lax.axis_index("s")
    r0 = sid * RPW
    lanes = jnp.arange(16, dtype=jnp.int32)
    nchk = (NCHK - sid + NS - 1) // NS

    def rel(e, _):
        pltpu.sync_copy(zn_hbm.at[pl.ds(r0, RPW), :],
                        num_sh.at[pl.ds(r0, RPW), :])
        pltpu.sync_copy(zd_hbm.at[pl.ds(r0, RPW), :],
                        den_sh.at[pl.ds(r0, RPW), :])
        plsc.subcore_barrier()

        def chunk(j, _):
            base = e * E + core * EPC + (sid + j * NS) * ECH
            pltpu.sync_copy(dst2_hbm.at[pl.ds(base, ECH)], ibuf)
            pltpu.async_copy(qk_hbm.at[ibuf], abuf, sem).wait()
            pltpu.sync_copy(srck_hbm.at[pl.ds(base, ECH)], ibuf)
            pltpu.async_copy(qk_hbm.at[ibuf], bbuf, sem).wait()

            def grp_a(g, _):
                rows = g * 16 + lanes
                acc = jnp.zeros((16,), jnp.float32)
                for f in range(H):
                    fi = jnp.full((16,), f, jnp.int32)
                    acc = acc + (plsc.load_gather(abuf, [rows, fi]) *
                                 plsc.load_gather(bbuf, [rows, fi]))
                ex = jnp.exp(acc * 0.125)
                exb[pl.ds(g * 16, 16)] = ex
                for c in range(EXW):
                    ci = jnp.full((16,), c, jnp.int32)
                    plsc.store_scatter(exw, [rows, ci], ex)
                return 0

            lax.fori_loop(0, GRP, grp_a, 0)

            pltpu.sync_copy(srcv_hbm.at[pl.ds(base, ECH)], ibuf)
            pltpu.async_copy(vs_hbm.at[ibuf], bbuf, sem).wait()

            def grp_b(g, _):
                rows = g * 16 + lanes
                ex = exb[pl.ds(g * 16, 16)]
                for f in range(H):
                    fi = jnp.full((16,), f, jnp.int32)
                    vf = plsc.load_gather(bbuf, [rows, fi])
                    plsc.store_scatter(bbuf, [rows, fi], vf * ex)
                return 0

            lax.fori_loop(0, GRP, grp_b, 0)
            pltpu.sync_copy(dstr_hbm.at[pl.ds(base, ECH)], ibuf)
            pltpu.sync_copy(bbuf, num_sh.at[ibuf], add=True)
            pltpu.sync_copy(exw, den_sh.at[ibuf], add=True)
            return 0

        lax.fori_loop(0, nchk, chunk, 0)
        plsc.subcore_barrier()
        pltpu.sync_copy(num_sh.at[pl.ds(r0, RPW), :],
                        num_hbm.at[core, e, pl.ds(r0, RPW), :])
        pltpu.sync_copy(den_sh.at[pl.ds(r0, RPW), :],
                        den_hbm.at[core, e, pl.ds(r0, RPW), :])
        plsc.subcore_barrier()
        return 0

    lax.fori_loop(0, R, rel, 0)


@functools.partial(
    pl.kernel, mesh=_mesh, compiler_params=_SC_PARAMS,
    out_type=jax.ShapeDtypeStruct((NC, R, N, H), jnp.float32),
    scratch_types=[
        pltpu.VMEM((ECH,), jnp.int32),
        pltpu.VMEM((ECH,), jnp.int32),
        pltpu.VMEM((ECH, H), jnp.float32),
        pltpu.VMEM_SHARED((N, H), jnp.float32),
        pltpu.SemaphoreType.DMA,
    ],
)
def _sc_scatter_agg(hn_hbm, srci_hbm, dst_hbm, zn_hbm,
                    agg_hbm, idx_s, idx_d, buf, agg_sh, sem):
    core = lax.axis_index("c")
    sid = lax.axis_index("s")
    r0 = sid * RPW
    nchk = (NCHK - sid + NS - 1) // NS

    def rel(e, _):
        pltpu.sync_copy(zn_hbm.at[pl.ds(r0, RPW), :],
                        agg_sh.at[pl.ds(r0, RPW), :])
        plsc.subcore_barrier()

        def chunk(j, _):
            base = e * E + core * EPC + (sid + j * NS) * ECH
            pltpu.sync_copy(srci_hbm.at[pl.ds(base, ECH)], idx_s)
            pltpu.sync_copy(dst_hbm.at[pl.ds(base, ECH)], idx_d)
            pltpu.async_copy(hn_hbm.at[idx_s], buf, sem).wait()
            pltpu.sync_copy(buf, agg_sh.at[idx_d], add=True)
            return 0

        lax.fori_loop(0, nchk, chunk, 0)
        plsc.subcore_barrier()
        pltpu.sync_copy(agg_sh.at[pl.ds(r0, RPW), :],
                        agg_hbm.at[core, e, pl.ds(r0, RPW), :])
        plsc.subcore_barrier()
        return 0

    lax.fori_loop(0, R, rel, 0)


_HI = jax.lax.Precision.HIGHEST


def _dot(a, b):
    return jax.lax.dot_general(a, b, (((1,), (0,)), ((), ())),
                               precision=_HI,
                               preferred_element_type=jnp.float32)


def _tc_qkvs_body(h_ref, w_ref, b_ref, qk_ref, vs_ref):
    r = _dot(h_ref[...], w_ref[...]) + b_ref[...]
    qk_ref[...] = r[:, 0:2 * H]
    vs_ref[...] = r[:, 2 * H:4 * H]


QKV_BLK = 1024


def _tc_qkvs(h2, w4d, b4):
    n = NI_PAD
    grid = (n // QKV_BLK,)
    blk = lambda i: (i, 0)
    return pl.pallas_call(
        _tc_qkvs_body,
        grid=grid,
        in_specs=[pl.BlockSpec((QKV_BLK, 2 * H), blk),
                  pl.BlockSpec((2 * H, 4 * H), lambda i: (0, 0)),
                  pl.BlockSpec((1, 4 * H), lambda i: (0, 0))],
        out_specs=[pl.BlockSpec((QKV_BLK, 2 * H), blk)] * 2,
        out_shape=[jax.ShapeDtypeStruct((n, 2 * H), jnp.float32)] * 2,
    )(h2, w4d, b4)


NORM_BLK = 1000


def _tc_norm_body(num_ref, den_ref, vs_ref, g_ref, b_ref, hn_ref):
    num = num_ref[0, 0] + num_ref[1, 0]
    den = (den_ref[0, 0] + den_ref[1, 0])[:, 0:1]
    att = jnp.where(den > 0.0, num / den, 0.0)
    out = att + vs_ref[...][:, H:2 * H]
    mu = jnp.mean(out, axis=1, keepdims=True)
    var = jnp.mean((out - mu) ** 2, axis=1, keepdims=True)
    hn = (out - mu) / jnp.sqrt(var + 1e-5) * g_ref[0] + b_ref[0]
    hn_ref[...] = jnp.concatenate([hn, hn], axis=1)


def _tc_norm(num_p, den_p, vs, lng, lnb):
    grid = (R, N // NORM_BLK)
    return pl.pallas_call(
        _tc_norm_body,
        grid=grid,
        in_specs=[
            pl.BlockSpec((NC, 1, NORM_BLK, H), lambda e, i: (0, e, i, 0)),
            pl.BlockSpec((NC, 1, NORM_BLK, EXW), lambda e, i: (0, e, i, 0)),
            pl.BlockSpec((NORM_BLK, 2 * H),
                         lambda e, i: (e * (N // NORM_BLK) + i, 0)),
            pl.BlockSpec((1, 1, H), lambda e, i: (e, 0, 0)),
            pl.BlockSpec((1, 1, H), lambda e, i: (e, 0, 0)),
        ],
        out_specs=pl.BlockSpec((NORM_BLK, 2 * H),
                               lambda e, i: (e * (N // NORM_BLK) + i, 0)),
        out_shape=jax.ShapeDtypeStruct((NI_PAD, 2 * H), jnp.float32),
    )(num_p, den_p, vs, lng, lnb)


def _tc_mlp_body(tx_ref, agg_ref, w1_ref, b1_ref, w2_ref, b2_ref,
                 w3_ref, b3_ref, out_ref):
    parts = [tx_ref[...]]
    for e in range(R):
        parts.append(agg_ref[0, e] + agg_ref[1, e])
    comb = jnp.concatenate(parts, axis=1)
    x1 = jnp.maximum(_dot(comb, w1_ref[...]) + b1_ref[...], 0.0)
    x2 = jnp.maximum(_dot(x1, w2_ref[...]) + b2_ref[...], 0.0)
    out_ref[...] = _dot(x2, w3_ref[...]) + b3_ref[...]


MLP_BLK = 1000
F_TX = 432
CIN = F_TX + R * H


def _tc_mlp(tx_x, agg_p, w1, b1, w2, b2, w3, b3):
    grid = (N // MLP_BLK,)
    return pl.pallas_call(
        _tc_mlp_body,
        grid=grid,
        in_specs=[
            pl.BlockSpec((MLP_BLK, F_TX), lambda i: (i, 0)),
            pl.BlockSpec((NC, R, MLP_BLK, H), lambda i: (0, 0, i, 0)),
            pl.BlockSpec((CIN, H), lambda i: (0, 0)),
            pl.BlockSpec((1, H), lambda i: (0, 0)),
            pl.BlockSpec((H, H), lambda i: (0, 0)),
            pl.BlockSpec((1, H), lambda i: (0, 0)),
            pl.BlockSpec((H, 1), lambda i: (0, 0)),
            pl.BlockSpec((1, 1), lambda i: (0, 0)),
        ],
        out_specs=pl.BlockSpec((MLP_BLK, 1), lambda i: (i, 0)),
        out_shape=jax.ShapeDtypeStruct((N, 1), jnp.float32),
    )(tx_x, agg_p, w1, b1, w2, b2, w3, b3)


def kernel(tx_x, x_card1, ei_card1, emb_card1, ln_g_card1, ln_b_card1, x_card2, ei_card2, emb_card2, ln_g_card2, ln_b_card2, x_card3, ei_card3, emb_card3, ln_g_card3, ln_b_card3, x_card4, ei_card4, emb_card4, ln_g_card4, ln_b_card4, x_card5, ei_card5, emb_card5, ln_g_card5, ln_b_card5, x_card6, ei_card6, emb_card6, ln_g_card6, ln_b_card6, x_ProductCD, ei_ProductCD, emb_ProductCD, ln_g_ProductCD, ln_b_ProductCD, x_P_emaildomain, ei_P_emaildomain, emb_P_emaildomain, ln_g_P_emaildomain, ln_b_P_emaildomain, x_addr1, ei_addr1, emb_addr1, ln_g_addr1, ln_b_addr1, x_addr2, ei_addr2, emb_addr2, ln_g_addr2, ln_b_addr2, x_dist1, ei_dist1, emb_dist1, ln_g_dist1, ln_b_dist1, W_tx, b_tx, W_q, b_q, W_k, b_k, W_v, b_v, W_skip, b_skip, W_c1, b_c1, W_c2, b_c2, W_c3, b_c3):
    xs = [x_card1, x_card2, x_card3, x_card4, x_card5, x_card6,
          x_ProductCD, x_P_emaildomain, x_addr1, x_addr2, x_dist1]
    eis = [ei_card1, ei_card2, ei_card3, ei_card4, ei_card5, ei_card6,
           ei_ProductCD, ei_P_emaildomain, ei_addr1, ei_addr2, ei_dist1]
    embs = [emb_card1, emb_card2, emb_card3, emb_card4, emb_card5, emb_card6,
            emb_ProductCD, emb_P_emaildomain, emb_addr1, emb_addr2, emb_dist1]
    lngs = [ln_g_card1, ln_g_card2, ln_g_card3, ln_g_card4, ln_g_card5,
            ln_g_card6, ln_g_ProductCD, ln_g_P_emaildomain, ln_g_addr1,
            ln_g_addr2, ln_g_dist1]
    lnbs = [ln_b_card1, ln_b_card2, ln_b_card3, ln_b_card4, ln_b_card5,
            ln_b_card6, ln_b_ProductCD, ln_b_P_emaildomain, ln_b_addr1,
            ln_b_addr2, ln_b_dist1]

    emb_all = jnp.concatenate(embs, axis=0)
    xidx = jnp.concatenate(
        [x[:, 0] + i * VOCAB for i, x in enumerate(xs)])
    xidx = jnp.concatenate(
        [xidx, jnp.zeros((NI_PAD - NI,), jnp.int32)])
    dst_raw = jnp.concatenate([ei[1] for ei in eis])
    src_off = jnp.concatenate(
        [ei[0] + i * N for i, ei in enumerate(eis)])
    dst_off = dst_raw + jnp.repeat(
        jnp.arange(R, dtype=jnp.int32) * N, E)
    w4 = jnp.concatenate([W_q, W_k, W_v, W_skip], axis=1)
    b4 = jnp.concatenate([b_q, b_k, b_v, b_skip]).reshape(1, 4 * H)
    lng = jnp.stack(lngs).reshape(R, 1, H)
    lnb = jnp.stack(lnbs).reshape(R, 1, H)
    zn = jnp.zeros((N, H), jnp.float32)
    zd = jnp.zeros((N, EXW), jnp.float32)

    emb2 = jnp.concatenate([emb_all, emb_all], axis=1)
    w4d = jnp.concatenate([w4, jnp.zeros((H, 4 * H), jnp.float32)], axis=0)
    src2 = src_off * 2

    h2 = _sc_embed_gather(emb2, xidx)
    qk, vs = _tc_qkvs(h2, w4d, b4)
    qkf = qk.reshape(2 * NI_PAD, H)
    vsf = vs.reshape(2 * NI_PAD, H)
    num_p, den_p = _sc_edge_attn(qkf, vsf, dst_off * 2,
                                 src2 + 1, src2,
                                 dst_raw, zn, zd)
    hn2 = _tc_norm(num_p, den_p, vs, lng, lnb)
    hnf = hn2.reshape(2 * NI_PAD, H)
    agg_p = _sc_scatter_agg(hnf, src2, dst_raw, zn)
    return _tc_mlp(tx_x, agg_p, W_c1, b_c1.reshape(1, H),
                   W_c2, b_c2.reshape(1, H),
                   W_c3, b_c3.reshape(1, 1))

# --- scband reference (transcript-rebuilt; emitter-appended) ---
"""Pipeline reference for scband-hetero-conv-fraud-detector-90804198572575 (READ-ONLY COPY).

The authoritative reference and input builder live on the scoring server;
editing this copy changes nothing except your own understanding.
"""

import jax, jax.numpy as jnp
import numpy as np

ENTITIES = ['card1','card2','card3','card4','card5','card6','ProductCD','P_emaildomain','addr1','addr2','dist1']
N = 10000
E = 160000
F_TX = 432
H = 64
VOCAB = 10000


def setup_inputs(seed: int = 0):
    key = jax.random.key(seed)
    ks = iter([jax.random.fold_in(key, i) for i in range(300)])
    inp = {}
    inp['tx_x'] = jax.random.normal(next(ks), (N, F_TX), dtype=jnp.float32)
    for e in ENTITIES:
        inp['x_' + e] = jax.random.randint(next(ks), (N, 1), 0, VOCAB, dtype=jnp.int32)
        inp['ei_' + e] = jax.random.randint(next(ks), (2, E), 0, N, dtype=jnp.int32)
        inp['emb_' + e] = jax.random.normal(next(ks), (VOCAB, H), dtype=jnp.float32) * 0.02
        inp['ln_g_' + e] = jnp.ones((H,), dtype=jnp.float32)
        inp['ln_b_' + e] = jnp.zeros((H,), dtype=jnp.float32)
    inp['W_tx'] = jax.random.normal(next(ks), (F_TX, H), dtype=jnp.float32) * 0.02
    inp['b_tx'] = jnp.zeros((H,), dtype=jnp.float32)
    for nm in ['q', 'k', 'v', 'skip']:
        inp['W_' + nm] = jax.random.normal(next(ks), (H, H), dtype=jnp.float32) * 0.05
        inp['b_' + nm] = jnp.zeros((H,), dtype=jnp.float32)
    CIN = F_TX + H * len(ENTITIES)
    inp['W_c1'] = jax.random.normal(next(ks), (CIN, H), dtype=jnp.float32) * 0.02
    inp['b_c1'] = jnp.zeros((H,), dtype=jnp.float32)
    inp['W_c2'] = jax.random.normal(next(ks), (H, 64), dtype=jnp.float32) * 0.05
    inp['b_c2'] = jnp.zeros((64,), dtype=jnp.float32)
    inp['W_c3'] = jax.random.normal(next(ks), (64, 1), dtype=jnp.float32) * 0.05
    inp['b_c3'] = jnp.zeros((1,), dtype=jnp.float32)
    return inp


def _layernorm(x, g, b):
    mu = jnp.mean(x, axis=-1, keepdims=True)
    var = jnp.mean((x - mu) ** 2, axis=-1, keepdims=True)
    return (x - mu) / jnp.sqrt(var + 1e-5) * g + b


def _forward(fl, it):
    tx_x = fl['tx_x']
    n = tx_x.shape[0]
    # tx projection (computed in torch forward; unused downstream since use_heteroconv=False)
    tx_h = tx_x @ fl['W_tx'] + fl['b_tx']
    scale = 1.0 / jnp.sqrt(jnp.float32(H))
    msgs = []
    for e in ENTITIES:
        h = jnp.take(fl['emb_' + e], it['x_' + e][:, 0], axis=0)
        src = it['ei_' + e][0]
        dst = it['ei_' + e][1]
        # TransformerConv (heads=1, concat=True, root_weight=True, eval mode -> no dropout)
        q = h @ fl['W_q'] + fl['b_q']
        k = h @ fl['W_k'] + fl['b_k']
        v = h @ fl['W_v'] + fl['b_v']
        logit = jnp.sum(q[dst] * k[src], axis=-1) * scale
        m = jax.ops.segment_max(logit, dst, num_segments=n)
        ex = jnp.exp(logit - m[dst])
        den = jax.ops.segment_sum(ex, dst, num_segments=n)
        alpha = ex / den[dst]
        out = jax.ops.segment_sum(alpha[:, None] * v[src], dst, num_segments=n)
        out = out + h @ fl['W_skip'] + fl['b_skip']
        hn = _layernorm(out, fl['ln_g_' + e], fl['ln_b_' + e])
        agg = jnp.zeros((n, H), dtype=jnp.float32).at[dst].add(hn[src])
        msgs.append(agg)
    combined = jnp.concatenate([tx_x] + msgs, axis=-1)
    x1 = jax.nn.relu(combined @ fl['W_c1'] + fl['b_c1'])
    x2 = jax.nn.relu(x1 @ fl['W_c2'] + fl['b_c2'])
    return x2 @ fl['W_c3'] + fl['b_c3']


def reference(tx_x,
              x_card1, ei_card1, emb_card1, ln_g_card1, ln_b_card1,
              x_card2, ei_card2, emb_card2, ln_g_card2, ln_b_card2,
              x_card3, ei_card3, emb_card3, ln_g_card3, ln_b_card3,
              x_card4, ei_card4, emb_card4, ln_g_card4, ln_b_card4,
              x_card5, ei_card5, emb_card5, ln_g_card5, ln_b_card5,
              x_card6, ei_card6, emb_card6, ln_g_card6, ln_b_card6,
              x_ProductCD, ei_ProductCD, emb_ProductCD, ln_g_ProductCD, ln_b_ProductCD,
              x_P_emaildomain, ei_P_emaildomain, emb_P_emaildomain, ln_g_P_emaildomain, ln_b_P_emaildomain,
              x_addr1, ei_addr1, emb_addr1, ln_g_addr1, ln_b_addr1,
              x_addr2, ei_addr2, emb_addr2, ln_g_addr2, ln_b_addr2,
              x_dist1, ei_dist1, emb_dist1, ln_g_dist1, ln_b_dist1,
              W_tx, b_tx,
              W_q, b_q, W_k, b_k, W_v, b_v, W_skip, b_skip,
              W_c1, b_c1, W_c2, b_c2, W_c3, b_c3):
    kw = dict(locals())
    it = {k2: v for k2, v in kw.items() if k2.startswith('x_') or k2.startswith('ei_')}
    fl = {k2: v for k2, v in kw.items() if k2 not in it}
    return _forward(fl, it)

if __name__ == "__main__":
    import jax
    _d = setup_inputs()
    print(jax.jit(kernel)(*tuple(_d.values())))

</pallas_src>

<mosaic_0001>
#map = affine_map<(d0, d1) -> (0, 0)>
#map1 = affine_map<(d0, d1) -> (0)>
module attributes {stable_mosaic.version = 14 : i64} {
  func.func @_sc_embed_gather(%arg0: i32, %arg1: i32, %arg2: memref<110000x128xf32, #tpu.memory_space<hbm>>, %arg3: memref<110592xi32, #tpu.memory_space<hbm>>, %arg4: memref<110592x128xf32, #tpu.memory_space<hbm>>, %arg5: memref<3456xi32, #tpu.memory_space<vmem>>, %arg6: memref<576x128xf32, #tpu.memory_space<vmem>>, %arg7: memref<!tpu.dma_semaphore, #tpu.memory_space<semaphore_mem>>) attributes {dimension_semantics = [#tpu.dimension_semantics<core_parallel>, #tpu.dimension_semantics<subcore_parallel>], iteration_bounds = array<i64: 2, 16>, scalar_prefetch = 0 : i64, scratch_operands = 3 : i64, tpu.core_type = #tpu.core_type<sc_vector_subcore>, window_params = [{transform_indices = #map}, {transform_indices = #map1}, {transform_indices = #map}]} {
    %mul3A = arith.constant 2 : i32
    %mul3A_0 = arith.muli %arg1, %mul3A : i32
    %add3A = arith.addi %mul3A_0, %arg0 : i32
    %mul3A_1 = arith.constant 3456 : i32
    %mul3A_2 = arith.muli %add3A, %mul3A_1 : i32
    "tpu.region"() ({
      %run_scoped3A = tpu.sem_alloc : memref<!tpu.dma_semaphore, #tpu.memory_space<semaphore_mem>>
      %dma_start3A = tpu.memref_slice %arg3[%mul3A_2] : memref<110592xi32, #tpu.memory_space<hbm>> -> memref<3456xi32, #tpu.memory_space<hbm>>
      %dma_start3A_9 = tpu.memref_slice %arg3[%mul3A_2] : memref<110592xi32, #tpu.memory_space<hbm>> -> memref<3456xi32, #tpu.memory_space<hbm>>
      tpu.enqueue_dma source(%dma_start3A_9 : memref<3456xi32, #tpu.memory_space<hbm>>) target(%arg5 : memref<3456xi32, #tpu.memory_space<vmem>>) target_semaphore(%run_scoped3A : memref<!tpu.dma_semaphore, #tpu.memory_space<semaphore_mem>>)
      %dma_wait3A = tpu.memref_slice %arg3[%mul3A_2] : memref<110592xi32, #tpu.memory_space<hbm>> -> memref<3456xi32, #tpu.memory_space<hbm>>
      %dma_wait3A_10 = tpu.memref_slice %arg3[%mul3A_2] : memref<110592xi32, #tpu.memory_space<hbm>> -> memref<3456xi32, #tpu.memory_space<hbm>>
      tpu.wait_dma2 semaphore(%run_scoped3A : memref<!tpu.dma_semaphore, #tpu.memory_space<semaphore_mem>>) src(%dma_wait3A_10 : memref<3456xi32, #tpu.memory_space<hbm>>) dst(%arg5 : memref<3456xi32, #tpu.memory_space<vmem>>)
      tpu.yield
    }) : () -> ()
    %scan3A = arith.constant 0 : i32
    %scan3A_3 = arith.constant 0 : i32
    %scan3A_4 = arith.constant 6 : i32
    %scan3A_5 = arith.addi %scan3A_3, %scan3A_4 : i32
    %scan3A_6 = arith.constant 1 : i32
    %scan3A_7 = scf.for %scan3A_9 = %scan3A_3 to %scan3A_5 step %scan3A_6 iter_args(%scan3A_10 = %scan3A) -> (i32)  : i32 {
      %mul3A_11 = arith.constant 576 : i32
      %mul3A_12 = arith.muli %scan3A_9, %mul3A_11 : i32
      %dma_start3A = tpu.memref_slice %arg5[%mul3A_12] : memref<3456xi32, #tpu.memory_space<vmem>> -> memref<576xi32, #tpu.memory_space<vmem>>
      %dma_start3A_13 = arith.constant 0 : i32
      %dma_start3A_14 = arith.constant 0 : i32
      %dma_start3A_15 = tpu.memref_slice %arg2[%dma_start3A_13, %dma_start3A_14] : memref<110000x128xf32, #tpu.memory_space<hbm>> -> memref<110000x128xf32, #tpu.memory_space<hbm>>
      tpu.enqueue_indirect_dma source(%dma_start3A_15 : memref<110000x128xf32, #tpu.memory_space<hbm>>) target(%arg6 : memref<576x128xf32, #tpu.memory_space<vmem>>) offsets(%dma_start3A : memref<576xi32, #tpu.memory_space<vmem>>) semaphore(%arg7 : memref<!tpu.dma_semaphore, #tpu.memory_space<semaphore_mem>>)
      %dma_wait3A = tpu.memref_slice %arg5[%mul3A_12] : memref<3456xi32, #tpu.memory_space<vmem>> -> memref<576xi32, #tpu.memory_space<vmem>>
      %dma_wait3A_16 = arith.constant 0 : i32
      %dma_wait3A_17 = arith.constant 0 : i32
      %dma_wait3A_18 = tpu.memref_slice %arg2[%dma_wait3A_16, %dma_wait3A_17] : memref<110000x128xf32, #tpu.memory_space<hbm>> -> memref<110000x128xf32, #tpu.memory_space<hbm>>
      tpu.wait_indirect_dma semaphore(%arg7 : memref<!tpu.dma_semaphore, #tpu.memory_space<semaphore_mem>>) src(%dma_wait3A_18 : memref<110000x128xf32, #tpu.memory_space<hbm>>) dst(%arg6 : memref<576x128xf32, #tpu.memory_space<vmem>>)
      %add3A_19 = arith.addi %mul3A_2, %mul3A_12 : i32
      "tpu.region"() ({
        %run_scoped3A = tpu.sem_alloc : memref<!tpu.dma_semaphore, #tpu.memory_space<semaphore_mem>>
        %dma_start3A_21 = arith.constant 0 : i32
        %dma_start3A_22 = tpu.memref_slice %arg4[%add3A_19, %dma_start3A_21] : memref<110592x128xf32, #tpu.memory_space<hbm>> -> memref<576x128xf32, #tpu.memory_space<hbm>>
        %dma_start3A_23 = arith.constant 0 : i32
        %dma_start3A_24 = tpu.memref_slice %arg4[%add3A_19, %dma_start3A_23] : memref<110592x128xf32, #tpu.memory_space<hbm>> -> memref<576x128xf32, #tpu.memory_space<hbm>>
        tpu.enqueue_dma source(%arg6 : memref<576x128xf32, #tpu.memory_space<vmem>>) target(%dma_start3A_24 : memref<576x128xf32, #tpu.memory_space<hbm>>) target_semaphore(%run_scoped3A : memref<!tpu.dma_semaphore, #tpu.memory_space<semaphore_mem>>)
        %dma_wait3A_25 = arith.constant 0 : i32
        %dma_wait3A_26 = tpu.memref_slice %arg4[%add3A_19, %dma_wait3A_25] : memref<110592x128xf32, #tpu.memory_space<hbm>> -> memref<576x128xf32, #tpu.memory_space<hbm>>
        %dma_wait3A_27 = arith.constant 0 : i32
        %dma_wait3A_28 = tpu.memref_slice %arg4[%add3A_19, %dma_wait3A_27] : memref<110592x128xf32, #tpu.memory_space<hbm>> -> memref<576x128xf32, #tpu.memory_space<hbm>>
        tpu.wait_dma2 semaphore(%run_scoped3A : memref<!tpu.dma_semaphore, #tpu.memory_space<semaphore_mem>>) src(%arg6 : memref<576x128xf32, #tpu.memory_space<vmem>>) dst(%dma_wait3A_28 : memref<576x128xf32, #tpu.memory_space<hbm>>)
        tpu.yield
      }) : () -> ()
      %scan3A_20 = arith.constant 0 : i32
      scf.yield %scan3A_20 : i32
    }
    %scan3A_8 = arith.constant 6 : i32
    return
  }
}

#map = affine_map<(d0, d1) -> (0, 0)>
#map1 = affine_map<(d0, d1) -> (0)>
#map2 = affine_map<(d0, d1) -> (0, 0, 0, 0)>
module attributes {stable_mosaic.version = 14 : i64} {
  func.func @_sc_edge_attn(%arg0: i32, %arg1: i32, %arg2: memref<221184x64xf32, #tpu.memory_space<hbm>>, %arg3: memref<221184x64xf32, #tpu.memory_space<hbm>>, %arg4: memref<1760000xi32, #tpu.memory_space<hbm>>, %arg5: memref<1760000xi32, #tpu.memory_space<hbm>>, %arg6: memref<1760000xi32, #tpu.memory_space<hbm>>, %arg7: memref<1760000xi32, #tpu.memory_space<hbm>>, %arg8: memref<10000x64xf32, #tpu.memory_space<hbm>>, %arg9: memref<10000x16xf32, #tpu.memory_space<hbm>>, %arg10: memref<2x11x10000x64xf32, #tpu.memory_space<hbm>>, %arg11: memref<2x11x10000x16xf32, #tpu.memory_space<hbm>>, %arg12: memref<400xi32, #tpu.memory_space<vmem>>, %arg13: memref<400x64xf32, #tpu.memory_space<vmem>>, %arg14: memref<400x64xf32, #tpu.memory_space<vmem>>, %arg15: memref<400xf32, #tpu.memory_space<vmem>>, %arg16: memref<400x16xf32, #tpu.memory_space<vmem>>, %arg17: memref<10000x64xf32, #tpu.memory_space<vmem_shared>>, %arg18: memref<10000x16xf32, #tpu.memory_space<vmem_shared>>, %arg19: memref<!tpu.dma_semaphore, #tpu.memory_space<semaphore_mem>>) attributes {dimension_semantics = [#tpu.dimension_semantics<core_parallel>, #tpu.dimension_semantics<subcore_parallel>], iteration_bounds = array<i64: 2, 16>, scalar_prefetch = 0 : i64, scratch_operands = 8 : i64, tpu.core_type = #tpu.core_type<sc_vector_subcore>, window_params = [{transform_indices = #map}, {transform_indices = #map}, {transform_indices = #map1}, {transform_indices = #map1}, {transform_indices = #map1}, {transform_indices = #map1}, {transform_indices = #map}, {transform_indices = #map}, {transform_indices = #map2}, {transform_indices = #map2}]} {
    %mul3A = arith.constant 625 : i32
    %mul3A_0 = arith.muli %arg1, %mul3A : i32
    %iota3A = tpu.iota {dimensions = array<i32: 0>} : vector<16xi32>
    %sub3A = arith.constant 200 : i32
    %sub3A_1 = arith.subi %sub3A, %arg1 : i32
    %add3A = arith.constant 16 : i32
    %add3A_2 = arith.addi %sub3A_1, %add3A : i32
    %sub3A_3 = arith.constant 1 : i32
    %sub3A_4 = arith.subi %add3A_2, %sub3A_3 : i32
    %jit3A = arith.constant 16 : i32
    %div3A = arith.divsi %sub3A_4, %jit3A : i32
    %sign3A = arith.constant 0 : i32
    %sign3A_5 = arith.cmpi sgt, %sub3A_4, %sign3A : i32
    %sign3A_6 = arith.extui %sign3A_5 : i1 to i32
    %sign3A_7 = arith.constant 0 : i32
    %sign3A_8 = arith.cmpi slt, %sub3A_4, %sign3A_7 : i32
    %sign3A_9 = arith.extui %sign3A_8 : i1 to i32
    %sign3A_10 = arith.subi %sign3A_6, %sign3A_9 : i32
    %sign3A_11 = arith.constant 0 : i32
    %sign3A_12 = arith.cmpi sgt, %jit3A, %sign3A_11 : i32
    %sign3A_13 = arith.extui %sign3A_12 : i1 to i32
    %sign3A_14 = arith.constant 0 : i32
    %sign3A_15 = arith.cmpi slt, %jit3A, %sign3A_14 : i32
    %sign3A_16 = arith.extui %sign3A_15 : i1 to i32
    %sign3A_17 = arith.subi %sign3A_13, %sign3A_16 : i32
    %ne3A = arith.cmpi ne, %sign3A_10, %sign3A_17 : i32
    %rem3A = arith.remsi %sub3A_4, %jit3A : i32
    %ne3A_18 = arith.constant 0 : i32
    %ne3A_19 = arith.cmpi ne, %rem3A, %ne3A_18 : i32
    %and3A = arith.andi %ne3A, %ne3A_19 : i1
    %sub3A_20 = arith.constant 1 : i32
    %sub3A_21 = arith.subi %div3A, %sub3A_20 : i32
    %select_n3A = arith.select %and3A, %sub3A_21, %div3A : i32
    %scan3A = arith.constant 0 : i32
    %scan3A_22 = arith.constant 0 : i32
    %scan3A_23 = arith.constant 11 : i32
    %scan3A_24 = arith.addi %scan3A_22, %scan3A_23 : i32
    %scan3A_25 = arith.constant 1 : i32
    %scan3A_26 = scf.for %scan3A_28 = %scan3A_22 to %scan3A_24 step %scan3A_25 iter_args(%scan3A_29 = %scan3A) -> (i32)  : i32 {
      "tpu.region"() ({
        %run_scoped3A = tpu.sem_alloc : memref<!tpu.dma_semaphore, #tpu.memory_space<semaphore_mem>>
        %dma_start3A = arith.constant 0 : i32
        %dma_start3A_44 = tpu.memref_slice %arg17[%mul3A_0, %dma_start3A] : memref<10000x64xf32, #tpu.memory_space<vmem_shared>> -> memref<625x64xf32, #tpu.memory_space<vmem_shared>>
        %dma_start3A_45 = arith.constant 0 : i32
        %dma_start3A_46 = tpu.memref_slice %arg8[%mul3A_0, %dma_start3A_45] : memref<10000x64xf32, #tpu.memory_space<hbm>> -> memref<625x64xf32, #tpu.memory_space<hbm>>
        tpu.enqueue_dma source(%dma_start3A_46 : memref<625x64xf32, #tpu.memory_space<hbm>>) target(%dma_start3A_44 : memref<625x64xf32, #tpu.memory_space<vmem_shared>>) target_semaphore(%run_scoped3A : memref<!tpu.dma_semaphore, #tpu.memory_space<semaphore_mem>>)
        %dma_wait3A = arith.constant 0 : i32
        %dma_wait3A_47 = tpu.memref_slice %arg17[%mul3A_0, %dma_wait3A] : memref<10000x64xf32, #tpu.memory_space<vmem_shared>> -> memref<625x64xf32, #tpu.memory_space<vmem_shared>>
        %dma_wait3A_48 = arith.constant 0 : i32
        %dma_wait3A_49 = tpu.memref_slice %arg8[%mul3A_0, %dma_wait3A_48] : memref<10000x64xf32, #tpu.memory_space<hbm>> -> memref<625x64xf32, #tpu.memory_space<hbm>>
        tpu.wait_dma2 semaphore(%run_scoped3A : memref<!tpu.dma_semaphore, #tpu.memory_space<semaphore_mem>>) src(%dma_wait3A_49 : memref<625x64xf32, #tpu.memory_space<hbm>>) dst(%dma_wait3A_47 : memref<625x64xf32, #tpu.memory_space<vmem_shared>>)
        tpu.yield
      }) : () -> ()
      "tpu.region"() ({
        %run_scoped3A = tpu.sem_alloc : memref<!tpu.dma_semaphore, #tpu.memory_space<semaphore_mem>>
        %dma_start3A = arith.constant 0 : i32
        %dma_start3A_44 = tpu.memref_slice %arg18[%mul3A_0, %dma_start3A] : memref<10000x16xf32, #tpu.memory_space<vmem_shared>> -> memref<625x16xf32, #tpu.memory_space<vmem_shared>>
        %dma_start3A_45 = arith.constant 0 : i32
        %dma_start3A_46 = tpu.memref_slice %arg9[%mul3A_0, %dma_start3A_45] : memref<10000x16xf32, #tpu.memory_space<hbm>> -> memref<625x16xf32, #tpu.memory_space<hbm>>
        tpu.enqueue_dma source(%dma_start3A_46 : memref<625x16xf32, #tpu.memory_space<hbm>>) target(%dma_start3A_44 : memref<625x16xf32, #tpu.memory_space<vmem_shared>>) target_semaphore(%run_scoped3A : memref<!tpu.dma_semaphore, #tpu.memory_space<semaphore_mem>>)
        %dma_wait3A = arith.constant 0 : i32
        %dma_wait3A_47 = tpu.memref_slice %arg18[%mul3A_0, %dma_wait3A] : memref<10000x16xf32, #tpu.memory_space<vmem_shared>> -> memref<625x16xf32, #tpu.memory_space<vmem_shared>>
        %dma_wait3A_48 = arith.constant 0 : i32
        %dma_wait3A_49 = tpu.memref_slice %arg9[%mul3A_0, %dma_wait3A_48] : memref<10000x16xf32, #tpu.memory_space<hbm>> -> memref<625x16xf32, #tpu.memory_space<hbm>>
        tpu.wait_dma2 semaphore(%run_scoped3A : memref<!tpu.dma_semaphore, #tpu.memory_space<semaphore_mem>>) src(%dma_wait3A_49 : memref<625x16xf32, #tpu.memory_space<hbm>>) dst(%dma_wait3A_47 : memref<625x16xf32, #tpu.memory_space<vmem_shared>>)
        tpu.yield
      }) : () -> ()
      %barrier3A = arith.constant 0 : index
      tpu.barrier barrier_id(%barrier3A)
      %while3A = arith.constant 0 : i32
      %while3A_30 = arith.constant 0 : i32
      %while3A_31 = arith.subi %select_n3A, %while3A : i32
      %while3A_32 = arith.addi %while3A, %while3A_31 : i32
      %while3A_33 = arith.constant 1 : i32
      %while3A_34 = arith.divsi %while3A_31, %while3A_33 : i32
      %while3A_35 = arith.muli %while3A_34, %while3A_33 : i32
      %while3A_36 = arith.addi %while3A, %while3A_35 : i32
      %while3A_37 = arith.constant 1 : i32
      %while3A_38 = scf.for %while3A_44 = %while3A to %while3A_36 step %while3A_37 iter_args(%while3A_45 = %while3A_30) -> (i32)  : i32 {
        %mul3A_46 = arith.constant 160000 : i32
        %mul3A_47 = arith.muli %scan3A_28, %mul3A_46 : i32
        %mul3A_48 = arith.constant 80000 : i32
        %mul3A_49 = arith.muli %arg0, %mul3A_48 : i32
        %add3A_50 = arith.addi %mul3A_47, %mul3A_49 : i32
        %mul3A_51 = arith.constant 16 : i32
        %mul3A_52 = arith.muli %while3A_44, %mul3A_51 : i32
        %add3A_53 = arith.addi %arg1, %mul3A_52 : i32
        %mul3A_54 = arith.constant 400 : i32
        %mul3A_55 = arith.muli %add3A_53, %mul3A_54 : i32
        %add3A_56 = arith.addi %add3A_50, %mul3A_55 : i32
        "tpu.region"() ({
          %run_scoped3A = tpu.sem_alloc : memref<!tpu.dma_semaphore, #tpu.memory_space<semaphore_mem>>
          %dma_start3A_88 = tpu.memref_slice %arg4[%add3A_56] : memref<1760000xi32, #tpu.memory_space<hbm>> -> memref<400xi32, #tpu.memory_space<hbm>>
          %dma_start3A_89 = tpu.memref_slice %arg4[%add3A_56] : memref<1760000xi32, #tpu.memory_space<hbm>> -> memref<400xi32, #tpu.memory_space<hbm>>
          tpu.enqueue_dma source(%dma_start3A_89 : memref<400xi32, #tpu.memory_space<hbm>>) target(%arg12 : memref<400xi32, #tpu.memory_space<vmem>>) target_semaphore(%run_scoped3A : memref<!tpu.dma_semaphore, #tpu.memory_space<semaphore_mem>>)
          %dma_wait3A_90 = tpu.memref_slice %arg4[%add3A_56] : memref<1760000xi32, #tpu.memory_space<hbm>> -> memref<400xi32, #tpu.memory_space<hbm>>
          %dma_wait3A_91 = tpu.memref_slice %arg4[%add3A_56] : memref<1760000xi32, #tpu.memory_space<hbm>> -> memref<400xi32, #tpu.memory_space<hbm>>
          tpu.wait_dma2 semaphore(%run_scoped3A : memref<!tpu.dma_semaphore, #tpu.memory_space<semaphore_mem>>) src(%dma_wait3A_91 : memref<400xi32, #tpu.memory_space<hbm>>) dst(%arg12 : memref<400xi32, #tpu.memory_space<vmem>>)
          tpu.yield
        }) : () -> ()
        %dma_start3A = arith.constant 0 : i32
        %dma_start3A_57 = arith.constant 0 : i32
        %dma_start3A_58 = tpu.memref_slice %arg2[%dma_start3A, %dma_start3A_57] : memref<221184x64xf32, #tpu.memory_space<hbm>> -> memref<221184x64xf32, #tpu.memory_space<hbm>>
        tpu.enqueue_indirect_dma source(%dma_start3A_58 : memref<221184x64xf32, #tpu.memory_space<hbm>>) target(%arg13 : memref<400x64xf32, #tpu.memory_space<vmem>>) offsets(%arg12 : memref<400xi32, #tpu.memory_space<vmem>>) semaphore(%arg19 : memref<!tpu.dma_semaphore, #tpu.memory_space<semaphore_mem>>)
        %dma_wait3A = arith.constant 0 : i32
        %dma_wait3A_59 = arith.constant 0 : i32
        %dma_wait3A_60 = tpu.memref_slice %arg2[%dma_wait3A, %dma_wait3A_59] : memref<221184x64xf32, #tpu.memory_space<hbm>> -> memref<221184x64xf32, #tpu.memory_space<hbm>>
        tpu.wait_indirect_dma semaphore(%arg19 : memref<!tpu.dma_semaphore, #tpu.memory_space<semaphore_mem>>) src(%dma_wait3A_60 : memref<221184x64xf32, #tpu.memory_space<hbm>>) dst(%arg13 : memref<400x64xf32, #tpu.memory_space<vmem>>)
        "tpu.region"() ({
          %run_scoped3A = tpu.sem_alloc : memref<!tpu.dma_semaphore, #tpu.memory_space<semaphore_mem>>
          %dma_start3A_88 = tpu.memref_slice %arg5[%add3A_56] : memref<1760000xi32, #tpu.memory_space<hbm>> -> memref<400xi32, #tpu.memory_space<hbm>>
          %dma_start3A_89 = tpu.memref_slice %arg5[%add3A_56] : memref<1760000xi32, #tpu.memory_space<hbm>> -> memref<400xi32, #tpu.memory_space<hbm>>
          tpu.enqueue_dma source(%dma_start3A_89 : memref<400xi32, #tpu.memory_space<hbm>>) target(%arg12 : memref<400xi32, #tpu.memory_space<vmem>>) target_semaphore(%run_scoped3A : memref<!tpu.dma_semaphore, #tpu.memory_space<semaphore_mem>>)
          %dma_wait3A_90 = tpu.memref_slice %arg5[%add3A_56] : memref<1760000xi32, #tpu.memory_space<hbm>> -> memref<400xi32, #tpu.memory_space<hbm>>
          %dma_wait3A_91 = tpu.memref_slice %arg5[%add3A_56] : memref<1760000xi32, #tpu.memory_space<hbm>> -> memref<400xi32, #tpu.memory_space<hbm>>
          tpu.wait_dma2 semaphore(%run_scoped3A : memref<!tpu.dma_semaphore, #tpu.memory_space<semaphore_mem>>) src(%dma_wait3A_91 : memref<400xi32, #tpu.memory_space<hbm>>) dst(%arg12 : memref<400xi32, #tpu.memory_space<vmem>>)
          tpu.yield
        }) : () -> ()
        %dma_start3A_61 = arith.constant 0 : i32
        %dma_start3A_62 = arith.constant 0 : i32
        %dma_start3A_63 = tpu.memref_slice %arg2[%dma_start3A_61, %dma_start3A_62] : memref<221184x64xf32, #tpu.memory_space<hbm>> -> memref<221184x64xf32, #tpu.memory_space<hbm>>
        tpu.enqueue_indirect_dma source(%dma_start3A_63 : memref<221184x64xf32, #tpu.memory_space<hbm>>) target(%arg14 : memref<400x64xf32, #tpu.memory_space<vmem>>) offsets(%arg12 : memref<400xi32, #tpu.memory_space<vmem>>) semaphore(%arg19 : memref<!tpu.dma_semaphore, #tpu.memory_space<semaphore_mem>>)
        %dma_wait3A_64 = arith.constant 0 : i32
        %dma_wait3A_65 = arith.constant 0 : i32
        %dma_wait3A_66 = tpu.memref_slice %arg2[%dma_wait3A_64, %dma_wait3A_65] : memref<221184x64xf32, #tpu.memory_space<hbm>> -> memref<221184x64xf32, #tpu.memory_space<hbm>>
        tpu.wait_indirect_dma semaphore(%arg19 : memref<!tpu.dma_semaphore, #tpu.memory_space<semaphore_mem>>) src(%dma_wait3A_66 : memref<221184x64xf32, #tpu.memory_space<hbm>>) dst(%arg14 : memref<400x64xf32, #tpu.memory_space<vmem>>)
        %scan3A_67 = arith.constant 0 : i32
        %scan3A_68 = arith.constant 0 : i32
        %scan3A_69 = arith.constant 25 : i32
        %scan3A_70 = arith.addi %scan3A_68, %scan3A_69 : i32
        %scan3A_71 = arith.constant 1 : i32
        %scan3A_72 = scf.for %scan3A_88 = %scan3A_68 to %scan3A_70 step %scan3A_71 iter_args(%scan3A_89 = %scan3A_67) -> (i32)  : i32 {
          %mul3A_90 = arith.constant 16 : i32
          %mul3A_91 = arith.muli %scan3A_88, %mul3A_90 : i32
          %add3A_92 = vector.broadcast %mul3A_91 : i32 to vector<16xi32>
          %add3A_93 = arith.addi %add3A_92, %iota3A : vector<16xi32>
          %broadcast_in_dim3A = arith.constant 0.000000e+00 : f32
          %broadcast_in_dim3A_94 = vector.broadcast %broadcast_in_dim3A : f32 to vector<16xf32>
          %broadcast_in_dim3A_95 = arith.constant 0 : i32
          %broadcast_in_dim3A_96 = vector.broadcast %broadcast_in_dim3A_95 : i32 to vector<16xi32>
          %gather3A = tpu.vector_load_idx %arg13[%add3A_93, %broadcast_in_dim3A_96] : memref<400x64xf32, #tpu.memory_space<vmem>>[vector<16xi32>, vector<16xi32>], vector<16xf32>,
          %gather3A_97 = tpu.vector_load_idx %arg14[%add3A_93, %broadcast_in_dim3A_96] : memref<400x64xf32, #tpu.memory_space<vmem>>[vector<16xi32>, vector<16xi32>], vector<16xf32>,
          %mul3A_98 = arith.mulf %gather3A, %gather3A_97 : vector<16xf32>
          %add3A_99 = arith.addf %broadcast_in_dim3A_94, %mul3A_98 : vector<16xf32>
          %broadcast_in_dim3A_100 = arith.constant 1 : i32
          %broadcast_in_dim3A_101 = vector.broadcast %broadcast_in_dim3A_100 : i32 to vector<16xi32>
          %gather3A_102 = tpu.vector_load_idx %arg13[%add3A_93, %broadcast_in_dim3A_101] : memref<400x64xf32, #tpu.memory_space<vmem>>[vector<16xi32>, vector<16xi32>], vector<16xf32>,
          %gather3A_103 = tpu.vector_load_idx %arg14[%add3A_93, %broadcast_in_dim3A_101] : memref<400x64xf32, #tpu.memory_space<vmem>>[vector<16xi32>, vector<16xi32>], vector<16xf32>,
          %mul3A_104 = arith.mulf %gather3A_102, %gather3A_103 : vector<16xf32>
          %add3A_105 = arith.addf %add3A_99, %mul3A_104 : vector<16xf32>
          %broadcast_in_dim3A_106 = arith.constant 2 : i32
          %broadcast_in_dim3A_107 = vector.broadcast %broadcast_in_dim3A_106 : i32 to vector<16xi32>
          %gather3A_108 = tpu.vector_load_idx %arg13[%add3A_93, %broadcast_in_dim3A_107] : memref<400x64xf32, #tpu.memory_space<vmem>>[vector<16xi32>, vector<16xi32>], vector<16xf32>,
          %gather3A_109 = tpu.vector_load_idx %arg14[%add3A_93, %broadcast_in_dim3A_107] : memref<400x64xf32, #tpu.memory_space<vmem>>[vector<16xi32>, vector<16xi32>], vector<16xf32>,
          %mul3A_110 = arith.mulf %gather3A_108, %gather3A_109 : vector<16xf32>
          %add3A_111 = arith.addf %add3A_105, %mul3A_110 : vector<16xf32>
          %broadcast_in_dim3A_112 = arith.constant 3 : i32
          %broadcast_in_dim3A_113 = vector.broadcast %broadcast_in_dim3A_112 : i32 to vector<16xi32>
          %gather3A_114 = tpu.vector_load_idx %arg13[%add3A_93, %broadcast_in_dim3A_113] : memref<400x64xf32, #tpu.memory_space<vmem>>[vector<16xi32>, vector<16xi32>], vector<16xf32>,
          %gather3A_115 = tpu.vector_load_idx %arg14[%add3A_93, %broadcast_in_dim3A_113] : memref<400x64xf32, #tpu.memory_space<vmem>>[vector<16xi32>, vector<16xi32>], vector<16xf32>,
          %mul3A_116 = arith.mulf %gather3A_114, %gather3A_115 : vector<16xf32>
          %add3A_117 = arith.addf %add3A_111, %mul3A_116 : vector<16xf32>
          %broadcast_in_dim3A_118 = arith.constant 4 : i32
          %broadcast_in_dim3A_119 = vector.broadcast %broadcast_in_dim3A_118 : i32 to vector<16xi32>
          %gather3A_120 = tpu.vector_load_idx %arg13[%add3A_93, %broadcast_in_dim3A_119] : memref<400x64xf32, #tpu.memory_space<vmem>>[vector<16xi32>, vector<16xi32>], vector<16xf32>,
          %gather3A_121 = tpu.vector_load_idx %arg14[%add3A_93, %broadcast_in_dim3A_119] : memref<400x64xf32, #tpu.memory_space<vmem>>[vector<16xi32>, vector<16xi32>], vector<16xf32>,
          %mul3A_122 = arith.mulf %gather3A_120, %gather3A_121 : vector<16xf32>
          %add3A_123 = arith.addf %add3A_117, %mul3A_122 : vector<16xf32>
          %broadcast_in_dim3A_124 = arith.constant 5 : i32
          %broadcast_in_dim3A_125 = vector.broadcast %broadcast_in_dim3A_124 : i32 to vector<16xi32>
          %gather3A_126 = tpu.vector_load_idx %arg13[%add3A_93, %broadcast_in_dim3A_125] : memref<400x64xf32, #tpu.memory_space<vmem>>[vector<16xi32>, vector<16xi32>], vector<16xf32>,
          %gather3A_127 = tpu.vector_load_idx %arg14[%add3A_93, %broadcast_in_dim3A_125] : memref<400x64xf32, #tpu.memory_space<vmem>>[vector<16xi32>, vector<16xi32>], vector<16xf32>,
          %mul3A_128 = arith.mulf %gather3A_126, %gather3A_127 : vector<16xf32>
          %add3A_129 = arith.addf %add3A_123, %mul3A_128 : vector<16xf32>
          %broadcast_in_dim3A_130 = arith.constant 6 : i32
          %broadcast_in_dim3A_131 = vector.broadcast %broadcast_in_dim3A_130 : i32 to vector<16xi32>
          %gather3A_132 = tpu.vector_load_idx %arg13[%add3A_93, %broadcast_in_dim3A_131] : memref<400x64xf32, #tpu.memory_space<vmem>>[vector<16xi32>, vector<16xi32>], vector<16xf32>,
          %gather3A_133 = tpu.vector_load_idx %arg14[%add3A_93, %broadcast_in_dim3A_131] : memref<400x64xf32, #tpu.memory_space<vmem>>[vector<16xi32>, vector<16xi32>], vector<16xf32>,
          %mul3A_134 = arith.mulf %gather3A_132, %gather3A_133 : vector<16xf32>
          %add3A_135 = arith.addf %add3A_129, %mul3A_134 : vector<16xf32>
          %broadcast_in_dim3A_136 = arith.constant 7 : i32
          %broadcast_in_dim3A_137 = vector.broadcast %broadcast_in_dim3A_136 : i32 to vector<16xi32>
          %gather3A_138 = tpu.vector_load_idx %arg13[%add3A_93, %broadcast_in_dim3A_137] : memref<400x64xf32, #tpu.memory_space<vmem>>[vector<16xi32>, vector<16xi32>], vector<16xf32>,
          %gather3A_139 = tpu.vector_load_idx %arg14[%add3A_93, %broadcast_in_dim3A_137] : memref<400x64xf32, #tpu.memory_space<vmem>>[vector<16xi32>, vector<16xi32>], vector<16xf32>,
          %mul3A_140 = arith.mulf %gather3A_138, %gather3A_139 : vector<16xf32>
          %add3A_141 = arith.addf %add3A_135, %mul3A_140 : vector<16xf32>
          %broadcast_in_dim3A_142 = arith.constant 8 : i32
          %broadcast_in_dim3A_143 = vector.broadcast %broadcast_in_dim3A_142 : i32 to vector<16xi32>
          %gather3A_144 = tpu.vector_load_idx %arg13[%add3A_93, %broadcast_in_dim3A_143] : memref<400x64xf32, #tpu.memory_space<vmem>>[vector<16xi32>, vector<16xi32>], vector<16xf32>,
          %gather3A_145 = tpu.vector_load_idx %arg14[%add3A_93, %broadcast_in_dim3A_143] : memref<400x64xf32, #tpu.memory_space<vmem>>[vector<16xi32>, vector<16xi32>], vector<16xf32>,
          %mul3A_146 = arith.mulf %gather3A_144, %gather3A_145 : vector<16xf32>
          %add3A_147 = arith.addf %add3A_141, %mul3A_146 : vector<16xf32>
          %broadcast_in_dim3A_148 = arith.constant 9 : i32
          %broadcast_in_dim3A_149 = vector.broadcast %broadcast_in_dim3A_148 : i32 to vector<16xi32>
          %gather3A_150 = tpu.vector_load_idx %arg13[%add3A_93, %broadcast_in_dim3A_149] : memref<400x64xf32, #tpu.memory_space<vmem>>[vector<16xi32>, vector<16xi32>], vector<16xf32>,
          %gather3A_151 = tpu.vector_load_idx %arg14[%add3A_93, %broadcast_in_dim3A_149] : memref<400x64xf32, #tpu.memory_space<vmem>>[vector<16xi32>, vector<16xi32>], vector<16xf32>,
          %mul3A_152 = arith.mulf %gather3A_150, %gather3A_151 : vector<16xf32>
          %add3A_153 = arith.addf %add3A_147, %mul3A_152 : vector<16xf32>
          %broadcast_in_dim3A_154 = arith.constant 10 : i32
          %broadcast_in_dim3A_155 = vector.broadcast %broadcast_in_dim3A_154 : i32 to vector<16xi32>
          %gather3A_156 = tpu.vector_load_idx %arg13[%add3A_93, %broadcast_in_dim3A_155] : memref<400x64xf32, #tpu.memory_space<vmem>>[vector<16xi32>, vector<16xi32>], vector<16xf32>,
          %gather3A_157 = tpu.vector_load_idx %arg14[%add3A_93, %broadcast_in_dim3A_155] : memref<400x64xf32, #tpu.memory_space<vmem>>[vector<16xi32>, vector<16xi32>], vector<16xf32>,
          %mul3A_158 = arith.mulf %gather3A_156, %gather3A_157 : vector<16xf32>
          %add3A_159 = arith.addf %add3A_153, %mul3A_158 : vector<16xf32>
          %broadcast_in_dim3A_160 = arith.constant 11 : i32
          %broadcast_in_dim3A_161 = vector.broadcast %broadcast_in_dim3A_160 : i32 to vector<16xi32>
          %gather3A_162 = tpu.vector_load_idx %arg13[%add3A_93, %broadcast_in_dim3A_161] : memref<400x64xf32, #tpu.memory_space<vmem>>[vector<16xi32>, vector<16xi32>], vector<16xf32>,
          %gather3A_163 = tpu.vector_load_idx %arg14[%add3A_93, %broadcast_in_dim3A_161] : memref<400x64xf32, #tpu.memory_space<vmem>>[vector<16xi32>, vector<16xi32>], vector<16xf32>,
          %mul3A_164 = arith.mulf %gather3A_162, %gather3A_163 : vector<16xf32>
          %add3A_165 = arith.addf %add3A_159, %mul3A_164 : vector<16xf32>
          %broadcast_in_dim3A_166 = arith.constant 12 : i32
          %broadcast_in_dim3A_167 = vector.broadcast %broadcast_in_dim3A_166 : i32 to vector<16xi32>
          %gather3A_168 = tpu.vector_load_idx %arg13[%add3A_93, %broadcast_in_dim3A_167] : memref<400x64xf32, #tpu.memory_space<vmem>>[vector<16xi32>, vector<16xi32>], vector<16xf32>,
          %gather3A_169 = tpu.vector_load_idx %arg14[%add3A_93, %broadcast_in_dim3A_167] : memref<400x64xf32, #tpu.memory_space<vmem>>[vector<16xi32>, vector<16xi32>], vector<16xf32>,
          %mul3A_170 = arith.mulf %gather3A_168, %gather3A_169 : vector<16xf32>
          %add3A_171 = arith.addf %add3A_165, %mul3A_170 : vector<16xf32>
          %broadcast_in_dim3A_172 = arith.constant 13 : i32
          %broadcast_in_dim3A_173 = vector.broadcast %broadcast_in_dim3A_172 : i32 to vector<16xi32>
          %gather3A_174 = tpu.vector_load_idx %arg13[%add3A_93, %broadcast_in_dim3A_173] : memref<400x64xf32, #tpu.memory_space<vmem>>[vector<16xi32>, vector<16xi32>], vector<16xf32>,
          %gather3A_175 = tpu.vector_load_idx %arg14[%add3A_93, %broadcast_in_dim3A_173] : memref<400x64xf32, #tpu.memory_space<vmem>>[vector<16xi32>, vector<16xi32>], vector<16xf32>,
          %mul3A_176 = arith.mulf %gather3A_174, %gather3A_175 : vector<16xf32>
          %add3A_177 = arith.addf %add3A_171, %mul3A_176 : vector<16xf32>
          %broadcast_in_dim3A_178 = arith.constant 14 : i32
          %broadcast_in_dim3A_179 = vector.broadcast %broadcast_in_dim3A_178 : i32 to vector<16xi32>
          %gather3A_180 = tpu.vector_load_idx %arg13[%add3A_93, %broadcast_in_dim3A_179] : memref<400x64xf32, #tpu.memory_space<vmem>>[vector<16xi32>, vector<16xi32>], vector<16xf32>,
          %gather3A_181 = tpu.vector_load_idx %arg14[%add3A_93, %broadcast_in_dim3A_179] : memref<400x64xf32, #tpu.memory_space<vmem>>[vector<16xi32>, vector<16xi32>], vector<16xf32>,
          %mul3A_182 = arith.mulf %gather3A_180, %gather3A_181 : vector<16xf32>
          %add3A_183 = arith.addf %add3A_177, %mul3A_182 : vector<16xf32>
          %broadcast_in_dim3A_184 = arith.constant 15 : i32
          %broadcast_in_dim3A_185 = vector.broadcast %broadcast_in_dim3A_184 : i32 to vector<16xi32>
          %gather3A_186 = tpu.vector_load_idx %arg13[%add3A_93, %broadcast_in_dim3A_185] : memref<400x64xf32, #tpu.memory_space<vmem>>[vector<16xi32>, vector<16xi32>], vector<16xf32>,
          %gather3A_187 = tpu.vector_load_idx %arg14[%add3A_93, %broadcast_in_dim3A_185] : memref<400x64xf32, #tpu.memory_space<vmem>>[vector<16xi32>, vector<16xi32>], vector<16xf32>,
          %mul3A_188 = arith.mulf %gather3A_186, %gather3A_187 : vector<16xf32>
          %add3A_189 = arith.addf %add3A_183, %mul3A_188 : vector<16xf32>
          %broadcast_in_dim3A_190 = arith.constant 16 : i32
          %broadcast_in_dim3A_191 = vector.broadcast %broadcast_in_dim3A_190 : i32 to vector<16xi32>
          %gather3A_192 = tpu.vector_load_idx %arg13[%add3A_93, %broadcast_in_dim3A_191] : memref<400x64xf32, #tpu.memory_space<vmem>>[vector<16xi32>, vector<16xi32>], vector<16xf32>,
          %gather3A_193 = tpu.vector_load_idx %arg14[%add3A_93, %broadcast_in_dim3A_191] : memref<400x64xf32, #tpu.memory_space<vmem>>[vector<16xi32>, vector<16xi32>], vector<16xf32>,
          %mul3A_194 = arith.mulf %gather3A_192, %gather3A_193 : vector<16xf32>
          %add3A_195 = arith.addf %add3A_189, %mul3A_194 : vector<16xf32>
          %broadcast_in_dim3A_196 = arith.constant 17 : i32
          %broadcast_in_dim3A_197 = vector.broadcast %broadcast_in_dim3A_196 : i32 to vector<16xi32>
          %gather3A_198 = tpu.vector_load_idx %arg13[%add3A_93, %broadcast_in_dim3A_197] : memref<400x64xf32, #tpu.memory_space<vmem>>[vector<16xi32>, vector<16xi32>], vector<16xf32>,
          %gather3A_199 = tpu.vector_load_idx %arg14[%add3A_93, %broadcast_in_dim3A_197] : memref<400x64xf32, #tpu.memory_space<vmem>>[vector<16xi32>, vector<16xi32>], vector<16xf32>,
          %mul3A_200 = arith.mulf %gather3A_198, %gather3A_199 : vector<16xf32>
          %add3A_201 = arith.addf %add3A_195, %mul3A_200 : vector<16xf32>
          %broadcast_in_dim3A_202 = arith.constant 18 : i32
          %broadcast_in_dim3A_203 = vector.broadcast %broadcast_in_dim3A_202 : i32 to vector<16xi32>
          %gather3A_204 = tpu.vector_load_idx %arg13[%add3A_93, %broadcast_in_dim3A_203] : memref<400x64xf32, #tpu.memory_space<vmem>>[vector<16xi32>, vector<16xi32>], vector<16xf32>,
          %gather3A_205 = tpu.vector_load_idx %arg14[%add3A_93, %broadcast_in_dim3A_203] : memref<400x64xf32, #tpu.memory_space<vmem>>[vector<16xi32>, vector<16xi32>], vector<16xf32>,
          %mul3A_206 = arith.mulf %gather3A_204, %gather3A_205 : vector<16xf32>
          %add3A_207 = arith.addf %add3A_201, %mul3A_206 : vector<16xf32>
          %broadcast_in_dim3A_208 = arith.constant 19 : i32
          %broadcast_in_dim3A_209 = vector.broadcast %broadcast_in_dim3A_208 : i32 to vector<16xi32>
          %gather3A_210 = tpu.vector_load_idx %arg13[%add3A_93, %broadcast_in_dim3A_209] : memref<400x64xf32, #tpu.memory_space<vmem>>[vector<16xi32>, vector<16xi32>], vector<16xf32>,
          %gather3A_211 = tpu.vector_load_idx %arg14[%add3A_93, %broadcast_in_dim3A_209] : memref<400x64xf32, #tpu.memory_space<vmem>>[vector<16xi32>, vector<16xi32>], vector<16xf32>,
          %mul3A_212 = arith.mulf %gather3A_210, %gather3A_211 : vector<16xf32>
          %add3A_213 = arith.addf %add3A_207, %mul3A_212 : vector<16xf32>
          %broadcast_in_dim3A_214 = arith.constant 20 : i32
          %broadcast_in_dim3A_215 = vector.broadcast %broadcast_in_dim3A_214 : i32 to vector<16xi32>
          %gather3A_216 = tpu.vector_load_idx %arg13[%add3A_93, %broadcast_in_dim3A_215] : memref<400x64xf32, #tpu.memory_space<vmem>>[vector<16xi32>, vector<16xi32>], vector<16xf32>,
          %gather3A_217 = tpu.vector_load_idx %arg14[%add3A_93, %broadcast_in_dim3A_215] : memref<400x64xf32, #tpu.memory_space<vmem>>[vector<16xi32>, vector<16xi32>], vector<16xf32>,
          %mul3A_218 = arith.mulf %gather3A_216, %gather3A_217 : vector<16xf32>
          %add3A_219 = arith.addf %add3A_213, %mul3A_218 : vector<16xf32>
          %broadcast_in_dim3A_220 = arith.constant 21 : i32
          %broadcast_in_dim3A_221 = vector.broadcast %broadcast_in_dim3A_220 : i32 to vector<16xi32>
          %gather3A_222 = tpu.vector_load_idx %arg13[%add3A_93, %broadcast_in_dim3A_221] : memref<400x64xf32, #tpu.memory_space<vmem>>[vector<16xi32>, vector<16xi32>], vector<16xf32>,
          %gather3A_223 = tpu.vector_load_idx %arg14[%add3A_93, %broadcast_in_dim3A_221] : memref<400x64xf32, #tpu.memory_space<vmem>>[vector<16xi32>, vector<16xi32>], vector<16xf32>,
          %mul3A_224 = arith.mulf %gather3A_222, %gather3A_223 : vector<16xf32>
          %add3A_225 = arith.addf %add3A_219, %mul3A_224 : vector<16xf32>
          %broadcast_in_dim3A_226 = arith.constant 22 : i32
          %broadcast_in_dim3A_227 = vector.broadcast %broadcast_in_dim3A_226 : i32 to vector<16xi32>
          %gather3A_228 = tpu.vector_load_idx %arg13[%add3A_93, %broadcast_in_dim3A_227] : memref<400x64xf32, #tpu.memory_space<vmem>>[vector<16xi32>, vector<16xi32>], vector<16xf32>,
          %gather3A_229 = tpu.vector_load_idx %arg14[%add3A_93, %broadcast_in_dim3A_227] : memref<400x64xf32, #tpu.memory_space<vmem>>[vector<16xi32>, vector<16xi32>], vector<16xf32>,
          %mul3A_230 = arith.mulf %gather3A_228, %gather3A_229 : vector<16xf32>
          %add3A_231 = arith.addf %add3A_225, %mul3A_230 : vector<16xf32>
          %broadcast_in_dim3A_232 = arith.constant 23 : i32
          %broadcast_in_dim3A_233 = vector.broadcast %broadcast_in_dim3A_232 : i32 to vector<16xi32>
          %gather3A_234 = tpu.vector_load_idx %arg13[%add3A_93, %broadcast_in_dim3A_233] : memref<400x64xf32, #tpu.memory_space<vmem>>[vector<16xi32>, vector<16xi32>], vector<16xf32>,
          %gather3A_235 = tpu.vector_load_idx %arg14[%add3A_93, %broadcast_in_dim3A_233] : memref<400x64xf32, #tpu.memory_space<vmem>>[vector<16xi32>, vector<16xi32>], vector<16xf32>,
          %mul3A_236 = arith.mulf %gather3A_234, %gather3A_235 : vector<16xf32>
          %add3A_237 = arith.addf %add3A_231, %mul3A_236 : vector<16xf32>
          %broadcast_in_dim3A_238 = arith.constant 24 : i32
          %broadcast_in_dim3A_239 = vector.broadcast %broadcast_in_dim3A_238 : i32 to vector<16xi32>
          %gather3A_240 = tpu.vector_load_idx %arg13[%add3A_93, %broadcast_in_dim3A_239] : memref<400x64xf32, #tpu.memory_space<vmem>>[vector<16xi32>, vector<16xi32>], vector<16xf32>,
          %gather3A_241 = tpu.vector_load_idx %arg14[%add3A_93, %broadcast_in_dim3A_239] : memref<400x64xf32, #tpu.memory_space<vmem>>[vector<16xi32>, vector<16xi32>], vector<16xf32>,
          %mul3A_242 = arith.mulf %gather3A_240, %gather3A_241 : vector<16xf32>
          %add3A_243 = arith.addf %add3A_237, %mul3A_242 : vector<16xf32>
          %broadcast_in_dim3A_244 = arith.constant 25 : i32
          %broadcast_in_dim3A_245 = vector.broadcast %broadcast_in_dim3A_244 : i32 to vector<16xi32>
          %gather3A_246 = tpu.vector_load_idx %arg13[%add3A_93, %broadcast_in_dim3A_245] : memref<400x64xf32, #tpu.memory_space<vmem>>[vector<16xi32>, vector<16xi32>], vector<16xf32>,
          %gather3A_247 = tpu.vector_load_idx %arg14[%add3A_93, %broadcast_in_dim3A_245] : memref<400x64xf32, #tpu.memory_space<vmem>>[vector<16xi32>, vector<16xi32>], vector<16xf32>,
          %mul3A_248 = arith.mulf %gather3A_246, %gather3A_247 : vector<16xf32>
          %add3A_249 = arith.addf %add3A_243, %mul3A_248 : vector<16xf32>
          %broadcast_in_dim3A_250 = arith.constant 26 : i32
          %broadcast_in_dim3A_251 = vector.broadcast %broadcast_in_dim3A_250 : i32 to vector<16xi32>
          %gather3A_252 = tpu.vector_load_idx %arg13[%add3A_93, %broadcast_in_dim3A_251] : memref<400x64xf32, #tpu.memory_space<vmem>>[vector<16xi32>, vector<16xi32>], vector<16xf32>,
          %gather3A_253 = tpu.vector_load_idx %arg14[%add3A_93, %broadcast_in_dim3A_251] : memref<400x64xf32, #tpu.memory_space<vmem>>[vector<16xi32>, vector<16xi32>], vector<16xf32>,
          %mul3A_254 = arith.mulf %gather3A_252, %gather3A_253 : vector<16xf32>
          %add3A_255 = arith.addf %add3A_249, %mul3A_254 : vector<16xf32>
          %broadcast_in_dim3A_256 = arith.constant 27 : i32
          %broadcast_in_dim3A_257 = vector.broadcast %broadcast_in_dim3A_256 : i32 to vector<16xi32>
          %gather3A_258 = tpu.vector_load_idx %arg13[%add3A_93, %broadcast_in_dim3A_257] : memref<400x64xf32, #tpu.memory_space<vmem>>[vector<16xi32>, vector<16xi32>], vector<16xf32>,
          %gather3A_259 = tpu.vector_load_idx %arg14[%add3A_93, %broadcast_in_dim3A_257] : memref<400x64xf32, #tpu.memory_space<vmem>>[vector<16xi32>, vector<16xi32>], vector<16xf32>,
          %mul3A_260 = arith.mulf %gather3A_258, %gather3A_259 : vector<16xf32>
          %add3A_261 = arith.addf %add3A_255, %mul3A_260 : vector<16xf32>
          %broadcast_in_dim3A_262 = arith.constant 28 : i32
          %broadcast_in_dim3A_263 = vector.broadcast %broadcast_in_dim3A_262 : i32 to vector<16xi32>
          %gather3A_264 = tpu.vector_load_idx %arg13[%add3A_93, %broadcast_in_dim3A_263] : memref<400x64xf32, #tpu.memory_space<vmem>>[vector<16xi32>, vector<16xi32>], vector<16xf32>,
          %gather3A_265 = tpu.vector_load_idx %arg14[%add3A_93, %broadcast_in_dim3A_263] : memref<400x64xf32, #tpu.memory_space<vmem>>[vector<16xi32>, vector<16xi32>], vector<16xf32>,
          %mul3A_266 = arith.mulf %gather3A_264, %gather3A_265 : vector<16xf32>
          %add3A_267 = arith.addf %add3A_261, %mul3A_266 : vector<16xf32>
          %broadcast_in_dim3A_268 = arith.constant 29 : i32
          %broadcast_in_dim3A_269 = vector.broadcast %broadcast_in_dim3A_268 : i32 to vector<16xi32>
          %gather3A_270 = tpu.vector_load_idx %arg13[%add3A_93, %broadcast_in_dim3A_269] : memref<400x64xf32, #tpu.memory_space<vmem>>[vector<16xi32>, vector<16xi32>], vector<16xf32>,
          %gather3A_271 = tpu.vector_load_idx %arg14[%add3A_93, %broadcast_in_dim3A_269] : memref<400x64xf32, #tpu.memory_space<vmem>>[vector<16xi32>, vector<16xi32>], vector<16xf32>,
          %mul3A_272 = arith.mulf %gather3A_270, %gather3A_271 : vector<16xf32>
          %add3A_273 = arith.addf %add3A_267, %mul3A_272 : vector<16xf32>
          %broadcast_in_dim3A_274 = arith.constant 30 : i32
          %broadcast_in_dim3A_275 = vector.broadcast %broadcast_in_dim3A_274 : i32 to vector<16xi32>
          %gather3A_276 = tpu.vector_load_idx %arg13[%add3A_93, %broadcast_in_dim3A_275] : memref<400x64xf32, #tpu.memory_space<vmem>>[vector<16xi32>, vector<16xi32>], vector<16xf32>,
          %gather3A_277 = tpu.vector_load_idx %arg14[%add3A_93, %broadcast_in_dim3A_275] : memref<400x64xf32, #tpu.memory_space<vmem>>[vector<16xi32>, vector<16xi32>], vector<16xf32>,
          %mul3A_278 = arith.mulf %gather3A_276, %gather3A_277 : vector<16xf32>
          %add3A_279 = arith.addf %add3A_273, %mul3A_278 : vector<16xf32>
          %broadcast_in_dim3A_280 = arith.constant 31 : i32
          %broadcast_in_dim3A_281 = vector.broadcast %broadcast_in_dim3A_280 : i32 to vector<16xi32>
          %gather3A_282 = tpu.vector_load_idx %arg13[%add3A_93, %broadcast_in_dim3A_281] : memref<400x64xf32, #tpu.memory_space<vmem>>[vector<16xi32>, vector<16xi32>], vector<16xf32>,
          %gather3A_283 = tpu.vector_load_idx %arg14[%add3A_93, %broadcast_in_dim3A_281] : memref<400x64xf32, #tpu.memory_space<vmem>>[vector<16xi32>, vector<16xi32>], vector<16xf32>,
          %mul3A_284 = arith.mulf %gather3A_282, %gather3A_283 : vector<16xf32>
          %add3A_285 = arith.addf %add3A_279, %mul3A_284 : vector<16xf32>
          %broadcast_in_dim3A_286 = arith.constant 32 : i32
          %broadcast_in_dim3A_287 = vector.broadcast %broadcast_in_dim3A_286 : i32 to vector<16xi32>
          %gather3A_288 = tpu.vector_load_idx %arg13[%add3A_93, %broadcast_in_dim3A_287] : memref<400x64xf32, #tpu.memory_space<vmem>>[vector<16xi32>, vector<16xi32>], vector<16xf32>,
          %gather3A_289 = tpu.vector_load_idx %arg14[%add3A_93, %broadcast_in_dim3A_287] : memref<400x64xf32, #tpu.memory_space<vmem>>[vector<16xi32>, vector<16xi32>], vector<16xf32>,
          %mul3A_290 = arith.mulf %gather3A_288, %gather3A_289 : vector<16xf32>
          %add3A_291 = arith.addf %add3A_285, %mul3A_290 : vector<16xf32>
          %broadcast_in_dim3A_292 = arith.constant 33 : i32
          %broadcast_in_dim3A_293 = vector.broadcast %broadcast_in_dim3A_292 : i32 to vector<16xi32>
          %gather3A_294 = tpu.vector_load_idx %arg13[%add3A_93, %broadcast_in_dim3A_293] : memref<400x64xf32, #tpu.memory_space<vmem>>[vector<16xi32>, vector<16xi32>], vector<16xf32>,
          %gather3A_295 = tpu.vector_load_idx %arg14[%add3A_93, %broadcast_in_dim3A_293] : memref<400x64xf32, #tpu.memory_space<vmem>>[vector<16xi32>, vector<16xi32>], vector<16xf32>,
          %mul3A_296 = arith.mulf %gather3A_294, %gather3A_295 : vector<16xf32>
          %add3A_297 = arith.addf %add3A_291, %mul3A_296 : vector<16xf32>
          %broadcast_in_dim3A_298 = arith.constant 34 : i32
          %broadcast_in_dim3A_299 = vector.broadcast %broadcast_in_dim3A_298 : i32 to vector<16xi32>
          %gather3A_300 = tpu.vector_load_idx %arg13[%add3A_93, %broadcast_in_dim3A_299] : memref<400x64xf32, #tpu.memory_space<vmem>>[vector<16xi32>, vector<16xi32>], vector<16xf32>,
          %gather3A_301 = tpu.vector_load_idx %arg14[%add3A_93, %broadcast_in_dim3A_299] : memref<400x64xf32, #tpu.memory_space<vmem>>[vector<16xi32>, vector<16xi32>], vector<16xf32>,
          %mul3A_302 = arith.mulf %gather3A_300, %gather3A_301 : vector<16xf32>
          %add3A_303 = arith.addf %add3A_297, %mul3A_302 : vector<16xf32>
          %broadcast_in_dim3A_304 = arith.constant 35 : i32
          %broadcast_in_dim3A_305 = vector.broadcast %broadcast_in_dim3A_304 : i32 to vector<16xi32>
          %gather3A_306 = tpu.vector_load_idx %arg13[%add3A_93, %broadcast_in_dim3A_305] : memref<400x64xf32, #tpu.memory_space<vmem>>[vector<16xi32>, vector<16xi32>], vector<16xf32>,
          %gather3A_307 = tpu.vector_load_idx %arg14[%add3A_93, %broadcast_in_dim3A_305] : memref<400x64xf32, #tpu.memory_space<vmem>>[vector<16xi32>, vector<16xi32>], vector<16xf32>,
          %mul3A_308 = arith.mulf %gather3A_306, %gather3A_307 : vector<16xf32>
          %add3A_309 = arith.addf %add3A_303, %mul3A_308 : vector<16xf32>
          %broadcast_in_dim3A_310 = arith.constant 36 : i32
          %broadcast_in_dim3A_311 = vector.broadcast %broadcast_in_dim3A_310 : i32 to vector<16xi32>
          %gather3A_312 = tpu.vector_load_idx %arg13[%add3A_93, %broadcast_in_dim3A_311] : memref<400x64xf32, #tpu.memory_space<vmem>>[vector<16xi32>, vector<16xi32>], vector<16xf32>,
          %gather3A_313 = tpu.vector_load_idx %arg14[%add3A_93, %broadcast_in_dim3A_311] : memref<400x64xf32, #tpu.memory_space<vmem>>[vector<16xi32>, vector<16xi32>], vector<16xf32>,
          %mul3A_314 = arith.mulf %gather3A_312, %gather3A_313 : vector<16xf32>
          %add3A_315 = arith.addf %add3A_309, %mul3A_314 : vector<16xf32>
          %broadcast_in_dim3A_316 = arith.constant 37 : i32
          %broadcast_in_dim3A_317 = vector.broadcast %broadcast_in_dim3A_316 : i32 to vector<16xi32>
          %gather3A_318 = tpu.vector_load_idx %arg13[%add3A_93, %broadcast_in_dim3A_317] : memref<400x64xf32, #tpu.memory_space<vmem>>[vector<16xi32>, vector<16xi32>], vector<16xf32>,
          %gather3A_319 = tpu.vector_load_idx %arg14[%add3A_93, %broadcast_in_dim3A_317] : memref<400x64xf32, #tpu.memory_space<vmem>>[vector<16xi32>, vector<16xi32>], vector<16xf32>,
          %mul3A_320 = arith.mulf %gather3A_318, %gather3A_319 : vector<16xf32>
          %add3A_321 = arith.addf %add3A_315, %mul3A_320 : vector<16xf32>
          %broadcast_in_dim3A_322 = arith.constant 38 : i32
          %broadcast_in_dim3A_323 = vector.broadcast %broadcast_in_dim3A_322 : i32 to vector<16xi32>
          %gather3A_324 = tpu.vector_load_idx %arg13[%add3A_93, %broadcast_in_dim3A_323] : memref<400x64xf32, #tpu.memory_space<vmem>>[vector<16xi32>, vector<16xi32>], vector<16xf32>,
          %gather3A_325 = tpu.vector_load_idx %arg14[%add3A_93, %broadcast_in_dim3A_323] : memref<400x64xf32, #tpu.memory_space<vmem>>[vector<16xi32>, vector<16xi32>], vector<16xf32>,
          %mul3A_326 = arith.mulf %gather3A_324, %gather3A_325 : vector<16xf32>
          %add3A_327 = arith.addf %add3A_321, %mul3A_326 : vector<16xf32>
          %broadcast_in_dim3A_328 = arith.constant 39 : i32
          %broadcast_in_dim3A_329 = vector.broadcast %broadcast_in_dim3A_328 : i32 to vector<16xi32>
          %gather3A_330 = tpu.vector_load_idx %arg13[%add3A_93, %broadcast_in_dim3A_329] : memref<400x64xf32, #tpu.memory_space<vmem>>[vector<16xi32>, vector<16xi32>], vector<16xf32>,
          %gather3A_331 = tpu.vector_load_idx %arg14[%add3A_93, %broadcast_in_dim3A_329] : memref<400x64xf32, #tpu.memory_space<vmem>>[vector<16xi32>, vector<16xi32>], vector<16xf32>,
          %mul3A_332 = arith.mulf %gather3A_330, %gather3A_331 : vector<16xf32>
          %add3A_333 = arith.addf %add3A_327, %mul3A_332 : vector<16xf32>
          %broadcast_in_dim3A_334 = arith.constant 40 : i32
          %broadcast_in_dim3A_335 = vector.broadcast %broadcast_in_dim3A_334 : i32 to vector<16xi32>
          %gather3A_336 = tpu.vector_load_idx %arg13[%add3A_93, %broadcast_in_dim3A_335] : memref<400x64xf32, #tpu.memory_space<vmem>>[vector<16xi32>, vector<16xi32>], vector<16xf32>,
          %gather3A_337 = tpu.vector_load_idx %arg14[%add3A_93, %broadcast_in_dim3A_335] : memref<400x64xf32, #tpu.memory_space<vmem>>[vector<16xi32>, vector<16xi32>], vector<16xf32>,
          %mul3A_338 = arith.mulf %gather3A_336, %gather3A_337 : vector<16xf32>
          %add3A_339 = arith.addf %add3A_333, %mul3A_338 : vector<16xf32>
          %broadcast_in_dim3A_340 = arith.constant 41 : i32
          %broadcast_in_dim3A_341 = vector.broadcast %broadcast_in_dim3A_340 : i32 to vector<16xi32>
          %gather3A_342 = tpu.vector_load_idx %arg13[%add3A_93, %broadcast_in_dim3A_341] : memref<400x64xf32, #tpu.memory_space<vmem>>[vector<16xi32>, vector<16xi32>], vector<16xf32>,
          %gather3A_343 = tpu.vector_load_idx %arg14[%add3A_93, %broadcast_in_dim3A_341] : memref<400x64xf32, #tpu.memory_space<vmem>>[vector<16xi32>, vector<16xi32>], vector<16xf32>,
          %mul3A_344 = arith.mulf %gather3A_342, %gather3A_343 : vector<16xf32>
          %add3A_345 = arith.addf %add3A_339, %mul3A_344 : vector<16xf32>
          %broadcast_in_dim3A_346 = arith.constant 42 : i32
          %broadcast_in_dim3A_347 = vector.broadcast %broadcast_in_dim3A_346 : i32 to vector<16xi32>
          %gather3A_348 = tpu.vector_load_idx %arg13[%add3A_93, %broadcast_in_dim3A_347] : memref<400x64xf32, #tpu.memory_space<vmem>>[vector<16xi32>, vector<16xi32>], vector<16xf32>,
          %gather3A_349 = tpu.vector_load_idx %arg14[%add3A_93, %broadcast_in_dim3A_347] : memref<400x64xf32, #tpu.memory_space<vmem>>[vector<16xi32>, vector<16xi32>], vector<16xf32>,
          %mul3A_350 = arith.mulf %gather3A_348, %gather3A_349 : vector<16xf32>
          %add3A_351 = arith.addf %add3A_345, %mul3A_350 : vector<16xf32>
          %broadcast_in_dim3A_352 = arith.constant 43 : i32
          %broadcast_in_dim3A_353 = vector.broadcast %broadcast_in_dim3A_352 : i32 to vector<16xi32>
          %gather3A_354 = tpu.vector_load_idx %arg13[%add3A_93, %broadcast_in_dim3A_353] : memref<400x64xf32, #tpu.memory_space<vmem>>[vector<16xi32>, vector<16xi32>], vector<16xf32>,
          %gather3A_355 = tpu.vector_load_idx %arg14[%add3A_93, %broadcast_in_dim3A_353] : memref<400x64xf32, #tpu.memory_space<vmem>>[vector<16xi32>, vector<16xi32>], vector<16xf32>,
          %mul3A_356 = arith.mulf %gather3A_354, %gather3A_355 : vector<16xf32>
          %add3A_357 = arith.addf %add3A_351, %mul3A_356 : vector<16xf32>
          %broadcast_in_dim3A_358 = arith.constant 44 : i32
          %broadcast_in_dim3A_359 = vector.broadcast %broadcast_in_dim3A_358 : i32 to vector<16xi32>
          %gather3A_360 = tpu.vector_load_idx %arg13[%add3A_93, %broadcast_in_dim3A_359] : memref<400x64xf32, #tpu.memory_space<vmem>>[vector<16xi32>, vector<16xi32>], vector<16xf32>,
          %gather3A_361 = tpu.vector_load_idx %arg14[%add3A_93, %broadcast_in_dim3A_359] : memref<400x64xf32, #tpu.memory_space<vmem>>[vector<16xi32>, vector<16xi32>], vector<16xf32>,
          %mul3A_362 = arith.mulf %gather3A_360, %gather3A_361 : vector<16xf32>
          %add3A_363 = arith.addf %add3A_357, %mul3A_362 : vector<16xf32>
          %broadcast_in_dim3A_364 = arith.constant 45 : i32
          %broadcast_in_dim3A_365 = vector.broadcast %broadcast_in_dim3A_364 : i32 to vector<16xi32>
          %gather3A_366 = tpu.vector_load_idx %arg13[%add3A_93, %broadcast_in_dim3A_365] : memref<400x64xf32, #tpu.memory_space<vmem>>[vector<16xi32>, vector<16xi32>], vector<16xf32>,
          %gather3A_367 = tpu.vector_load_idx %arg14[%add3A_93, %broadcast_in_dim3A_365] : memref<400x64xf32, #tpu.memory_space<vmem>>[vector<16xi32>, vector<16xi32>], vector<16xf32>,
          %mul3A_368 = arith.mulf %gather3A_366, %gather3A_367 : vector<16xf32>
          %add3A_369 = arith.addf %add3A_363, %mul3A_368 : vector<16xf32>
          %broadcast_in_dim3A_370 = arith.constant 46 : i32
          %broadcast_in_dim3A_371 = vector.broadcast %broadcast_in_dim3A_370 : i32 to vector<16xi32>
          %gather3A_372 = tpu.vector_load_idx %arg13[%add3A_93, %broadcast_in_dim3A_371] : memref<400x64xf32, #tpu.memory_space<vmem>>[vector<16xi32>, vector<16xi32>], vector<16xf32>,
          %gather3A_373 = tpu.vector_load_idx %arg14[%add3A_93, %broadcast_in_dim3A_371] : memref<400x64xf32, #tpu.memory_space<vmem>>[vector<16xi32>, vector<16xi32>], vector<16xf32>,
          %mul3A_374 = arith.mulf %gather3A_372, %gather3A_373 : vector<16xf32>
          %add3A_375 = arith.addf %add3A_369, %mul3A_374 : vector<16xf32>
          %broadcast_in_dim3A_376 = arith.constant 47 : i32
          %broadcast_in_dim3A_377 = vector.broadcast %broadcast_in_dim3A_376 : i32 to vector<16xi32>
          %gather3A_378 = tpu.vector_load_idx %arg13[%add3A_93, %broadcast_in_dim3A_377] : memref<400x64xf32, #tpu.memory_space<vmem>>[vector<16xi32>, vector<16xi32>], vector<16xf32>,
          %gather3A_379 = tpu.vector_load_idx %arg14[%add3A_93, %broadcast_in_dim3A_377] : memref<400x64xf32, #tpu.memory_space<vmem>>[vector<16xi32>, vector<16xi32>], vector<16xf32>,
          %mul3A_380 = arith.mulf %gather3A_378, %gather3A_379 : vector<16xf32>
          %add3A_381 = arith.addf %add3A_375, %mul3A_380 : vector<16xf32>
          %broadcast_in_dim3A_382 = arith.constant 48 : i32
          %broadcast_in_dim3A_383 = vector.broadcast %broadcast_in_dim3A_382 : i32 to vector<16xi32>
          %gather3A_384 = tpu.vector_load_idx %arg13[%add3A_93, %broadcast_in_dim3A_383] : memref<400x64xf32, #tpu.memory_space<vmem>>[vector<16xi32>, vector<16xi32>], vector<16xf32>,
          %gather3A_385 = tpu.vector_load_idx %arg14[%add3A_93, %broadcast_in_dim3A_383] : memref<400x64xf32, #tpu.memory_space<vmem>>[vector<16xi32>, vector<16xi32>], vector<16xf32>,
          %mul3A_386 = arith.mulf %gather3A_384, %gather3A_385 : vector<16xf32>
          %add3A_387 = arith.addf %add3A_381, %mul3A_386 : vector<16xf32>
          %broadcast_in_dim3A_388 = arith.constant 49 : i32
          %broadcast_in_dim3A_389 = vector.broadcast %broadcast_in_dim3A_388 : i32 to vector<16xi32>
          %gather3A_390 = tpu.vector_load_idx %arg13[%add3A_93, %broadcast_in_dim3A_389] : memref<400x64xf32, #tpu.memory_space<vmem>>[vector<16xi32>, vector<16xi32>], vector<16xf32>,
          %gather3A_391 = tpu.vector_load_idx %arg14[%add3A_93, %broadcast_in_dim3A_389] : memref<400x64xf32, #tpu.memory_space<vmem>>[vector<16xi32>, vector<16xi32>], vector<16xf32>,
          %mul3A_392 = arith.mulf %gather3A_390, %gather3A_391 : vector<16xf32>
          %add3A_393 = arith.addf %add3A_387, %mul3A_392 : vector<16xf32>
          %broadcast_in_dim3A_394 = arith.constant 50 : i32
          %broadcast_in_dim3A_395 = vector.broadcast %broadcast_in_dim3A_394 : i32 to vector<16xi32>
          %gather3A_396 = tpu.vector_load_idx %arg13[%add3A_93, %broadcast_in_dim3A_395] : memref<400x64xf32, #tpu.memory_space<vmem>>[vector<16xi32>, vector<16xi32>], vector<16xf32>,
          %gather3A_397 = tpu.vector_load_idx %arg14[%add3A_93, %broadcast_in_dim3A_395] : memref<400x64xf32, #tpu.memory_space<vmem>>[vector<16xi32>, vector<16xi32>], vector<16xf32>,
          %mul3A_398 = arith.mulf %gather3A_396, %gather3A_397 : vector<16xf32>
          %add3A_399 = arith.addf %add3A_393, %mul3A_398 : vector<16xf32>
          %broadcast_in_dim3A_400 = arith.constant 51 : i32
          %broadcast_in_dim3A_401 = vector.broadcast %broadcast_in_dim3A_400 : i32 to vector<16xi32>
          %gather3A_402 = tpu.vector_load_idx %arg13[%add3A_93, %broadcast_in_dim3A_401] : memref<400x64xf32, #tpu.memory_space<vmem>>[vector<16xi32>, vector<16xi32>], vector<16xf32>,
          %gather3A_403 = tpu.vector_load_idx %arg14[%add3A_93, %broadcast_in_dim3A_401] : memref<400x64xf32, #tpu.memory_space<vmem>>[vector<16xi32>, vector<16xi32>], vector<16xf32>,
          %mul3A_404 = arith.mulf %gather3A_402, %gather3A_403 : vector<16xf32>
          %add3A_405 = arith.addf %add3A_399, %mul3A_404 : vector<16xf32>
          %broadcast_in_dim3A_406 = arith.constant 52 : i32
          %broadcast_in_dim3A_407 = vector.broadcast %broadcast_in_dim3A_406 : i32 to vector<16xi32>
          %gather3A_408 = tpu.vector_load_idx %arg13[%add3A_93, %broadcast_in_dim3A_407] : memref<400x64xf32, #tpu.memory_space<vmem>>[vector<16xi32>, vector<16xi32>], vector<16xf32>,
          %gather3A_409 = tpu.vector_load_idx %arg14[%add3A_93, %broadcast_in_dim3A_407] : memref<400x64xf32, #tpu.memory_space<vmem>>[vector<16xi32>, vector<16xi32>], vector<16xf32>,
          %mul3A_410 = arith.mulf %gather3A_408, %gather3A_409 : vector<16xf32>
          %add3A_411 = arith.addf %add3A_405, %mul3A_410 : vector<16xf32>
          %broadcast_in_dim3A_412 = arith.constant 53 : i32
          %broadcast_in_dim3A_413 = vector.broadcast %broadcast_in_dim3A_412 : i32 to vector<16xi32>
          %gather3A_414 = tpu.vector_load_idx %arg13[%add3A_93, %broadcast_in_dim3A_413] : memref<400x64xf32, #tpu.memory_space<vmem>>[vector<16xi32>, vector<16xi32>], vector<16xf32>,
          %gather3A_415 = tpu.vector_load_idx %arg14[%add3A_93, %broadcast_in_dim3A_413] : memref<400x64xf32, #tpu.memory_space<vmem>>[vector<16xi32>, vector<16xi32>], vector<16xf32>,
          %mul3A_416 = arith.mulf %gather3A_414, %gather3A_415 : vector<16xf32>
          %add3A_417 = arith.addf %add3A_411, %mul3A_416 : vector<16xf32>
          %broadcast_in_dim3A_418 = arith.constant 54 : i32
          %broadcast_in_dim3A_419 = vector.broadcast %broadcast_in_dim3A_418 : i32 to vector<16xi32>
          %gather3A_420 = tpu.vector_load_idx %arg13[%add3A_93, %broadcast_in_dim3A_419] : memref<400x64xf32, #tpu.memory_space<vmem>>[vector<16xi32>, vector<16xi32>], vector<16xf32>,
          %gather3A_421 = tpu.vector_load_idx %arg14[%add3A_93, %broadcast_in_dim3A_419] : memref<400x64xf32, #tpu.memory_space<vmem>>[vector<16xi32>, vector<16xi32>], vector<16xf32>,
          %mul3A_422 = arith.mulf %gather3A_420, %gather3A_421 : vector<16xf32>
          %add3A_423 = arith.addf %add3A_417, %mul3A_422 : vector<16xf32>
          %broadcast_in_dim3A_424 = arith.constant 55 : i32
          %broadcast_in_dim3A_425 = vector.broadcast %broadcast_in_dim3A_424 : i32 to vector<16xi32>
          %gather3A_426 = tpu.vector_load_idx %arg13[%add3A_93, %broadcast_in_dim3A_425] : memref<400x64xf32, #tpu.memory_space<vmem>>[vector<16xi32>, vector<16xi32>], vector<16xf32>,
          %gather3A_427 = tpu.vector_load_idx %arg14[%add3A_93, %broadcast_in_dim3A_425] : memref<400x64xf32, #tpu.memory_space<vmem>>[vector<16xi32>, vector<16xi32>], vector<16xf32>,
          %mul3A_428 = arith.mulf %gather3A_426, %gather3A_427 : vector<16xf32>
          %add3A_429 = arith.addf %add3A_423, %mul3A_428 : vector<16xf32>
          %broadcast_in_dim3A_430 = arith.constant 56 : i32
          %broadcast_in_dim3A_431 = vector.broadcast %broadcast_in_dim3A_430 : i32 to vector<16xi32>
          %gather3A_432 = tpu.vector_load_idx %arg13[%add3A_93, %broadcast_in_dim3A_431] : memref<400x64xf32, #tpu.memory_space<vmem>>[vector<16xi32>, vector<16xi32>], vector<16xf32>,
          %gather3A_433 = tpu.vector_load_idx %arg14[%add3A_93, %broadcast_in_dim3A_431] : memref<400x64xf32, #tpu.memory_space<vmem>>[vector<16xi32>, vector<16xi32>], vector<16xf32>,
          %mul3A_434 = arith.mulf %gather3A_432, %gather3A_433 : vector<16xf32>
          %add3A_435 = arith.addf %add3A_429, %mul3A_434 : vector<16xf32>
          %broadcast_in_dim3A_436 = arith.constant 57 : i32
          %broadcast_in_dim3A_437 = vector.broadcast %broadcast_in_dim3A_436 : i32 to vector<16xi32>
          %gather3A_438 = tpu.vector_load_idx %arg13[%add3A_93, %broadcast_in_dim3A_437] : memref<400x64xf32, #tpu.memory_space<vmem>>[vector<16xi32>, vector<16xi32>], vector<16xf32>,
          %gather3A_439 = tpu.vector_load_idx %arg14[%add3A_93, %broadcast_in_dim3A_437] : memref<400x64xf32, #tpu.memory_space<vmem>>[vector<16xi32>, vector<16xi32>], vector<16xf32>,
          %mul3A_440 = arith.mulf %gather3A_438, %gather3A_439 : vector<16xf32>
          %add3A_441 = arith.addf %add3A_435, %mul3A_440 : vector<16xf32>
          %broadcast_in_dim3A_442 = arith.constant 58 : i32
          %broadcast_in_dim3A_443 = vector.broadcast %broadcast_in_dim3A_442 : i32 to vector<16xi32>
          %gather3A_444 = tpu.vector_load_idx %arg13[%add3A_93, %broadcast_in_dim3A_443] : memref<400x64xf32, #tpu.memory_space<vmem>>[vector<16xi32>, vector<16xi32>], vector<16xf32>,
          %gather3A_445 = tpu.vector_load_idx %arg14[%add3A_93, %broadcast_in_dim3A_443] : memref<400x64xf32, #tpu.memory_space<vmem>>[vector<16xi32>, vector<16xi32>], vector<16xf32>,
          %mul3A_446 = arith.mulf %gather3A_444, %gather3A_445 : vector<16xf32>
          %add3A_447 = arith.addf %add3A_441, %mul3A_446 : vector<16xf32>
          %broadcast_in_dim3A_448 = arith.constant 59 : i32
          %broadcast_in_dim3A_449 = vector.broadcast %broadcast_in_dim3A_448 : i32 to vector<16xi32>
          %gather3A_450 = tpu.vector_load_idx %arg13[%add3A_93, %broadcast_in_dim3A_449] : memref<400x64xf32, #tpu.memory_space<vmem>>[vector<16xi32>, vector<16xi32>], vector<16xf32>,
          %gather3A_451 = tpu.vector_load_idx %arg14[%add3A_93, %broadcast_in_dim3A_449] : memref<400x64xf32, #tpu.memory_space<vmem>>[vector<16xi32>, vector<16xi32>], vector<16xf32>,
          %mul3A_452 = arith.mulf %gather3A_450, %gather3A_451 : vector<16xf32>
          %add3A_453 = arith.addf %add3A_447, %mul3A_452 : vector<16xf32>
          %broadcast_in_dim3A_454 = arith.constant 60 : i32
          %broadcast_in_dim3A_455 = vector.broadcast %broadcast_in_dim3A_454 : i32 to vector<16xi32>
          %gather3A_456 = tpu.vector_load_idx %arg13[%add3A_93, %broadcast_in_dim3A_455] : memref<400x64xf32, #tpu.memory_space<vmem>>[vector<16xi32>, vector<16xi32>], vector<16xf32>,
          %gather3A_457 = tpu.vector_load_idx %arg14[%add3A_93, %broadcast_in_dim3A_455] : memref<400x64xf32, #tpu.memory_space<vmem>>[vector<16xi32>, vector<16xi32>], vector<16xf32>,
          %mul3A_458 = arith.mulf %gather3A_456, %gather3A_457 : vector<16xf32>
          %add3A_459 = arith.addf %add3A_453, %mul3A_458 : vector<16xf32>
          %broadcast_in_dim3A_460 = arith.constant 61 : i32
          %broadcast_in_dim3A_461 = vector.broadcast %broadcast_in_dim3A_460 : i32 to vector<16xi32>
          %gather3A_462 = tpu.vector_load_idx %arg13[%add3A_93, %broadcast_in_dim3A_461] : memref<400x64xf32, #tpu.memory_space<vmem>>[vector<16xi32>, vector<16xi32>], vector<16xf32>,
          %gather3A_463 = tpu.vector_load_idx %arg14[%add3A_93, %broadcast_in_dim3A_461] : memref<400x64xf32, #tpu.memory_space<vmem>>[vector<16xi32>, vector<16xi32>], vector<16xf32>,
          %mul3A_464 = arith.mulf %gather3A_462, %gather3A_463 : vector<16xf32>
          %add3A_465 = arith.addf %add3A_459, %mul3A_464 : vector<16xf32>
          %broadcast_in_dim3A_466 = arith.constant 62 : i32
          %broadcast_in_dim3A_467 = vector.broadcast %broadcast_in_dim3A_466 : i32 to vector<16xi32>
          %gather3A_468 = tpu.vector_load_idx %arg13[%add3A_93, %broadcast_in_dim3A_467] : memref<400x64xf32, #tpu.memory_space<vmem>>[vector<16xi32>, vector<16xi32>], vector<16xf32>,
          %gather3A_469 = tpu.vector_load_idx %arg14[%add3A_93, %broadcast_in_dim3A_467] : memref<400x64xf32, #tpu.memory_space<vmem>>[vector<16xi32>, vector<16xi32>], vector<16xf32>,
          %mul3A_470 = arith.mulf %gather3A_468, %gather3A_469 : vector<16xf32>
          %add3A_471 = arith.addf %add3A_465, %mul3A_470 : vector<16xf32>
          %broadcast_in_dim3A_472 = arith.constant 63 : i32
          %broadcast_in_dim3A_473 = vector.broadcast %broadcast_in_dim3A_472 : i32 to vector<16xi32>
          %gather3A_474 = tpu.vector_load_idx %arg13[%add3A_93, %broadcast_in_dim3A_473] : memref<400x64xf32, #tpu.memory_space<vmem>>[vector<16xi32>, vector<16xi32>], vector<16xf32>,
          %gather3A_475 = tpu.vector_load_idx %arg14[%add3A_93, %broadcast_in_dim3A_473] : memref<400x64xf32, #tpu.memory_space<vmem>>[vector<16xi32>, vector<16xi32>], vector<16xf32>,
          %mul3A_476 = arith.mulf %gather3A_474, %gather3A_475 : vector<16xf32>
          %add3A_477 = arith.addf %add3A_471, %mul3A_476 : vector<16xf32>
          %mul3A_478 = arith.constant 1.250000e-01 : f32
          %mul3A_479 = vector.broadcast %mul3A_478 : f32 to vector<16xf32>
          %mul3A_480 = arith.mulf %add3A_477, %mul3A_479 : vector<16xf32>
          %exp3A = math.exp %mul3A_480 : vector<16xf32>
          %mul3A_481 = arith.constant 16 : i32
          %mul3A_482 = arith.muli %scan3A_88, %mul3A_481 : i32
          %swap3A = arith.index_cast %mul3A_482 : i32 to index
          %swap3A_483 = tpu.vector_load %arg15[%swap3A] {strides = array<i32>} : memref<400xf32, #tpu.memory_space<vmem>>, vector<16xf32>,
          tpu.vector_store %arg15[%swap3A], %exp3A {strides = array<i32>} : memref<400xf32, #tpu.memory_space<vmem>>, vector<16xf32>,
          %broadcast_in_dim3A_484 = arith.constant 0 : i32
          %broadcast_in_dim3A_485 = vector.broadcast %broadcast_in_dim3A_484 : i32 to vector<16xi32>
          tpu.vector_store_idx %arg16[%add3A_93, %broadcast_in_dim3A_485], %exp3A : memref<400x16xf32, #tpu.memory_space<vmem>>[vector<16xi32>, vector<16xi32>], vector<16xf32>,
          %broadcast_in_dim3A_486 = arith.constant 1 : i32
          %broadcast_in_dim3A_487 = vector.broadcast %broadcast_in_dim3A_486 : i32 to vector<16xi32>
          tpu.vector_store_idx %arg16[%add3A_93, %broadcast_in_dim3A_487], %exp3A : memref<400x16xf32, #tpu.memory_space<vmem>>[vector<16xi32>, vector<16xi32>], vector<16xf32>,
          %broadcast_in_dim3A_488 = arith.constant 2 : i32
          %broadcast_in_dim3A_489 = vector.broadcast %broadcast_in_dim3A_488 : i32 to vector<16xi32>
          tpu.vector_store_idx %arg16[%add3A_93, %broadcast_in_dim3A_489], %exp3A : memref<400x16xf32, #tpu.memory_space<vmem>>[vector<16xi32>, vector<16xi32>], vector<16xf32>,
          %broadcast_in_dim3A_490 = arith.constant 3 : i32
          %broadcast_in_dim3A_491 = vector.broadcast %broadcast_in_dim3A_490 : i32 to vector<16xi32>
          tpu.vector_store_idx %arg16[%add3A_93, %broadcast_in_dim3A_491], %exp3A : memref<400x16xf32, #tpu.memory_space<vmem>>[vector<16xi32>, vector<16xi32>], vector<16xf32>,
          %broadcast_in_dim3A_492 = arith.constant 4 : i32
          %broadcast_in_dim3A_493 = vector.broadcast %broadcast_in_dim3A_492 : i32 to vector<16xi32>
          tpu.vector_store_idx %arg16[%add3A_93, %broadcast_in_dim3A_493], %exp3A : memref<400x16xf32, #tpu.memory_space<vmem>>[vector<16xi32>, vector<16xi32>], vector<16xf32>,
          %broadcast_in_dim3A_494 = arith.constant 5 : i32
          %broadcast_in_dim3A_495 = vector.broadcast %broadcast_in_dim3A_494 : i32 to vector<16xi32>
          tpu.vector_store_idx %arg16[%add3A_93, %broadcast_in_dim3A_495], %exp3A : memref<400x16xf32, #tpu.memory_space<vmem>>[vector<16xi32>, vector<16xi32>], vector<16xf32>,
          %broadcast_in_dim3A_496 = arith.constant 6 : i32
          %broadcast_in_dim3A_497 = vector.broadcast %broadcast_in_dim3A_496 : i32 to vector<16xi32>
          tpu.vector_store_idx %arg16[%add3A_93, %broadcast_in_dim3A_497], %exp3A : memref<400x16xf32, #tpu.memory_space<vmem>>[vector<16xi32>, vector<16xi32>], vector<16xf32>,
          %broadcast_in_dim3A_498 = arith.constant 7 : i32
          %broadcast_in_dim3A_499 = vector.broadcast %broadcast_in_dim3A_498 : i32 to vector<16xi32>
          tpu.vector_store_idx %arg16[%add3A_93, %broadcast_in_dim3A_499], %exp3A : memref<400x16xf32, #tpu.memory_space<vmem>>[vector<16xi32>, vector<16xi32>], vector<16xf32>,
          %broadcast_in_dim3A_500 = arith.constant 8 : i32
          %broadcast_in_dim3A_501 = vector.broadcast %broadcast_in_dim3A_500 : i32 to vector<16xi32>
          tpu.vector_store_idx %arg16[%add3A_93, %broadcast_in_dim3A_501], %exp3A : memref<400x16xf32, #tpu.memory_space<vmem>>[vector<16xi32>, vector<16xi32>], vector<16xf32>,
          %broadcast_in_dim3A_502 = arith.constant 9 : i32
          %broadcast_in_dim3A_503 = vector.broadcast %broadcast_in_dim3A_502 : i32 to vector<16xi32>
          tpu.vector_store_idx %arg16[%add3A_93, %broadcast_in_dim3A_503], %exp3A : memref<400x16xf32, #tpu.memory_space<vmem>>[vector<16xi32>, vector<16xi32>], vector<16xf32>,
          %broadcast_in_dim3A_504 = arith.constant 10 : i32
          %broadcast_in_dim3A_505 = vector.broadcast %broadcast_in_dim3A_504 : i32 to vector<16xi32>
          tpu.vector_store_idx %arg16[%add3A_93, %broadcast_in_dim3A_505], %exp3A : memref<400x16xf32, #tpu.memory_space<vmem>>[vector<16xi32>, vector<16xi32>], vector<16xf32>,
          %broadcast_in_dim3A_506 = arith.constant 11 : i32
          %broadcast_in_dim3A_507 = vector.broadcast %broadcast_in_dim3A_506 : i32 to vector<16xi32>
          tpu.vector_store_idx %arg16[%add3A_93, %broadcast_in_dim3A_507], %exp3A : memref<400x16xf32, #tpu.memory_space<vmem>>[vector<16xi32>, vector<16xi32>], vector<16xf32>,
          %broadcast_in_dim3A_508 = arith.constant 12 : i32
          %broadcast_in_dim3A_509 = vector.broadcast %broadcast_in_dim3A_508 : i32 to vector<16xi32>
          tpu.vector_store_idx %arg16[%add3A_93, %broadcast_in_dim3A_509], %exp3A : memref<400x16xf32, #tpu.memory_space<vmem>>[vector<16xi32>, vector<16xi32>], vector<16xf32>,
          %broadcast_in_dim3A_510 = arith.constant 13 : i32
          %broadcast_in_dim3A_511 = vector.broadcast %broadcast_in_dim3A_510 : i32 to vector<16xi32>
          tpu.vector_store_idx %arg16[%add3A_93, %broadcast_in_dim3A_511], %exp3A : memref<400x16xf32, #tpu.memory_space<vmem>>[vector<16xi32>, vector<16xi32>], vector<16xf32>,
          %broadcast_in_dim3A_512 = arith.constant 14 : i32
          %broadcast_in_dim3A_513 = vector.broadcast %broadcast_in_dim3A_512 : i32 to vector<16xi32>
          tpu.vector_store_idx %arg16[%add3A_93, %broadcast_in_dim3A_513], %exp3A : memref<400x16xf32, #tpu.memory_space<vmem>>[vector<16xi32>, vector<16xi32>], vector<16xf32>,
          %broadcast_in_dim3A_514 = arith.constant 15 : i32
          %broadcast_in_dim3A_515 = vector.broadcast %broadcast_in_dim3A_514 : i32 to vector<16xi32>
          tpu.vector_store_idx %arg16[%add3A_93, %broadcast_in_dim3A_515], %exp3A : memref<400x16xf32, #tpu.memory_space<vmem>>[vector<16xi32>, vector<16xi32>], vector<16xf32>,
          %scan3A_516 = arith.constant 0 : i32
          scf.yield %scan3A_516 : i32
        }
        %scan3A_73 = arith.constant 25 : i32
        "tpu.region"() ({
          %run_scoped3A = tpu.sem_alloc : memref<!tpu.dma_semaphore, #tpu.memory_space<semaphore_mem>>
          %dma_start3A_88 = tpu.memref_slice %arg6[%add3A_56] : memref<1760000xi32, #tpu.memory_space<hbm>> -> memref<400xi32, #tpu.memory_space<hbm>>
          %dma_start3A_89 = tpu.memref_slice %arg6[%add3A_56] : memref<1760000xi32, #tpu.memory_space<hbm>> -> memref<400xi32, #tpu.memory_space<hbm>>
          tpu.enqueue_dma source(%dma_start3A_89 : memref<400xi32, #tpu.memory_space<hbm>>) target(%arg12 : memref<400xi32, #tpu.memory_space<vmem>>) target_semaphore(%run_scoped3A : memref<!tpu.dma_semaphore, #tpu.memory_space<semaphore_mem>>)
          %dma_wait3A_90 = tpu.memref_slice %arg6[%add3A_56] : memref<1760000xi32, #tpu.memory_space<hbm>> -> memref<400xi32, #tpu.memory_space<hbm>>
          %dma_wait3A_91 = tpu.memref_slice %arg6[%add3A_56] : memref<1760000xi32, #tpu.memory_space<hbm>> -> memref<400xi32, #tpu.memory_space<hbm>>
          tpu.wait_dma2 semaphore(%run_scoped3A : memref<!tpu.dma_semaphore, #tpu.memory_space<semaphore_mem>>) src(%dma_wait3A_91 : memref<400xi32, #tpu.memory_space<hbm>>) dst(%arg12 : memref<400xi32, #tpu.memory_space<vmem>>)
          tpu.yield
        }) : () -> ()
        %dma_start3A_74 = arith.constant 0 : i32
        %dma_start3A_75 = arith.constant 0 : i32
        %dma_start3A_76 = tpu.memref_slice %arg3[%dma_start3A_74, %dma_start3A_75] : memref<221184x64xf32, #tpu.memory_space<hbm>> -> memref<221184x64xf32, #tpu.memory_space<hbm>>
        tpu.enqueue_indirect_dma source(%dma_start3A_76 : memref<221184x64xf32, #tpu.memory_space<hbm>>) target(%arg14 : memref<400x64xf32, #tpu.memory_space<vmem>>) offsets(%arg12 : memref<400xi32, #tpu.memory_space<vmem>>) semaphore(%arg19 : memref<!tpu.dma_semaphore, #tpu.memory_space<semaphore_mem>>)
        %dma_wait3A_77 = arith.constant 0 : i32
        %dma_wait3A_78 = arith.constant 0 : i32
        %dma_wait3A_79 = tpu.memref_slice %arg3[%dma_wait3A_77, %dma_wait3A_78] : memref<221184x64xf32, #tpu.memory_space<hbm>> -> memref<221184x64xf32, #tpu.memory_space<hbm>>
        tpu.wait_indirect_dma semaphore(%arg19 : memref<!tpu.dma_semaphore, #tpu.memory_space<semaphore_mem>>) src(%dma_wait3A_79 : memref<221184x64xf32, #tpu.memory_space<hbm>>) dst(%arg14 : memref<400x64xf32, #tpu.memory_space<vmem>>)
        %scan3A_80 = arith.constant 0 : i32
        %scan3A_81 = arith.constant 0 : i32
        %scan3A_82 = arith.constant 25 : i32
        %scan3A_83 = arith.addi %scan3A_81, %scan3A_82 : i32
        %scan3A_84 = arith.constant 1 : i32
        %scan3A_85 = scf.for %scan3A_88 = %scan3A_81 to %scan3A_83 step %scan3A_84 iter_args(%scan3A_89 = %scan3A_80) -> (i32)  : i32 {
          %mul3A_90 = arith.constant 16 : i32
          %mul3A_91 = arith.muli %scan3A_88, %mul3A_90 : i32
          %add3A_92 = vector.broadcast %mul3A_91 : i32 to vector<16xi32>
          %add3A_93 = arith.addi %add3A_92, %iota3A : vector<16xi32>
          %mul3A_94 = arith.constant 16 : i32
          %mul3A_95 = arith.muli %scan3A_88, %mul3A_94 : i32
          %get3A = arith.index_cast %mul3A_95 : i32 to index
          %get3A_96 = tpu.vector_load %arg15[%get3A] {strides = array<i32>} : memref<400xf32, #tpu.memory_space<vmem>>, vector<16xf32>,
          %broadcast_in_dim3A = arith.constant 0 : i32
          %broadcast_in_dim3A_97 = vector.broadcast %broadcast_in_dim3A : i32 to vector<16xi32>
          %gather3A = tpu.vector_load_idx %arg14[%add3A_93, %broadcast_in_dim3A_97] : memref<400x64xf32, #tpu.memory_space<vmem>>[vector<16xi32>, vector<16xi32>], vector<16xf32>,
          %mul3A_98 = arith.mulf %gather3A, %get3A_96 : vector<16xf32>
          tpu.vector_store_idx %arg14[%add3A_93, %broadcast_in_dim3A_97], %mul3A_98 : memref<400x64xf32, #tpu.memory_space<vmem>>[vector<16xi32>, vector<16xi32>], vector<16xf32>,
          %broadcast_in_dim3A_99 = arith.constant 1 : i32
          %broadcast_in_dim3A_100 = vector.broadcast %broadcast_in_dim3A_99 : i32 to vector<16xi32>
          %gather3A_101 = tpu.vector_load_idx %arg14[%add3A_93, %broadcast_in_dim3A_100] : memref<400x64xf32, #tpu.memory_space<vmem>>[vector<16xi32>, vector<16xi32>], vector<16xf32>,
          %mul3A_102 = arith.mulf %gather3A_101, %get3A_96 : vector<16xf32>
          tpu.vector_store_idx %arg14[%add3A_93, %broadcast_in_dim3A_100], %mul3A_102 : memref<400x64xf32, #tpu.memory_space<vmem>>[vector<16xi32>, vector<16xi32>], vector<16xf32>,
          %broadcast_in_dim3A_103 = arith.constant 2 : i32
          %broadcast_in_dim3A_104 = vector.broadcast %broadcast_in_dim3A_103 : i32 to vector<16xi32>
          %gather3A_105 = tpu.vector_load_idx %arg14[%add3A_93, %broadcast_in_dim3A_104] : memref<400x64xf32, #tpu.memory_space<vmem>>[vector<16xi32>, vector<16xi32>], vector<16xf32>,
          %mul3A_106 = arith.mulf %gather3A_105, %get3A_96 : vector<16xf32>
          tpu.vector_store_idx %arg14[%add3A_93, %broadcast_in_dim3A_104], %mul3A_106 : memref<400x64xf32, #tpu.memory_space<vmem>>[vector<16xi32>, vector<16xi32>], vector<16xf32>,
          %broadcast_in_dim3A_107 = arith.constant 3 : i32
          %broadcast_in_dim3A_108 = vector.broadcast %broadcast_in_dim3A_107 : i32 to vector<16xi32>
          %gather3A_109 = tpu.vector_load_idx %arg14[%add3A_93, %broadcast_in_dim3A_108] : memref<400x64xf32, #tpu.memory_space<vmem>>[vector<16xi32>, vector<16xi32>], vector<16xf32>,
          %mul3A_110 = arith.mulf %gather3A_109, %get3A_96 : vector<16xf32>
          tpu.vector_store_idx %arg14[%add3A_93, %broadcast_in_dim3A_108], %mul3A_110 : memref<400x64xf32, #tpu.memory_space<vmem>>[vector<16xi32>, vector<16xi32>], vector<16xf32>,
          %broadcast_in_dim3A_111 = arith.constant 4 : i32
          %broadcast_in_dim3A_112 = vector.broadcast %broadcast_in_dim3A_111 : i32 to vector<16xi32>
          %gather3A_113 = tpu.vector_load_idx %arg14[%add3A_93, %broadcast_in_dim3A_112] : memref<400x64xf32, #tpu.memory_space<vmem>>[vector<16xi32>, vector<16xi32>], vector<16xf32>,
          %mul3A_114 = arith.mulf %gather3A_113, %get3A_96 : vector<16xf32>
          tpu.vector_store_idx %arg14[%add3A_93, %broadcast_in_dim3A_112], %mul3A_114 : memref<400x64xf32, #tpu.memory_space<vmem>>[vector<16xi32>, vector<16xi32>], vector<16xf32>,
          %broadcast_in_dim3A_115 = arith.constant 5 : i32
          %broadcast_in_dim3A_116 = vector.broadcast %broadcast_in_dim3A_115 : i32 to vector<16xi32>
          %gather3A_117 = tpu.vector_load_idx %arg14[%add3A_93, %broadcast_in_dim3A_116] : memref<400x64xf32, #tpu.memory_space<vmem>>[vector<16xi32>, vector<16xi32>], vector<16xf32>,
          %mul3A_118 = arith.mulf %gather3A_117, %get3A_96 : vector<16xf32>
          tpu.vector_store_idx %arg14[%add3A_93, %broadcast_in_dim3A_116], %mul3A_118 : memref<400x64xf32, #tpu.memory_space<vmem>>[vector<16xi32>, vector<16xi32>], vector<16xf32>,
          %broadcast_in_dim3A_119 = arith.constant 6 : i32
          %broadcast_in_dim3A_120 = vector.broadcast %broadcast_in_dim3A_119 : i32 to vector<16xi32>
          %gather3A_121 = tpu.vector_load_idx %arg14[%add3A_93, %broadcast_in_dim3A_120] : memref<400x64xf32, #tpu.memory_space<vmem>>[vector<16xi32>, vector<16xi32>], vector<16xf32>,
          %mul3A_122 = arith.mulf %gather3A_121, %get3A_96 : vector<16xf32>
          tpu.vector_store_idx %arg14[%add3A_93, %broadcast_in_dim3A_120], %mul3A_122 : memref<400x64xf32, #tpu.memory_space<vmem>>[vector<16xi32>, vector<16xi32>], vector<16xf32>,
          %broadcast_in_dim3A_123 = arith.constant 7 : i32
          %broadcast_in_dim3A_124 = vector.broadcast %broadcast_in_dim3A_123 : i32 to vector<16xi32>
          %gather3A_125 = tpu.vector_load_idx %arg14[%add3A_93, %broadcast_in_dim3A_124] : memref<400x64xf32, #tpu.memory_space<vmem>>[vector<16xi32>, vector<16xi32>], vector<16xf32>,
          %mul3A_126 = arith.mulf %gather3A_125, %get3A_96 : vector<16xf32>
          tpu.vector_store_idx %arg14[%add3A_93, %broadcast_in_dim3A_124], %mul3A_126 : memref<400x64xf32, #tpu.memory_space<vmem>>[vector<16xi32>, vector<16xi32>], vector<16xf32>,
          %broadcast_in_dim3A_127 = arith.constant 8 : i32
          %broadcast_in_dim3A_128 = vector.broadcast %broadcast_in_dim3A_127 : i32 to vector<16xi32>
          %gather3A_129 = tpu.vector_load_idx %arg14[%add3A_93, %broadcast_in_dim3A_128] : memref<400x64xf32, #tpu.memory_space<vmem>>[vector<16xi32>, vector<16xi32>], vector<16xf32>,
          %mul3A_130 = arith.mulf %gather3A_129, %get3A_96 : vector<16xf32>
          tpu.vector_store_idx %arg14[%add3A_93, %broadcast_in_dim3A_128], %mul3A_130 : memref<400x64xf32, #tpu.memory_space<vmem>>[vector<16xi32>, vector<16xi32>], vector<16xf32>,
          %broadcast_in_dim3A_131 = arith.constant 9 : i32
          %broadcast_in_dim3A_132 = vector.broadcast %broadcast_in_dim3A_131 : i32 to vector<16xi32>
          %gather3A_133 = tpu.vector_load_idx %arg14[%add3A_93, %broadcast_in_dim3A_132] : memref<400x64xf32, #tpu.memory_space<vmem>>[vector<16xi32>, vector<16xi32>], vector<16xf32>,
          %mul3A_134 = arith.mulf %gather3A_133, %get3A_96 : vector<16xf32>
          tpu.vector_store_idx %arg14[%add3A_93, %broadcast_in_dim3A_132], %mul3A_134 : memref<400x64xf32, #tpu.memory_space<vmem>>[vector<16xi32>, vector<16xi32>], vector<16xf32>,
          %broadcast_in_dim3A_135 = arith.constant 10 : i32
          %broadcast_in_dim3A_136 = vector.broadcast %broadcast_in_dim3A_135 : i32 to vector<16xi32>
          %gather3A_137 = tpu.vector_load_idx %arg14[%add3A_93, %broadcast_in_dim3A_136] : memref<400x64xf32, #tpu.memory_space<vmem>>[vector<16xi32>, vector<16xi32>], vector<16xf32>,
          %mul3A_138 = arith.mulf %gather3A_137, %get3A_96 : vector<16xf32>
          tpu.vector_store_idx %arg14[%add3A_93, %broadcast_in_dim3A_136], %mul3A_138 : memref<400x64xf32, #tpu.memory_space<vmem>>[vector<16xi32>, vector<16xi32>], vector<16xf32>,
          %broadcast_in_dim3A_139 = arith.constant 11 : i32
          %broadcast_in_dim3A_140 = vector.broadcast %broadcast_in_dim3A_139 : i32 to vector<16xi32>
          %gather3A_141 = tpu.vector_load_idx %arg14[%add3A_93, %broadcast_in_dim3A_140] : memref<400x64xf32, #tpu.memory_space<vmem>>[vector<16xi32>, vector<16xi32>], vector<16xf32>,
          %mul3A_142 = arith.mulf %gather3A_141, %get3A_96 : vector<16xf32>
          tpu.vector_store_idx %arg14[%add3A_93, %broadcast_in_dim3A_140], %mul3A_142 : memref<400x64xf32, #tpu.memory_space<vmem>>[vector<16xi32>, vector<16xi32>], vector<16xf32>,
          %broadcast_in_dim3A_143 = arith.constant 12 : i32
          %broadcast_in_dim3A_144 = vector.broadcast %broadcast_in_dim3A_143 : i32 to vector<16xi32>
          %gather3A_145 = tpu.vector_load_idx %arg14[%add3A_93, %broadcast_in_dim3A_144] : memref<400x64xf32, #tpu.memory_space<vmem>>[vector<16xi32>, vector<16xi32>], vector<16xf32>,
          %mul3A_146 = arith.mulf %gather3A_145, %get3A_96 : vector<16xf32>
          tpu.vector_store_idx %arg14[%add3A_93, %broadcast_in_dim3A_144], %mul3A_146 : memref<400x64xf32, #tpu.memory_space<vmem>>[vector<16xi32>, vector<16xi32>], vector<16xf32>,
          %broadcast_in_dim3A_147 = arith.constant 13 : i32
          %broadcast_in_dim3A_148 = vector.broadcast %broadcast_in_dim3A_147 : i32 to vector<16xi32>
          %gather3A_149 = tpu.vector_load_idx %arg14[%add3A_93, %broadcast_in_dim3A_148] : memref<400x64xf32, #tpu.memory_space<vmem>>[vector<16xi32>, vector<16xi32>], vector<16xf32>,
          %mul3A_150 = arith.mulf %gather3A_149, %get3A_96 : vector<16xf32>
          tpu.vector_store_idx %arg14[%add3A_93, %broadcast_in_dim3A_148], %mul3A_150 : memref<400x64xf32, #tpu.memory_space<vmem>>[vector<16xi32>, vector<16xi32>], vector<16xf32>,
          %broadcast_in_dim3A_151 = arith.constant 14 : i32
          %broadcast_in_dim3A_152 = vector.broadcast %broadcast_in_dim3A_151 : i32 to vector<16xi32>
          %gather3A_153 = tpu.vector_load_idx %arg14[%add3A_93, %broadcast_in_dim3A_152] : memref<400x64xf32, #tpu.memory_space<vmem>>[vector<16xi32>, vector<16xi32>], vector<16xf32>,
          %mul3A_154 = arith.mulf %gather3A_153, %get3A_96 : vector<16xf32>
          tpu.vector_store_idx %arg14[%add3A_93, %broadcast_in_dim3A_152], %mul3A_154 : memref<400x64xf32, #tpu.memory_space<vmem>>[vector<16xi32>, vector<16xi32>], vector<16xf32>,
          %broadcast_in_dim3A_155 = arith.constant 15 : i32
          %broadcast_in_dim3A_156 = vector.broadcast %broadcast_in_dim3A_155 : i32 to vector<16xi32>
          %gather3A_157 = tpu.vector_load_idx %arg14[%add3A_93, %broadcast_in_dim3A_156] : memref<400x64xf32, #tpu.memory_space<vmem>>[vector<16xi32>, vector<16xi32>], vector<16xf32>,
          %mul3A_158 = arith.mulf %gather3A_157, %get3A_96 : vector<16xf32>
          tpu.vector_store_idx %arg14[%add3A_93, %broadcast_in_dim3A_156], %mul3A_158 : memref<400x64xf32, #tpu.memory_space<vmem>>[vector<16xi32>, vector<16xi32>], vector<16xf32>,
          %broadcast_in_dim3A_159 = arith.constant 16 : i32
          %broadcast_in_dim3A_160 = vector.broadcast %broadcast_in_dim3A_159 : i32 to vector<16xi32>
          %gather3A_161 = tpu.vector_load_idx %arg14[%add3A_93, %broadcast_in_dim3A_160] : memref<400x64xf32, #tpu.memory_space<vmem>>[vector<16xi32>, vector<16xi32>], vector<16xf32>,
          %mul3A_162 = arith.mulf %gather3A_161, %get3A_96 : vector<16xf32>
          tpu.vector_store_idx %arg14[%add3A_93, %broadcast_in_dim3A_160], %mul3A_162 : memref<400x64xf32, #tpu.memory_space<vmem>>[vector<16xi32>, vector<16xi32>], vector<16xf32>,
          %broadcast_in_dim3A_163 = arith.constant 17 : i32
          %broadcast_in_dim3A_164 = vector.broadcast %broadcast_in_dim3A_163 : i32 to vector<16xi32>
          %gather3A_165 = tpu.vector_load_idx %arg14[%add3A_93, %broadcast_in_dim3A_164] : memref<400x64xf32, #tpu.memory_space<vmem>>[vector<16xi32>, vector<16xi32>], vector<16xf32>,
          %mul3A_166 = arith.mulf %gather3A_165, %get3A_96 : vector<16xf32>
          tpu.vector_store_idx %arg14[%add3A_93, %broadcast_in_dim3A_164], %mul3A_166 : memref<400x64xf32, #tpu.memory_space<vmem>>[vector<16xi32>, vector<16xi32>], vector<16xf32>,
          %broadcast_in_dim3A_167 = arith.constant 18 : i32
          %broadcast_in_dim3A_168 = vector.broadcast %broadcast_in_dim3A_167 : i32 to vector<16xi32>
          %gather3A_169 = tpu.vector_load_idx %arg14[%add3A_93, %broadcast_in_dim3A_168] : memref<400x64xf32, #tpu.memory_space<vmem>>[vector<16xi32>, vector<16xi32>], vector<16xf32>,
          %mul3A_170 = arith.mulf %gather3A_169, %get3A_96 : vector<16xf32>
          tpu.vector_store_idx %arg14[%add3A_93, %broadcast_in_dim3A_168], %mul3A_170 : memref<400x64xf32, #tpu.memory_space<vmem>>[vector<16xi32>, vector<16xi32>], vector<16xf32>,
          %broadcast_in_dim3A_171 = arith.constant 19 : i32
          %broadcast_in_dim3A_172 = vector.broadcast %broadcast_in_dim3A_171 : i32 to vector<16xi32>
          %gather3A_173 = tpu.vector_load_idx %arg14[%add3A_93, %broadcast_in_dim3A_172] : memref<400x64xf32, #tpu.memory_space<vmem>>[vector<16xi32>, vector<16xi32>], vector<16xf32>,
          %mul3A_174 = arith.mulf %gather3A_173, %get3A_96 : vector<16xf32>
          tpu.vector_store_idx %arg14[%add3A_93, %broadcast_in_dim3A_172], %mul3A_174 : memref<400x64xf32, #tpu.memory_space<vmem>>[vector<16xi32>, vector<16xi32>], vector<16xf32>,
          %broadcast_in_dim3A_175 = arith.constant 20 : i32
          %broadcast_in_dim3A_176 = vector.broadcast %broadcast_in_dim3A_175 : i32 to vector<16xi32>
          %gather3A_177 = tpu.vector_load_idx %arg14[%add3A_93, %broadcast_in_dim3A_176] : memref<400x64xf32, #tpu.memory_space<vmem>>[vector<16xi32>, vector<16xi32>], vector<16xf32>,
          %mul3A_178 = arith.mulf %gather3A_177, %get3A_96 : vector<16xf32>
          tpu.vector_store_idx %arg14[%add3A_93, %broadcast_in_dim3A_176], %mul3A_178 : memref<400x64xf32, #tpu.memory_space<vmem>>[vector<16xi32>, vector<16xi32>], vector<16xf32>,
          %broadcast_in_dim3A_179 = arith.constant 21 : i32
          %broadcast_in_dim3A_180 = vector.broadcast %broadcast_in_dim3A_179 : i32 to vector<16xi32>
          %gather3A_181 = tpu.vector_load_idx %arg14[%add3A_93, %broadcast_in_dim3A_180] : memref<400x64xf32, #tpu.memory_space<vmem>>[vector<16xi32>, vector<16xi32>], vector<16xf32>,
          %mul3A_182 = arith.mulf %gather3A_181, %get3A_96 : vector<16xf32>
          tpu.vector_store_idx %arg14[%add3A_93, %broadcast_in_dim3A_180], %mul3A_182 : memref<400x64xf32, #tpu.memory_space<vmem>>[vector<16xi32>, vector<16xi32>], vector<16xf32>,
          %broadcast_in_dim3A_183 = arith.constant 22 : i32
          %broadcast_in_dim3A_184 = vector.broadcast %broadcast_in_dim3A_183 : i32 to vector<16xi32>
          %gather3A_185 = tpu.vector_load_idx %arg14[%add3A_93, %broadcast_in_dim3A_184] : memref<400x64xf32, #tpu.memory_space<vmem>>[vector<16xi32>, vector<16xi32>], vector<16xf32>,
          %mul3A_186 = arith.mulf %gather3A_185, %get3A_96 : vector<16xf32>
          tpu.vector_store_idx %arg14[%add3A_93, %broadcast_in_dim3A_184], %mul3A_186 : memref<400x64xf32, #tpu.memory_space<vmem>>[vector<16xi32>, vector<16xi32>], vector<16xf32>,
          %broadcast_in_dim3A_187 = arith.constant 23 : i32
          %broadcast_in_dim3A_188 = vector.broadcast %broadcast_in_dim3A_187 : i32 to vector<16xi32>
          %gather3A_189 = tpu.vector_load_idx %arg14[%add3A_93, %broadcast_in_dim3A_188] : memref<400x64xf32, #tpu.memory_space<vmem>>[vector<16xi32>, vector<16xi32>], vector<16xf32>,
          %mul3A_190 = arith.mulf %gather3A_189, %get3A_96 : vector<16xf32>
          tpu.vector_store_idx %arg14[%add3A_93, %broadcast_in_dim3A_188], %mul3A_190 : memref<400x64xf32, #tpu.memory_space<vmem>>[vector<16xi32>, vector<16xi32>], vector<16xf32>,
          %broadcast_in_dim3A_191 = arith.constant 24 : i32
          %broadcast_in_dim3A_192 = vector.broadcast %broadcast_in_dim3A_191 : i32 to vector<16xi32>
          %gather3A_193 = tpu.vector_load_idx %arg14[%add3A_93, %broadcast_in_dim3A_192] : memref<400x64xf32, #tpu.memory_space<vmem>>[vector<16xi32>, vector<16xi32>], vector<16xf32>,
          %mul3A_194 = arith.mulf %gather3A_193, %get3A_96 : vector<16xf32>
          tpu.vector_store_idx %arg14[%add3A_93, %broadcast_in_dim3A_192], %mul3A_194 : memref<400x64xf32, #tpu.memory_space<vmem>>[vector<16xi32>, vector<16xi32>], vector<16xf32>,
          %broadcast_in_dim3A_195 = arith.constant 25 : i32
          %broadcast_in_dim3A_196 = vector.broadcast %broadcast_in_dim3A_195 : i32 to vector<16xi32>
          %gather3A_197 = tpu.vector_load_idx %arg14[%add3A_93, %broadcast_in_dim3A_196] : memref<400x64xf32, #tpu.memory_space<vmem>>[vector<16xi32>, vector<16xi32>], vector<16xf32>,
          %mul3A_198 = arith.mulf %gather3A_197, %get3A_96 : vector<16xf32>
          tpu.vector_store_idx %arg14[%add3A_93, %broadcast_in_dim3A_196], %mul3A_198 : memref<400x64xf32, #tpu.memory_space<vmem>>[vector<16xi32>, vector<16xi32>], vector<16xf32>,
          %broadcast_in_dim3A_199 = arith.constant 26 : i32
          %broadcast_in_dim3A_200 = vector.broadcast %broadcast_in_dim3A_199 : i32 to vector<16xi32>
          %gather3A_201 = tpu.vector_load_idx %arg14[%add3A_93, %broadcast_in_dim3A_200] : memref<400x64xf32, #tpu.memory_space<vmem>>[vector<16xi32>, vector<16xi32>], vector<16xf32>,
          %mul3A_202 = arith.mulf %gather3A_201, %get3A_96 : vector<16xf32>
          tpu.vector_store_idx %arg14[%add3A_93, %broadcast_in_dim3A_200], %mul3A_202 : memref<400x64xf32, #tpu.memory_space<vmem>>[vector<16xi32>, vector<16xi32>], vector<16xf32>,
          %broadcast_in_dim3A_203 = arith.constant 27 : i32
          %broadcast_in_dim3A_204 = vector.broadcast %broadcast_in_dim3A_203 : i32 to vector<16xi32>
          %gather3A_205 = tpu.vector_load_idx %arg14[%add3A_93, %broadcast_in_dim3A_204] : memref<400x64xf32, #tpu.memory_space<vmem>>[vector<16xi32>, vector<16xi32>], vector<16xf32>,
          %mul3A_206 = arith.mulf %gather3A_205, %get3A_96 : vector<16xf32>
          tpu.vector_store_idx %arg14[%add3A_93, %broadcast_in_dim3A_204], %mul3A_206 : memref<400x64xf32, #tpu.memory_space<vmem>>[vector<16xi32>, vector<16xi32>], vector<16xf32>,
          %broadcast_in_dim3A_207 = arith.constant 28 : i32
          %broadcast_in_dim3A_208 = vector.broadcast %broadcast_in_dim3A_207 : i32 to vector<16xi32>
          %gather3A_209 = tpu.vector_load_idx %arg14[%add3A_93, %broadcast_in_dim3A_208] : memref<400x64xf32, #tpu.memory_space<vmem>>[vector<16xi32>, vector<16xi32>], vector<16xf32>,
          %mul3A_210 = arith.mulf %gather3A_209, %get3A_96 : vector<16xf32>
          tpu.vector_store_idx %arg14[%add3A_93, %broadcast_in_dim3A_208], %mul3A_210 : memref<400x64xf32, #tpu.memory_space<vmem>>[vector<16xi32>, vector<16xi32>], vector<16xf32>,
          %broadcast_in_dim3A_211 = arith.constant 29 : i32
          %broadcast_in_dim3A_212 = vector.broadcast %broadcast_in_dim3A_211 : i32 to vector<16xi32>
          %gather3A_213 = tpu.vector_load_idx %arg14[%add3A_93, %broadcast_in_dim3A_212] : memref<400x64xf32, #tpu.memory_space<vmem>>[vector<16xi32>, vector<16xi32>], vector<16xf32>,
          %mul3A_214 = arith.mulf %gather3A_213, %get3A_96 : vector<16xf32>
          tpu.vector_store_idx %arg14[%add3A_93, %broadcast_in_dim3A_212], %mul3A_214 : memref<400x64xf32, #tpu.memory_space<vmem>>[vector<16xi32>, vector<16xi32>], vector<16xf32>,
          %broadcast_in_dim3A_215 = arith.constant 30 : i32
          %broadcast_in_dim3A_216 = vector.broadcast %broadcast_in_dim3A_215 : i32 to vector<16xi32>
          %gather3A_217 = tpu.vector_load_idx %arg14[%add3A_93, %broadcast_in_dim3A_216] : memref<400x64xf32, #tpu.memory_space<vmem>>[vector<16xi32>, vector<16xi32>], vector<16xf32>,
          %mul3A_218 = arith.mulf %gather3A_217, %get3A_96 : vector<16xf32>
          tpu.vector_store_idx %arg14[%add3A_93, %broadcast_in_dim3A_216], %mul3A_218 : memref<400x64xf32, #tpu.memory_space<vmem>>[vector<16xi32>, vector<16xi32>], vector<16xf32>,
          %broadcast_in_dim3A_219 = arith.constant 31 : i32
          %broadcast_in_dim3A_220 = vector.broadcast %broadcast_in_dim3A_219 : i32 to vector<16xi32>
          %gather3A_221 = tpu.vector_load_idx %arg14[%add3A_93, %broadcast_in_dim3A_220] : memref<400x64xf32, #tpu.memory_space<vmem>>[vector<16xi32>, vector<16xi32>], vector<16xf32>,
          %mul3A_222 = arith.mulf %gather3A_221, %get3A_96 : vector<16xf32>
          tpu.vector_store_idx %arg14[%add3A_93, %broadcast_in_dim3A_220], %mul3A_222 : memref<400x64xf32, #tpu.memory_space<vmem>>[vector<16xi32>, vector<16xi32>], vector<16xf32>,
          %broadcast_in_dim3A_223 = arith.constant 32 : i32
          %broadcast_in_dim3A_224 = vector.broadcast %broadcast_in_dim3A_223 : i32 to vector<16xi32>
          %gather3A_225 = tpu.vector_load_idx %arg14[%add3A_93, %broadcast_in_dim3A_224] : memref<400x64xf32, #tpu.memory_space<vmem>>[vector<16xi32>, vector<16xi32>], vector<16xf32>,
          %mul3A_226 = arith.mulf %gather3A_225, %get3A_96 : vector<16xf32>
          tpu.vector_store_idx %arg14[%add3A_93, %broadcast_in_dim3A_224], %mul3A_226 : memref<400x64xf32, #tpu.memory_space<vmem>>[vector<16xi32>, vector<16xi32>], vector<16xf32>,
          %broadcast_in_dim3A_227 = arith.constant 33 : i32
          %broadcast_in_dim3A_228 = vector.broadcast %broadcast_in_dim3A_227 : i32 to vector<16xi32>
          %gather3A_229 = tpu.vector_load_idx %arg14[%add3A_93, %broadcast_in_dim3A_228] : memref<400x64xf32, #tpu.memory_space<vmem>>[vector<16xi32>, vector<16xi32>], vector<16xf32>,
          %mul3A_230 = arith.mulf %gather3A_229, %get3A_96 : vector<16xf32>
          tpu.vector_store_idx %arg14[%add3A_93, %broadcast_in_dim3A_228], %mul3A_230 : memref<400x64xf32, #tpu.memory_space<vmem>>[vector<16xi32>, vector<16xi32>], vector<16xf32>,
          %broadcast_in_dim3A_231 = arith.constant 34 : i32
          %broadcast_in_dim3A_232 = vector.broadcast %broadcast_in_dim3A_231 : i32 to vector<16xi32>
          %gather3A_233 = tpu.vector_load_idx %arg14[%add3A_93, %broadcast_in_dim3A_232] : memref<400x64xf32, #tpu.memory_space<vmem>>[vector<16xi32>, vector<16xi32>], vector<16xf32>,
          %mul3A_234 = arith.mulf %gather3A_233, %get3A_96 : vector<16xf32>
          tpu.vector_store_idx %arg14[%add3A_93, %broadcast_in_dim3A_232], %mul3A_234 : memref<400x64xf32, #tpu.memory_space<vmem>>[vector<16xi32>, vector<16xi32>], vector<16xf32>,
          %broadcast_in_dim3A_235 = arith.constant 35 : i32
          %broadcast_in_dim3A_236 = vector.broadcast %broadcast_in_dim3A_235 : i32 to vector<16xi32>
          %gather3A_237 = tpu.vector_load_idx %arg14[%add3A_93, %broadcast_in_dim3A_236] : memref<400x64xf32, #tpu.memory_space<vmem>>[vector<16xi32>, vector<16xi32>], vector<16xf32>,
          %mul3A_238 = arith.mulf %gather3A_237, %get3A_96 : vector<16xf32>
          tpu.vector_store_idx %arg14[%add3A_93, %broadcast_in_dim3A_236], %mul3A_238 : memref<400x64xf32, #tpu.memory_space<vmem>>[vector<16xi32>, vector<16xi32>], vector<16xf32>,
          %broadcast_in_dim3A_239 = arith.constant 36 : i32
          %broadcast_in_dim3A_240 = vector.broadcast %broadcast_in_dim3A_239 : i32 to vector<16xi32>
          %gather3A_241 = tpu.vector_load_idx %arg14[%add3A_93, %broadcast_in_dim3A_240] : memref<400x64xf32, #tpu.memory_space<vmem>>[vector<16xi32>, vector<16xi32>], vector<16xf32>,
          %mul3A_242 = arith.mulf %gather3A_241, %get3A_96 : vector<16xf32>
          tpu.vector_store_idx %arg14[%add3A_93, %broadcast_in_dim3A_240], %mul3A_242 : memref<400x64xf32, #tpu.memory_space<vmem>>[vector<16xi32>, vector<16xi32>], vector<16xf32>,
          %broadcast_in_dim3A_243 = arith.constant 37 : i32
          %broadcast_in_dim3A_244 = vector.broadcast %broadcast_in_dim3A_243 : i32 to vector<16xi32>
          %gather3A_245 = tpu.vector_load_idx %arg14[%add3A_93, %broadcast_in_dim3A_244] : memref<400x64xf32, #tpu.memory_space<vmem>>[vector<16xi32>, vector<16xi32>], vector<16xf32>,
          %mul3A_246 = arith.mulf %gather3A_245, %get3A_96 : vector<16xf32>
          tpu.vector_store_idx %arg14[%add3A_93, %broadcast_in_dim3A_244], %mul3A_246 : memref<400x64xf32, #tpu.memory_space<vmem>>[vector<16xi32>, vector<16xi32>], vector<16xf32>,
          %broadcast_in_dim3A_247 = arith.constant 38 : i32
          %broadcast_in_dim3A_248 = vector.broadcast %broadcast_in_dim3A_247 : i32 to vector<16xi32>
          %gather3A_249 = tpu.vector_load_idx %arg14[%add3A_93, %broadcast_in_dim3A_248] : memref<400x64xf32, #tpu.memory_space<vmem>>[vector<16xi32>, vector<16xi32>], vector<16xf32>,
          %mul3A_250 = arith.mulf %gather3A_249, %get3A_96 : vector<16xf32>
          tpu.vector_store_idx %arg14[%add3A_93, %broadcast_in_dim3A_248], %mul3A_250 : memref<400x64xf32, #tpu.memory_space<vmem>>[vector<16xi32>, vector<16xi32>], vector<16xf32>,
          %broadcast_in_dim3A_251 = arith.constant 39 : i32
          %broadcast_in_dim3A_252 = vector.broadcast %broadcast_in_dim3A_251 : i32 to vector<16xi32>
          %gather3A_253 = tpu.vector_load_idx %arg14[%add3A_93, %broadcast_in_dim3A_252] : memref<400x64xf32, #tpu.memory_space<vmem>>[vector<16xi32>, vector<16xi32>], vector<16xf32>,
          %mul3A_254 = arith.mulf %gather3A_253, %get3A_96 : vector<16xf32>
          tpu.vector_store_idx %arg14[%add3A_93, %broadcast_in_dim3A_252], %mul3A_254 : memref<400x64xf32, #tpu.memory_space<vmem>>[vector<16xi32>, vector<16xi32>], vector<16xf32>,
          %broadcast_in_dim3A_255 = arith.constant 40 : i32
          %broadcast_in_dim3A_256 = vector.broadcast %broadcast_in_dim3A_255 : i32 to vector<16xi32>
          %gather3A_257 = tpu.vector_load_idx %arg14[%add3A_93, %broadcast_in_dim3A_256] : memref<400x64xf32, #tpu.memory_space<vmem>>[vector<16xi32>, vector<16xi32>], vector<16xf32>,
          %mul3A_258 = arith.mulf %gather3A_257, %get3A_96 : vector<16xf32>
          tpu.vector_store_idx %arg14[%add3A_93, %broadcast_in_dim3A_256], %mul3A_258 : memref<400x64xf32, #tpu.memory_space<vmem>>[vector<16xi32>, vector<16xi32>], vector<16xf32>,
          %broadcast_in_dim3A_259 = arith.constant 41 : i32
          %broadcast_in_dim3A_260 = vector.broadcast %broadcast_in_dim3A_259 : i32 to vector<16xi32>
          %gather3A_261 = tpu.vector_load_idx %arg14[%add3A_93, %broadcast_in_dim3A_260] : memref<400x64xf32, #tpu.memory_space<vmem>>[vector<16xi32>, vector<16xi32>], vector<16xf32>,
          %mul3A_262 = arith.mulf %gather3A_261, %get3A_96 : vector<16xf32>
          tpu.vector_store_idx %arg14[%add3A_93, %broadcast_in_dim3A_260], %mul3A_262 : memref<400x64xf32, #tpu.memory_space<vmem>>[vector<16xi32>, vector<16xi32>], vector<16xf32>,
          %broadcast_in_dim3A_263 = arith.constant 42 : i32
          %broadcast_in_dim3A_264 = vector.broadcast %broadcast_in_dim3A_263 : i32 to vector<16xi32>
          %gather3A_265 = tpu.vector_load_idx %arg14[%add3A_93, %broadcast_in_dim3A_264] : memref<400x64xf32, #tpu.memory_space<vmem>>[vector<16xi32>, vector<16xi32>], vector<16xf32>,
          %mul3A_266 = arith.mulf %gather3A_265, %get3A_96 : vector<16xf32>
          tpu.vector_store_idx %arg14[%add3A_93, %broadcast_in_dim3A_264], %mul3A_266 : memref<400x64xf32, #tpu.memory_space<vmem>>[vector<16xi32>, vector<16xi32>], vector<16xf32>,
          %broadcast_in_dim3A_267 = arith.constant 43 : i32
          %broadcast_in_dim3A_268 = vector.broadcast %broadcast_in_dim3A_267 : i32 to vector<16xi32>
          %gather3A_269 = tpu.vector_load_idx %arg14[%add3A_93, %broadcast_in_dim3A_268] : memref<400x64xf32, #tpu.memory_space<vmem>>[vector<16xi32>, vector<16xi32>], vector<16xf32>,
          %mul3A_270 = arith.mulf %gather3A_269, %get3A_96 : vector<16xf32>
          tpu.vector_store_idx %arg14[%add3A_93, %broadcast_in_dim3A_268], %mul3A_270 : memref<400x64xf32, #tpu.memory_space<vmem>>[vector<16xi32>, vector<16xi32>], vector<16xf32>,
          %broadcast_in_dim3A_271 = arith.constant 44 : i32
          %broadcast_in_dim3A_272 = vector.broadcast %broadcast_in_dim3A_271 : i32 to vector<16xi32>
          %gather3A_273 = tpu.vector_load_idx %arg14[%add3A_93, %broadcast_in_dim3A_272] : memref<400x64xf32, #tpu.memory_space<vmem>>[vector<16xi32>, vector<16xi32>], vector<16xf32>,
          %mul3A_274 = arith.mulf %gather3A_273, %get3A_96 : vector<16xf32>
          tpu.vector_store_idx %arg14[%add3A_93, %broadcast_in_dim3A_272], %mul3A_274 : memref<400x64xf32, #tpu.memory_space<vmem>>[vector<16xi32>, vector<16xi32>], vector<16xf32>,
          %broadcast_in_dim3A_275 = arith.constant 45 : i32
          %broadcast_in_dim3A_276 = vector.broadcast %broadcast_in_dim3A_275 : i32 to vector<16xi32>
          %gather3A_277 = tpu.vector_load_idx %arg14[%add3A_93, %broadcast_in_dim3A_276] : memref<400x64xf32, #tpu.memory_space<vmem>>[vector<16xi32>, vector<16xi32>], vector<16xf32>,
          %mul3A_278 = arith.mulf %gather3A_277, %get3A_96 : vector<16xf32>
          tpu.vector_store_idx %arg14[%add3A_93, %broadcast_in_dim3A_276], %mul3A_278 : memref<400x64xf32, #tpu.memory_space<vmem>>[vector<16xi32>, vector<16xi32>], vector<16xf32>,
          %broadcast_in_dim3A_279 = arith.constant 46 : i32
          %broadcast_in_dim3A_280 = vector.broadcast %broadcast_in_dim3A_279 : i32 to vector<16xi32>
          %gather3A_281 = tpu.vector_load_idx %arg14[%add3A_93, %broadcast_in_dim3A_280] : memref<400x64xf32, #tpu.memory_space<vmem>>[vector<16xi32>, vector<16xi32>], vector<16xf32>,
          %mul3A_282 = arith.mulf %gather3A_281, %get3A_96 : vector<16xf32>
          tpu.vector_store_idx %arg14[%add3A_93, %broadcast_in_dim3A_280], %mul3A_282 : memref<400x64xf32, #tpu.memory_space<vmem>>[vector<16xi32>, vector<16xi32>], vector<16xf32>,
          %broadcast_in_dim3A_283 = arith.constant 47 : i32
          %broadcast_in_dim3A_284 = vector.broadcast %broadcast_in_dim3A_283 : i32 to vector<16xi32>
          %gather3A_285 = tpu.vector_load_idx %arg14[%add3A_93, %broadcast_in_dim3A_284] : memref<400x64xf32, #tpu.memory_space<vmem>>[vector<16xi32>, vector<16xi32>], vector<16xf32>,
          %mul3A_286 = arith.mulf %gather3A_285, %get3A_96 : vector<16xf32>
          tpu.vector_store_idx %arg14[%add3A_93, %broadcast_in_dim3A_284], %mul3A_286 : memref<400x64xf32, #tpu.memory_space<vmem>>[vector<16xi32>, vector<16xi32>], vector<16xf32>,
          %broadcast_in_dim3A_287 = arith.constant 48 : i32
          %broadcast_in_dim3A_288 = vector.broadcast %broadcast_in_dim3A_287 : i32 to vector<16xi32>
          %gather3A_289 = tpu.vector_load_idx %arg14[%add3A_93, %broadcast_in_dim3A_288] : memref<400x64xf32, #tpu.memory_space<vmem>>[vector<16xi32>, vector<16xi32>], vector<16xf32>,
          %mul3A_290 = arith.mulf %gather3A_289, %get3A_96 : vector<16xf32>
          tpu.vector_store_idx %arg14[%add3A_93, %broadcast_in_dim3A_288], %mul3A_290 : memref<400x64xf32, #tpu.memory_space<vmem>>[vector<16xi32>, vector<16xi32>], vector<16xf32>,
          %broadcast_in_dim3A_291 = arith.constant 49 : i32
          %broadcast_in_dim3A_292 = vector.broadcast %broadcast_in_dim3A_291 : i32 to vector<16xi32>
          %gather3A_293 = tpu.vector_load_idx %arg14[%add3A_93, %broadcast_in_dim3A_292] : memref<400x64xf32, #tpu.memory_space<vmem>>[vector<16xi32>, vector<16xi32>], vector<16xf32>,
          %mul3A_294 = arith.mulf %gather3A_293, %get3A_96 : vector<16xf32>
          tpu.vector_store_idx %arg14[%add3A_93, %broadcast_in_dim3A_292], %mul3A_294 : memref<400x64xf32, #tpu.memory_space<vmem>>[vector<16xi32>, vector<16xi32>], vector<16xf32>,
          %broadcast_in_dim3A_295 = arith.constant 50 : i32
          %broadcast_in_dim3A_296 = vector.broadcast %broadcast_in_dim3A_295 : i32 to vector<16xi32>
          %gather3A_297 = tpu.vector_load_idx %arg14[%add3A_93, %broadcast_in_dim3A_296] : memref<400x64xf32, #tpu.memory_space<vmem>>[vector<16xi32>, vector<16xi32>], vector<16xf32>,
          %mul3A_298 = arith.mulf %gather3A_297, %get3A_96 : vector<16xf32>
          tpu.vector_store_idx %arg14[%add3A_93, %broadcast_in_dim3A_296], %mul3A_298 : memref<400x64xf32, #tpu.memory_space<vmem>>[vector<16xi32>, vector<16xi32>], vector<16xf32>,
          %broadcast_in_dim3A_299 = arith.constant 51 : i32
          %broadcast_in_dim3A_300 = vector.broadcast %broadcast_in_dim3A_299 : i32 to vector<16xi32>
          %gather3A_301 = tpu.vector_load_idx %arg14[%add3A_93, %broadcast_in_dim3A_300] : memref<400x64xf32, #tpu.memory_space<vmem>>[vector<16xi32>, vector<16xi32>], vector<16xf32>,
          %mul3A_302 = arith.mulf %gather3A_301, %get3A_96 : vector<16xf32>
          tpu.vector_store_idx %arg14[%add3A_93, %broadcast_in_dim3A_300], %mul3A_302 : memref<400x64xf32, #tpu.memory_space<vmem>>[vector<16xi32>, vector<16xi32>], vector<16xf32>,
          %broadcast_in_dim3A_303 = arith.constant 52 : i32
          %broadcast_in_dim3A_304 = vector.broadcast %broadcast_in_dim3A_303 : i32 to vector<16xi32>
          %gather3A_305 = tpu.vector_load_idx %arg14[%add3A_93, %broadcast_in_dim3A_304] : memref<400x64xf32, #tpu.memory_space<vmem>>[vector<16xi32>, vector<16xi32>], vector<16xf32>,
          %mul3A_306 = arith.mulf %gather3A_305, %get3A_96 : vector<16xf32>
          tpu.vector_store_idx %arg14[%add3A_93, %broadcast_in_dim3A_304], %mul3A_306 : memref<400x64xf32, #tpu.memory_space<vmem>>[vector<16xi32>, vector<16xi32>], vector<16xf32>,
          %broadcast_in_dim3A_307 = arith.constant 53 : i32
          %broadcast_in_dim3A_308 = vector.broadcast %broadcast_in_dim3A_307 : i32 to vector<16xi32>
          %gather3A_309 = tpu.vector_load_idx %arg14[%add3A_93, %broadcast_in_dim3A_308] : memref<400x64xf32, #tpu.memory_space<vmem>>[vector<16xi32>, vector<16xi32>], vector<16xf32>,
          %mul3A_310 = arith.mulf %gather3A_309, %get3A_96 : vector<16xf32>
          tpu.vector_store_idx %arg14[%add3A_93, %broadcast_in_dim3A_308], %mul3A_310 : memref<400x64xf32, #tpu.memory_space<vmem>>[vector<16xi32>, vector<16xi32>], vector<16xf32>,
          %broadcast_in_dim3A_311 = arith.constant 54 : i32
          %broadcast_in_dim3A_312 = vector.broadcast %broadcast_in_dim3A_311 : i32 to vector<16xi32>
          %gather3A_313 = tpu.vector_load_idx %arg14[%add3A_93, %broadcast_in_dim3A_312] : memref<400x64xf32, #tpu.memory_space<vmem>>[vector<16xi32>, vector<16xi32>], vector<16xf32>,
          %mul3A_314 = arith.mulf %gather3A_313, %get3A_96 : vector<16xf32>
          tpu.vector_store_idx %arg14[%add3A_93, %broadcast_in_dim3A_312], %mul3A_314 : memref<400x64xf32, #tpu.memory_space<vmem>>[vector<16xi32>, vector<16xi32>], vector<16xf32>,
          %broadcast_in_dim3A_315 = arith.constant 55 : i32
          %broadcast_in_dim3A_316 = vector.broadcast %broadcast_in_dim3A_315 : i32 to vector<16xi32>
          %gather3A_317 = tpu.vector_load_idx %arg14[%add3A_93, %broadcast_in_dim3A_316] : memref<400x64xf32, #tpu.memory_space<vmem>>[vector<16xi32>, vector<16xi32>], vector<16xf32>,
          %mul3A_318 = arith.mulf %gather3A_317, %get3A_96 : vector<16xf32>
          tpu.vector_store_idx %arg14[%add3A_93, %broadcast_in_dim3A_316], %mul3A_318 : memref<400x64xf32, #tpu.memory_space<vmem>>[vector<16xi32>, vector<16xi32>], vector<16xf32>,
          %broadcast_in_dim3A_319 = arith.constant 56 : i32
          %broadcast_in_dim3A_320 = vector.broadcast %broadcast_in_dim3A_319 : i32 to vector<16xi32>
          %gather3A_321 = tpu.vector_load_idx %arg14[%add3A_93, %broadcast_in_dim3A_320] : memref<400x64xf32, #tpu.memory_space<vmem>>[vector<16xi32>, vector<16xi32>], vector<16xf32>,
          %mul3A_322 = arith.mulf %gather3A_321, %get3A_96 : vector<16xf32>
          tpu.vector_store_idx %arg14[%add3A_93, %broadcast_in_dim3A_320], %mul3A_322 : memref<400x64xf32, #tpu.memory_space<vmem>>[vector<16xi32>, vector<16xi32>], vector<16xf32>,
          %broadcast_in_dim3A_323 = arith.constant 57 : i32
          %broadcast_in_dim3A_324 = vector.broadcast %broadcast_in_dim3A_323 : i32 to vector<16xi32>
          %gather3A_325 = tpu.vector_load_idx %arg14[%add3A_93, %broadcast_in_dim3A_324] : memref<400x64xf32, #tpu.memory_space<vmem>>[vector<16xi32>, vector<16xi32>], vector<16xf32>,
          %mul3A_326 = arith.mulf %gather3A_325, %get3A_96 : vector<16xf32>
          tpu.vector_store_idx %arg14[%add3A_93, %broadcast_in_dim3A_324], %mul3A_326 : memref<400x64xf32, #tpu.memory_space<vmem>>[vector<16xi32>, vector<16xi32>], vector<16xf32>,
          %broadcast_in_dim3A_327 = arith.constant 58 : i32
          %broadcast_in_dim3A_328 = vector.broadcast %broadcast_in_dim3A_327 : i32 to vector<16xi32>
          %gather3A_329 = tpu.vector_load_idx %arg14[%add3A_93, %broadcast_in_dim3A_328] : memref<400x64xf32, #tpu.memory_space<vmem>>[vector<16xi32>, vector<16xi32>], vector<16xf32>,
          %mul3A_330 = arith.mulf %gather3A_329, %get3A_96 : vector<16xf32>
          tpu.vector_store_idx %arg14[%add3A_93, %broadcast_in_dim3A_328], %mul3A_330 : memref<400x64xf32, #tpu.memory_space<vmem>>[vector<16xi32>, vector<16xi32>], vector<16xf32>,
          %broadcast_in_dim3A_331 = arith.constant 59 : i32
          %broadcast_in_dim3A_332 = vector.broadcast %broadcast_in_dim3A_331 : i32 to vector<16xi32>
          %gather3A_333 = tpu.vector_load_idx %arg14[%add3A_93, %broadcast_in_dim3A_332] : memref<400x64xf32, #tpu.memory_space<vmem>>[vector<16xi32>, vector<16xi32>], vector<16xf32>,
          %mul3A_334 = arith.mulf %gather3A_333, %get3A_96 : vector<16xf32>
          tpu.vector_store_idx %arg14[%add3A_93, %broadcast_in_dim3A_332], %mul3A_334 : memref<400x64xf32, #tpu.memory_space<vmem>>[vector<16xi32>, vector<16xi32>], vector<16xf32>,
          %broadcast_in_dim3A_335 = arith.constant 60 : i32
          %broadcast_in_dim3A_336 = vector.broadcast %broadcast_in_dim3A_335 : i32 to vector<16xi32>
          %gather3A_337 = tpu.vector_load_idx %arg14[%add3A_93, %broadcast_in_dim3A_336] : memref<400x64xf32, #tpu.memory_space<vmem>>[vector<16xi32>, vector<16xi32>], vector<16xf32>,
          %mul3A_338 = arith.mulf %gather3A_337, %get3A_96 : vector<16xf32>
          tpu.vector_store_idx %arg14[%add3A_93, %broadcast_in_dim3A_336], %mul3A_338 : memref<400x64xf32, #tpu.memory_space<vmem>>[vector<16xi32>, vector<16xi32>], vector<16xf32>,
          %broadcast_in_dim3A_339 = arith.constant 61 : i32
          %broadcast_in_dim3A_340 = vector.broadcast %broadcast_in_dim3A_339 : i32 to vector<16xi32>
          %gather3A_341 = tpu.vector_load_idx %arg14[%add3A_93, %broadcast_in_dim3A_340] : memref<400x64xf32, #tpu.memory_space<vmem>>[vector<16xi32>, vector<16xi32>], vector<16xf32>,
          %mul3A_342 = arith.mulf %gather3A_341, %get3A_96 : vector<16xf32>
          tpu.vector_store_idx %arg14[%add3A_93, %broadcast_in_dim3A_340], %mul3A_342 : memref<400x64xf32, #tpu.memory_space<vmem>>[vector<16xi32>, vector<16xi32>], vector<16xf32>,
          %broadcast_in_dim3A_343 = arith.constant 62 : i32
          %broadcast_in_dim3A_344 = vector.broadcast %broadcast_in_dim3A_343 : i32 to vector<16xi32>
          %gather3A_345 = tpu.vector_load_idx %arg14[%add3A_93, %broadcast_in_dim3A_344] : memref<400x64xf32, #tpu.memory_space<vmem>>[vector<16xi32>, vector<16xi32>], vector<16xf32>,
          %mul3A_346 = arith.mulf %gather3A_345, %get3A_96 : vector<16xf32>
          tpu.vector_store_idx %arg14[%add3A_93, %broadcast_in_dim3A_344], %mul3A_346 : memref<400x64xf32, #tpu.memory_space<vmem>>[vector<16xi32>, vector<16xi32>], vector<16xf32>,
          %broadcast_in_dim3A_347 = arith.constant 63 : i32
          %broadcast_in_dim3A_348 = vector.broadcast %broadcast_in_dim3A_347 : i32 to vector<16xi32>
          %gather3A_349 = tpu.vector_load_idx %arg14[%add3A_93, %broadcast_in_dim3A_348] : memref<400x64xf32, #tpu.memory_space<vmem>>[vector<16xi32>, vector<16xi32>], vector<16xf32>,
          %mul3A_350 = arith.mulf %gather3A_349, %get3A_96 : vector<16xf32>
          tpu.vector_store_idx %arg14[%add3A_93, %broadcast_in_dim3A_348], %mul3A_350 : memref<400x64xf32, #tpu.memory_space<vmem>>[vector<16xi32>, vector<16xi32>], vector<16xf32>,
          %scan3A_351 = arith.constant 0 : i32
          scf.yield %scan3A_351 : i32
        }
        %scan3A_86 = arith.constant 25 : i32
        "tpu.region"() ({
          %run_scoped3A = tpu.sem_alloc : memref<!tpu.dma_semaphore, #tpu.memory_space<semaphore_mem>>
          %dma_start3A_88 = tpu.memref_slice %arg7[%add3A_56] : memref<1760000xi32, #tpu.memory_space<hbm>> -> memref<400xi32, #tpu.memory_space<hbm>>
          %dma_start3A_89 = tpu.memref_slice %arg7[%add3A_56] : memref<1760000xi32, #tpu.memory_space<hbm>> -> memref<400xi32, #tpu.memory_space<hbm>>
          tpu.enqueue_dma source(%dma_start3A_89 : memref<400xi32, #tpu.memory_space<hbm>>) target(%arg12 : memref<400xi32, #tpu.memory_space<vmem>>) target_semaphore(%run_scoped3A : memref<!tpu.dma_semaphore, #tpu.memory_space<semaphore_mem>>)
          %dma_wait3A_90 = tpu.memref_slice %arg7[%add3A_56] : memref<1760000xi32, #tpu.memory_space<hbm>> -> memref<400xi32, #tpu.memory_space<hbm>>
          %dma_wait3A_91 = tpu.memref_slice %arg7[%add3A_56] : memref<1760000xi32, #tpu.memory_space<hbm>> -> memref<400xi32, #tpu.memory_space<hbm>>
          tpu.wait_dma2 semaphore(%run_scoped3A : memref<!tpu.dma_semaphore, #tpu.memory_space<semaphore_mem>>) src(%dma_wait3A_91 : memref<400xi32, #tpu.memory_space<hbm>>) dst(%arg12 : memref<400xi32, #tpu.memory_space<vmem>>)
          tpu.yield
        }) : () -> ()
        "tpu.region"() ({
          %run_scoped3A = tpu.sem_alloc : memref<!tpu.dma_semaphore, #tpu.memory_space<semaphore_mem>>
          %dma_start3A_88 = arith.constant 0 : i32
          %dma_start3A_89 = arith.constant 0 : i32
          %dma_start3A_90 = tpu.memref_slice %arg17[%dma_start3A_88, %dma_start3A_89] : memref<10000x64xf32, #tpu.memory_space<vmem_shared>> -> memref<10000x64xf32, #tpu.memory_space<vmem_shared>>
          tpu.enqueue_indirect_dma source(%arg14 : memref<400x64xf32, #tpu.memory_space<vmem>>) target(%dma_start3A_90 : memref<10000x64xf32, #tpu.memory_space<vmem_shared>>) offsets(%arg12 : memref<400xi32, #tpu.memory_space<vmem>>) semaphore(%run_scoped3A : memref<!tpu.dma_semaphore, #tpu.memory_space<semaphore_mem>>) {add = true}
          %dma_wait3A_91 = arith.constant 0 : i32
          %dma_wait3A_92 = arith.constant 0 : i32
          %dma_wait3A_93 = tpu.memref_slice %arg17[%dma_wait3A_91, %dma_wait3A_92] : memref<10000x64xf32, #tpu.memory_space<vmem_shared>> -> memref<10000x64xf32, #tpu.memory_space<vmem_shared>>
          tpu.wait_indirect_dma semaphore(%run_scoped3A : memref<!tpu.dma_semaphore, #tpu.memory_space<semaphore_mem>>) src(%arg14 : memref<400x64xf32, #tpu.memory_space<vmem>>) dst(%dma_wait3A_93 : memref<10000x64xf32, #tpu.memory_space<vmem_shared>>)
          tpu.yield
        }) : () -> ()
        "tpu.region"() ({
          %run_scoped3A = tpu.sem_alloc : memref<!tpu.dma_semaphore, #tpu.memory_space<semaphore_mem>>
          %dma_start3A_88 = arith.constant 0 : i32
          %dma_start3A_89 = arith.constant 0 : i32
          %dma_start3A_90 = tpu.memref_slice %arg18[%dma_start3A_88, %dma_start3A_89] : memref<10000x16xf32, #tpu.memory_space<vmem_shared>> -> memref<10000x16xf32, #tpu.memory_space<vmem_shared>>
          tpu.enqueue_indirect_dma source(%arg16 : memref<400x16xf32, #tpu.memory_space<vmem>>) target(%dma_start3A_90 : memref<10000x16xf32, #tpu.memory_space<vmem_shared>>) offsets(%arg12 : memref<400xi32, #tpu.memory_space<vmem>>) semaphore(%run_scoped3A : memref<!tpu.dma_semaphore, #tpu.memory_space<semaphore_mem>>) {add = true}
          %dma_wait3A_91 = arith.constant 0 : i32
          %dma_wait3A_92 = arith.constant 0 : i32
          %dma_wait3A_93 = tpu.memref_slice %arg18[%dma_wait3A_91, %dma_wait3A_92] : memref<10000x16xf32, #tpu.memory_space<vmem_shared>> -> memref<10000x16xf32, #tpu.memory_space<vmem_shared>>
          tpu.wait_indirect_dma semaphore(%run_scoped3A : memref<!tpu.dma_semaphore, #tpu.memory_space<semaphore_mem>>) src(%arg16 : memref<400x16xf32, #tpu.memory_space<vmem>>) dst(%dma_wait3A_93 : memref<10000x16xf32, #tpu.memory_space<vmem_shared>>)
          tpu.yield
        }) : () -> ()
        %while3A_87 = arith.constant 0 : i32
        scf.yield %while3A_87 : i32
      }
      %while3A_39 = arith.constant 1 : i32
      %while3A_40 = scf.for %while3A_44 = %while3A_36 to %while3A_32 step %while3A_39 iter_args(%while3A_45 = %while3A_38) -> (i32)  : i32 {
        %mul3A_46 = arith.constant 160000 : i32
        %mul3A_47 = arith.muli %scan3A_28, %mul3A_46 : i32
        %mul3A_48 = arith.constant 80000 : i32
        %mul3A_49 = arith.muli %arg0, %mul3A_48 : i32
        %add3A_50 = arith.addi %mul3A_47, %mul3A_49 : i32
        %mul3A_51 = arith.constant 16 : i32
        %mul3A_52 = arith.muli %while3A_44, %mul3A_51 : i32
        %add3A_53 = arith.addi %arg1, %mul3A_52 : i32
        %mul3A_54 = arith.constant 400 : i32
        %mul3A_55 = arith.muli %add3A_53, %mul3A_54 : i32
        %add3A_56 = arith.addi %add3A_50, %mul3A_55 : i32
        "tpu.region"() ({
          %run_scoped3A = tpu.sem_alloc : memref<!tpu.dma_semaphore, #tpu.memory_space<semaphore_mem>>
          %dma_start3A_88 = tpu.memref_slice %arg4[%add3A_56] : memref<1760000xi32, #tpu.memory_space<hbm>> -> memref<400xi32, #tpu.memory_space<hbm>>
          %dma_start3A_89 = tpu.memref_slice %arg4[%add3A_56] : memref<1760000xi32, #tpu.memory_space<hbm>> -> memref<400xi32, #tpu.memory_space<hbm>>
          tpu.enqueue_dma source(%dma_start3A_89 : memref<400xi32, #tpu.memory_space<hbm>>) target(%arg12 : memref<400xi32, #tpu.memory_space<vmem>>) target_semaphore(%run_scoped3A : memref<!tpu.dma_semaphore, #tpu.memory_space<semaphore_mem>>)
          %dma_wait3A_90 = tpu.memref_slice %arg4[%add3A_56] : memref<1760000xi32, #tpu.memory_space<hbm>> -> memref<400xi32, #tpu.memory_space<hbm>>
          %dma_wait3A_91 = tpu.memref_slice %arg4[%add3A_56] : memref<1760000xi32, #tpu.memory_space<hbm>> -> memref<400xi32, #tpu.memory_space<hbm>>
          tpu.wait_dma2 semaphore(%run_scoped3A : memref<!tpu.dma_semaphore, #tpu.memory_space<semaphore_mem>>) src(%dma_wait3A_91 : memref<400xi32, #tpu.memory_space<hbm>>) dst(%arg12 : memref<400xi32, #tpu.memory_space<vmem>>)
          tpu.yield
        }) : () -> ()
        %dma_start3A = arith.constant 0 : i32
        %dma_start3A_57 = arith.constant 0 : i32
        %dma_start3A_58 = tpu.memref_slice %arg2[%dma_start3A, %dma_start3A_57] : memref<221184x64xf32, #tpu.memory_space<hbm>> -> memref<221184x64xf32, #tpu.memory_space<hbm>>
        tpu.enqueue_indirect_dma source(%dma_start3A_58 : memref<221184x64xf32, #tpu.memory_space<hbm>>) target(%arg13 : memref<400x64xf32, #tpu.memory_space<vmem>>) offsets(%arg12 : memref<400xi32, #tpu.memory_space<vmem>>) semaphore(%arg19 : memref<!tpu.dma_semaphore, #tpu.memory_space<semaphore_mem>>)
        %dma_wait3A = arith.constant 0 : i32
        %dma_wait3A_59 = arith.constant 0 : i32
        %dma_wait3A_60 = tpu.memref_slice %arg2[%dma_wait3A, %dma_wait3A_59] : memref<221184x64xf32, #tpu.memory_space<hbm>> -> memref<221184x64xf32, #tpu.memory_space<hbm>>
        tpu.wait_indirect_dma semaphore(%arg19 : memref<!tpu.dma_semaphore, #tpu.memory_space<semaphore_mem>>) src(%dma_wait3A_60 : memref<221184x64xf32, #tpu.memory_space<hbm>>) dst(%arg13 : memref<400x64xf32, #tpu.memory_space<vmem>>)
        "tpu.region"() ({
          %run_scoped3A = tpu.sem_alloc : memref<!tpu.dma_semaphore, #tpu.memory_space<semaphore_mem>>
          %dma_start3A_88 = tpu.memref_slice %arg5[%add3A_56] : memref<1760000xi32, #tpu.memory_space<hbm>> -> memref<400xi32, #tpu.memory_space<hbm>>
          %dma_start3A_89 = tpu.memref_slice %arg5[%add3A_56] : memref<1760000xi32, #tpu.memory_space<hbm>> -> memref<400xi32, #tpu.memory_space<hbm>>
          tpu.enqueue_dma source(%dma_start3A_89 : memref<400xi32, #tpu.memory_space<hbm>>) target(%arg12 : memref<400xi32, #tpu.memory_space<vmem>>) target_semaphore(%run_scoped3A : memref<!tpu.dma_semaphore, #tpu.memory_space<semaphore_mem>>)
          %dma_wait3A_90 = tpu.memref_slice %arg5[%add3A_56] : memref<1760000xi32, #tpu.memory_space<hbm>> -> memref<400xi32, #tpu.memory_space<hbm>>
          %dma_wait3A_91 = tpu.memref_slice %arg5[%add3A_56] : memref<1760000xi32, #tpu.memory_space<hbm>> -> memref<400xi32, #tpu.memory_space<hbm>>
          tpu.wait_dma2 semaphore(%run_scoped3A : memref<!tpu.dma_semaphore, #tpu.memory_space<semaphore_mem>>) src(%dma_wait3A_91 : memref<400xi32, #tpu.memory_space<hbm>>) dst(%arg12 : memref<400xi32, #tpu.memory_space<vmem>>)
          tpu.yield
        }) : () -> ()
        %dma_start3A_61 = arith.constant 0 : i32
        %dma_start3A_62 = arith.constant 0 : i32
        %dma_start3A_63 = tpu.memref_slice %arg2[%dma_start3A_61, %dma_start3A_62] : memref<221184x64xf32, #tpu.memory_space<hbm>> -> memref<221184x64xf32, #tpu.memory_space<hbm>>
        tpu.enqueue_indirect_dma source(%dma_start3A_63 : memref<221184x64xf32, #tpu.memory_space<hbm>>) target(%arg14 : memref<400x64xf32, #tpu.memory_space<vmem>>) offsets(%arg12 : memref<400xi32, #tpu.memory_space<vmem>>) semaphore(%arg19 : memref<!tpu.dma_semaphore, #tpu.memory_space<semaphore_mem>>)
        %dma_wait3A_64 = arith.constant 0 : i32
        %dma_wait3A_65 = arith.constant 0 : i32
        %dma_wait3A_66 = tpu.memref_slice %arg2[%dma_wait3A_64, %dma_wait3A_65] : memref<221184x64xf32, #tpu.memory_space<hbm>> -> memref<221184x64xf32, #tpu.memory_space<hbm>>
        tpu.wait_indirect_dma semaphore(%arg19 : memref<!tpu.dma_semaphore, #tpu.memory_space<semaphore_mem>>) src(%dma_wait3A_66 : memref<221184x64xf32, #tpu.memory_space<hbm>>) dst(%arg14 : memref<400x64xf32, #tpu.memory_space<vmem>>)
        %scan3A_67 = arith.constant 0 : i32
        %scan3A_68 = arith.constant 0 : i32
        %scan3A_69 = arith.constant 25 : i32
        %scan3A_70 = arith.addi %scan3A_68, %scan3A_69 : i32
        %scan3A_71 = arith.constant 1 : i32
        %scan3A_72 = scf.for %scan3A_88 = %scan3A_68 to %scan3A_70 step %scan3A_71 iter_args(%scan3A_89 = %scan3A_67) -> (i32)  : i32 {
          %mul3A_90 = arith.constant 16 : i32
          %mul3A_91 = arith.muli %scan3A_88, %mul3A_90 : i32
          %add3A_92 = vector.broadcast %mul3A_91 : i32 to vector<16xi32>
          %add3A_93 = arith.addi %add3A_92, %iota3A : vector<16xi32>
          %broadcast_in_dim3A = arith.constant 0.000000e+00 : f32
          %broadcast_in_dim3A_94 = vector.broadcast %broadcast_in_dim3A : f32 to vector<16xf32>
          %broadcast_in_dim3A_95 = arith.constant 0 : i32
          %broadcast_in_dim3A_96 = vector.broadcast %broadcast_in_dim3A_95 : i32 to vector<16xi32>
          %gather3A = tpu.vector_load_idx %arg13[%add3A_93, %broadcast_in_dim3A_96] : memref<400x64xf32, #tpu.memory_space<vmem>>[vector<16xi32>, vector<16xi32>], vector<16xf32>,
          %gather3A_97 = tpu.vector_load_idx %arg14[%add3A_93, %broadcast_in_dim3A_96] : memref<400x64xf32, #tpu.memory_space<vmem>>[vector<16xi32>, vector<16xi32>], vector<16xf32>,
          %mul3A_98 = arith.mulf %gather3A, %gather3A_97 : vector<16xf32>
          %add3A_99 = arith.addf %broadcast_in_dim3A_94, %mul3A_98 : vector<16xf32>
          %broadcast_in_dim3A_100 = arith.constant 1 : i32
          %broadcast_in_dim3A_101 = vector.broadcast %broadcast_in_dim3A_100 : i32 to vector<16xi32>
          %gather3A_102 = tpu.vector_load_idx %arg13[%add3A_93, %broadcast_in_dim3A_101] : memref<400x64xf32, #tpu.memory_space<vmem>>[vector<16xi32>, vector<16xi32>], vector<16xf32>,
          %gather3A_103 = tpu.vector_load_idx %arg14[%add3A_93, %broadcast_in_dim3A_101] : memref<400x64xf32, #tpu.memory_space<vmem>>[vector<16xi32>, vector<16xi32>], vector<16xf32>,
          %mul3A_104 = arith.mulf %gather3A_102, %gather3A_103 : vector<16xf32>
          %add3A_105 = arith.addf %add3A_99, %mul3A_104 : vector<16xf32>
          %broadcast_in_dim3A_106 = arith.constant 2 : i32
          %broadcast_in_dim3A_107 = vector.broadcast %broadcast_in_dim3A_106 : i32 to vector<16xi32>
          %gather3A_108 = tpu.vector_load_idx %arg13[%add3A_93, %broadcast_in_dim3A_107] : memref<400x64xf32, #tpu.memory_space<vmem>>[vector<16xi32>, vector<16xi32>], vector<16xf32>,
          %gather3A_109 = tpu.vector_load_idx %arg14[%add3A_93, %broadcast_in_dim3A_107] : memref<400x64xf32, #tpu.memory_space<vmem>>[vector<16xi32>, vector<16xi32>], vector<16xf32>,
          %mul3A_110 = arith.mulf %gather3A_108, %gather3A_109 : vector<16xf32>
          %add3A_111 = arith.addf %add3A_105, %mul3A_110 : vector<16xf32>
          %broadcast_in_dim3A_112 = arith.constant 3 : i32
          %broadcast_in_dim3A_113 = vector.broadcast %broadcast_in_dim3A_112 : i32 to vector<16xi32>
          %gather3A_114 = tpu.vector_load_idx %arg13[%add3A_93, %broadcast_in_dim3A_113] : memref<400x64xf32, #tpu.memory_space<vmem>>[vector<16xi32>, vector<16xi32>], vector<16xf32>,
          %gather3A_115 = tpu.vector_load_idx %arg14[%add3A_93, %broadcast_in_dim3A_113] : memref<400x64xf32, #tpu.memory_space<vmem>>[vector<16xi32>, vector<16xi32>], vector<16xf32>,
          %mul3A_116 = arith.mulf %gather3A_114, %gather3A_115 : vector<16xf32>
          %add3A_117 = arith.addf %add3A_111, %mul3A_116 : vector<16xf32>
          %broadcast_in_dim3A_118 = arith.constant 4 : i32
          %broadcast_in_dim3A_119 = vector.broadcast %broadcast_in_dim3A_118 : i32 to vector<16xi32>
          %gather3A_120 = tpu.vector_load_idx %arg13[%add3A_93, %broadcast_in_dim3A_119] : memref<400x64xf32, #tpu.memory_space<vmem>>[vector<16xi32>, vector<16xi32>], vector<16xf32>,
          %gather3A_121 = tpu.vector_load_idx %arg14[%add3A_93, %broadcast_in_dim3A_119] : memref<400x64xf32, #tpu.memory_space<vmem>>[vector<16xi32>, vector<16xi32>], vector<16xf32>,
          %mul3A_122 = arith.mulf %gather3A_120, %gather3A_121 : vector<16xf32>
          %add3A_123 = arith.addf %add3A_117, %mul3A_122 : vector<16xf32>
          %broadcast_in_dim3A_124 = arith.constant 5 : i32
          %broadcast_in_dim3A_125 = vector.broadcast %broadcast_in_dim3A_124 : i32 to vector<16xi32>
          %gather3A_126 = tpu.vector_load_idx %arg13[%add3A_93, %broadcast_in_dim3A_125] : memref<400x64xf32, #tpu.memory_space<vmem>>[vector<16xi32>, vector<16xi32>], vector<16xf32>,
          %gather3A_127 = tpu.vector_load_idx %arg14[%add3A_93, %broadcast_in_dim3A_125] : memref<400x64xf32, #tpu.memory_space<vmem>>[vector<16xi32>, vector<16xi32>], vector<16xf32>,
          %mul3A_128 = arith.mulf %gather3A_126, %gather3A_127 : vector<16xf32>
          %add3A_129 = arith.addf %add3A_123, %mul3A_128 : vector<16xf32>
          %broadcast_in_dim3A_130 = arith.constant 6 : i32
          %broadcast_in_dim3A_131 = vector.broadcast %broadcast_in_dim3A_130 : i32 to vector<16xi32>
          %gather3A_132 = tpu.vector_load_idx %arg13[%add3A_93, %broadcast_in_dim3A_131] : memref<400x64xf32, #tpu.memory_space<vmem>>[vector<16xi32>, vector<16xi32>], vector<16xf32>,
          %gather3A_133 = tpu.vector_load_idx %arg14[%add3A_93, %broadcast_in_dim3A_131] : memref<400x64xf32, #tpu.memory_space<vmem>>[vector<16xi32>, vector<16xi32>], vector<16xf32>,
          %mul3A_134 = arith.mulf %gather3A_132, %gather3A_133 : vector<16xf32>
          %add3A_135 = arith.addf %add3A_129, %mul3A_134 : vector<16xf32>
          %broadcast_in_dim3A_136 = arith.constant 7 : i32
          %broadcast_in_dim3A_137 = vector.broadcast %broadcast_in_dim3A_136 : i32 to vector<16xi32>
          %gather3A_138 = tpu.vector_load_idx %arg13[%add3A_93, %broadcast_in_dim3A_137] : memref<400x64xf32, #tpu.memory_space<vmem>>[vector<16xi32>, vector<16xi32>], vector<16xf32>,
          %gather3A_139 = tpu.vector_load_idx %arg14[%add3A_93, %broadcast_in_dim3A_137] : memref<400x64xf32, #tpu.memory_space<vmem>>[vector<16xi32>, vector<16xi32>], vector<16xf32>,
          %mul3A_140 = arith.mulf %gather3A_138, %gather3A_139 : vector<16xf32>
          %add3A_141 = arith.addf %add3A_135, %mul3A_140 : vector<16xf32>
          %broadcast_in_dim3A_142 = arith.constant 8 : i32
          %broadcast_in_dim3A_143 = vector.broadcast %broadcast_in_dim3A_142 : i32 to vector<16xi32>
          %gather3A_144 = tpu.vector_load_idx %arg13[%add3A_93, %broadcast_in_dim3A_143] : memref<400x64xf32, #tpu.memory_space<vmem>>[vector<16xi32>, vector<16xi32>], vector<16xf32>,
          %gather3A_145 = tpu.vector_load_idx %arg14[%add3A_93, %broadcast_in_dim3A_143] : memref<400x64xf32, #tpu.memory_space<vmem>>[vector<16xi32>, vector<16xi32>], vector<16xf32>,
          %mul3A_146 = arith.mulf %gather3A_144, %gather3A_145 : vector<16xf32>
          %add3A_147 = arith.addf %add3A_141, %mul3A_146 : vector<16xf32>
          %broadcast_in_dim3A_148 = arith.constant 9 : i32
          %broadcast_in_dim3A_149 = vector.broadcast %broadcast_in_dim3A_148 : i32 to vector<16xi32>
          %gather3A_150 = tpu.vector_load_idx %arg13[%add3A_93, %broadcast_in_dim3A_149] : memref<400x64xf32, #tpu.memory_space<vmem>>[vector<16xi32>, vector<16xi32>], vector<16xf32>,
          %gather3A_151 = tpu.vector_load_idx %arg14[%add3A_93, %broadcast_in_dim3A_149] : memref<400x64xf32, #tpu.memory_space<vmem>>[vector<16xi32>, vector<16xi32>], vector<16xf32>,
          %mul3A_152 = arith.mulf %gather3A_150, %gather3A_151 : vector<16xf32>
          %add3A_153 = arith.addf %add3A_147, %mul3A_152 : vector<16xf32>
          %broadcast_in_dim3A_154 = arith.constant 10 : i32
          %broadcast_in_dim3A_155 = vector.broadcast %broadcast_in_dim3A_154 : i32 to vector<16xi32>
          %gather3A_156 = tpu.vector_load_idx %arg13[%add3A_93, %broadcast_in_dim3A_155] : memref<400x64xf32, #tpu.memory_space<vmem>>[vector<16xi32>, vector<16xi32>], vector<16xf32>,
          %gather3A_157 = tpu.vector_load_idx %arg14[%add3A_93, %broadcast_in_dim3A_155] : memref<400x64xf32, #tpu.memory_space<vmem>>[vector<16xi32>, vector<16xi32>], vector<16xf32>,
          %mul3A_158 = arith.mulf %gather3A_156, %gather3A_157 : vector<16xf32>
          %add3A_159 = arith.addf %add3A_153, %mul3A_158 : vector<16xf32>
          %broadcast_in_dim3A_160 = arith.constant 11 : i32
          %broadcast_in_dim3A_161 = vector.broadcast %broadcast_in_dim3A_160 : i32 to vector<16xi32>
          %gather3A_162 = tpu.vector_load_idx %arg13[%add3A_93, %broadcast_in_dim3A_161] : memref<400x64xf32, #tpu.memory_space<vmem>>[vector<16xi32>, vector<16xi32>], vector<16xf32>,
          %gather3A_163 = tpu.vector_load_idx %arg14[%add3A_93, %broadcast_in_dim3A_161] : memref<400x64xf32, #tpu.memory_space<vmem>>[vector<16xi32>, vector<16xi32>], vector<16xf32>,
          %mul3A_164 = arith.mulf %gather3A_162, %gather3A_163 : vector<16xf32>
          %add3A_165 = arith.addf %add3A_159, %mul3A_164 : vector<16xf32>
          %broadcast_in_dim3A_166 = arith.constant 12 : i32
          %broadcast_in_dim3A_167 = vector.broadcast %broadcast_in_dim3A_166 : i32 to vector<16xi32>
          %gather3A_168 = tpu.vector_load_idx %arg13[%add3A_93, %broadcast_in_dim3A_167] : memref<400x64xf32, #tpu.memory_space<vmem>>[vector<16xi32>, vector<16xi32>], vector<16xf32>,
          %gather3A_169 = tpu.vector_load_idx %arg14[%add3A_93, %broadcast_in_dim3A_167] : memref<400x64xf32, #tpu.memory_space<vmem>>[vector<16xi32>, vector<16xi32>], vector<16xf32>,
          %mul3A_170 = arith.mulf %gather3A_168, %gather3A_169 : vector<16xf32>
          %add3A_171 = arith.addf %add3A_165, %mul3A_170 : vector<16xf32>
          %broadcast_in_dim3A_172 = arith.constant 13 : i32
          %broadcast_in_dim3A_173 = vector.broadcast %broadcast_in_dim3A_172 : i32 to vector<16xi32>
          %gather3A_174 = tpu.vector_load_idx %arg13[%add3A_93, %broadcast_in_dim3A_173] : memref<400x64xf32, #tpu.memory_space<vmem>>[vector<16xi32>, vector<16xi32>], vector<16xf32>,
          %gather3A_175 = tpu.vector_load_idx %arg14[%add3A_93, %broadcast_in_dim3A_173] : memref<400x64xf32, #tpu.memory_space<vmem>>[vector<16xi32>, vector<16xi32>], vector<16xf32>,
          %mul3A_176 = arith.mulf %gather3A_174, %gather3A_175 : vector<16xf32>
          %add3A_177 = arith.addf %add3A_171, %mul3A_176 : vector<16xf32>
          %broadcast_in_dim3A_178 = arith.constant 14 : i32
          %broadcast_in_dim3A_179 = vector.broadcast %broadcast_in_dim3A_178 : i32 to vector<16xi32>
          %gather3A_180 = tpu.vector_load_idx %arg13[%add3A_93, %broadcast_in_dim3A_179] : memref<400x64xf32, #tpu.memory_space<vmem>>[vector<16xi32>, vector<16xi32>], vector<16xf32>,
          %gather3A_181 = tpu.vector_load_idx %arg14[%add3A_93, %broadcast_in_dim3A_179] : memref<400x64xf32, #tpu.memory_space<vmem>>[vector<16xi32>, vector<16xi32>], vector<16xf32>,
          %mul3A_182 = arith.mulf %gather3A_180, %gather3A_181 : vector<16xf32>
          %add3A_183 = arith.addf %add3A_177, %mul3A_182 : vector<16xf32>
          %broadcast_in_dim3A_184 = arith.constant 15 : i32
          %broadcast_in_dim3A_185 = vector.broadcast %broadcast_in_dim3A_184 : i32 to vector<16xi32>
          %gather3A_186 = tpu.vector_load_idx %arg13[%add3A_93, %broadcast_in_dim3A_185] : memref<400x64xf32, #tpu.memory_space<vmem>>[vector<16xi32>, vector<16xi32>], vector<16xf32>,
          %gather3A_187 = tpu.vector_load_idx %arg14[%add3A_93, %broadcast_in_dim3A_185] : memref<400x64xf32, #tpu.memory_space<vmem>>[vector<16xi32>, vector<16xi32>], vector<16xf32>,
          %mul3A_188 = arith.mulf %gather3A_186, %gather3A_187 : vector<16xf32>
          %add3A_189 = arith.addf %add3A_183, %mul3A_188 : vector<16xf32>
          %broadcast_in_dim3A_190 = arith.constant 16 : i32
          %broadcast_in_dim3A_191 = vector.broadcast %broadcast_in_dim3A_190 : i32 to vector<16xi32>
          %gather3A_192 = tpu.vector_load_idx %arg13[%add3A_93, %broadcast_in_dim3A_191] : memref<400x64xf32, #tpu.memory_space<vmem>>[vector<16xi32>, vector<16xi32>], vector<16xf32>,
          %gather3A_193 = tpu.vector_load_idx %arg14[%add3A_93, %broadcast_in_dim3A_191] : memref<400x64xf32, #tpu.memory_space<vmem>>[vector<16xi32>, vector<16xi32>], vector<16xf32>,
          %mul3A_194 = arith.mulf %gather3A_192, %gather3A_193 : vector<16xf32>
          %add3A_195 = arith.addf %add3A_189, %mul3A_194 : vector<16xf32>
          %broadcast_in_dim3A_196 = arith.constant 17 : i32
          %broadcast_in_dim3A_197 = vector.broadcast %broadcast_in_dim3A_196 : i32 to vector<16xi32>
          %gather3A_198 = tpu.vector_load_idx %arg13[%add3A_93, %broadcast_in_dim3A_197] : memref<400x64xf32, #tpu.memory_space<vmem>>[vector<16xi32>, vector<16xi32>], vector<16xf32>,
          %gather3A_199 = tpu.vector_load_idx %arg14[%add3A_93, %broadcast_in_dim3A_197] : memref<400x64xf32, #tpu.memory_space<vmem>>[vector<16xi32>, vector<16xi32>], vector<16xf32>,
          %mul3A_200 = arith.mulf %gather3A_198, %gather3A_199 : vector<16xf32>
          %add3A_201 = arith.addf %add3A_195, %mul3A_200 : vector<16xf32>
          %broadcast_in_dim3A_202 = arith.constant 18 : i32
          %broadcast_in_dim3A_203 = vector.broadcast %broadcast_in_dim3A_202 : i32 to vector<16xi32>
          %gather3A_204 = tpu.vector_load_idx %arg13[%add3A_93, %broadcast_in_dim3A_203] : memref<400x64xf32, #tpu.memory_space<vmem>>[vector<16xi32>, vector<16xi32>], vector<16xf32>,
          %gather3A_205 = tpu.vector_load_idx %arg14[%add3A_93, %broadcast_in_dim3A_203] : memref<400x64xf32, #tpu.memory_space<vmem>>[vector<16xi32>, vector<16xi32>], vector<16xf32>,
          %mul3A_206 = arith.mulf %gather3A_204, %gather3A_205 : vector<16xf32>
          %add3A_207 = arith.addf %add3A_201, %mul3A_206 : vector<16xf32>
          %broadcast_in_dim3A_208 = arith.constant 19 : i32
          %broadcast_in_dim3A_209 = vector.broadcast %broadcast_in_dim3A_208 : i32 to vector<16xi32>
          %gather3A_210 = tpu.vector_load_idx %arg13[%add3A_93, %broadcast_in_dim3A_209] : memref<400x64xf32, #tpu.memory_space<vmem>>[vector<16xi32>, vector<16xi32>], vector<16xf32>,
          %gather3A_211 = tpu.vector_load_idx %arg14[%add3A_93, %broadcast_in_dim3A_209] : memref<400x64xf32, #tpu.memory_space<vmem>>[vector<16xi32>, vector<16xi32>], vector<16xf32>,
          %mul3A_212 = arith.mulf %gather3A_210, %gather3A_211 : vector<16xf32>
          %add3A_213 = arith.addf %add3A_207, %mul3A_212 : vector<16xf32>
          %broadcast_in_dim3A_214 = arith.constant 20 : i32
          %broadcast_in_dim3A_215 = vector.broadcast %broadcast_in_dim3A_214 : i32 to vector<16xi32>
          %gather3A_216 = tpu.vector_load_idx %arg13[%add3A_93, %broadcast_in_dim3A_215] : memref<400x64xf32, #tpu.memory_space<vmem>>[vector<16xi32>, vector<16xi32>], vector<16xf32>,
          %gather3A_217 = tpu.vector_load_idx %arg14[%add3A_93, %broadcast_in_dim3A_215] : memref<400x64xf32, #tpu.memory_space<vmem>>[vector<16xi32>, vector<16xi32>], vector<16xf32>,
          %mul3A_218 = arith.mulf %gather3A_216, %gather3A_217 : vector<16xf32>
          %add3A_219 = arith.addf %add3A_213, %mul3A_218 : vector<16xf32>
          %broadcast_in_dim3A_220 = arith.constant 21 : i32
          %broadcast_in_dim3A_221 = vector.broadcast %broadcast_in_dim3A_220 : i32 to vector<16xi32>
          %gather3A_222 = tpu.vector_load_idx %arg13[%add3A_93, %broadcast_in_dim3A_221] : memref<400x64xf32, #tpu.memory_space<vmem>>[vector<16xi32>, vector<16xi32>], vector<16xf32>,
          %gather3A_223 = tpu.vector_load_idx %arg14[%add3A_93, %broadcast_in_dim3A_221] : memref<400x64xf32, #tpu.memory_space<vmem>>[vector<16xi32>, vector<16xi32>], vector<16xf32>,
          %mul3A_224 = arith.mulf %gather3A_222, %gather3A_223 : vector<16xf32>
          %add3A_225 = arith.addf %add3A_219, %mul3A_224 : vector<16xf32>
          %broadcast_in_dim3A_226 = arith.constant 22 : i32
          %broadcast_in_dim3A_227 = vector.broadcast %broadcast_in_dim3A_226 : i32 to vector<16xi32>
          %gather3A_228 = tpu.vector_load_idx %arg13[%add3A_93, %broadcast_in_dim3A_227] : memref<400x64xf32, #tpu.memory_space<vmem>>[vector<16xi32>, vector<16xi32>], vector<16xf32>,
          %gather3A_229 = tpu.vector_load_idx %arg14[%add3A_93, %broadcast_in_dim3A_227] : memref<400x64xf32, #tpu.memory_space<vmem>>[vector<16xi32>, vector<16xi32>], vector<16xf32>,
          %mul3A_230 = arith.mulf %gather3A_228, %gather3A_229 : vector<16xf32>
          %add3A_231 = arith.addf %add3A_225, %mul3A_230 : vector<16xf32>
          %broadcast_in_dim3A_232 = arith.constant 23 : i32
          %broadcast_in_dim3A_233 = vector.broadcast %broadcast_in_dim3A_232 : i32 to vector<16xi32>
          %gather3A_234 = tpu.vector_load_idx %arg13[%add3A_93, %broadcast_in_dim3A_233] : memref<400x64xf32, #tpu.memory_space<vmem>>[vector<16xi32>, vector<16xi32>], vector<16xf32>,
          %gather3A_235 = tpu.vector_load_idx %arg14[%add3A_93, %broadcast_in_dim3A_233] : memref<400x64xf32, #tpu.memory_space<vmem>>[vector<16xi32>, vector<16xi32>], vector<16xf32>,
          %mul3A_236 = arith.mulf %gather3A_234, %gather3A_235 : vector<16xf32>
          %add3A_237 = arith.addf %add3A_231, %mul3A_236 : vector<16xf32>
          %broadcast_in_dim3A_238 = arith.constant 24 : i32
          %broadcast_in_dim3A_239 = vector.broadcast %broadcast_in_dim3A_238 : i32 to vector<16xi32>
          %gather3A_240 = tpu.vector_load_idx %arg13[%add3A_93, %broadcast_in_dim3A_239] : memref<400x64xf32, #tpu.memory_space<vmem>>[vector<16xi32>, vector<16xi32>], vector<16xf32>,
          %gather3A_241 = tpu.vector_load_idx %arg14[%add3A_93, %broadcast_in_dim3A_239] : memref<400x64xf32, #tpu.memory_space<vmem>>[vector<16xi32>, vector<16xi32>], vector<16xf32>,
          %mul3A_242 = arith.mulf %gather3A_240, %gather3A_241 : vector<16xf32>
          %add3A_243 = arith.addf %add3A_237, %mul3A_242 : vector<16xf32>
          %broadcast_in_dim3A_244 = arith.constant 25 : i32
          %broadcast_in_dim3A_245 = vector.broadcast %broadcast_in_dim3A_244 : i32 to vector<16xi32>
          %gather3A_246 = tpu.vector_load_idx %arg13[%add3A_93, %broadcast_in_dim3A_245] : memref<400x64xf32, #tpu.memory_space<vmem>>[vector<16xi32>, vector<16xi32>], vector<16xf32>,
          %gather3A_247 = tpu.vector_load_idx %arg14[%add3A_93, %broadcast_in_dim3A_245] : memref<400x64xf32, #tpu.memory_space<vmem>>[vector<16xi32>, vector<16xi32>], vector<16xf32>,
          %mul3A_248 = arith.mulf %gather3A_246, %gather3A_247 : vector<16xf32>
          %add3A_249 = arith.addf %add3A_243, %mul3A_248 : vector<16xf32>
          %broadcast_in_dim3A_250 = arith.constant 26 : i32
          %broadcast_in_dim3A_251 = vector.broadcast %broadcast_in_dim3A_250 : i32 to vector<16xi32>
          %gather3A_252 = tpu.vector_load_idx %arg13[%add3A_93, %broadcast_in_dim3A_251] : memref<400x64xf32, #tpu.memory_space<vmem>>[vector<16xi32>, vector<16xi32>], vector<16xf32>,
          %gather3A_253 = tpu.vector_load_idx %arg14[%add3A_93, %broadcast_in_dim3A_251] : memref<400x64xf32, #tpu.memory_space<vmem>>[vector<16xi32>, vector<16xi32>], vector<16xf32>,
          %mul3A_254 = arith.mulf %gather3A_252, %gather3A_253 : vector<16xf32>
          %add3A_255 = arith.addf %add3A_249, %mul3A_254 : vector<16xf32>
          %broadcast_in_dim3A_256 = arith.constant 27 : i32
          %broadcast_in_dim3A_257 = vector.broadcast %broadcast_in_dim3A_256 : i32 to vector<16xi32>
          %gather3A_258 = tpu.vector_load_idx %arg13[%add3A_93, %broadcast_in_dim3A_257] : memref<400x64xf32, #tpu.memory_space<vmem>>[vector<16xi32>, vector<16xi32>], vector<16xf32>,
          %gather3A_259 = tpu.vector_load_idx %arg14[%add3A_93, %broadcast_in_dim3A_257] : memref<400x64xf32, #tpu.memory_space<vmem>>[vector<16xi32>, vector<16xi32>], vector<16xf32>,
          %mul3A_260 = arith.mulf %gather3A_258, %gather3A_259 : vector<16xf32>
          %add3A_261 = arith.addf %add3A_255, %mul3A_260 : vector<16xf32>
          %broadcast_in_dim3A_262 = arith.constant 28 : i32
          %broadcast_in_dim3A_263 = vector.broadcast %broadcast_in_dim3A_262 : i32 to vector<16xi32>
          %gather3A_264 = tpu.vector_load_idx %arg13[%add3A_93, %broadcast_in_dim3A_263] : memref<400x64xf32, #tpu.memory_space<vmem>>[vector<16xi32>, vector<16xi32>], vector<16xf32>,
          %gather3A_265 = tpu.vector_load_idx %arg14[%add3A_93, %broadcast_in_dim3A_263] : memref<400x64xf32, #tpu.memory_space<vmem>>[vector<16xi32>, vector<16xi32>], vector<16xf32>,
          %mul3A_266 = arith.mulf %gather3A_264, %gather3A_265 : vector<16xf32>
          %add3A_267 = arith.addf %add3A_261, %mul3A_266 : vector<16xf32>
          %broadcast_in_dim3A_268 = arith.constant 29 : i32
          %broadcast_in_dim3A_269 = vector.broadcast %broadcast_in_dim3A_268 : i32 to vector<16xi32>
          %gather3A_270 = tpu.vector_load_idx %arg13[%add3A_93, %broadcast_in_dim3A_269] : memref<400x64xf32, #tpu.memory_space<vmem>>[vector<16xi32>, vector<16xi32>], vector<16xf32>,
          %gather3A_271 = tpu.vector_load_idx %arg14[%add3A_93, %broadcast_in_dim3A_269] : memref<400x64xf32, #tpu.memory_space<vmem>>[vector<16xi32>, vector<16xi32>], vector<16xf32>,
          %mul3A_272 = arith.mulf %gather3A_270, %gather3A_271 : vector<16xf32>
          %add3A_273 = arith.addf %add3A_267, %mul3A_272 : vector<16xf32>
          %broadcast_in_dim3A_274 = arith.constant 30 : i32
          %broadcast_in_dim3A_275 = vector.broadcast %broadcast_in_dim3A_274 : i32 to vector<16xi32>
          %gather3A_276 = tpu.vector_load_idx %arg13[%add3A_93, %broadcast_in_dim3A_275] : memref<400x64xf32, #tpu.memory_space<vmem>>[vector<16xi32>, vector<16xi32>], vector<16xf32>,
          %gather3A_277 = tpu.vector_load_idx %arg14[%add3A_93, %broadcast_in_dim3A_275] : memref<400x64xf32, #tpu.memory_space<vmem>>[vector<16xi32>, vector<16xi32>], vector<16xf32>,
          %mul3A_278 = arith.mulf %gather3A_276, %gather3A_277 : vector<16xf32>
          %add3A_279 = arith.addf %add3A_273, %mul3A_278 : vector<16xf32>
          %broadcast_in_dim3A_280 = arith.constant 31 : i32
          %broadcast_in_dim3A_281 = vector.broadcast %broadcast_in_dim3A_280 : i32 to vector<16xi32>
          %gather3A_282 = tpu.vector_load_idx %arg13[%add3A_93, %broadcast_in_dim3A_281] : memref<400x64xf32, #tpu.memory_space<vmem>>[vector<16xi32>, vector<16xi32>], vector<16xf32>,
          %gather3A_283 = tpu.vector_load_idx %arg14[%add3A_93, %broadcast_in_dim3A_281] : memref<400x64xf32, #tpu.memory_space<vmem>>[vector<16xi32>, vector<16xi32>], vector<16xf32>,
          %mul3A_284 = arith.mulf %gather3A_282, %gather3A_283 : vector<16xf32>
          %add3A_285 = arith.addf %add3A_279, %mul3A_284 : vector<16xf32>
          %broadcast_in_dim3A_286 = arith.constant 32 : i32
          %broadcast_in_dim3A_287 = vector.broadcast %broadcast_in_dim3A_286 : i32 to vector<16xi32>
          %gather3A_288 = tpu.vector_load_idx %arg13[%add3A_93, %broadcast_in_dim3A_287] : memref<400x64xf32, #tpu.memory_space<vmem>>[vector<16xi32>, vector<16xi32>], vector<16xf32>,
          %gather3A_289 = tpu.vector_load_idx %arg14[%add3A_93, %broadcast_in_dim3A_287] : memref<400x64xf32, #tpu.memory_space<vmem>>[vector<16xi32>, vector<16xi32>], vector<16xf32>,
          %mul3A_290 = arith.mulf %gather3A_288, %gather3A_289 : vector<16xf32>
          %add3A_291 = arith.addf %add3A_285, %mul3A_290 : vector<16xf32>
          %broadcast_in_dim3A_292 = arith.constant 33 : i32
          %broadcast_in_dim3A_293 = vector.broadcast %broadcast_in_dim3A_292 : i32 to vector<16xi32>
          %gather3A_294 = tpu.vector_load_idx %arg13[%add3A_93, %broadcast_in_dim3A_293] : memref<400x64xf32, #tpu.memory_space<vmem>>[vector<16xi32>, vector<16xi32>], vector<16xf32>,
          %gather3A_295 = tpu.vector_load_idx %arg14[%add3A_93, %broadcast_in_dim3A_293] : memref<400x64xf32, #tpu.memory_space<vmem>>[vector<16xi32>, vector<16xi32>], vector<16xf32>,
          %mul3A_296 = arith.mulf %gather3A_294, %gather3A_295 : vector<16xf32>
          %add3A_297 = arith.addf %add3A_291, %mul3A_296 : vector<16xf32>
          %broadcast_in_dim3A_298 = arith.constant 34 : i32
          %broadcast_in_dim3A_299 = vector.broadcast %broadcast_in_dim3A_298 : i32 to vector<16xi32>
          %gather3A_300 = tpu.vector_load_idx %arg13[%add3A_93, %broadcast_in_dim3A_299] : memref<400x64xf32, #tpu.memory_space<vmem>>[vector<16xi32>, vector<16xi32>], vector<16xf32>,
          %gather3A_301 = tpu.vector_load_idx %arg14[%add3A_93, %broadcast_in_dim3A_299] : memref<400x64xf32, #tpu.memory_space<vmem>>[vector<16xi32>, vector<16xi32>], vector<16xf32>,
          %mul3A_302 = arith.mulf %gather3A_300, %gather3A_301 : vector<16xf32>
          %add3A_303 = arith.addf %add3A_297, %mul3A_302 : vector<16xf32>
          %broadcast_in_dim3A_304 = arith.constant 35 : i32
          %broadcast_in_dim3A_305 = vector.broadcast %broadcast_in_dim3A_304 : i32 to vector<16xi32>
          %gather3A_306 = tpu.vector_load_idx %arg13[%add3A_93, %broadcast_in_dim3A_305] : memref<400x64xf32, #tpu.memory_space<vmem>>[vector<16xi32>, vector<16xi32>], vector<16xf32>,
          %gather3A_307 = tpu.vector_load_idx %arg14[%add3A_93, %broadcast_in_dim3A_305] : memref<400x64xf32, #tpu.memory_space<vmem>>[vector<16xi32>, vector<16xi32>], vector<16xf32>,
          %mul3A_308 = arith.mulf %gather3A_306, %gather3A_307 : vector<16xf32>
          %add3A_309 = arith.addf %add3A_303, %mul3A_308 : vector<16xf32>
          %broadcast_in_dim3A_310 = arith.constant 36 : i32
          %broadcast_in_dim3A_311 = vector.broadcast %broadcast_in_dim3A_310 : i32 to vector<16xi32>
          %gather3A_312 = tpu.vector_load_idx %arg13[%add3A_93, %broadcast_in_dim3A_311] : memref<400x64xf32, #tpu.memory_space<vmem>>[vector<16xi32>, vector<16xi32>], vector<16xf32>,
          %gather3A_313 = tpu.vector_load_idx %arg14[%add3A_93, %broadcast_in_dim3A_311] : memref<400x64xf32, #tpu.memory_space<vmem>>[vector<16xi32>, vector<16xi32>], vector<16xf32>,
          %mul3A_314 = arith.mulf %gather3A_312, %gather3A_313 : vector<16xf32>
          %add3A_315 = arith.addf %add3A_309, %mul3A_314 : vector<16xf32>
          %broadcast_in_dim3A_316 = arith.constant 37 : i32
          %broadcast_in_dim3A_317 = vector.broadcast %broadcast_in_dim3A_316 : i32 to vector<16xi32>
          %gather3A_318 = tpu.vector_load_idx %arg13[%add3A_93, %broadcast_in_dim3A_317] : memref<400x64xf32, #tpu.memory_space<vmem>>[vector<16xi32>, vector<16xi32>], vector<16xf32>,
          %gather3A_319 = tpu.vector_load_idx %arg14[%add3A_93, %broadcast_in_dim3A_317] : memref<400x64xf32, #tpu.memory_space<vmem>>[vector<16xi32>, vector<16xi32>], vector<16xf32>,
          %mul3A_320 = arith.mulf %gather3A_318, %gather3A_319 : vector<16xf32>
          %add3A_321 = arith.addf %add3A_315, %mul3A_320 : vector<16xf32>
          %broadcast_in_dim3A_322 = arith.constant 38 : i32
          %broadcast_in_dim3A_323 = vector.broadcast %broadcast_in_dim3A_322 : i32 to vector<16xi32>
          %gather3A_324 = tpu.vector_load_idx %arg13[%add3A_93, %broadcast_in_dim3A_323] : memref<400x64xf32, #tpu.memory_space<vmem>>[vector<16xi32>, vector<16xi32>], vector<16xf32>,
          %gather3A_325 = tpu.vector_load_idx %arg14[%add3A_93, %broadcast_in_dim3A_323] : memref<400x64xf32, #tpu.memory_space<vmem>>[vector<16xi32>, vector<16xi32>], vector<16xf32>,
          %mul3A_326 = arith.mulf %gather3A_324, %gather3A_325 : vector<16xf32>
          %add3A_327 = arith.addf %add3A_321, %mul3A_326 : vector<16xf32>
          %broadcast_in_dim3A_328 = arith.constant 39 : i32
          %broadcast_in_dim3A_329 = vector.broadcast %broadcast_in_dim3A_328 : i32 to vector<16xi32>
          %gather3A_330 = tpu.vector_load_idx %arg13[%add3A_93, %broadcast_in_dim3A_329] : memref<400x64xf32, #tpu.memory_space<vmem>>[vector<16xi32>, vector<16xi32>], vector<16xf32>,
          %gather3A_331 = tpu.vector_load_idx %arg14[%add3A_93, %broadcast_in_dim3A_329] : memref<400x64xf32, #tpu.memory_space<vmem>>[vector<16xi32>, vector<16xi32>], vector<16xf32>,
          %mul3A_332 = arith.mulf %gather3A_330, %gather3A_331 : vector<16xf32>
          %add3A_333 = arith.addf %add3A_327, %mul3A_332 : vector<16xf32>
          %broadcast_in_dim3A_334 = arith.constant 40 : i32
          %broadcast_in_dim3A_335 = vector.broadcast %broadcast_in_dim3A_334 : i32 to vector<16xi32>
          %gather3A_336 = tpu.vector_load_idx %arg13[%add3A_93, %broadcast_in_dim3A_335] : memref<400x64xf32, #tpu.memory_space<vmem>>[vector<16xi32>, vector<16xi32>], vector<16xf32>,
          %gather3A_337 = tpu.vector_load_idx %arg14[%add3A_93, %broadcast_in_dim3A_335] : memref<400x64xf32, #tpu.memory_space<vmem>>[vector<16xi32>, vector<16xi32>], vector<16xf32>,
          %mul3A_338 = arith.mulf %gather3A_336, %gather3A_337 : vector<16xf32>
          %add3A_339 = arith.addf %add3A_333, %mul3A_338 : vector<16xf32>
          %broadcast_in_dim3A_340 = arith.constant 41 : i32
          %broadcast_in_dim3A_341 = vector.broadcast %broadcast_in_dim3A_340 : i32 to vector<16xi32>
          %gather3A_342 = tpu.vector_load_idx %arg13[%add3A_93, %broadcast_in_dim3A_341] : memref<400x64xf32, #tpu.memory_space<vmem>>[vector<16xi32>, vector<16xi32>], vector<16xf32>,
          %gather3A_343 = tpu.vector_load_idx %arg14[%add3A_93, %broadcast_in_dim3A_341] : memref<400x64xf32, #tpu.memory_space<vmem>>[vector<16xi32>, vector<16xi32>], vector<16xf32>,
          %mul3A_344 = arith.mulf %gather3A_342, %gather3A_343 : vector<16xf32>
          %add3A_345 = arith.addf %add3A_339, %mul3A_344 : vector<16xf32>
          %broadcast_in_dim3A_346 = arith.constant 42 : i32
          %broadcast_in_dim3A_347 = vector.broadcast %broadcast_in_dim3A_346 : i32 to vector<16xi32>
          %gather3A_348 = tpu.vector_load_idx %arg13[%add3A_93, %broadcast_in_dim3A_347] : memref<400x64xf32, #tpu.memory_space<vmem>>[vector<16xi32>, vector<16xi32>], vector<16xf32>,
          %gather3A_349 = tpu.vector_load_idx %arg14[%add3A_93, %broadcast_in_dim3A_347] : memref<400x64xf32, #tpu.memory_space<vmem>>[vector<16xi32>, vector<16xi32>], vector<16xf32>,
          %mul3A_350 = arith.mulf %gather3A_348, %gather3A_349 : vector<16xf32>
          %add3A_351 = arith.addf %add3A_345, %mul3A_350 : vector<16xf32>
          %broadcast_in_dim3A_352 = arith.constant 43 : i32
          %broadcast_in_dim3A_353 = vector.broadcast %broadcast_in_dim3A_352 : i32 to vector<16xi32>
          %gather3A_354 = tpu.vector_load_idx %arg13[%add3A_93, %broadcast_in_dim3A_353] : memref<400x64xf32, #tpu.memory_space<vmem>>[vector<16xi32>, vector<16xi32>], vector<16xf32>,
          %gather3A_355 = tpu.vector_load_idx %arg14[%add3A_93, %broadcast_in_dim3A_353] : memref<400x64xf32, #tpu.memory_space<vmem>>[vector<16xi32>, vector<16xi32>], vector<16xf32>,
          %mul3A_356 = arith.mulf %gather3A_354, %gather3A_355 : vector<16xf32>
          %add3A_357 = arith.addf %add3A_351, %mul3A_356 : vector<16xf32>
          %broadcast_in_dim3A_358 = arith.constant 44 : i32
          %broadcast_in_dim3A_359 = vector.broadcast %broadcast_in_dim3A_358 : i32 to vector<16xi32>
          %gather3A_360 = tpu.vector_load_idx %arg13[%add3A_93, %broadcast_in_dim3A_359] : memref<400x64xf32, #tpu.memory_space<vmem>>[vector<16xi32>, vector<16xi32>], vector<16xf32>,
          %gather3A_361 = tpu.vector_load_idx %arg14[%add3A_93, %broadcast_in_dim3A_359] : memref<400x64xf32, #tpu.memory_space<vmem>>[vector<16xi32>, vector<16xi32>], vector<16xf32>,
          %mul3A_362 = arith.mulf %gather3A_360, %gather3A_361 : vector<16xf32>
          %add3A_363 = arith.addf %add3A_357, %mul3A_362 : vector<16xf32>
          %broadcast_in_dim3A_364 = arith.constant 45 : i32
          %broadcast_in_dim3A_365 = vector.broadcast %broadcast_in_dim3A_364 : i32 to vector<16xi32>
          %gather3A_366 = tpu.vector_load_idx %arg13[%add3A_93, %broadcast_in_dim3A_365] : memref<400x64xf32, #tpu.memory_space<vmem>>[vector<16xi32>, vector<16xi32>], vector<16xf32>,
          %gather3A_367 = tpu.vector_load_idx %arg14[%add3A_93, %broadcast_in_dim3A_365] : memref<400x64xf32, #tpu.memory_space<vmem>>[vector<16xi32>, vector<16xi32>], vector<16xf32>,
          %mul3A_368 = arith.mulf %gather3A_366, %gather3A_367 : vector<16xf32>
          %add3A_369 = arith.addf %add3A_363, %mul3A_368 : vector<16xf32>
          %broadcast_in_dim3A_370 = arith.constant 46 : i32
          %broadcast_in_dim3A_371 = vector.broadcast %broadcast_in_dim3A_370 : i32 to vector<16xi32>
          %gather3A_372 = tpu.vector_load_idx %arg13[%add3A_93, %broadcast_in_dim3A_371] : memref<400x64xf32, #tpu.memory_space<vmem>>[vector<16xi32>, vector<16xi32>], vector<16xf32>,
          %gather3A_373 = tpu.vector_load_idx %arg14[%add3A_93, %broadcast_in_dim3A_371] : memref<400x64xf32, #tpu.memory_space<vmem>>[vector<16xi32>, vector<16xi32>], vector<16xf32>,
          %mul3A_374 = arith.mulf %gather3A_372, %gather3A_373 : vector<16xf32>
          %add3A_375 = arith.addf %add3A_369, %mul3A_374 : vector<16xf32>
          %broadcast_in_dim3A_376 = arith.constant 47 : i32
          %broadcast_in_dim3A_377 = vector.broadcast %broadcast_in_dim3A_376 : i32 to vector<16xi32>
          %gather3A_378 = tpu.vector_load_idx %arg13[%add3A_93, %broadcast_in_dim3A_377] : memref<400x64xf32, #tpu.memory_space<vmem>>[vector<16xi32>, vector<16xi32>], vector<16xf32>,
          %gather3A_379 = tpu.vector_load_idx %arg14[%add3A_93, %broadcast_in_dim3A_377] : memref<400x64xf32, #tpu.memory_space<vmem>>[vector<16xi32>, vector<16xi32>], vector<16xf32>,
          %mul3A_380 = arith.mulf %gather3A_378, %gather3A_379 : vector<16xf32>
          %add3A_381 = arith.addf %add3A_375, %mul3A_380 : vector<16xf32>
          %broadcast_in_dim3A_382 = arith.constant 48 : i32
          %broadcast_in_dim3A_383 = vector.broadcast %broadcast_in_dim3A_382 : i32 to vector<16xi32>
          %gather3A_384 = tpu.vector_load_idx %arg13[%add3A_93, %broadcast_in_dim3A_383] : memref<400x64xf32, #tpu.memory_space<vmem>>[vector<16xi32>, vector<16xi32>], vector<16xf32>,
          %gather3A_385 = tpu.vector_load_idx %arg14[%add3A_93, %broadcast_in_dim3A_383] : memref<400x64xf32, #tpu.memory_space<vmem>>[vector<16xi32>, vector<16xi32>], vector<16xf32>,
          %mul3A_386 = arith.mulf %gather3A_384, %gather3A_385 : vector<16xf32>
          %add3A_387 = arith.addf %add3A_381, %mul3A_386 : vector<16xf32>
          %broadcast_in_dim3A_388 = arith.constant 49 : i32
          %broadcast_in_dim3A_389 = vector.broadcast %broadcast_in_dim3A_388 : i32 to vector<16xi32>
          %gather3A_390 = tpu.vector_load_idx %arg13[%add3A_93, %broadcast_in_dim3A_389] : memref<400x64xf32, #tpu.memory_space<vmem>>[vector<16xi32>, vector<16xi32>], vector<16xf32>,
          %gather3A_391 = tpu.vector_load_idx %arg14[%add3A_93, %broadcast_in_dim3A_389] : memref<400x64xf32, #tpu.memory_space<vmem>>[vector<16xi32>, vector<16xi32>], vector<16xf32>,
          %mul3A_392 = arith.mulf %gather3A_390, %gather3A_391 : vector<16xf32>
          %add3A_393 = arith.addf %add3A_387, %mul3A_392 : vector<16xf32>
          %broadcast_in_dim3A_394 = arith.constant 50 : i32
          %broadcast_in_dim3A_395 = vector.broadcast %broadcast_in_dim3A_394 : i32 to vector<16xi32>
          %gather3A_396 = tpu.vector_load_idx %arg13[%add3A_93, %broadcast_in_dim3A_395] : memref<400x64xf32, #tpu.memory_space<vmem>>[vector<16xi32>, vector<16xi32>], vector<16xf32>,
          %gather3A_397 = tpu.vector_load_idx %arg14[%add3A_93, %broadcast_in_dim3A_395] : memref<400x64xf32, #tpu.memory_space<vmem>>[vector<16xi32>, vector<16xi32>], vector<16xf32>,
          %mul3A_398 = arith.mulf %gather3A_396, %gather3A_397 : vector<16xf32>
          %add3A_399 = arith.addf %add3A_393, %mul3A_398 : vector<16xf32>
          %broadcast_in_dim3A_400 = arith.constant 51 : i32
          %broadcast_in_dim3A_401 = vector.broadcast %broadcast_in_dim3A_400 : i32 to vector<16xi32>
          %gather3A_402 = tpu.vector_load_idx %arg13[%add3A_93, %broadcast_in_dim3A_401] : memref<400x64xf32, #tpu.memory_space<vmem>>[vector<16xi32>, vector<16xi32>], vector<16xf32>,
          %gather3A_403 = tpu.vector_load_idx %arg14[%add3A_93, %broadcast_in_dim3A_401] : memref<400x64xf32, #tpu.memory_space<vmem>>[vector<16xi32>, vector<16xi32>], vector<16xf32>,
          %mul3A_404 = arith.mulf %gather3A_402, %gather3A_403 : vector<16xf32>
          %add3A_405 = arith.addf %add3A_399, %mul3A_404 : vector<16xf32>
          %broadcast_in_dim3A_406 = arith.constant 52 : i32
          %broadcast_in_dim3A_407 = vector.broadcast %broadcast_in_dim3A_406 : i32 to vector<16xi32>
          %gather3A_408 = tpu.vector_load_idx %arg13[%add3A_93, %broadcast_in_dim3A_407] : memref<400x64xf32, #tpu.memory_space<vmem>>[vector<16xi32>, vector<16xi32>], vector<16xf32>,
          %gather3A_409 = tpu.vector_load_idx %arg14[%add3A_93, %broadcast_in_dim3A_407] : memref<400x64xf32, #tpu.memory_space<vmem>>[vector<16xi32>, vector<16xi32>], vector<16xf32>,
          %mul3A_410 = arith.mulf %gather3A_408, %gather3A_409 : vector<16xf32>
          %add3A_411 = arith.addf %add3A_405, %mul3A_410 : vector<16xf32>
          %broadcast_in_dim3A_412 = arith.constant 53 : i32
          %broadcast_in_dim3A_413 = vector.broadcast %broadcast_in_dim3A_412 : i32 to vector<16xi32>
          %gather3A_414 = tpu.vector_load_idx %arg13[%add3A_93, %broadcast_in_dim3A_413] : memref<400x64xf32, #tpu.memory_space<vmem>>[vector<16xi32>, vector<16xi32>], vector<16xf32>,
          %gather3A_415 = tpu.vector_load_idx %arg14[%add3A_93, %broadcast_in_dim3A_413] : memref<400x64xf32, #tpu.memory_space<vmem>>[vector<16xi32>, vector<16xi32>], vector<16xf32>,
          %mul3A_416 = arith.mulf %gather3A_414, %gather3A_415 : vector<16xf32>
          %add3A_417 = arith.addf %add3A_411, %mul3A_416 : vector<16xf32>
          %broadcast_in_dim3A_418 = arith.constant 54 : i32
          %broadcast_in_dim3A_419 = vector.broadcast %broadcast_in_dim3A_418 : i32 to vector<16xi32>
          %gather3A_420 = tpu.vector_load_idx %arg13[%add3A_93, %broadcast_in_dim3A_419] : memref<400x64xf32, #tpu.memory_space<vmem>>[vector<16xi32>, vector<16xi32>], vector<16xf32>,
          %gather3A_421 = tpu.vector_load_idx %arg14[%add3A_93, %broadcast_in_dim3A_419] : memref<400x64xf32, #tpu.memory_space<vmem>>[vector<16xi32>, vector<16xi32>], vector<16xf32>,
          %mul3A_422 = arith.mulf %gather3A_420, %gather3A_421 : vector<16xf32>
          %add3A_423 = arith.addf %add3A_417, %mul3A_422 : vector<16xf32>
          %broadcast_in_dim3A_424 = arith.constant 55 : i32
          %broadcast_in_dim3A_425 = vector.broadcast %broadcast_in_dim3A_424 : i32 to vector<16xi32>
          %gather3A_426 = tpu.vector_load_idx %arg13[%add3A_93, %broadcast_in_dim3A_425] : memref<400x64xf32, #tpu.memory_space<vmem>>[vector<16xi32>, vector<16xi32>], vector<16xf32>,
          %gather3A_427 = tpu.vector_load_idx %arg14[%add3A_93, %broadcast_in_dim3A_425] : memref<400x64xf32, #tpu.memory_space<vmem>>[vector<16xi32>, vector<16xi32>], vector<16xf32>,
          %mul3A_428 = arith.mulf %gather3A_426, %gather3A_427 : vector<16xf32>
          %add3A_429 = arith.addf %add3A_423, %mul3A_428 : vector<16xf32>
          %broadcast_in_dim3A_430 = arith.constant 56 : i32
          %broadcast_in_dim3A_431 = vector.broadcast %broadcast_in_dim3A_430 : i32 to vector<16xi32>
          %gather3A_432 = tpu.vector_load_idx %arg13[%add3A_93, %broadcast_in_dim3A_431] : memref<400x64xf32, #tpu.memory_space<vmem>>[vector<16xi32>, vector<16xi32>], vector<16xf32>,
          %gather3A_433 = tpu.vector_load_idx %arg14[%add3A_93, %broadcast_in_dim3A_431] : memref<400x64xf32, #tpu.memory_space<vmem>>[vector<16xi32>, vector<16xi32>], vector<16xf32>,
          %mul3A_434 = arith.mulf %gather3A_432, %gather3A_433 : vector<16xf32>
          %add3A_435 = arith.addf %add3A_429, %mul3A_434 : vector<16xf32>
          %broadcast_in_dim3A_436 = arith.constant 57 : i32
          %broadcast_in_dim3A_437 = vector.broadcast %broadcast_in_dim3A_436 : i32 to vector<16xi32>
          %gather3A_438 = tpu.vector_load_idx %arg13[%add3A_93, %broadcast_in_dim3A_437] : memref<400x64xf32, #tpu.memory_space<vmem>>[vector<16xi32>, vector<16xi32>], vector<16xf32>,
          %gather3A_439 = tpu.vector_load_idx %arg14[%add3A_93, %broadcast_in_dim3A_437] : memref<400x64xf32, #tpu.memory_space<vmem>>[vector<16xi32>, vector<16xi32>], vector<16xf32>,
          %mul3A_440 = arith.mulf %gather3A_438, %gather3A_439 : vector<16xf32>
          %add3A_441 = arith.addf %add3A_435, %mul3A_440 : vector<16xf32>
          %broadcast_in_dim3A_442 = arith.constant 58 : i32
          %broadcast_in_dim3A_443 = vector.broadcast %broadcast_in_dim3A_442 : i32 to vector<16xi32>
          %gather3A_444 = tpu.vector_load_idx %arg13[%add3A_93, %broadcast_in_dim3A_443] : memref<400x64xf32, #tpu.memory_space<vmem>>[vector<16xi32>, vector<16xi32>], vector<16xf32>,
          %gather3A_445 = tpu.vector_load_idx %arg14[%add3A_93, %broadcast_in_dim3A_443] : memref<400x64xf32, #tpu.memory_space<vmem>>[vector<16xi32>, vector<16xi32>], vector<16xf32>,
          %mul3A_446 = arith.mulf %gather3A_444, %gather3A_445 : vector<16xf32>
          %add3A_447 = arith.addf %add3A_441, %mul3A_446 : vector<16xf32>
          %broadcast_in_dim3A_448 = arith.constant 59 : i32
          %broadcast_in_dim3A_449 = vector.broadcast %broadcast_in_dim3A_448 : i32 to vector<16xi32>
          %gather3A_450 = tpu.vector_load_idx %arg13[%add3A_93, %broadcast_in_dim3A_449] : memref<400x64xf32, #tpu.memory_space<vmem>>[vector<16xi32>, vector<16xi32>], vector<16xf32>,
          %gather3A_451 = tpu.vector_load_idx %arg14[%add3A_93, %broadcast_in_dim3A_449] : memref<400x64xf32, #tpu.memory_space<vmem>>[vector<16xi32>, vector<16xi32>], vector<16xf32>,
          %mul3A_452 = arith.mulf %gather3A_450, %gather3A_451 : vector<16xf32>
          %add3A_453 = arith.addf %add3A_447, %mul3A_452 : vector<16xf32>
          %broadcast_in_dim3A_454 = arith.constant 60 : i32
          %broadcast_in_dim3A_455 = vector.broadcast %broadcast_in_dim3A_454 : i32 to vector<16xi32>
          %gather3A_456 = tpu.vector_load_idx %arg13[%add3A_93, %broadcast_in_dim3A_455] : memref<400x64xf32, #tpu.memory_space<vmem>>[vector<16xi32>, vector<16xi32>], vector<16xf32>,
          %gather3A_457 = tpu.vector_load_idx %arg14[%add3A_93, %broadcast_in_dim3A_455] : memref<400x64xf32, #tpu.memory_space<vmem>>[vector<16xi32>, vector<16xi32>], vector<16xf32>,
          %mul3A_458 = arith.mulf %gather3A_456, %gather3A_457 : vector<16xf32>
          %add3A_459 = arith.addf %add3A_453, %mul3A_458 : vector<16xf32>
          %broadcast_in_dim3A_460 = arith.constant 61 : i32
          %broadcast_in_dim3A_461 = vector.broadcast %broadcast_in_dim3A_460 : i32 to vector<16xi32>
          %gather3A_462 = tpu.vector_load_idx %arg13[%add3A_93, %broadcast_in_dim3A_461] : memref<400x64xf32, #tpu.memory_space<vmem>>[vector<16xi32>, vector<16xi32>], vector<16xf32>,
          %gather3A_463 = tpu.vector_load_idx %arg14[%add3A_93, %broadcast_in_dim3A_461] : memref<400x64xf32, #tpu.memory_space<vmem>>[vector<16xi32>, vector<16xi32>], vector<16xf32>,
          %mul3A_464 = arith.mulf %gather3A_462, %gather3A_463 : vector<16xf32>
          %add3A_465 = arith.addf %add3A_459, %mul3A_464 : vector<16xf32>
          %broadcast_in_dim3A_466 = arith.constant 62 : i32
          %broadcast_in_dim3A_467 = vector.broadcast %broadcast_in_dim3A_466 : i32 to vector<16xi32>
          %gather3A_468 = tpu.vector_load_idx %arg13[%add3A_93, %broadcast_in_dim3A_467] : memref<400x64xf32, #tpu.memory_space<vmem>>[vector<16xi32>, vector<16xi32>], vector<16xf32>,
          %gather3A_469 = tpu.vector_load_idx %arg14[%add3A_93, %broadcast_in_dim3A_467] : memref<400x64xf32, #tpu.memory_space<vmem>>[vector<16xi32>, vector<16xi32>], vector<16xf32>,
          %mul3A_470 = arith.mulf %gather3A_468, %gather3A_469 : vector<16xf32>
          %add3A_471 = arith.addf %add3A_465, %mul3A_470 : vector<16xf32>
          %broadcast_in_dim3A_472 = arith.constant 63 : i32
          %broadcast_in_dim3A_473 = vector.broadcast %broadcast_in_dim3A_472 : i32 to vector<16xi32>
          %gather3A_474 = tpu.vector_load_idx %arg13[%add3A_93, %broadcast_in_dim3A_473] : memref<400x64xf32, #tpu.memory_space<vmem>>[vector<16xi32>, vector<16xi32>], vector<16xf32>,
          %gather3A_475 = tpu.vector_load_idx %arg14[%add3A_93, %broadcast_in_dim3A_473] : memref<400x64xf32, #tpu.memory_space<vmem>>[vector<16xi32>, vector<16xi32>], vector<16xf32>,
          %mul3A_476 = arith.mulf %gather3A_474, %gather3A_475 : vector<16xf32>
          %add3A_477 = arith.addf %add3A_471, %mul3A_476 : vector<16xf32>
          %mul3A_478 = arith.constant 1.250000e-01 : f32
          %mul3A_479 = vector.broadcast %mul3A_478 : f32 to vector<16xf32>
          %mul3A_480 = arith.mulf %add3A_477, %mul3A_479 : vector<16xf32>
          %exp3A = math.exp %mul3A_480 : vector<16xf32>
          %mul3A_481 = arith.constant 16 : i32
          %mul3A_482 = arith.muli %scan3A_88, %mul3A_481 : i32
          %swap3A = arith.index_cast %mul3A_482 : i32 to index
          %swap3A_483 = tpu.vector_load %arg15[%swap3A] {strides = array<i32>} : memref<400xf32, #tpu.memory_space<vmem>>, vector<16xf32>,
          tpu.vector_store %arg15[%swap3A], %exp3A {strides = array<i32>} : memref<400xf32, #tpu.memory_space<vmem>>, vector<16xf32>,
          %broadcast_in_dim3A_484 = arith.constant 0 : i32
          %broadcast_in_dim3A_485 = vector.broadcast %broadcast_in_dim3A_484 : i32 to vector<16xi32>
          tpu.vector_store_idx %arg16[%add3A_93, %broadcast_in_dim3A_485], %exp3A : memref<400x16xf32, #tpu.memory_space<vmem>>[vector<16xi32>, vector<16xi32>], vector<16xf32>,
          %broadcast_in_dim3A_486 = arith.constant 1 : i32
          %broadcast_in_dim3A_487 = vector.broadcast %broadcast_in_dim3A_486 : i32 to vector<16xi32>
          tpu.vector_store_idx %arg16[%add3A_93, %broadcast_in_dim3A_487], %exp3A : memref<400x16xf32, #tpu.memory_space<vmem>>[vector<16xi32>, vector<16xi32>], vector<16xf32>,
          %broadcast_in_dim3A_488 = arith.constant 2 : i32
          %broadcast_in_dim3A_489 = vector.broadcast %broadcast_in_dim3A_488 : i32 to vector<16xi32>
          tpu.vector_store_idx %arg16[%add3A_93, %broadcast_in_dim3A_489], %exp3A : memref<400x16xf32, #tpu.memory_space<vmem>>[vector<16xi32>, vector<16xi32>], vector<16xf32>,
          %broadcast_in_dim3A_490 = arith.constant 3 : i32
          %broadcast_in_dim3A_491 = vector.broadcast %broadcast_in_dim3A_490 : i32 to vector<16xi32>
          tpu.vector_store_idx %arg16[%add3A_93, %broadcast_in_dim3A_491], %exp3A : memref<400x16xf32, #tpu.memory_space<vmem>>[vector<16xi32>, vector<16xi32>], vector<16xf32>,
          %broadcast_in_dim3A_492 = arith.constant 4 : i32
          %broadcast_in_dim3A_493 = vector.broadcast %broadcast_in_dim3A_492 : i32 to vector<16xi32>
          tpu.vector_store_idx %arg16[%add3A_93, %broadcast_in_dim3A_493], %exp3A : memref<400x16xf32, #tpu.memory_space<vmem>>[vector<16xi32>, vector<16xi32>], vector<16xf32>,
          %broadcast_in_dim3A_494 = arith.constant 5 : i32
          %broadcast_in_dim3A_495 = vector.broadcast %broadcast_in_dim3A_494 : i32 to vector<16xi32>
          tpu.vector_store_idx %arg16[%add3A_93, %broadcast_in_dim3A_495], %exp3A : memref<400x16xf32, #tpu.memory_space<vmem>>[vector<16xi32>, vector<16xi32>], vector<16xf32>,
          %broadcast_in_dim3A_496 = arith.constant 6 : i32
          %broadcast_in_dim3A_497 = vector.broadcast %broadcast_in_dim3A_496 : i32 to vector<16xi32>
          tpu.vector_store_idx %arg16[%add3A_93, %broadcast_in_dim3A_497], %exp3A : memref<400x16xf32, #tpu.memory_space<vmem>>[vector<16xi32>, vector<16xi32>], vector<16xf32>,
          %broadcast_in_dim3A_498 = arith.constant 7 : i32
          %broadcast_in_dim3A_499 = vector.broadcast %broadcast_in_dim3A_498 : i32 to vector<16xi32>
          tpu.vector_store_idx %arg16[%add3A_93, %broadcast_in_dim3A_499], %exp3A : memref<400x16xf32, #tpu.memory_space<vmem>>[vector<16xi32>, vector<16xi32>], vector<16xf32>,
          %broadcast_in_dim3A_500 = arith.constant 8 : i32
          %broadcast_in_dim3A_501 = vector.broadcast %broadcast_in_dim3A_500 : i32 to vector<16xi32>
          tpu.vector_store_idx %arg16[%add3A_93, %broadcast_in_dim3A_501], %exp3A : memref<400x16xf32, #tpu.memory_space<vmem>>[vector<16xi32>, vector<16xi32>], vector<16xf32>,
          %broadcast_in_dim3A_502 = arith.constant 9 : i32
          %broadcast_in_dim3A_503 = vector.broadcast %broadcast_in_dim3A_502 : i32 to vector<16xi32>
          tpu.vector_store_idx %arg16[%add3A_93, %broadcast_in_dim3A_503], %exp3A : memref<400x16xf32, #tpu.memory_space<vmem>>[vector<16xi32>, vector<16xi32>], vector<16xf32>,
          %broadcast_in_dim3A_504 = arith.constant 10 : i32
          %broadcast_in_dim3A_505 = vector.broadcast %broadcast_in_dim3A_504 : i32 to vector<16xi32>
          tpu.vector_store_idx %arg16[%add3A_93, %broadcast_in_dim3A_505], %exp3A : memref<400x16xf32, #tpu.memory_space<vmem>>[vector<16xi32>, vector<16xi32>], vector<16xf32>,
          %broadcast_in_dim3A_506 = arith.constant 11 : i32
          %broadcast_in_dim3A_507 = vector.broadcast %broadcast_in_dim3A_506 : i32 to vector<16xi32>
          tpu.vector_store_idx %arg16[%add3A_93, %broadcast_in_dim3A_507], %exp3A : memref<400x16xf32, #tpu.memory_space<vmem>>[vector<16xi32>, vector<16xi32>], vector<16xf32>,
          %broadcast_in_dim3A_508 = arith.constant 12 : i32
          %broadcast_in_dim3A_509 = vector.broadcast %broadcast_in_dim3A_508 : i32 to vector<16xi32>
          tpu.vector_store_idx %arg16[%add3A_93, %broadcast_in_dim3A_509], %exp3A : memref<400x16xf32, #tpu.memory_space<vmem>>[vector<16xi32>, vector<16xi32>], vector<16xf32>,
          %broadcast_in_dim3A_510 = arith.constant 13 : i32
          %broadcast_in_dim3A_511 = vector.broadcast %broadcast_in_dim3A_510 : i32 to vector<16xi32>
          tpu.vector_store_idx %arg16[%add3A_93, %broadcast_in_dim3A_511], %exp3A : memref<400x16xf32, #tpu.memory_space<vmem>>[vector<16xi32>, vector<16xi32>], vector<16xf32>,
          %broadcast_in_dim3A_512 = arith.constant 14 : i32
          %broadcast_in_dim3A_513 = vector.broadcast %broadcast_in_dim3A_512 : i32 to vector<16xi32>
          tpu.vector_store_idx %arg16[%add3A_93, %broadcast_in_dim3A_513], %exp3A : memref<400x16xf32, #tpu.memory_space<vmem>>[vector<16xi32>, vector<16xi32>], vector<16xf32>,
          %broadcast_in_dim3A_514 = arith.constant 15 : i32
          %broadcast_in_dim3A_515 = vector.broadcast %broadcast_in_dim3A_514 : i32 to vector<16xi32>
          tpu.vector_store_idx %arg16[%add3A_93, %broadcast_in_dim3A_515], %exp3A : memref<400x16xf32, #tpu.memory_space<vmem>>[vector<16xi32>, vector<16xi32>], vector<16xf32>,
          %scan3A_516 = arith.constant 0 : i32
          scf.yield %scan3A_516 : i32
        }
        %scan3A_73 = arith.constant 25 : i32
        "tpu.region"() ({
          %run_scoped3A = tpu.sem_alloc : memref<!tpu.dma_semaphore, #tpu.memory_space<semaphore_mem>>
          %dma_start3A_88 = tpu.memref_slice %arg6[%add3A_56] : memref<1760000xi32, #tpu.memory_space<hbm>> -> memref<400xi32, #tpu.memory_space<hbm>>
          %dma_start3A_89 = tpu.memref_slice %arg6[%add3A_56] : memref<1760000xi32, #tpu.memory_space<hbm>> -> memref<400xi32, #tpu.memory_space<hbm>>
          tpu.enqueue_dma source(%dma_start3A_89 : memref<400xi32, #tpu.memory_space<hbm>>) target(%arg12 : memref<400xi32, #tpu.memory_space<vmem>>) target_semaphore(%run_scoped3A : memref<!tpu.dma_semaphore, #tpu.memory_space<semaphore_mem>>)
          %dma_wait3A_90 = tpu.memref_slice %arg6[%add3A_56] : memref<1760000xi32, #tpu.memory_space<hbm>> -> memref<400xi32, #tpu.memory_space<hbm>>
          %dma_wait3A_91 = tpu.memref_slice %arg6[%add3A_56] : memref<1760000xi32, #tpu.memory_space<hbm>> -> memref<400xi32, #tpu.memory_space<hbm>>
          tpu.wait_dma2 semaphore(%run_scoped3A : memref<!tpu.dma_semaphore, #tpu.memory_space<semaphore_mem>>) src(%dma_wait3A_91 : memref<400xi32, #tpu.memory_space<hbm>>) dst(%arg12 : memref<400xi32, #tpu.memory_space<vmem>>)
          tpu.yield
        }) : () -> ()
        %dma_start3A_74 = arith.constant 0 : i32
        %dma_start3A_75 = arith.constant 0 : i32
        %dma_start3A_76 = tpu.memref_slice %arg3[%dma_start3A_74, %dma_start3A_75] : memref<221184x64xf32, #tpu.memory_space<hbm>> -> memref<221184x64xf32, #tpu.memory_space<hbm>>
        tpu.enqueue_indirect_dma source(%dma_start3A_76 : memref<221184x64xf32, #tpu.memory_space<hbm>>) target(%arg14 : memref<400x64xf32, #tpu.memory_space<vmem>>) offsets(%arg12 : memref<400xi32, #tpu.memory_space<vmem>>) semaphore(%arg19 : memref<!tpu.dma_semaphore, #tpu.memory_space<semaphore_mem>>)
        %dma_wait3A_77 = arith.constant 0 : i32
        %dma_wait3A_78 = arith.constant 0 : i32
        %dma_wait3A_79 = tpu.memref_slice %arg3[%dma_wait3A_77, %dma_wait3A_78] : memref<221184x64xf32, #tpu.memory_space<hbm>> -> memref<221184x64xf32, #tpu.memory_space<hbm>>
        tpu.wait_indirect_dma semaphore(%arg19 : memref<!tpu.dma_semaphore, #tpu.memory_space<semaphore_mem>>) src(%dma_wait3A_79 : memref<221184x64xf32, #tpu.memory_space<hbm>>) dst(%arg14 : memref<400x64xf32, #tpu.memory_space<vmem>>)
        %scan3A_80 = arith.constant 0 : i32
        %scan3A_81 = arith.constant 0 : i32
        %scan3A_82 = arith.constant 25 : i32
        %scan3A_83 = arith.addi %scan3A_81, %scan3A_82 : i32
        %scan3A_84 = arith.constant 1 : i32
        %scan3A_85 = scf.for %scan3A_88 = %scan3A_81 to %scan3A_83 step %scan3A_84 iter_args(%scan3A_89 = %scan3A_80) -> (i32)  : i32 {
          %mul3A_90 = arith.constant 16 : i32
          %mul3A_91 = arith.muli %scan3A_88, %mul3A_90 : i32
          %add3A_92 = vector.broadcast %mul3A_91 : i32 to vector<16xi32>
          %add3A_93 = arith.addi %add3A_92, %iota3A : vector<16xi32>
          %mul3A_94 = arith.constant 16 : i32
          %mul3A_95 = arith.muli %scan3A_88, %mul3A_94 : i32
          %get3A = arith.index_cast %mul3A_95 : i32 to index
          %get3A_96 = tpu.vector_load %arg15[%get3A] {strides = array<i32>} : memref<400xf32, #tpu.memory_space<vmem>>, vector<16xf32>,
          %broadcast_in_dim3A = arith.constant 0 : i32
          %broadcast_in_dim3A_97 = vector.broadcast %broadcast_in_dim3A : i32 to vector<16xi32>
          %gather3A = tpu.vector_load_idx %arg14[%add3A_93, %broadcast_in_dim3A_97] : memref<400x64xf32, #tpu.memory_space<vmem>>[vector<16xi32>, vector<16xi32>], vector<16xf32>,
          %mul3A_98 = arith.mulf %gather3A, %get3A_96 : vector<16xf32>
          tpu.vector_store_idx %arg14[%add3A_93, %broadcast_in_dim3A_97], %mul3A_98 : memref<400x64xf32, #tpu.memory_space<vmem>>[vector<16xi32>, vector<16xi32>], vector<16xf32>,
          %broadcast_in_dim3A_99 = arith.constant 1 : i32
          %broadcast_in_dim3A_100 = vector.broadcast %broadcast_in_dim3A_99 : i32 to vector<16xi32>
          %gather3A_101 = tpu.vector_load_idx %arg14[%add3A_93, %broadcast_in_dim3A_100] : memref<400x64xf32, #tpu.memory_space<vmem>>[vector<16xi32>, vector<16xi32>], vector<16xf32>,
          %mul3A_102 = arith.mulf %gather3A_101, %get3A_96 : vector<16xf32>
          tpu.vector_store_idx %arg14[%add3A_93, %broadcast_in_dim3A_100], %mul3A_102 : memref<400x64xf32, #tpu.memory_space<vmem>>[vector<16xi32>, vector<16xi32>], vector<16xf32>,
          %broadcast_in_dim3A_103 = arith.constant 2 : i32
          %broadcast_in_dim3A_104 = vector.broadcast %broadcast_in_dim3A_103 : i32 to vector<16xi32>
          %gather3A_105 = tpu.vector_load_idx %arg14[%add3A_93, %broadcast_in_dim3A_104] : memref<400x64xf32, #tpu.memory_space<vmem>>[vector<16xi32>, vector<16xi32>], vector<16xf32>,
          %mul3A_106 = arith.mulf %gather3A_105, %get3A_96 : vector<16xf32>
          tpu.vector_store_idx %arg14[%add3A_93, %broadcast_in_dim3A_104], %mul3A_106 : memref<400x64xf32, #tpu.memory_space<vmem>>[vector<16xi32>, vector<16xi32>], vector<16xf32>,
          %broadcast_in_dim3A_107 = arith.constant 3 : i32
          %broadcast_in_dim3A_108 = vector.broadcast %broadcast_in_dim3A_107 : i32 to vector<16xi32>
          %gather3A_109 = tpu.vector_load_idx %arg14[%add3A_93, %broadcast_in_dim3A_108] : memref<400x64xf32, #tpu.memory_space<vmem>>[vector<16xi32>, vector<16xi32>], vector<16xf32>,
          %mul3A_110 = arith.mulf %gather3A_109, %get3A_96 : vector<16xf32>
          tpu.vector_store_idx %arg14[%add3A_93, %broadcast_in_dim3A_108], %mul3A_110 : memref<400x64xf32, #tpu.memory_space<vmem>>[vector<16xi32>, vector<16xi32>], vector<16xf32>,
          %broadcast_in_dim3A_111 = arith.constant 4 : i32
          %broadcast_in_dim3A_112 = vector.broadcast %broadcast_in_dim3A_111 : i32 to vector<16xi32>
          %gather3A_113 = tpu.vector_load_idx %arg14[%add3A_93, %broadcast_in_dim3A_112] : memref<400x64xf32, #tpu.memory_space<vmem>>[vector<16xi32>, vector<16xi32>], vector<16xf32>,
          %mul3A_114 = arith.mulf %gather3A_113, %get3A_96 : vector<16xf32>
          tpu.vector_store_idx %arg14[%add3A_93, %broadcast_in_dim3A_112], %mul3A_114 : memref<400x64xf32, #tpu.memory_space<vmem>>[vector<16xi32>, vector<16xi32>], vector<16xf32>,
          %broadcast_in_dim3A_115 = arith.constant 5 : i32
          %broadcast_in_dim3A_116 = vector.broadcast %broadcast_in_dim3A_115 : i32 to vector<16xi32>
          %gather3A_117 = tpu.vector_load_idx %arg14[%add3A_93, %broadcast_in_dim3A_116] : memref<400x64xf32, #tpu.memory_space<vmem>>[vector<16xi32>, vector<16xi32>], vector<16xf32>,
          %mul3A_118 = arith.mulf %gather3A_117, %get3A_96 : vector<16xf32>
          tpu.vector_store_idx %arg14[%add3A_93, %broadcast_in_dim3A_116], %mul3A_118 : memref<400x64xf32, #tpu.memory_space<vmem>>[vector<16xi32>, vector<16xi32>], vector<16xf32>,
          %broadcast_in_dim3A_119 = arith.constant 6 : i32
          %broadcast_in_dim3A_120 = vector.broadcast %broadcast_in_dim3A_119 : i32 to vector<16xi32>
          %gather3A_121 = tpu.vector_load_idx %arg14[%add3A_93, %broadcast_in_dim3A_120] : memref<400x64xf32, #tpu.memory_space<vmem>>[vector<16xi32>, vector<16xi32>], vector<16xf32>,
          %mul3A_122 = arith.mulf %gather3A_121, %get3A_96 : vector<16xf32>
          tpu.vector_store_idx %arg14[%add3A_93, %broadcast_in_dim3A_120], %mul3A_122 : memref<400x64xf32, #tpu.memory_space<vmem>>[vector<16xi32>, vector<16xi32>], vector<16xf32>,
          %broadcast_in_dim3A_123 = arith.constant 7 : i32
          %broadcast_in_dim3A_124 = vector.broadcast %broadcast_in_dim3A_123 : i32 to vector<16xi32>
          %gather3A_125 = tpu.vector_load_idx %arg14[%add3A_93, %broadcast_in_dim3A_124] : memref<400x64xf32, #tpu.memory_space<vmem>>[vector<16xi32>, vector<16xi32>], vector<16xf32>,
          %mul3A_126 = arith.mulf %gather3A_125, %get3A_96 : vector<16xf32>
          tpu.vector_store_idx %arg14[%add3A_93, %broadcast_in_dim3A_124], %mul3A_126 : memref<400x64xf32, #tpu.memory_space<vmem>>[vector<16xi32>, vector<16xi32>], vector<16xf32>,
          %broadcast_in_dim3A_127 = arith.constant 8 : i32
          %broadcast_in_dim3A_128 = vector.broadcast %broadcast_in_dim3A_127 : i32 to vector<16xi32>
          %gather3A_129 = tpu.vector_load_idx %arg14[%add3A_93, %broadcast_in_dim3A_128] : memref<400x64xf32, #tpu.memory_space<vmem>>[vector<16xi32>, vector<16xi32>], vector<16xf32>,
          %mul3A_130 = arith.mulf %gather3A_129, %get3A_96 : vector<16xf32>
          tpu.vector_store_idx %arg14[%add3A_93, %broadcast_in_dim3A_128], %mul3A_130 : memref<400x64xf32, #tpu.memory_space<vmem>>[vector<16xi32>, vector<16xi32>], vector<16xf32>,
          %broadcast_in_dim3A_131 = arith.constant 9 : i32
          %broadcast_in_dim3A_132 = vector.broadcast %broadcast_in_dim3A_131 : i32 to vector<16xi32>
          %gather3A_133 = tpu.vector_load_idx %arg14[%add3A_93, %broadcast_in_dim3A_132] : memref<400x64xf32, #tpu.memory_space<vmem>>[vector<16xi32>, vector<16xi32>], vector<16xf32>,
          %mul3A_134 = arith.mulf %gather3A_133, %get3A_96 : vector<16xf32>
          tpu.vector_store_idx %arg14[%add3A_93, %broadcast_in_dim3A_132], %mul3A_134 : memref<400x64xf32, #tpu.memory_space<vmem>>[vector<16xi32>, vector<16xi32>], vector<16xf32>,
          %broadcast_in_dim3A_135 = arith.constant 10 : i32
          %broadcast_in_dim3A_136 = vector.broadcast %broadcast_in_dim3A_135 : i32 to vector<16xi32>
          %gather3A_137 = tpu.vector_load_idx %arg14[%add3A_93, %broadcast_in_dim3A_136] : memref<400x64xf32, #tpu.memory_space<vmem>>[vector<16xi32>, vector<16xi32>], vector<16xf32>,
          %mul3A_138 = arith.mulf %gather3A_137, %get3A_96 : vector<16xf32>
          tpu.vector_store_idx %arg14[%add3A_93, %broadcast_in_dim3A_136], %mul3A_138 : memref<400x64xf32, #tpu.memory_space<vmem>>[vector<16xi32>, vector<16xi32>], vector<16xf32>,
          %broadcast_in_dim3A_139 = arith.constant 11 : i32
          %broadcast_in_dim3A_140 = vector.broadcast %broadcast_in_dim3A_139 : i32 to vector<16xi32>
          %gather3A_141 = tpu.vector_load_idx %arg14[%add3A_93, %broadcast_in_dim3A_140] : memref<400x64xf32, #tpu.memory_space<vmem>>[vector<16xi32>, vector<16xi32>], vector<16xf32>,
          %mul3A_142 = arith.mulf %gather3A_141, %get3A_96 : vector<16xf32>
          tpu.vector_store_idx %arg14[%add3A_93, %broadcast_in_dim3A_140], %mul3A_142 : memref<400x64xf32, #tpu.memory_space<vmem>>[vector<16xi32>, vector<16xi32>], vector<16xf32>,
          %broadcast_in_dim3A_143 = arith.constant 12 : i32
          %broadcast_in_dim3A_144 = vector.broadcast %broadcast_in_dim3A_143 : i32 to vector<16xi32>
          %gather3A_145 = tpu.vector_load_idx %arg14[%add3A_93, %broadcast_in_dim3A_144] : memref<400x64xf32, #tpu.memory_space<vmem>>[vector<16xi32>, vector<16xi32>], vector<16xf32>,
          %mul3A_146 = arith.mulf %gather3A_145, %get3A_96 : vector<16xf32>
          tpu.vector_store_idx %arg14[%add3A_93, %broadcast_in_dim3A_144], %mul3A_146 : memref<400x64xf32, #tpu.memory_space<vmem>>[vector<16xi32>, vector<16xi32>], vector<16xf32>,
          %broadcast_in_dim3A_147 = arith.constant 13 : i32
          %broadcast_in_dim3A_148 = vector.broadcast %broadcast_in_dim3A_147 : i32 to vector<16xi32>
          %gather3A_149 = tpu.vector_load_idx %arg14[%add3A_93, %broadcast_in_dim3A_148] : memref<400x64xf32, #tpu.memory_space<vmem>>[vector<16xi32>, vector<16xi32>], vector<16xf32>,
          %mul3A_150 = arith.mulf %gather3A_149, %get3A_96 : vector<16xf32>
          tpu.vector_store_idx %arg14[%add3A_93, %broadcast_in_dim3A_148], %mul3A_150 : memref<400x64xf32, #tpu.memory_space<vmem>>[vector<16xi32>, vector<16xi32>], vector<16xf32>,
          %broadcast_in_dim3A_151 = arith.constant 14 : i32
          %broadcast_in_dim3A_152 = vector.broadcast %broadcast_in_dim3A_151 : i32 to vector<16xi32>
          %gather3A_153 = tpu.vector_load_idx %arg14[%add3A_93, %broadcast_in_dim3A_152] : memref<400x64xf32, #tpu.memory_space<vmem>>[vector<16xi32>, vector<16xi32>], vector<16xf32>,
          %mul3A_154 = arith.mulf %gather3A_153, %get3A_96 : vector<16xf32>
          tpu.vector_store_idx %arg14[%add3A_93, %broadcast_in_dim3A_152], %mul3A_154 : memref<400x64xf32, #tpu.memory_space<vmem>>[vector<16xi32>, vector<16xi32>], vector<16xf32>,
          %broadcast_in_dim3A_155 = arith.constant 15 : i32
          %broadcast_in_dim3A_156 = vector.broadcast %broadcast_in_dim3A_155 : i32 to vector<16xi32>
          %gather3A_157 = tpu.vector_load_idx %arg14[%add3A_93, %broadcast_in_dim3A_156] : memref<400x64xf32, #tpu.memory_space<vmem>>[vector<16xi32>, vector<16xi32>], vector<16xf32>,
          %mul3A_158 = arith.mulf %gather3A_157, %get3A_96 : vector<16xf32>
          tpu.vector_store_idx %arg14[%add3A_93, %broadcast_in_dim3A_156], %mul3A_158 : memref<400x64xf32, #tpu.memory_space<vmem>>[vector<16xi32>, vector<16xi32>], vector<16xf32>,
          %broadcast_in_dim3A_159 = arith.constant 16 : i32
          %broadcast_in_dim3A_160 = vector.broadcast %broadcast_in_dim3A_159 : i32 to vector<16xi32>
          %gather3A_161 = tpu.vector_load_idx %arg14[%add3A_93, %broadcast_in_dim3A_160] : memref<400x64xf32, #tpu.memory_space<vmem>>[vector<16xi32>, vector<16xi32>], vector<16xf32>,
          %mul3A_162 = arith.mulf %gather3A_161, %get3A_96 : vector<16xf32>
          tpu.vector_store_idx %arg14[%add3A_93, %broadcast_in_dim3A_160], %mul3A_162 : memref<400x64xf32, #tpu.memory_space<vmem>>[vector<16xi32>, vector<16xi32>], vector<16xf32>,
          %broadcast_in_dim3A_163 = arith.constant 17 : i32
          %broadcast_in_dim3A_164 = vector.broadcast %broadcast_in_dim3A_163 : i32 to vector<16xi32>
          %gather3A_165 = tpu.vector_load_idx %arg14[%add3A_93, %broadcast_in_dim3A_164] : memref<400x64xf32, #tpu.memory_space<vmem>>[vector<16xi32>, vector<16xi32>], vector<16xf32>,
          %mul3A_166 = arith.mulf %gather3A_165, %get3A_96 : vector<16xf32>
          tpu.vector_store_idx %arg14[%add3A_93, %broadcast_in_dim3A_164], %mul3A_166 : memref<400x64xf32, #tpu.memory_space<vmem>>[vector<16xi32>, vector<16xi32>], vector<16xf32>,
          %broadcast_in_dim3A_167 = arith.constant 18 : i32
          %broadcast_in_dim3A_168 = vector.broadcast %broadcast_in_dim3A_167 : i32 to vector<16xi32>
          %gather3A_169 = tpu.vector_load_idx %arg14[%add3A_93, %broadcast_in_dim3A_168] : memref<400x64xf32, #tpu.memory_space<vmem>>[vector<16xi32>, vector<16xi32>], vector<16xf32>,
          %mul3A_170 = arith.mulf %gather3A_169, %get3A_96 : vector<16xf32>
          tpu.vector_store_idx %arg14[%add3A_93, %broadcast_in_dim3A_168], %mul3A_170 : memref<400x64xf32, #tpu.memory_space<vmem>>[vector<16xi32>, vector<16xi32>], vector<16xf32>,
          %broadcast_in_dim3A_171 = arith.constant 19 : i32
          %broadcast_in_dim3A_172 = vector.broadcast %broadcast_in_dim3A_171 : i32 to vector<16xi32>
          %gather3A_173 = tpu.vector_load_idx %arg14[%add3A_93, %broadcast_in_dim3A_172] : memref<400x64xf32, #tpu.memory_space<vmem>>[vector<16xi32>, vector<16xi32>], vector<16xf32>,
          %mul3A_174 = arith.mulf %gather3A_173, %get3A_96 : vector<16xf32>
          tpu.vector_store_idx %arg14[%add3A_93, %broadcast_in_dim3A_172], %mul3A_174 : memref<400x64xf32, #tpu.memory_space<vmem>>[vector<16xi32>, vector<16xi32>], vector<16xf32>,
          %broadcast_in_dim3A_175 = arith.constant 20 : i32
          %broadcast_in_dim3A_176 = vector.broadcast %broadcast_in_dim3A_175 : i32 to vector<16xi32>
          %gather3A_177 = tpu.vector_load_idx %arg14[%add3A_93, %broadcast_in_dim3A_176] : memref<400x64xf32, #tpu.memory_space<vmem>>[vector<16xi32>, vector<16xi32>], vector<16xf32>,
          %mul3A_178 = arith.mulf %gather3A_177, %get3A_96 : vector<16xf32>
          tpu.vector_store_idx %arg14[%add3A_93, %broadcast_in_dim3A_176], %mul3A_178 : memref<400x64xf32, #tpu.memory_space<vmem>>[vector<16xi32>, vector<16xi32>], vector<16xf32>,
          %broadcast_in_dim3A_179 = arith.constant 21 : i32
          %broadcast_in_dim3A_180 = vector.broadcast %broadcast_in_dim3A_179 : i32 to vector<16xi32>
          %gather3A_181 = tpu.vector_load_idx %arg14[%add3A_93, %broadcast_in_dim3A_180] : memref<400x64xf32, #tpu.memory_space<vmem>>[vector<16xi32>, vector<16xi32>], vector<16xf32>,
          %mul3A_182 = arith.mulf %gather3A_181, %get3A_96 : vector<16xf32>
          tpu.vector_store_idx %arg14[%add3A_93, %broadcast_in_dim3A_180], %mul3A_182 : memref<400x64xf32, #tpu.memory_space<vmem>>[vector<16xi32>, vector<16xi32>], vector<16xf32>,
          %broadcast_in_dim3A_183 = arith.constant 22 : i32
          %broadcast_in_dim3A_184 = vector.broadcast %broadcast_in_dim3A_183 : i32 to vector<16xi32>
          %gather3A_185 = tpu.vector_load_idx %arg14[%add3A_93, %broadcast_in_dim3A_184] : memref<400x64xf32, #tpu.memory_space<vmem>>[vector<16xi32>, vector<16xi32>], vector<16xf32>,
          %mul3A_186 = arith.mulf %gather3A_185, %get3A_96 : vector<16xf32>
          tpu.vector_store_idx %arg14[%add3A_93, %broadcast_in_dim3A_184], %mul3A_186 : memref<400x64xf32, #tpu.memory_space<vmem>>[vector<16xi32>, vector<16xi32>], vector<16xf32>,
          %broadcast_in_dim3A_187 = arith.constant 23 : i32
          %broadcast_in_dim3A_188 = vector.broadcast %broadcast_in_dim3A_187 : i32 to vector<16xi32>
          %gather3A_189 = tpu.vector_load_idx %arg14[%add3A_93, %broadcast_in_dim3A_188] : memref<400x64xf32, #tpu.memory_space<vmem>>[vector<16xi32>, vector<16xi32>], vector<16xf32>,
          %mul3A_190 = arith.mulf %gather3A_189, %get3A_96 : vector<16xf32>
          tpu.vector_store_idx %arg14[%add3A_93, %broadcast_in_dim3A_188], %mul3A_190 : memref<400x64xf32, #tpu.memory_space<vmem>>[vector<16xi32>, vector<16xi32>], vector<16xf32>,
          %broadcast_in_dim3A_191 = arith.constant 24 : i32
          %broadcast_in_dim3A_192 = vector.broadcast %broadcast_in_dim3A_191 : i32 to vector<16xi32>
          %gather3A_193 = tpu.vector_load_idx %arg14[%add3A_93, %broadcast_in_dim3A_192] : memref<400x64xf32, #tpu.memory_space<vmem>>[vector<16xi32>, vector<16xi32>], vector<16xf32>,
          %mul3A_194 = arith.mulf %gather3A_193, %get3A_96 : vector<16xf32>
          tpu.vector_store_idx %arg14[%add3A_93, %broadcast_in_dim3A_192], %mul3A_194 : memref<400x64xf32, #tpu.memory_space<vmem>>[vector<16xi32>, vector<16xi32>], vector<16xf32>,
          %broadcast_in_dim3A_195 = arith.constant 25 : i32
          %broadcast_in_dim3A_196 = vector.broadcast %broadcast_in_dim3A_195 : i32 to vector<16xi32>
          %gather3A_197 = tpu.vector_load_idx %arg14[%add3A_93, %broadcast_in_dim3A_196] : memref<400x64xf32, #tpu.memory_space<vmem>>[vector<16xi32>, vector<16xi32>], vector<16xf32>,
          %mul3A_198 = arith.mulf %gather3A_197, %get3A_96 : vector<16xf32>
          tpu.vector_store_idx %arg14[%add3A_93, %broadcast_in_dim3A_196], %mul3A_198 : memref<400x64xf32, #tpu.memory_space<vmem>>[vector<16xi32>, vector<16xi32>], vector<16xf32>,
          %broadcast_in_dim3A_199 = arith.constant 26 : i32
          %broadcast_in_dim3A_200 = vector.broadcast %broadcast_in_dim3A_199 : i32 to vector<16xi32>
          %gather3A_201 = tpu.vector_load_idx %arg14[%add3A_93, %broadcast_in_dim3A_200] : memref<400x64xf32, #tpu.memory_space<vmem>>[vector<16xi32>, vector<16xi32>], vector<16xf32>,
          %mul3A_202 = arith.mulf %gather3A_201, %get3A_96 : vector<16xf32>
          tpu.vector_store_idx %arg14[%add3A_93, %broadcast_in_dim3A_200], %mul3A_202 : memref<400x64xf32, #tpu.memory_space<vmem>>[vector<16xi32>, vector<16xi32>], vector<16xf32>,
          %broadcast_in_dim3A_203 = arith.constant 27 : i32
          %broadcast_in_dim3A_204 = vector.broadcast %broadcast_in_dim3A_203 : i32 to vector<16xi32>
          %gather3A_205 = tpu.vector_load_idx %arg14[%add3A_93, %broadcast_in_dim3A_204] : memref<400x64xf32, #tpu.memory_space<vmem>>[vector<16xi32>, vector<16xi32>], vector<16xf32>,
          %mul3A_206 = arith.mulf %gather3A_205, %get3A_96 : vector<16xf32>
          tpu.vector_store_idx %arg14[%add3A_93, %broadcast_in_dim3A_204], %mul3A_206 : memref<400x64xf32, #tpu.memory_space<vmem>>[vector<16xi32>, vector<16xi32>], vector<16xf32>,
          %broadcast_in_dim3A_207 = arith.constant 28 : i32
          %broadcast_in_dim3A_208 = vector.broadcast %broadcast_in_dim3A_207 : i32 to vector<16xi32>
          %gather3A_209 = tpu.vector_load_idx %arg14[%add3A_93, %broadcast_in_dim3A_208] : memref<400x64xf32, #tpu.memory_space<vmem>>[vector<16xi32>, vector<16xi32>], vector<16xf32>,
          %mul3A_210 = arith.mulf %gather3A_209, %get3A_96 : vector<16xf32>
          tpu.vector_store_idx %arg14[%add3A_93, %broadcast_in_dim3A_208], %mul3A_210 : memref<400x64xf32, #tpu.memory_space<vmem>>[vector<16xi32>, vector<16xi32>], vector<16xf32>,
          %broadcast_in_dim3A_211 = arith.constant 29 : i32
          %broadcast_in_dim3A_212 = vector.broadcast %broadcast_in_dim3A_211 : i32 to vector<16xi32>
          %gather3A_213 = tpu.vector_load_idx %arg14[%add3A_93, %broadcast_in_dim3A_212] : memref<400x64xf32, #tpu.memory_space<vmem>>[vector<16xi32>, vector<16xi32>], vector<16xf32>,
          %mul3A_214 = arith.mulf %gather3A_213, %get3A_96 : vector<16xf32>
          tpu.vector_store_idx %arg14[%add3A_93, %broadcast_in_dim3A_212], %mul3A_214 : memref<400x64xf32, #tpu.memory_space<vmem>>[vector<16xi32>, vector<16xi32>], vector<16xf32>,
          %broadcast_in_dim3A_215 = arith.constant 30 : i32
          %broadcast_in_dim3A_216 = vector.broadcast %broadcast_in_dim3A_215 : i32 to vector<16xi32>
          %gather3A_217 = tpu.vector_load_idx %arg14[%add3A_93, %broadcast_in_dim3A_216] : memref<400x64xf32, #tpu.memory_space<vmem>>[vector<16xi32>, vector<16xi32>], vector<16xf32>,
          %mul3A_218 = arith.mulf %gather3A_217, %get3A_96 : vector<16xf32>
          tpu.vector_store_idx %arg14[%add3A_93, %broadcast_in_dim3A_216], %mul3A_218 : memref<400x64xf32, #tpu.memory_space<vmem>>[vector<16xi32>, vector<16xi32>], vector<16xf32>,
          %broadcast_in_dim3A_219 = arith.constant 31 : i32
          %broadcast_in_dim3A_220 = vector.broadcast %broadcast_in_dim3A_219 : i32 to vector<16xi32>
          %gather3A_221 = tpu.vector_load_idx %arg14[%add3A_93, %broadcast_in_dim3A_220] : memref<400x64xf32, #tpu.memory_space<vmem>>[vector<16xi32>, vector<16xi32>], vector<16xf32>,
          %mul3A_222 = arith.mulf %gather3A_221, %get3A_96 : vector<16xf32>
          tpu.vector_store_idx %arg14[%add3A_93, %broadcast_in_dim3A_220], %mul3A_222 : memref<400x64xf32, #tpu.memory_space<vmem>>[vector<16xi32>, vector<16xi32>], vector<16xf32>,
          %broadcast_in_dim3A_223 = arith.constant 32 : i32
          %broadcast_in_dim3A_224 = vector.broadcast %broadcast_in_dim3A_223 : i32 to vector<16xi32>
          %gather3A_225 = tpu.vector_load_idx %arg14[%add3A_93, %broadcast_in_dim3A_224] : memref<400x64xf32, #tpu.memory_space<vmem>>[vector<16xi32>, vector<16xi32>], vector<16xf32>,
          %mul3A_226 = arith.mulf %gather3A_225, %get3A_96 : vector<16xf32>
          tpu.vector_store_idx %arg14[%add3A_93, %broadcast_in_dim3A_224], %mul3A_226 : memref<400x64xf32, #tpu.memory_space<vmem>>[vector<16xi32>, vector<16xi32>], vector<16xf32>,
          %broadcast_in_dim3A_227 = arith.constant 33 : i32
          %broadcast_in_dim3A_228 = vector.broadcast %broadcast_in_dim3A_227 : i32 to vector<16xi32>
          %gather3A_229 = tpu.vector_load_idx %arg14[%add3A_93, %broadcast_in_dim3A_228] : memref<400x64xf32, #tpu.memory_space<vmem>>[vector<16xi32>, vector<16xi32>], vector<16xf32>,
          %mul3A_230 = arith.mulf %gather3A_229, %get3A_96 : vector<16xf32>
          tpu.vector_store_idx %arg14[%add3A_93, %broadcast_in_dim3A_228], %mul3A_230 : memref<400x64xf32, #tpu.memory_space<vmem>>[vector<16xi32>, vector<16xi32>], vector<16xf32>,
          %broadcast_in_dim3A_231 = arith.constant 34 : i32
          %broadcast_in_dim3A_232 = vector.broadcast %broadcast_in_dim3A_231 : i32 to vector<16xi32>
          %gather3A_233 = tpu.vector_load_idx %arg14[%add3A_93, %broadcast_in_dim3A_232] : memref<400x64xf32, #tpu.memory_space<vmem>>[vector<16xi32>, vector<16xi32>], vector<16xf32>,
          %mul3A_234 = arith.mulf %gather3A_233, %get3A_96 : vector<16xf32>
          tpu.vector_store_idx %arg14[%add3A_93, %broadcast_in_dim3A_232], %mul3A_234 : memref<400x64xf32, #tpu.memory_space<vmem>>[vector<16xi32>, vector<16xi32>], vector<16xf32>,
          %broadcast_in_dim3A_235 = arith.constant 35 : i32
          %broadcast_in_dim3A_236 = vector.broadcast %broadcast_in_dim3A_235 : i32 to vector<16xi32>
          %gather3A_237 = tpu.vector_load_idx %arg14[%add3A_93, %broadcast_in_dim3A_236] : memref<400x64xf32, #tpu.memory_space<vmem>>[vector<16xi32>, vector<16xi32>], vector<16xf32>,
          %mul3A_238 = arith.mulf %gather3A_237, %get3A_96 : vector<16xf32>
          tpu.vector_store_idx %arg14[%add3A_93, %broadcast_in_dim3A_236], %mul3A_238 : memref<400x64xf32, #tpu.memory_space<vmem>>[vector<16xi32>, vector<16xi32>], vector<16xf32>,
          %broadcast_in_dim3A_239 = arith.constant 36 : i32
          %broadcast_in_dim3A_240 = vector.broadcast %broadcast_in_dim3A_239 : i32 to vector<16xi32>
          %gather3A_241 = tpu.vector_load_idx %arg14[%add3A_93, %broadcast_in_dim3A_240] : memref<400x64xf32, #tpu.memory_space<vmem>>[vector<16xi32>, vector<16xi32>], vector<16xf32>,
          %mul3A_242 = arith.mulf %gather3A_241, %get3A_96 : vector<16xf32>
          tpu.vector_store_idx %arg14[%add3A_93, %broadcast_in_dim3A_240], %mul3A_242 : memref<400x64xf32, #tpu.memory_space<vmem>>[vector<16xi32>, vector<16xi32>], vector<16xf32>,
          %broadcast_in_dim3A_243 = arith.constant 37 : i32
          %broadcast_in_dim3A_244 = vector.broadcast %broadcast_in_dim3A_243 : i32 to vector<16xi32>
          %gather3A_245 = tpu.vector_load_idx %arg14[%add3A_93, %broadcast_in_dim3A_244] : memref<400x64xf32, #tpu.memory_space<vmem>>[vector<16xi32>, vector<16xi32>], vector<16xf32>,
          %mul3A_246 = arith.mulf %gather3A_245, %get3A_96 : vector<16xf32>
          tpu.vector_store_idx %arg14[%add3A_93, %broadcast_in_dim3A_244], %mul3A_246 : memref<400x64xf32, #tpu.memory_space<vmem>>[vector<16xi32>, vector<16xi32>], vector<16xf32>,
          %broadcast_in_dim3A_247 = arith.constant 38 : i32
          %broadcast_in_dim3A_248 = vector.broadcast %broadcast_in_dim3A_247 : i32 to vector<16xi32>
          %gather3A_249 = tpu.vector_load_idx %arg14[%add3A_93, %broadcast_in_dim3A_248] : memref<400x64xf32, #tpu.memory_space<vmem>>[vector<16xi32>, vector<16xi32>], vector<16xf32>,
          %mul3A_250 = arith.mulf %gather3A_249, %get3A_96 : vector<16xf32>
          tpu.vector_store_idx %arg14[%add3A_93, %broadcast_in_dim3A_248], %mul3A_250 : memref<400x64xf32, #tpu.memory_space<vmem>>[vector<16xi32>, vector<16xi32>], vector<16xf32>,
          %broadcast_in_dim3A_251 = arith.constant 39 : i32
          %broadcast_in_dim3A_252 = vector.broadcast %broadcast_in_dim3A_251 : i32 to vector<16xi32>
          %gather3A_253 = tpu.vector_load_idx %arg14[%add3A_93, %broadcast_in_dim3A_252] : memref<400x64xf32, #tpu.memory_space<vmem>>[vector<16xi32>, vector<16xi32>], vector<16xf32>,
          %mul3A_254 = arith.mulf %gather3A_253, %get3A_96 : vector<16xf32>
          tpu.vector_store_idx %arg14[%add3A_93, %broadcast_in_dim3A_252], %mul3A_254 : memref<400x64xf32, #tpu.memory_space<vmem>>[vector<16xi32>, vector<16xi32>], vector<16xf32>,
          %broadcast_in_dim3A_255 = arith.constant 40 : i32
          %broadcast_in_dim3A_256 = vector.broadcast %broadcast_in_dim3A_255 : i32 to vector<16xi32>
          %gather3A_257 = tpu.vector_load_idx %arg14[%add3A_93, %broadcast_in_dim3A_256] : memref<400x64xf32, #tpu.memory_space<vmem>>[vector<16xi32>, vector<16xi32>], vector<16xf32>,
          %mul3A_258 = arith.mulf %gather3A_257, %get3A_96 : vector<16xf32>
          tpu.vector_store_idx %arg14[%add3A_93, %broadcast_in_dim3A_256], %mul3A_258 : memref<400x64xf32, #tpu.memory_space<vmem>>[vector<16xi32>, vector<16xi32>], vector<16xf32>,
          %broadcast_in_dim3A_259 = arith.constant 41 : i32
          %broadcast_in_dim3A_260 = vector.broadcast %broadcast_in_dim3A_259 : i32 to vector<16xi32>
          %gather3A_261 = tpu.vector_load_idx %arg14[%add3A_93, %broadcast_in_dim3A_260] : memref<400x64xf32, #tpu.memory_space<vmem>>[vector<16xi32>, vector<16xi32>], vector<16xf32>,
          %mul3A_262 = arith.mulf %gather3A_261, %get3A_96 : vector<16xf32>
          tpu.vector_store_idx %arg14[%add3A_93, %broadcast_in_dim3A_260], %mul3A_262 : memref<400x64xf32, #tpu.memory_space<vmem>>[vector<16xi32>, vector<16xi32>], vector<16xf32>,
          %broadcast_in_dim3A_263 = arith.constant 42 : i32
          %broadcast_in_dim3A_264 = vector.broadcast %broadcast_in_dim3A_263 : i32 to vector<16xi32>
          %gather3A_265 = tpu.vector_load_idx %arg14[%add3A_93, %broadcast_in_dim3A_264] : memref<400x64xf32, #tpu.memory_space<vmem>>[vector<16xi32>, vector<16xi32>], vector<16xf32>,
          %mul3A_266 = arith.mulf %gather3A_265, %get3A_96 : vector<16xf32>
          tpu.vector_store_idx %arg14[%add3A_93, %broadcast_in_dim3A_264], %mul3A_266 : memref<400x64xf32, #tpu.memory_space<vmem>>[vector<16xi32>, vector<16xi32>], vector<16xf32>,
          %broadcast_in_dim3A_267 = arith.constant 43 : i32
          %broadcast_in_dim3A_268 = vector.broadcast %broadcast_in_dim3A_267 : i32 to vector<16xi32>
          %gather3A_269 = tpu.vector_load_idx %arg14[%add3A_93, %broadcast_in_dim3A_268] : memref<400x64xf32, #tpu.memory_space<vmem>>[vector<16xi32>, vector<16xi32>], vector<16xf32>,
          %mul3A_270 = arith.mulf %gather3A_269, %get3A_96 : vector<16xf32>
          tpu.vector_store_idx %arg14[%add3A_93, %broadcast_in_dim3A_268], %mul3A_270 : memref<400x64xf32, #tpu.memory_space<vmem>>[vector<16xi32>, vector<16xi32>], vector<16xf32>,
          %broadcast_in_dim3A_271 = arith.constant 44 : i32
          %broadcast_in_dim3A_272 = vector.broadcast %broadcast_in_dim3A_271 : i32 to vector<16xi32>
          %gather3A_273 = tpu.vector_load_idx %arg14[%add3A_93, %broadcast_in_dim3A_272] : memref<400x64xf32, #tpu.memory_space<vmem>>[vector<16xi32>, vector<16xi32>], vector<16xf32>,
          %mul3A_274 = arith.mulf %gather3A_273, %get3A_96 : vector<16xf32>
          tpu.vector_store_idx %arg14[%add3A_93, %broadcast_in_dim3A_272], %mul3A_274 : memref<400x64xf32, #tpu.memory_space<vmem>>[vector<16xi32>, vector<16xi32>], vector<16xf32>,
          %broadcast_in_dim3A_275 = arith.constant 45 : i32
          %broadcast_in_dim3A_276 = vector.broadcast %broadcast_in_dim3A_275 : i32 to vector<16xi32>
          %gather3A_277 = tpu.vector_load_idx %arg14[%add3A_93, %broadcast_in_dim3A_276] : memref<400x64xf32, #tpu.memory_space<vmem>>[vector<16xi32>, vector<16xi32>], vector<16xf32>,
          %mul3A_278 = arith.mulf %gather3A_277, %get3A_96 : vector<16xf32>
          tpu.vector_store_idx %arg14[%add3A_93, %broadcast_in_dim3A_276], %mul3A_278 : memref<400x64xf32, #tpu.memory_space<vmem>>[vector<16xi32>, vector<16xi32>], vector<16xf32>,
          %broadcast_in_dim3A_279 = arith.constant 46 : i32
          %broadcast_in_dim3A_280 = vector.broadcast %broadcast_in_dim3A_279 : i32 to vector<16xi32>
          %gather3A_281 = tpu.vector_load_idx %arg14[%add3A_93, %broadcast_in_dim3A_280] : memref<400x64xf32, #tpu.memory_space<vmem>>[vector<16xi32>, vector<16xi32>], vector<16xf32>,
          %mul3A_282 = arith.mulf %gather3A_281, %get3A_96 : vector<16xf32>
          tpu.vector_store_idx %arg14[%add3A_93, %broadcast_in_dim3A_280], %mul3A_282 : memref<400x64xf32, #tpu.memory_space<vmem>>[vector<16xi32>, vector<16xi32>], vector<16xf32>,
          %broadcast_in_dim3A_283 = arith.constant 47 : i32
          %broadcast_in_dim3A_284 = vector.broadcast %broadcast_in_dim3A_283 : i32 to vector<16xi32>
          %gather3A_285 = tpu.vector_load_idx %arg14[%add3A_93, %broadcast_in_dim3A_284] : memref<400x64xf32, #tpu.memory_space<vmem>>[vector<16xi32>, vector<16xi32>], vector<16xf32>,
          %mul3A_286 = arith.mulf %gather3A_285, %get3A_96 : vector<16xf32>
          tpu.vector_store_idx %arg14[%add3A_93, %broadcast_in_dim3A_284], %mul3A_286 : memref<400x64xf32, #tpu.memory_space<vmem>>[vector<16xi32>, vector<16xi32>], vector<16xf32>,
          %broadcast_in_dim3A_287 = arith.constant 48 : i32
          %broadcast_in_dim3A_288 = vector.broadcast %broadcast_in_dim3A_287 : i32 to vector<16xi32>
          %gather3A_289 = tpu.vector_load_idx %arg14[%add3A_93, %broadcast_in_dim3A_288] : memref<400x64xf32, #tpu.memory_space<vmem>>[vector<16xi32>, vector<16xi32>], vector<16xf32>,
          %mul3A_290 = arith.mulf %gather3A_289, %get3A_96 : vector<16xf32>
          tpu.vector_store_idx %arg14[%add3A_93, %broadcast_in_dim3A_288], %mul3A_290 : memref<400x64xf32, #tpu.memory_space<vmem>>[vector<16xi32>, vector<16xi32>], vector<16xf32>,
          %broadcast_in_dim3A_291 = arith.constant 49 : i32
          %broadcast_in_dim3A_292 = vector.broadcast %broadcast_in_dim3A_291 : i32 to vector<16xi32>
          %gather3A_293 = tpu.vector_load_idx %arg14[%add3A_93, %broadcast_in_dim3A_292] : memref<400x64xf32, #tpu.memory_space<vmem>>[vector<16xi32>, vector<16xi32>], vector<16xf32>,
          %mul3A_294 = arith.mulf %gather3A_293, %get3A_96 : vector<16xf32>
          tpu.vector_store_idx %arg14[%add3A_93, %broadcast_in_dim3A_292], %mul3A_294 : memref<400x64xf32, #tpu.memory_space<vmem>>[vector<16xi32>, vector<16xi32>], vector<16xf32>,
          %broadcast_in_dim3A_295 = arith.constant 50 : i32
          %broadcast_in_dim3A_296 = vector.broadcast %broadcast_in_dim3A_295 : i32 to vector<16xi32>
          %gather3A_297 = tpu.vector_load_idx %arg14[%add3A_93, %broadcast_in_dim3A_296] : memref<400x64xf32, #tpu.memory_space<vmem>>[vector<16xi32>, vector<16xi32>], vector<16xf32>,
          %mul3A_298 = arith.mulf %gather3A_297, %get3A_96 : vector<16xf32>
          tpu.vector_store_idx %arg14[%add3A_93, %broadcast_in_dim3A_296], %mul3A_298 : memref<400x64xf32, #tpu.memory_space<vmem>>[vector<16xi32>, vector<16xi32>], vector<16xf32>,
          %broadcast_in_dim3A_299 = arith.constant 51 : i32
          %broadcast_in_dim3A_300 = vector.broadcast %broadcast_in_dim3A_299 : i32 to vector<16xi32>
          %gather3A_301 = tpu.vector_load_idx %arg14[%add3A_93, %broadcast_in_dim3A_300] : memref<400x64xf32, #tpu.memory_space<vmem>>[vector<16xi32>, vector<16xi32>], vector<16xf32>,
          %mul3A_302 = arith.mulf %gather3A_301, %get3A_96 : vector<16xf32>
          tpu.vector_store_idx %arg14[%add3A_93, %broadcast_in_dim3A_300], %mul3A_302 : memref<400x64xf32, #tpu.memory_space<vmem>>[vector<16xi32>, vector<16xi32>], vector<16xf32>,
          %broadcast_in_dim3A_303 = arith.constant 52 : i32
          %broadcast_in_dim3A_304 = vector.broadcast %broadcast_in_dim3A_303 : i32 to vector<16xi32>
          %gather3A_305 = tpu.vector_load_idx %arg14[%add3A_93, %broadcast_in_dim3A_304] : memref<400x64xf32, #tpu.memory_space<vmem>>[vector<16xi32>, vector<16xi32>], vector<16xf32>,
          %mul3A_306 = arith.mulf %gather3A_305, %get3A_96 : vector<16xf32>
          tpu.vector_store_idx %arg14[%add3A_93, %broadcast_in_dim3A_304], %mul3A_306 : memref<400x64xf32, #tpu.memory_space<vmem>>[vector<16xi32>, vector<16xi32>], vector<16xf32>,
          %broadcast_in_dim3A_307 = arith.constant 53 : i32
          %broadcast_in_dim3A_308 = vector.broadcast %broadcast_in_dim3A_307 : i32 to vector<16xi32>
          %gather3A_309 = tpu.vector_load_idx %arg14[%add3A_93, %broadcast_in_dim3A_308] : memref<400x64xf32, #tpu.memory_space<vmem>>[vector<16xi32>, vector<16xi32>], vector<16xf32>,
          %mul3A_310 = arith.mulf %gather3A_309, %get3A_96 : vector<16xf32>
          tpu.vector_store_idx %arg14[%add3A_93, %broadcast_in_dim3A_308], %mul3A_310 : memref<400x64xf32, #tpu.memory_space<vmem>>[vector<16xi32>, vector<16xi32>], vector<16xf32>,
          %broadcast_in_dim3A_311 = arith.constant 54 : i32
          %broadcast_in_dim3A_312 = vector.broadcast %broadcast_in_dim3A_311 : i32 to vector<16xi32>
          %gather3A_313 = tpu.vector_load_idx %arg14[%add3A_93, %broadcast_in_dim3A_312] : memref<400x64xf32, #tpu.memory_space<vmem>>[vector<16xi32>, vector<16xi32>], vector<16xf32>,
          %mul3A_314 = arith.mulf %gather3A_313, %get3A_96 : vector<16xf32>
          tpu.vector_store_idx %arg14[%add3A_93, %broadcast_in_dim3A_312], %mul3A_314 : memref<400x64xf32, #tpu.memory_space<vmem>>[vector<16xi32>, vector<16xi32>], vector<16xf32>,
          %broadcast_in_dim3A_315 = arith.constant 55 : i32
          %broadcast_in_dim3A_316 = vector.broadcast %broadcast_in_dim3A_315 : i32 to vector<16xi32>
          %gather3A_317 = tpu.vector_load_idx %arg14[%add3A_93, %broadcast_in_dim3A_316] : memref<400x64xf32, #tpu.memory_space<vmem>>[vector<16xi32>, vector<16xi32>], vector<16xf32>,
          %mul3A_318 = arith.mulf %gather3A_317, %get3A_96 : vector<16xf32>
          tpu.vector_store_idx %arg14[%add3A_93, %broadcast_in_dim3A_316], %mul3A_318 : memref<400x64xf32, #tpu.memory_space<vmem>>[vector<16xi32>, vector<16xi32>], vector<16xf32>,
          %broadcast_in_dim3A_319 = arith.constant 56 : i32
          %broadcast_in_dim3A_320 = vector.broadcast %broadcast_in_dim3A_319 : i32 to vector<16xi32>
          %gather3A_321 = tpu.vector_load_idx %arg14[%add3A_93, %broadcast_in_dim3A_320] : memref<400x64xf32, #tpu.memory_space<vmem>>[vector<16xi32>, vector<16xi32>], vector<16xf32>,
          %mul3A_322 = arith.mulf %gather3A_321, %get3A_96 : vector<16xf32>
          tpu.vector_store_idx %arg14[%add3A_93, %broadcast_in_dim3A_320], %mul3A_322 : memref<400x64xf32, #tpu.memory_space<vmem>>[vector<16xi32>, vector<16xi32>], vector<16xf32>,
          %broadcast_in_dim3A_323 = arith.constant 57 : i32
          %broadcast_in_dim3A_324 = vector.broadcast %broadcast_in_dim3A_323 : i32 to vector<16xi32>
          %gather3A_325 = tpu.vector_load_idx %arg14[%add3A_93, %broadcast_in_dim3A_324] : memref<400x64xf32, #tpu.memory_space<vmem>>[vector<16xi32>, vector<16xi32>], vector<16xf32>,
          %mul3A_326 = arith.mulf %gather3A_325, %get3A_96 : vector<16xf32>
          tpu.vector_store_idx %arg14[%add3A_93, %broadcast_in_dim3A_324], %mul3A_326 : memref<400x64xf32, #tpu.memory_space<vmem>>[vector<16xi32>, vector<16xi32>], vector<16xf32>,
          %broadcast_in_dim3A_327 = arith.constant 58 : i32
          %broadcast_in_dim3A_328 = vector.broadcast %broadcast_in_dim3A_327 : i32 to vector<16xi32>
          %gather3A_329 = tpu.vector_load_idx %arg14[%add3A_93, %broadcast_in_dim3A_328] : memref<400x64xf32, #tpu.memory_space<vmem>>[vector<16xi32>, vector<16xi32>], vector<16xf32>,
          %mul3A_330 = arith.mulf %gather3A_329, %get3A_96 : vector<16xf32>
          tpu.vector_store_idx %arg14[%add3A_93, %broadcast_in_dim3A_328], %mul3A_330 : memref<400x64xf32, #tpu.memory_space<vmem>>[vector<16xi32>, vector<16xi32>], vector<16xf32>,
          %broadcast_in_dim3A_331 = arith.constant 59 : i32
          %broadcast_in_dim3A_332 = vector.broadcast %broadcast_in_dim3A_331 : i32 to vector<16xi32>
          %gather3A_333 = tpu.vector_load_idx %arg14[%add3A_93, %broadcast_in_dim3A_332] : memref<400x64xf32, #tpu.memory_space<vmem>>[vector<16xi32>, vector<16xi32>], vector<16xf32>,
          %mul3A_334 = arith.mulf %gather3A_333, %get3A_96 : vector<16xf32>
          tpu.vector_store_idx %arg14[%add3A_93, %broadcast_in_dim3A_332], %mul3A_334 : memref<400x64xf32, #tpu.memory_space<vmem>>[vector<16xi32>, vector<16xi32>], vector<16xf32>,
          %broadcast_in_dim3A_335 = arith.constant 60 : i32
          %broadcast_in_dim3A_336 = vector.broadcast %broadcast_in_dim3A_335 : i32 to vector<16xi32>
          %gather3A_337 = tpu.vector_load_idx %arg14[%add3A_93, %broadcast_in_dim3A_336] : memref<400x64xf32, #tpu.memory_space<vmem>>[vector<16xi32>, vector<16xi32>], vector<16xf32>,
          %mul3A_338 = arith.mulf %gather3A_337, %get3A_96 : vector<16xf32>
          tpu.vector_store_idx %arg14[%add3A_93, %broadcast_in_dim3A_336], %mul3A_338 : memref<400x64xf32, #tpu.memory_space<vmem>>[vector<16xi32>, vector<16xi32>], vector<16xf32>,
          %broadcast_in_dim3A_339 = arith.constant 61 : i32
          %broadcast_in_dim3A_340 = vector.broadcast %broadcast_in_dim3A_339 : i32 to vector<16xi32>
          %gather3A_341 = tpu.vector_load_idx %arg14[%add3A_93, %broadcast_in_dim3A_340] : memref<400x64xf32, #tpu.memory_space<vmem>>[vector<16xi32>, vector<16xi32>], vector<16xf32>,
          %mul3A_342 = arith.mulf %gather3A_341, %get3A_96 : vector<16xf32>
          tpu.vector_store_idx %arg14[%add3A_93, %broadcast_in_dim3A_340], %mul3A_342 : memref<400x64xf32, #tpu.memory_space<vmem>>[vector<16xi32>, vector<16xi32>], vector<16xf32>,
          %broadcast_in_dim3A_343 = arith.constant 62 : i32
          %broadcast_in_dim3A_344 = vector.broadcast %broadcast_in_dim3A_343 : i32 to vector<16xi32>
          %gather3A_345 = tpu.vector_load_idx %arg14[%add3A_93, %broadcast_in_dim3A_344] : memref<400x64xf32, #tpu.memory_space<vmem>>[vector<16xi32>, vector<16xi32>], vector<16xf32>,
          %mul3A_346 = arith.mulf %gather3A_345, %get3A_96 : vector<16xf32>
          tpu.vector_store_idx %arg14[%add3A_93, %broadcast_in_dim3A_344], %mul3A_346 : memref<400x64xf32, #tpu.memory_space<vmem>>[vector<16xi32>, vector<16xi32>], vector<16xf32>,
          %broadcast_in_dim3A_347 = arith.constant 63 : i32
          %broadcast_in_dim3A_348 = vector.broadcast %broadcast_in_dim3A_347 : i32 to vector<16xi32>
          %gather3A_349 = tpu.vector_load_idx %arg14[%add3A_93, %broadcast_in_dim3A_348] : memref<400x64xf32, #tpu.memory_space<vmem>>[vector<16xi32>, vector<16xi32>], vector<16xf32>,
          %mul3A_350 = arith.mulf %gather3A_349, %get3A_96 : vector<16xf32>
          tpu.vector_store_idx %arg14[%add3A_93, %broadcast_in_dim3A_348], %mul3A_350 : memref<400x64xf32, #tpu.memory_space<vmem>>[vector<16xi32>, vector<16xi32>], vector<16xf32>,
          %scan3A_351 = arith.constant 0 : i32
          scf.yield %scan3A_351 : i32
        }
        %scan3A_86 = arith.constant 25 : i32
        "tpu.region"() ({
          %run_scoped3A = tpu.sem_alloc : memref<!tpu.dma_semaphore, #tpu.memory_space<semaphore_mem>>
          %dma_start3A_88 = tpu.memref_slice %arg7[%add3A_56] : memref<1760000xi32, #tpu.memory_space<hbm>> -> memref<400xi32, #tpu.memory_space<hbm>>
          %dma_start3A_89 = tpu.memref_slice %arg7[%add3A_56] : memref<1760000xi32, #tpu.memory_space<hbm>> -> memref<400xi32, #tpu.memory_space<hbm>>
          tpu.enqueue_dma source(%dma_start3A_89 : memref<400xi32, #tpu.memory_space<hbm>>) target(%arg12 : memref<400xi32, #tpu.memory_space<vmem>>) target_semaphore(%run_scoped3A : memref<!tpu.dma_semaphore, #tpu.memory_space<semaphore_mem>>)
          %dma_wait3A_90 = tpu.memref_slice %arg7[%add3A_56] : memref<1760000xi32, #tpu.memory_space<hbm>> -> memref<400xi32, #tpu.memory_space<hbm>>
          %dma_wait3A_91 = tpu.memref_slice %arg7[%add3A_56] : memref<1760000xi32, #tpu.memory_space<hbm>> -> memref<400xi32, #tpu.memory_space<hbm>>
          tpu.wait_dma2 semaphore(%run_scoped3A : memref<!tpu.dma_semaphore, #tpu.memory_space<semaphore_mem>>) src(%dma_wait3A_91 : memref<400xi32, #tpu.memory_space<hbm>>) dst(%arg12 : memref<400xi32, #tpu.memory_space<vmem>>)
          tpu.yield
        }) : () -> ()
        "tpu.region"() ({
          %run_scoped3A = tpu.sem_alloc : memref<!tpu.dma_semaphore, #tpu.memory_space<semaphore_mem>>
          %dma_start3A_88 = arith.constant 0 : i32
          %dma_start3A_89 = arith.constant 0 : i32
          %dma_start3A_90 = tpu.memref_slice %arg17[%dma_start3A_88, %dma_start3A_89] : memref<10000x64xf32, #tpu.memory_space<vmem_shared>> -> memref<10000x64xf32, #tpu.memory_space<vmem_shared>>
          tpu.enqueue_indirect_dma source(%arg14 : memref<400x64xf32, #tpu.memory_space<vmem>>) target(%dma_start3A_90 : memref<10000x64xf32, #tpu.memory_space<vmem_shared>>) offsets(%arg12 : memref<400xi32, #tpu.memory_space<vmem>>) semaphore(%run_scoped3A : memref<!tpu.dma_semaphore, #tpu.memory_space<semaphore_mem>>) {add = true}
          %dma_wait3A_91 = arith.constant 0 : i32
          %dma_wait3A_92 = arith.constant 0 : i32
          %dma_wait3A_93 = tpu.memref_slice %arg17[%dma_wait3A_91, %dma_wait3A_92] : memref<10000x64xf32, #tpu.memory_space<vmem_shared>> -> memref<10000x64xf32, #tpu.memory_space<vmem_shared>>
          tpu.wait_indirect_dma semaphore(%run_scoped3A : memref<!tpu.dma_semaphore, #tpu.memory_space<semaphore_mem>>) src(%arg14 : memref<400x64xf32, #tpu.memory_space<vmem>>) dst(%dma_wait3A_93 : memref<10000x64xf32, #tpu.memory_space<vmem_shared>>)
          tpu.yield
        }) : () -> ()
        "tpu.region"() ({
          %run_scoped3A = tpu.sem_alloc : memref<!tpu.dma_semaphore, #tpu.memory_space<semaphore_mem>>
          %dma_start3A_88 = arith.constant 0 : i32
          %dma_start3A_89 = arith.constant 0 : i32
          %dma_start3A_90 = tpu.memref_slice %arg18[%dma_start3A_88, %dma_start3A_89] : memref<10000x16xf32, #tpu.memory_space<vmem_shared>> -> memref<10000x16xf32, #tpu.memory_space<vmem_shared>>
          tpu.enqueue_indirect_dma source(%arg16 : memref<400x16xf32, #tpu.memory_space<vmem>>) target(%dma_start3A_90 : memref<10000x16xf32, #tpu.memory_space<vmem_shared>>) offsets(%arg12 : memref<400xi32, #tpu.memory_space<vmem>>) semaphore(%run_scoped3A : memref<!tpu.dma_semaphore, #tpu.memory_space<semaphore_mem>>) {add = true}
          %dma_wait3A_91 = arith.constant 0 : i32
          %dma_wait3A_92 = arith.constant 0 : i32
          %dma_wait3A_93 = tpu.memref_slice %arg18[%dma_wait3A_91, %dma_wait3A_92] : memref<10000x16xf32, #tpu.memory_space<vmem_shared>> -> memref<10000x16xf32, #tpu.memory_space<vmem_shared>>
          tpu.wait_indirect_dma semaphore(%run_scoped3A : memref<!tpu.dma_semaphore, #tpu.memory_space<semaphore_mem>>) src(%arg16 : memref<400x16xf32, #tpu.memory_space<vmem>>) dst(%dma_wait3A_93 : memref<10000x16xf32, #tpu.memory_space<vmem_shared>>)
          tpu.yield
        }) : () -> ()
        %while3A_87 = arith.constant 0 : i32
        scf.yield %while3A_87 : i32
      }
      %barrier3A_41 = arith.constant 0 : index
      tpu.barrier barrier_id(%barrier3A_41)
      "tpu.region"() ({
        %run_scoped3A = tpu.sem_alloc : memref<!tpu.dma_semaphore, #tpu.memory_space<semaphore_mem>>
        %dma_start3A = arith.constant 0 : i32
        %dma_start3A_44 = tpu.memref_slice %arg10[%arg0, %scan3A_28, %mul3A_0, %dma_start3A] : memref<2x11x10000x64xf32, #tpu.memory_space<hbm>> -> memref<1x1x625x64xf32, #tpu.memory_space<hbm>>
        %dma_start3A_45 = tpu.memref_squeeze %dma_start3A_44 : memref<1x1x625x64xf32, #tpu.memory_space<hbm>> -> memref<625x64xf32, #tpu.memory_space<hbm>>
        %dma_start3A_46 = arith.constant 0 : i32
        %dma_start3A_47 = tpu.memref_slice %arg17[%mul3A_0, %dma_start3A_46] : memref<10000x64xf32, #tpu.memory_space<vmem_shared>> -> memref<625x64xf32, #tpu.memory_space<vmem_shared>>
        tpu.enqueue_dma source(%dma_start3A_47 : memref<625x64xf32, #tpu.memory_space<vmem_shared>>) target(%dma_start3A_45 : memref<625x64xf32, #tpu.memory_space<hbm>>) target_semaphore(%run_scoped3A : memref<!tpu.dma_semaphore, #tpu.memory_space<semaphore_mem>>)
        %dma_wait3A = arith.constant 0 : i32
        %dma_wait3A_48 = tpu.memref_slice %arg10[%arg0, %scan3A_28, %mul3A_0, %dma_wait3A] : memref<2x11x10000x64xf32, #tpu.memory_space<hbm>> -> memref<1x1x625x64xf32, #tpu.memory_space<hbm>>
        %dma_wait3A_49 = tpu.memref_squeeze %dma_wait3A_48 : memref<1x1x625x64xf32, #tpu.memory_space<hbm>> -> memref<625x64xf32, #tpu.memory_space<hbm>>
        %dma_wait3A_50 = arith.constant 0 : i32
        %dma_wait3A_51 = tpu.memref_slice %arg17[%mul3A_0, %dma_wait3A_50] : memref<10000x64xf32, #tpu.memory_space<vmem_shared>> -> memref<625x64xf32, #tpu.memory_space<vmem_shared>>
        tpu.wait_dma2 semaphore(%run_scoped3A : memref<!tpu.dma_semaphore, #tpu.memory_space<semaphore_mem>>) src(%dma_wait3A_51 : memref<625x64xf32, #tpu.memory_space<vmem_shared>>) dst(%dma_wait3A_49 : memref<625x64xf32, #tpu.memory_space<hbm>>)
        tpu.yield
      }) : () -> ()
      "tpu.region"() ({
        %run_scoped3A = tpu.sem_alloc : memref<!tpu.dma_semaphore, #tpu.memory_space<semaphore_mem>>
        %dma_start3A = arith.constant 0 : i32
        %dma_start3A_44 = tpu.memref_slice %arg11[%arg0, %scan3A_28, %mul3A_0, %dma_start3A] : memref<2x11x10000x16xf32, #tpu.memory_space<hbm>> -> memref<1x1x625x16xf32, #tpu.memory_space<hbm>>
        %dma_start3A_45 = tpu.memref_squeeze %dma_start3A_44 : memref<1x1x625x16xf32, #tpu.memory_space<hbm>> -> memref<625x16xf32, #tpu.memory_space<hbm>>
        %dma_start3A_46 = arith.constant 0 : i32
        %dma_start3A_47 = tpu.memref_slice %arg18[%mul3A_0, %dma_start3A_46] : memref<10000x16xf32, #tpu.memory_space<vmem_shared>> -> memref<625x16xf32, #tpu.memory_space<vmem_shared>>
        tpu.enqueue_dma source(%dma_start3A_47 : memref<625x16xf32, #tpu.memory_space<vmem_shared>>) target(%dma_start3A_45 : memref<625x16xf32, #tpu.memory_space<hbm>>) target_semaphore(%run_scoped3A : memref<!tpu.dma_semaphore, #tpu.memory_space<semaphore_mem>>)
        %dma_wait3A = arith.constant 0 : i32
        %dma_wait3A_48 = tpu.memref_slice %arg11[%arg0, %scan3A_28, %mul3A_0, %dma_wait3A] : memref<2x11x10000x16xf32, #tpu.memory_space<hbm>> -> memref<1x1x625x16xf32, #tpu.memory_space<hbm>>
        %dma_wait3A_49 = tpu.memref_squeeze %dma_wait3A_48 : memref<1x1x625x16xf32, #tpu.memory_space<hbm>> -> memref<625x16xf32, #tpu.memory_space<hbm>>
        %dma_wait3A_50 = arith.constant 0 : i32
        %dma_wait3A_51 = tpu.memref_slice %arg18[%mul3A_0, %dma_wait3A_50] : memref<10000x16xf32, #tpu.memory_space<vmem_shared>> -> memref<625x16xf32, #tpu.memory_space<vmem_shared>>
        tpu.wait_dma2 semaphore(%run_scoped3A : memref<!tpu.dma_semaphore, #tpu.memory_space<semaphore_mem>>) src(%dma_wait3A_51 : memref<625x16xf32, #tpu.memory_space<vmem_shared>>) dst(%dma_wait3A_49 : memref<625x16xf32, #tpu.memory_space<hbm>>)
        tpu.yield
      }) : () -> ()
      %barrier3A_42 = arith.constant 0 : index
      tpu.barrier barrier_id(%barrier3A_42)
      %scan3A_43 = arith.constant 0 : i32
      scf.yield %scan3A_43 : i32
    }
    %scan3A_27 = arith.constant 11 : i32
    return
  }
}

#map = affine_map<(d0, d1) -> (0, 0)>
#map1 = affine_map<(d0, d1) -> (0)>
#map2 = affine_map<(d0, d1) -> (0, 0, 0, 0)>
module attributes {stable_mosaic.version = 14 : i64} {
  func.func @_sc_scatter_agg(%arg0: i32, %arg1: i32, %arg2: memref<221184x64xf32, #tpu.memory_space<hbm>>, %arg3: memref<1760000xi32, #tpu.memory_space<hbm>>, %arg4: memref<1760000xi32, #tpu.memory_space<hbm>>, %arg5: memref<10000x64xf32, #tpu.memory_space<hbm>>, %arg6: memref<2x11x10000x64xf32, #tpu.memory_space<hbm>>, %arg7: memref<400xi32, #tpu.memory_space<vmem>>, %arg8: memref<400xi32, #tpu.memory_space<vmem>>, %arg9: memref<400x64xf32, #tpu.memory_space<vmem>>, %arg10: memref<10000x64xf32, #tpu.memory_space<vmem_shared>>, %arg11: memref<!tpu.dma_semaphore, #tpu.memory_space<semaphore_mem>>) attributes {dimension_semantics = [#tpu.dimension_semantics<core_parallel>, #tpu.dimension_semantics<subcore_parallel>], iteration_bounds = array<i64: 2, 16>, scalar_prefetch = 0 : i64, scratch_operands = 5 : i64, tpu.core_type = #tpu.core_type<sc_vector_subcore>, window_params = [{transform_indices = #map}, {transform_indices = #map1}, {transform_indices = #map1}, {transform_indices = #map}, {transform_indices = #map2}]} {
    %mul3A = arith.constant 625 : i32
    %mul3A_0 = arith.muli %arg1, %mul3A : i32
    %sub3A = arith.constant 200 : i32
    %sub3A_1 = arith.subi %sub3A, %arg1 : i32
    %add3A = arith.constant 16 : i32
    %add3A_2 = arith.addi %sub3A_1, %add3A : i32
    %sub3A_3 = arith.constant 1 : i32
    %sub3A_4 = arith.subi %add3A_2, %sub3A_3 : i32
    %jit3A = arith.constant 16 : i32
    %div3A = arith.divsi %sub3A_4, %jit3A : i32
    %sign3A = arith.constant 0 : i32
    %sign3A_5 = arith.cmpi sgt, %sub3A_4, %sign3A : i32
    %sign3A_6 = arith.extui %sign3A_5 : i1 to i32
    %sign3A_7 = arith.constant 0 : i32
    %sign3A_8 = arith.cmpi slt, %sub3A_4, %sign3A_7 : i32
    %sign3A_9 = arith.extui %sign3A_8 : i1 to i32
    %sign3A_10 = arith.subi %sign3A_6, %sign3A_9 : i32
    %sign3A_11 = arith.constant 0 : i32
    %sign3A_12 = arith.cmpi sgt, %jit3A, %sign3A_11 : i32
    %sign3A_13 = arith.extui %sign3A_12 : i1 to i32
    %sign3A_14 = arith.constant 0 : i32
    %sign3A_15 = arith.cmpi slt, %jit3A, %sign3A_14 : i32
    %sign3A_16 = arith.extui %sign3A_15 : i1 to i32
    %sign3A_17 = arith.subi %sign3A_13, %sign3A_16 : i32
    %ne3A = arith.cmpi ne, %sign3A_10, %sign3A_17 : i32
    %rem3A = arith.remsi %sub3A_4, %jit3A : i32
    %ne3A_18 = arith.constant 0 : i32
    %ne3A_19 = arith.cmpi ne, %rem3A, %ne3A_18 : i32
    %and3A = arith.andi %ne3A, %ne3A_19 : i1
    %sub3A_20 = arith.constant 1 : i32
    %sub3A_21 = arith.subi %div3A, %sub3A_20 : i32
    %select_n3A = arith.select %and3A, %sub3A_21, %div3A : i32
    %scan3A = arith.constant 0 : i32
    %scan3A_22 = arith.constant 0 : i32
    %scan3A_23 = arith.constant 11 : i32
    %scan3A_24 = arith.addi %scan3A_22, %scan3A_23 : i32
    %scan3A_25 = arith.constant 1 : i32
    %scan3A_26 = scf.for %scan3A_28 = %scan3A_22 to %scan3A_24 step %scan3A_25 iter_args(%scan3A_29 = %scan3A) -> (i32)  : i32 {
      "tpu.region"() ({
        %run_scoped3A = tpu.sem_alloc : memref<!tpu.dma_semaphore, #tpu.memory_space<semaphore_mem>>
        %dma_start3A = arith.constant 0 : i32
        %dma_start3A_44 = tpu.memref_slice %arg10[%mul3A_0, %dma_start3A] : memref<10000x64xf32, #tpu.memory_space<vmem_shared>> -> memref<625x64xf32, #tpu.memory_space<vmem_shared>>
        %dma_start3A_45 = arith.constant 0 : i32
        %dma_start3A_46 = tpu.memref_slice %arg5[%mul3A_0, %dma_start3A_45] : memref<10000x64xf32, #tpu.memory_space<hbm>> -> memref<625x64xf32, #tpu.memory_space<hbm>>
        tpu.enqueue_dma source(%dma_start3A_46 : memref<625x64xf32, #tpu.memory_space<hbm>>) target(%dma_start3A_44 : memref<625x64xf32, #tpu.memory_space<vmem_shared>>) target_semaphore(%run_scoped3A : memref<!tpu.dma_semaphore, #tpu.memory_space<semaphore_mem>>)
        %dma_wait3A = arith.constant 0 : i32
        %dma_wait3A_47 = tpu.memref_slice %arg10[%mul3A_0, %dma_wait3A] : memref<10000x64xf32, #tpu.memory_space<vmem_shared>> -> memref<625x64xf32, #tpu.memory_space<vmem_shared>>
        %dma_wait3A_48 = arith.constant 0 : i32
        %dma_wait3A_49 = tpu.memref_slice %arg5[%mul3A_0, %dma_wait3A_48] : memref<10000x64xf32, #tpu.memory_space<hbm>> -> memref<625x64xf32, #tpu.memory_space<hbm>>
        tpu.wait_dma2 semaphore(%run_scoped3A : memref<!tpu.dma_semaphore, #tpu.memory_space<semaphore_mem>>) src(%dma_wait3A_49 : memref<625x64xf32, #tpu.memory_space<hbm>>) dst(%dma_wait3A_47 : memref<625x64xf32, #tpu.memory_space<vmem_shared>>)
        tpu.yield
      }) : () -> ()
      %barrier3A = arith.constant 0 : index
      tpu.barrier barrier_id(%barrier3A)
      %while3A = arith.constant 0 : i32
      %while3A_30 = arith.constant 0 : i32
      %while3A_31 = arith.subi %select_n3A, %while3A : i32
      %while3A_32 = arith.addi %while3A, %while3A_31 : i32
      %while3A_33 = arith.constant 1 : i32
      %while3A_34 = arith.divsi %while3A_31, %while3A_33 : i32
      %while3A_35 = arith.muli %while3A_34, %while3A_33 : i32
      %while3A_36 = arith.addi %while3A, %while3A_35 : i32
      %while3A_37 = arith.constant 1 : i32
      %while3A_38 = scf.for %while3A_44 = %while3A to %while3A_36 step %while3A_37 iter_args(%while3A_45 = %while3A_30) -> (i32)  : i32 {
        %mul3A_46 = arith.constant 160000 : i32
        %mul3A_47 = arith.muli %scan3A_28, %mul3A_46 : i32
        %mul3A_48 = arith.constant 80000 : i32
        %mul3A_49 = arith.muli %arg0, %mul3A_48 : i32
        %add3A_50 = arith.addi %mul3A_47, %mul3A_49 : i32
        %mul3A_51 = arith.constant 16 : i32
        %mul3A_52 = arith.muli %while3A_44, %mul3A_51 : i32
        %add3A_53 = arith.addi %arg1, %mul3A_52 : i32
        %mul3A_54 = arith.constant 400 : i32
        %mul3A_55 = arith.muli %add3A_53, %mul3A_54 : i32
        %add3A_56 = arith.addi %add3A_50, %mul3A_55 : i32
        "tpu.region"() ({
          %run_scoped3A = tpu.sem_alloc : memref<!tpu.dma_semaphore, #tpu.memory_space<semaphore_mem>>
          %dma_start3A_62 = tpu.memref_slice %arg3[%add3A_56] : memref<1760000xi32, #tpu.memory_space<hbm>> -> memref<400xi32, #tpu.memory_space<hbm>>
          %dma_start3A_63 = tpu.memref_slice %arg3[%add3A_56] : memref<1760000xi32, #tpu.memory_space<hbm>> -> memref<400xi32, #tpu.memory_space<hbm>>
          tpu.enqueue_dma source(%dma_start3A_63 : memref<400xi32, #tpu.memory_space<hbm>>) target(%arg7 : memref<400xi32, #tpu.memory_space<vmem>>) target_semaphore(%run_scoped3A : memref<!tpu.dma_semaphore, #tpu.memory_space<semaphore_mem>>)
          %dma_wait3A_64 = tpu.memref_slice %arg3[%add3A_56] : memref<1760000xi32, #tpu.memory_space<hbm>> -> memref<400xi32, #tpu.memory_space<hbm>>
          %dma_wait3A_65 = tpu.memref_slice %arg3[%add3A_56] : memref<1760000xi32, #tpu.memory_space<hbm>> -> memref<400xi32, #tpu.memory_space<hbm>>
          tpu.wait_dma2 semaphore(%run_scoped3A : memref<!tpu.dma_semaphore, #tpu.memory_space<semaphore_mem>>) src(%dma_wait3A_65 : memref<400xi32, #tpu.memory_space<hbm>>) dst(%arg7 : memref<400xi32, #tpu.memory_space<vmem>>)
          tpu.yield
        }) : () -> ()
        "tpu.region"() ({
          %run_scoped3A = tpu.sem_alloc : memref<!tpu.dma_semaphore, #tpu.memory_space<semaphore_mem>>
          %dma_start3A_62 = tpu.memref_slice %arg4[%add3A_56] : memref<1760000xi32, #tpu.memory_space<hbm>> -> memref<400xi32, #tpu.memory_space<hbm>>
          %dma_start3A_63 = tpu.memref_slice %arg4[%add3A_56] : memref<1760000xi32, #tpu.memory_space<hbm>> -> memref<400xi32, #tpu.memory_space<hbm>>
          tpu.enqueue_dma source(%dma_start3A_63 : memref<400xi32, #tpu.memory_space<hbm>>) target(%arg8 : memref<400xi32, #tpu.memory_space<vmem>>) target_semaphore(%run_scoped3A : memref<!tpu.dma_semaphore, #tpu.memory_space<semaphore_mem>>)
          %dma_wait3A_64 = tpu.memref_slice %arg4[%add3A_56] : memref<1760000xi32, #tpu.memory_space<hbm>> -> memref<400xi32, #tpu.memory_space<hbm>>
          %dma_wait3A_65 = tpu.memref_slice %arg4[%add3A_56] : memref<1760000xi32, #tpu.memory_space<hbm>> -> memref<400xi32, #tpu.memory_space<hbm>>
          tpu.wait_dma2 semaphore(%run_scoped3A : memref<!tpu.dma_semaphore, #tpu.memory_space<semaphore_mem>>) src(%dma_wait3A_65 : memref<400xi32, #tpu.memory_space<hbm>>) dst(%arg8 : memref<400xi32, #tpu.memory_space<vmem>>)
          tpu.yield
        }) : () -> ()
        %dma_start3A = arith.constant 0 : i32
        %dma_start3A_57 = arith.constant 0 : i32
        %dma_start3A_58 = tpu.memref_slice %arg2[%dma_start3A, %dma_start3A_57] : memref<221184x64xf32, #tpu.memory_space<hbm>> -> memref<221184x64xf32, #tpu.memory_space<hbm>>
        tpu.enqueue_indirect_dma source(%dma_start3A_58 : memref<221184x64xf32, #tpu.memory_space<hbm>>) target(%arg9 : memref<400x64xf32, #tpu.memory_space<vmem>>) offsets(%arg7 : memref<400xi32, #tpu.memory_space<vmem>>) semaphore(%arg11 : memref<!tpu.dma_semaphore, #tpu.memory_space<semaphore_mem>>)
        %dma_wait3A = arith.constant 0 : i32
        %dma_wait3A_59 = arith.constant 0 : i32
        %dma_wait3A_60 = tpu.memref_slice %arg2[%dma_wait3A, %dma_wait3A_59] : memref<221184x64xf32, #tpu.memory_space<hbm>> -> memref<221184x64xf32, #tpu.memory_space<hbm>>
        tpu.wait_indirect_dma semaphore(%arg11 : memref<!tpu.dma_semaphore, #tpu.memory_space<semaphore_mem>>) src(%dma_wait3A_60 : memref<221184x64xf32, #tpu.memory_space<hbm>>) dst(%arg9 : memref<400x64xf32, #tpu.memory_space<vmem>>)
        "tpu.region"() ({
          %run_scoped3A = tpu.sem_alloc : memref<!tpu.dma_semaphore, #tpu.memory_space<semaphore_mem>>
          %dma_start3A_62 = arith.constant 0 : i32
          %dma_start3A_63 = arith.constant 0 : i32
          %dma_start3A_64 = tpu.memref_slice %arg10[%dma_start3A_62, %dma_start3A_63] : memref<10000x64xf32, #tpu.memory_space<vmem_shared>> -> memref<10000x64xf32, #tpu.memory_space<vmem_shared>>
          tpu.enqueue_indirect_dma source(%arg9 : memref<400x64xf32, #tpu.memory_space<vmem>>) target(%dma_start3A_64 : memref<10000x64xf32, #tpu.memory_space<vmem_shared>>) offsets(%arg8 : memref<400xi32, #tpu.memory_space<vmem>>) semaphore(%run_scoped3A : memref<!tpu.dma_semaphore, #tpu.memory_space<semaphore_mem>>) {add = true}
          %dma_wait3A_65 = arith.constant 0 : i32
          %dma_wait3A_66 = arith.constant 0 : i32
          %dma_wait3A_67 = tpu.memref_slice %arg10[%dma_wait3A_65, %dma_wait3A_66] : memref<10000x64xf32, #tpu.memory_space<vmem_shared>> -> memref<10000x64xf32, #tpu.memory_space<vmem_shared>>
          tpu.wait_indirect_dma semaphore(%run_scoped3A : memref<!tpu.dma_semaphore, #tpu.memory_space<semaphore_mem>>) src(%arg9 : memref<400x64xf32, #tpu.memory_space<vmem>>) dst(%dma_wait3A_67 : memref<10000x64xf32, #tpu.memory_space<vmem_shared>>)
          tpu.yield
        }) : () -> ()
        %while3A_61 = arith.constant 0 : i32
        scf.yield %while3A_61 : i32
      }
      %while3A_39 = arith.constant 1 : i32
      %while3A_40 = scf.for %while3A_44 = %while3A_36 to %while3A_32 step %while3A_39 iter_args(%while3A_45 = %while3A_38) -> (i32)  : i32 {
        %mul3A_46 = arith.constant 160000 : i32
        %mul3A_47 = arith.muli %scan3A_28, %mul3A_46 : i32
        %mul3A_48 = arith.constant 80000 : i32
        %mul3A_49 = arith.muli %arg0, %mul3A_48 : i32
        %add3A_50 = arith.addi %mul3A_47, %mul3A_49 : i32
        %mul3A_51 = arith.constant 16 : i32
        %mul3A_52 = arith.muli %while3A_44, %mul3A_51 : i32
        %add3A_53 = arith.addi %arg1, %mul3A_52 : i32
        %mul3A_54 = arith.constant 400 : i32
        %mul3A_55 = arith.muli %add3A_53, %mul3A_54 : i32
        %add3A_56 = arith.addi %add3A_50, %mul3A_55 : i32
        "tpu.region"() ({
          %run_scoped3A = tpu.sem_alloc : memref<!tpu.dma_semaphore, #tpu.memory_space<semaphore_mem>>
          %dma_start3A_62 = tpu.memref_slice %arg3[%add3A_56] : memref<1760000xi32, #tpu.memory_space<hbm>> -> memref<400xi32, #tpu.memory_space<hbm>>
          %dma_start3A_63 = tpu.memref_slice %arg3[%add3A_56] : memref<1760000xi32, #tpu.memory_space<hbm>> -> memref<400xi32, #tpu.memory_space<hbm>>
          tpu.enqueue_dma source(%dma_start3A_63 : memref<400xi32, #tpu.memory_space<hbm>>) target(%arg7 : memref<400xi32, #tpu.memory_space<vmem>>) target_semaphore(%run_scoped3A : memref<!tpu.dma_semaphore, #tpu.memory_space<semaphore_mem>>)
          %dma_wait3A_64 = tpu.memref_slice %arg3[%add3A_56] : memref<1760000xi32, #tpu.memory_space<hbm>> -> memref<400xi32, #tpu.memory_space<hbm>>
          %dma_wait3A_65 = tpu.memref_slice %arg3[%add3A_56] : memref<1760000xi32, #tpu.memory_space<hbm>> -> memref<400xi32, #tpu.memory_space<hbm>>
          tpu.wait_dma2 semaphore(%run_scoped3A : memref<!tpu.dma_semaphore, #tpu.memory_space<semaphore_mem>>) src(%dma_wait3A_65 : memref<400xi32, #tpu.memory_space<hbm>>) dst(%arg7 : memref<400xi32, #tpu.memory_space<vmem>>)
          tpu.yield
        }) : () -> ()
        "tpu.region"() ({
          %run_scoped3A = tpu.sem_alloc : memref<!tpu.dma_semaphore, #tpu.memory_space<semaphore_mem>>
          %dma_start3A_62 = tpu.memref_slice %arg4[%add3A_56] : memref<1760000xi32, #tpu.memory_space<hbm>> -> memref<400xi32, #tpu.memory_space<hbm>>
          %dma_start3A_63 = tpu.memref_slice %arg4[%add3A_56] : memref<1760000xi32, #tpu.memory_space<hbm>> -> memref<400xi32, #tpu.memory_space<hbm>>
          tpu.enqueue_dma source(%dma_start3A_63 : memref<400xi32, #tpu.memory_space<hbm>>) target(%arg8 : memref<400xi32, #tpu.memory_space<vmem>>) target_semaphore(%run_scoped3A : memref<!tpu.dma_semaphore, #tpu.memory_space<semaphore_mem>>)
          %dma_wait3A_64 = tpu.memref_slice %arg4[%add3A_56] : memref<1760000xi32, #tpu.memory_space<hbm>> -> memref<400xi32, #tpu.memory_space<hbm>>
          %dma_wait3A_65 = tpu.memref_slice %arg4[%add3A_56] : memref<1760000xi32, #tpu.memory_space<hbm>> -> memref<400xi32, #tpu.memory_space<hbm>>
          tpu.wait_dma2 semaphore(%run_scoped3A : memref<!tpu.dma_semaphore, #tpu.memory_space<semaphore_mem>>) src(%dma_wait3A_65 : memref<400xi32, #tpu.memory_space<hbm>>) dst(%arg8 : memref<400xi32, #tpu.memory_space<vmem>>)
          tpu.yield
        }) : () -> ()
        %dma_start3A = arith.constant 0 : i32
        %dma_start3A_57 = arith.constant 0 : i32
        %dma_start3A_58 = tpu.memref_slice %arg2[%dma_start3A, %dma_start3A_57] : memref<221184x64xf32, #tpu.memory_space<hbm>> -> memref<221184x64xf32, #tpu.memory_space<hbm>>
        tpu.enqueue_indirect_dma source(%dma_start3A_58 : memref<221184x64xf32, #tpu.memory_space<hbm>>) target(%arg9 : memref<400x64xf32, #tpu.memory_space<vmem>>) offsets(%arg7 : memref<400xi32, #tpu.memory_space<vmem>>) semaphore(%arg11 : memref<!tpu.dma_semaphore, #tpu.memory_space<semaphore_mem>>)
        %dma_wait3A = arith.constant 0 : i32
        %dma_wait3A_59 = arith.constant 0 : i32
        %dma_wait3A_60 = tpu.memref_slice %arg2[%dma_wait3A, %dma_wait3A_59] : memref<221184x64xf32, #tpu.memory_space<hbm>> -> memref<221184x64xf32, #tpu.memory_space<hbm>>
        tpu.wait_indirect_dma semaphore(%arg11 : memref<!tpu.dma_semaphore, #tpu.memory_space<semaphore_mem>>) src(%dma_wait3A_60 : memref<221184x64xf32, #tpu.memory_space<hbm>>) dst(%arg9 : memref<400x64xf32, #tpu.memory_space<vmem>>)
        "tpu.region"() ({
          %run_scoped3A = tpu.sem_alloc : memref<!tpu.dma_semaphore, #tpu.memory_space<semaphore_mem>>
          %dma_start3A_62 = arith.constant 0 : i32
          %dma_start3A_63 = arith.constant 0 : i32
          %dma_start3A_64 = tpu.memref_slice %arg10[%dma_start3A_62, %dma_start3A_63] : memref<10000x64xf32, #tpu.memory_space<vmem_shared>> -> memref<10000x64xf32, #tpu.memory_space<vmem_shared>>
          tpu.enqueue_indirect_dma source(%arg9 : memref<400x64xf32, #tpu.memory_space<vmem>>) target(%dma_start3A_64 : memref<10000x64xf32, #tpu.memory_space<vmem_shared>>) offsets(%arg8 : memref<400xi32, #tpu.memory_space<vmem>>) semaphore(%run_scoped3A : memref<!tpu.dma_semaphore, #tpu.memory_space<semaphore_mem>>) {add = true}
          %dma_wait3A_65 = arith.constant 0 : i32
          %dma_wait3A_66 = arith.constant 0 : i32
          %dma_wait3A_67 = tpu.memref_slice %arg10[%dma_wait3A_65, %dma_wait3A_66] : memref<10000x64xf32, #tpu.memory_space<vmem_shared>> -> memref<10000x64xf32, #tpu.memory_space<vmem_shared>>
          tpu.wait_indirect_dma semaphore(%run_scoped3A : memref<!tpu.dma_semaphore, #tpu.memory_space<semaphore_mem>>) src(%arg9 : memref<400x64xf32, #tpu.memory_space<vmem>>) dst(%dma_wait3A_67 : memref<10000x64xf32, #tpu.memory_space<vmem_shared>>)
          tpu.yield
        }) : () -> ()
        %while3A_61 = arith.constant 0 : i32
        scf.yield %while3A_61 : i32
      }
      %barrier3A_41 = arith.constant 0 : index
      tpu.barrier barrier_id(%barrier3A_41)
      "tpu.region"() ({
        %run_scoped3A = tpu.sem_alloc : memref<!tpu.dma_semaphore, #tpu.memory_space<semaphore_mem>>
        %dma_start3A = arith.constant 0 : i32
        %dma_start3A_44 = tpu.memref_slice %arg6[%arg0, %scan3A_28, %mul3A_0, %dma_start3A] : memref<2x11x10000x64xf32, #tpu.memory_space<hbm>> -> memref<1x1x625x64xf32, #tpu.memory_space<hbm>>
        %dma_start3A_45 = tpu.memref_squeeze %dma_start3A_44 : memref<1x1x625x64xf32, #tpu.memory_space<hbm>> -> memref<625x64xf32, #tpu.memory_space<hbm>>
        %dma_start3A_46 = arith.constant 0 : i32
        %dma_start3A_47 = tpu.memref_slice %arg10[%mul3A_0, %dma_start3A_46] : memref<10000x64xf32, #tpu.memory_space<vmem_shared>> -> memref<625x64xf32, #tpu.memory_space<vmem_shared>>
        tpu.enqueue_dma source(%dma_start3A_47 : memref<625x64xf32, #tpu.memory_space<vmem_shared>>) target(%dma_start3A_45 : memref<625x64xf32, #tpu.memory_space<hbm>>) target_semaphore(%run_scoped3A : memref<!tpu.dma_semaphore, #tpu.memory_space<semaphore_mem>>)
        %dma_wait3A = arith.constant 0 : i32
        %dma_wait3A_48 = tpu.memref_slice %arg6[%arg0, %scan3A_28, %mul3A_0, %dma_wait3A] : memref<2x11x10000x64xf32, #tpu.memory_space<hbm>> -> memref<1x1x625x64xf32, #tpu.memory_space<hbm>>
        %dma_wait3A_49 = tpu.memref_squeeze %dma_wait3A_48 : memref<1x1x625x64xf32, #tpu.memory_space<hbm>> -> memref<625x64xf32, #tpu.memory_space<hbm>>
        %dma_wait3A_50 = arith.constant 0 : i32
        %dma_wait3A_51 = tpu.memref_slice %arg10[%mul3A_0, %dma_wait3A_50] : memref<10000x64xf32, #tpu.memory_space<vmem_shared>> -> memref<625x64xf32, #tpu.memory_space<vmem_shared>>
        tpu.wait_dma2 semaphore(%run_scoped3A : memref<!tpu.dma_semaphore, #tpu.memory_space<semaphore_mem>>) src(%dma_wait3A_51 : memref<625x64xf32, #tpu.memory_space<vmem_shared>>) dst(%dma_wait3A_49 : memref<625x64xf32, #tpu.memory_space<hbm>>)
        tpu.yield
      }) : () -> ()
      %barrier3A_42 = arith.constant 0 : index
      tpu.barrier barrier_id(%barrier3A_42)
      %scan3A_43 = arith.constant 0 : i32
      scf.yield %scan3A_43 : i32
    }
    %scan3A_27 = arith.constant 11 : i32
    return
  }
}

module attributes {stable_mosaic.version = 14 : i64} {
  func.func @_tc_qkvs_body(%arg0: i32, %arg1: memref<1024x128xf32, #tpu.memory_space<vmem>>, %arg2: memref<128x256xf32, #tpu.memory_space<vmem>>, %arg3: memref<1x256xf32, #tpu.memory_space<vmem>>, %arg4: memref<1024x128xf32, #tpu.memory_space<vmem>>, %arg5: memref<1024x128xf32, #tpu.memory_space<vmem>>) attributes {dimension_semantics = [#tpu.dimension_semantics<arbitrary>], iteration_bounds = array<i64: 108>, scalar_prefetch = 0 : i64, scratch_operands = 0 : i64, tpu.core_type = #tpu.core_type<tc>, window_params = [{transform_indices = @transform_0, window_bounds = array<i64: 1024, 128>}, {pipeline_mode = #tpu.pipeline_mode<synchronous>, transform_indices = @transform_1, window_bounds = array<i64: 128, 256>}, {pipeline_mode = #tpu.pipeline_mode<synchronous>, transform_indices = @transform_2, window_bounds = array<i64: 1, 256>}, {transform_indices = @transform_3, window_bounds = array<i64: 1024, 128>}, {transform_indices = @transform_4, window_bounds = array<i64: 1024, 128>}]} {
    %get3A = arith.constant 0 : index
    %get3A_0 = arith.constant 0 : index
    %get3A_1 = vector.load %arg1[%get3A, %get3A_0] : memref<1024x128xf32, #tpu.memory_space<vmem>>, vector<1024x128xf32>
    %get3A_2 = arith.constant 0 : index
    %get3A_3 = arith.constant 0 : index
    %get3A_4 = vector.load %arg2[%get3A_2, %get3A_3] : memref<128x256xf32, #tpu.memory_space<vmem>>, vector<128x256xf32>
    %dot_general3A = arith.constant dense<0.000000e+00> : vector<1024x256xf32>
    %dot_general3A_5 = tpu.matmul %get3A_1, %get3A_4, %dot_general3A {dimension_numbers = #tpu.dot_dimension_numbers<[1], [0], [0], [1], [0, 0, 1, 1], [], []>, precision = #tpu.contract_precision<fp32>, transpose_lhs_hint = false} : vector<1024x128xf32>, vector<128x256xf32>, vector<1024x256xf32> -> vector<1024x256xf32>
    %get3A_6 = arith.constant 0 : index
    %get3A_7 = arith.constant 0 : index
    %get3A_8 = vector.load %arg3[%get3A_6, %get3A_7] : memref<1x256xf32, #tpu.memory_space<vmem>>, vector<1x256xf32>
    %add3A = vector.broadcast %get3A_8 : vector<1x256xf32> to vector<1024x256xf32>
    %add3A_9 = arith.addf %dot_general3A_5, %add3A : vector<1024x256xf32>
    %slice3A = vector.extract_strided_slice %add3A_9 {offsets = [0, 0], sizes = [1024, 128], strides = [1, 1]} : vector<1024x256xf32> to vector<1024x128xf32>
    %swap3A = arith.constant 0 : index
    %swap3A_10 = arith.constant 0 : index
    %swap3A_11 = vector.load %arg4[%swap3A, %swap3A_10] : memref<1024x128xf32, #tpu.memory_space<vmem>>, vector<1024x128xf32>
    tpu.vector_store %arg4[%swap3A, %swap3A_10], %slice3A {strides = array<i32>} : memref<1024x128xf32, #tpu.memory_space<vmem>>, vector<1024x128xf32>,
    %slice3A_12 = vector.extract_strided_slice %add3A_9 {offsets = [0, 128], sizes = [1024, 128], strides = [1, 1]} : vector<1024x256xf32> to vector<1024x128xf32>
    %swap3A_13 = arith.constant 0 : index
    %swap3A_14 = arith.constant 0 : index
    %swap3A_15 = vector.load %arg5[%swap3A_13, %swap3A_14] : memref<1024x128xf32, #tpu.memory_space<vmem>>, vector<1024x128xf32>
    tpu.vector_store %arg5[%swap3A_13, %swap3A_14], %slice3A_12 {strides = array<i32>} : memref<1024x128xf32, #tpu.memory_space<vmem>>, vector<1024x128xf32>,
    return
  }
  func.func @transform_0(%arg0: i32) -> (i32, i32) {
    %c0_i32 = arith.constant 0 : i32
    %c0_i32_0 = arith.constant 0 : i32
    return %arg0, %c0_i32 : i32, i32
  }
  func.func @transform_1(%arg0: i32) -> (i32, i32) {
    %c0_i32 = arith.constant 0 : i32
    %c0_i32_0 = arith.constant 0 : i32
    %c0_i32_1 = arith.constant 0 : i32
    return %c0_i32, %c0_i32_0 : i32, i32
  }
  func.func @transform_2(%arg0: i32) -> (i32, i32) {
    %c0_i32 = arith.constant 0 : i32
    %c0_i32_0 = arith.constant 0 : i32
    %c0_i32_1 = arith.constant 0 : i32
    return %c0_i32, %c0_i32_0 : i32, i32
  }
  func.func @transform_3(%arg0: i32) -> (i32, i32) {
    %c0_i32 = arith.constant 0 : i32
    %c0_i32_0 = arith.constant 0 : i32
    return %arg0, %c0_i32 : i32, i32
  }
  func.func @transform_4(%arg0: i32) -> (i32, i32) {
    %c0_i32 = arith.constant 0 : i32
    %c0_i32_0 = arith.constant 0 : i32
    return %arg0, %c0_i32 : i32, i32
  }
}

module attributes {stable_mosaic.version = 14 : i64} {
  func.func @_tc_norm_body(%arg0: i32, %arg1: i32, %arg2: memref<2x1x1000x64xf32, #tpu.memory_space<vmem>>, %arg3: memref<2x1x1000x16xf32, #tpu.memory_space<vmem>>, %arg4: memref<1000x128xf32, #tpu.memory_space<vmem>>, %arg5: memref<1x1x64xf32, #tpu.memory_space<vmem>>, %arg6: memref<1x1x64xf32, #tpu.memory_space<vmem>>, %arg7: memref<1000x128xf32, #tpu.memory_space<vmem>>) attributes {dimension_semantics = [#tpu.dimension_semantics<arbitrary>, #tpu.dimension_semantics<arbitrary>], iteration_bounds = array<i64: 11, 10>, scalar_prefetch = 0 : i64, scratch_operands = 0 : i64, tpu.core_type = #tpu.core_type<tc>, window_params = [{transform_indices = @transform_0, window_bounds = array<i64: 2, 1, 1000, 64>}, {transform_indices = @transform_1, window_bounds = array<i64: 2, 1, 1000, 16>}, {transform_indices = @transform_2, window_bounds = array<i64: 1000, 128>}, {transform_indices = @transform_3, window_bounds = array<i64: 1, 1, 64>}, {transform_indices = @transform_4, window_bounds = array<i64: 1, 1, 64>}, {transform_indices = @transform_5, window_bounds = array<i64: 1000, 128>}]} {
    %get3A = arith.constant 0 : index
    %get3A_0 = arith.constant 0 : index
    %get3A_1 = arith.constant 0 : index
    %get3A_2 = arith.constant 0 : index
    %get3A_3 = vector.load %arg2[%get3A, %get3A_0, %get3A_1, %get3A_2] : memref<2x1x1000x64xf32, #tpu.memory_space<vmem>>, vector<1x1x1000x64xf32>
    %get3A_4 = vector.shape_cast %get3A_3 : vector<1x1x1000x64xf32> to vector<1000x64xf32>
    %get3A_5 = arith.constant 1 : index
    %get3A_6 = arith.constant 0 : index
    %get3A_7 = arith.constant 0 : index
    %get3A_8 = arith.constant 0 : index
    %get3A_9 = vector.load %arg2[%get3A_5, %get3A_6, %get3A_7, %get3A_8] : memref<2x1x1000x64xf32, #tpu.memory_space<vmem>>, vector<1x1x1000x64xf32>
    %get3A_10 = vector.shape_cast %get3A_9 : vector<1x1x1000x64xf32> to vector<1000x64xf32>
    %add3A = arith.addf %get3A_4, %get3A_10 : vector<1000x64xf32>
    %get3A_11 = arith.constant 0 : index
    %get3A_12 = arith.constant 0 : index
    %get3A_13 = arith.constant 0 : index
    %get3A_14 = arith.constant 0 : index
    %get3A_15 = vector.load %arg3[%get3A_11, %get3A_12, %get3A_13, %get3A_14] : memref<2x1x1000x16xf32, #tpu.memory_space<vmem>>, vector<1x1x1000x16xf32>
    %get3A_16 = vector.shape_cast %get3A_15 : vector<1x1x1000x16xf32> to vector<1000x16xf32>
    %get3A_17 = arith.constant 1 : index
    %get3A_18 = arith.constant 0 : index
    %get3A_19 = arith.constant 0 : index
    %get3A_20 = arith.constant 0 : index
    %get3A_21 = vector.load %arg3[%get3A_17, %get3A_18, %get3A_19, %get3A_20] : memref<2x1x1000x16xf32, #tpu.memory_space<vmem>>, vector<1x1x1000x16xf32>
    %get3A_22 = vector.shape_cast %get3A_21 : vector<1x1x1000x16xf32> to vector<1000x16xf32>
    %add3A_23 = arith.addf %get3A_16, %get3A_22 : vector<1000x16xf32>
    %slice3A = vector.extract_strided_slice %add3A_23 {offsets = [0, 0], sizes = [1000, 1], strides = [1, 1]} : vector<1000x16xf32> to vector<1000x1xf32>
    %gt3A = arith.constant 0.000000e+00 : f32
    %gt3A_24 = vector.broadcast %gt3A : f32 to vector<1000x1xf32>
    %gt3A_25 = arith.cmpf ogt, %slice3A, %gt3A_24 : vector<1000x1xf32>
    %div3A = vector.broadcast %slice3A : vector<1000x1xf32> to vector<1000x64xf32>
    %div3A_26 = arith.divf %add3A, %div3A : vector<1000x64xf32>
    %jit3A = arith.constant 0.000000e+00 : f32
    %broadcast_in_dim3A = vector.shape_cast %gt3A_25 : vector<1000x1xi1> to vector<1000x1xi1>
    %broadcast_in_dim3A_27 = vector.broadcast %broadcast_in_dim3A : vector<1000x1xi1> to vector<1000x64xi1>
    %broadcast_in_dim3A_28 = vector.broadcast %jit3A : f32 to vector<1000x64xf32>
    %select_n3A = arith.select %broadcast_in_dim3A_27, %div3A_26, %broadcast_in_dim3A_28 : vector<1000x64xi1>, vector<1000x64xf32>
    %get3A_29 = arith.constant 0 : index
    %get3A_30 = arith.constant 0 : index
    %get3A_31 = vector.load %arg4[%get3A_29, %get3A_30] : memref<1000x128xf32, #tpu.memory_space<vmem>>, vector<1000x128xf32>
    %slice3A_32 = vector.extract_strided_slice %get3A_31 {offsets = [0, 64], sizes = [1000, 64], strides = [1, 1]} : vector<1000x128xf32> to vector<1000x64xf32>
    %add3A_33 = arith.addf %select_n3A, %slice3A_32 : vector<1000x64xf32>
    %reduce_sum3A = arith.constant dense<0.000000e+00> : vector<1000xf32>
    %reduce_sum3A_34 = vector.multi_reduction <add>, %add3A_33, %reduce_sum3A [1] : vector<1000x64xf32> to vector<1000xf32>
    %broadcast_in_dim3A_35 = vector.shape_cast %reduce_sum3A_34 : vector<1000xf32> to vector<1000x1xf32>
    %div3A_36 = arith.constant 6.400000e+01 : f32
    %div3A_37 = vector.broadcast %div3A_36 : f32 to vector<1000x1xf32>
    %div3A_38 = arith.divf %broadcast_in_dim3A_35, %div3A_37 : vector<1000x1xf32>
    %sub3A = vector.broadcast %div3A_38 : vector<1000x1xf32> to vector<1000x64xf32>
    %sub3A_39 = arith.subf %add3A_33, %sub3A : vector<1000x64xf32>
    %integer_pow3A = arith.mulf %sub3A_39, %sub3A_39 : vector<1000x64xf32>
    %reduce_sum3A_40 = arith.constant dense<0.000000e+00> : vector<1000xf32>
    %reduce_sum3A_41 = vector.multi_reduction <add>, %integer_pow3A, %reduce_sum3A_40 [1] : vector<1000x64xf32> to vector<1000xf32>
    %broadcast_in_dim3A_42 = vector.shape_cast %reduce_sum3A_41 : vector<1000xf32> to vector<1000x1xf32>
    %div3A_43 = arith.constant 6.400000e+01 : f32
    %div3A_44 = vector.broadcast %div3A_43 : f32 to vector<1000x1xf32>
    %div3A_45 = arith.divf %broadcast_in_dim3A_42, %div3A_44 : vector<1000x1xf32>
    %sub3A_46 = vector.broadcast %div3A_38 : vector<1000x1xf32> to vector<1000x64xf32>
    %sub3A_47 = arith.subf %add3A_33, %sub3A_46 : vector<1000x64xf32>
    %add3A_48 = arith.constant 9.99999974E-6 : f32
    %add3A_49 = vector.broadcast %add3A_48 : f32 to vector<1000x1xf32>
    %add3A_50 = arith.addf %div3A_45, %add3A_49 : vector<1000x1xf32>
    %sqrt3A = math.sqrt %add3A_50 : vector<1000x1xf32>
    %div3A_51 = vector.broadcast %sqrt3A : vector<1000x1xf32> to vector<1000x64xf32>
    %div3A_52 = arith.divf %sub3A_47, %div3A_51 : vector<1000x64xf32>
    %get3A_53 = arith.constant 0 : index
    %get3A_54 = arith.constant 0 : index
    %get3A_55 = arith.constant 0 : index
    %get3A_56 = vector.load %arg5[%get3A_53, %get3A_54, %get3A_55] : memref<1x1x64xf32, #tpu.memory_space<vmem>>, vector<1x1x64xf32>
    %get3A_57 = vector.shape_cast %get3A_56 : vector<1x1x64xf32> to vector<1x64xf32>
    %mul3A = vector.broadcast %get3A_57 : vector<1x64xf32> to vector<1000x64xf32>
    %mul3A_58 = arith.mulf %div3A_52, %mul3A : vector<1000x64xf32>
    %get3A_59 = arith.constant 0 : index
    %get3A_60 = arith.constant 0 : index
    %get3A_61 = arith.constant 0 : index
    %get3A_62 = vector.load %arg6[%get3A_59, %get3A_60, %get3A_61] : memref<1x1x64xf32, #tpu.memory_space<vmem>>, vector<1x1x64xf32>
    %get3A_63 = vector.shape_cast %get3A_62 : vector<1x1x64xf32> to vector<1x64xf32>
    %add3A_64 = vector.broadcast %get3A_63 : vector<1x64xf32> to vector<1000x64xf32>
    %add3A_65 = arith.addf %mul3A_58, %add3A_64 : vector<1000x64xf32>
    %concatenate3A = tpu.concatenate %add3A_65, %add3A_65 in 1 : vector<1000x64xf32>, vector<1000x64xf32> -> vector<1000x128xf32>
    %swap3A = arith.constant 0 : index
    %swap3A_66 = arith.constant 0 : index
    %swap3A_67 = vector.load %arg7[%swap3A, %swap3A_66] : memref<1000x128xf32, #tpu.memory_space<vmem>>, vector<1000x128xf32>
    tpu.vector_store %arg7[%swap3A, %swap3A_66], %concatenate3A {strides = array<i32>} : memref<1000x128xf32, #tpu.memory_space<vmem>>, vector<1000x128xf32>,
    return
  }
  func.func @transform_0(%arg0: i32, %arg1: i32) -> (i32, i32, i32, i32) {
    %c0_i32 = arith.constant 0 : i32
    %c0_i32_0 = arith.constant 0 : i32
    %c0_i32_1 = arith.constant 0 : i32
    return %c0_i32, %arg0, %arg1, %c0_i32_0 : i32, i32, i32, i32
  }
  func.func @transform_1(%arg0: i32, %arg1: i32) -> (i32, i32, i32, i32) {
    %c0_i32 = arith.constant 0 : i32
    %c0_i32_0 = arith.constant 0 : i32
    %c0_i32_1 = arith.constant 0 : i32
    return %c0_i32, %arg0, %arg1, %c0_i32_0 : i32, i32, i32, i32
  }
  func.func @transform_2(%arg0: i32, %arg1: i32) -> (i32, i32) {
    %mul3A = arith.constant 10 : i32
    %mul3A_0 = arith.muli %arg0, %mul3A : i32
    %add3A = arith.addi %mul3A_0, %arg1 : i32
    %c0_i32 = arith.constant 0 : i32
    %c0_i32_1 = arith.constant 0 : i32
    return %add3A, %c0_i32 : i32, i32
  }
  func.func @transform_3(%arg0: i32, %arg1: i32) -> (i32, i32, i32) {
    %c0_i32 = arith.constant 0 : i32
    %c0_i32_0 = arith.constant 0 : i32
    %c0_i32_1 = arith.constant 0 : i32
    return %arg0, %c0_i32, %c0_i32_0 : i32, i32, i32
  }
  func.func @transform_4(%arg0: i32, %arg1: i32) -> (i32, i32, i32) {
    %c0_i32 = arith.constant 0 : i32
    %c0_i32_0 = arith.constant 0 : i32
    %c0_i32_1 = arith.constant 0 : i32
    return %arg0, %c0_i32, %c0_i32_0 : i32, i32, i32
  }
  func.func @transform_5(%arg0: i32, %arg1: i32) -> (i32, i32) {
    %mul3A = arith.constant 10 : i32
    %mul3A_0 = arith.muli %arg0, %mul3A : i32
    %add3A = arith.addi %mul3A_0, %arg1 : i32
    %c0_i32 = arith.constant 0 : i32
    %c0_i32_1 = arith.constant 0 : i32
    return %add3A, %c0_i32 : i32, i32
  }
}

module attributes {stable_mosaic.version = 14 : i64} {
  func.func @_tc_mlp_body(%arg0: i32, %arg1: memref<1000x432xf32, #tpu.memory_space<vmem>>, %arg2: memref<2x11x1000x64xf32, #tpu.memory_space<vmem>>, %arg3: memref<1136x64xf32, #tpu.memory_space<vmem>>, %arg4: memref<1x64xf32, #tpu.memory_space<vmem>>, %arg5: memref<64x64xf32, #tpu.memory_space<vmem>>, %arg6: memref<1x64xf32, #tpu.memory_space<vmem>>, %arg7: memref<64x1xf32, #tpu.memory_space<vmem>>, %arg8: memref<1x1xf32, #tpu.memory_space<vmem>>, %arg9: memref<1000x1xf32, #tpu.memory_space<vmem>>) attributes {dimension_semantics = [#tpu.dimension_semantics<arbitrary>], iteration_bounds = array<i64: 10>, scalar_prefetch = 0 : i64, scratch_operands = 0 : i64, tpu.core_type = #tpu.core_type<tc>, window_params = [{transform_indices = @transform_0, window_bounds = array<i64: 1000, 432>}, {transform_indices = @transform_1, window_bounds = array<i64: 2, 11, 1000, 64>}, {pipeline_mode = #tpu.pipeline_mode<synchronous>, transform_indices = @transform_2, window_bounds = array<i64: 1136, 64>}, {pipeline_mode = #tpu.pipeline_mode<synchronous>, transform_indices = @transform_3, window_bounds = array<i64: 1, 64>}, {pipeline_mode = #tpu.pipeline_mode<synchronous>, transform_indices = @transform_4, window_bounds = array<i64: 64, 64>}, {pipeline_mode = #tpu.pipeline_mode<synchronous>, transform_indices = @transform_5, window_bounds = array<i64: 1, 64>}, {pipeline_mode = #tpu.pipeline_mode<synchronous>, transform_indices = @transform_6, window_bounds = array<i64: 64, 1>}, {pipeline_mode = #tpu.pipeline_mode<synchronous>, transform_indices = @transform_7, window_bounds = array<i64: 1, 1>}, {transform_indices = @transform_8, window_bounds = array<i64: 1000, 1>}]} {
    %get3A = arith.constant 0 : index
    %get3A_0 = arith.constant 0 : index
    %get3A_1 = vector.load %arg1[%get3A, %get3A_0] : memref<1000x432xf32, #tpu.memory_space<vmem>>, vector<1000x432xf32>
    %get3A_2 = arith.constant 0 : index
    %get3A_3 = arith.constant 0 : index
    %get3A_4 = arith.constant 0 : index
    %get3A_5 = arith.constant 0 : index
    %get3A_6 = vector.load %arg2[%get3A_2, %get3A_3, %get3A_4, %get3A_5] : memref<2x11x1000x64xf32, #tpu.memory_space<vmem>>, vector<1x1x1000x64xf32>
    %get3A_7 = vector.shape_cast %get3A_6 : vector<1x1x1000x64xf32> to vector<1000x64xf32>
    %get3A_8 = arith.constant 1 : index
    %get3A_9 = arith.constant 0 : index
    %get3A_10 = arith.constant 0 : index
    %get3A_11 = arith.constant 0 : index
    %get3A_12 = vector.load %arg2[%get3A_8, %get3A_9, %get3A_10, %get3A_11] : memref<2x11x1000x64xf32, #tpu.memory_space<vmem>>, vector<1x1x1000x64xf32>
    %get3A_13 = vector.shape_cast %get3A_12 : vector<1x1x1000x64xf32> to vector<1000x64xf32>
    %add3A = arith.addf %get3A_7, %get3A_13 : vector<1000x64xf32>
    %get3A_14 = arith.constant 0 : index
    %get3A_15 = arith.constant 1 : index
    %get3A_16 = arith.constant 0 : index
    %get3A_17 = arith.constant 0 : index
    %get3A_18 = vector.load %arg2[%get3A_14, %get3A_15, %get3A_16, %get3A_17] : memref<2x11x1000x64xf32, #tpu.memory_space<vmem>>, vector<1x1x1000x64xf32>
    %get3A_19 = vector.shape_cast %get3A_18 : vector<1x1x1000x64xf32> to vector<1000x64xf32>
    %get3A_20 = arith.constant 1 : index
    %get3A_21 = arith.constant 1 : index
    %get3A_22 = arith.constant 0 : index
    %get3A_23 = arith.constant 0 : index
    %get3A_24 = vector.load %arg2[%get3A_20, %get3A_21, %get3A_22, %get3A_23] : memref<2x11x1000x64xf32, #tpu.memory_space<vmem>>, vector<1x1x1000x64xf32>
    %get3A_25 = vector.shape_cast %get3A_24 : vector<1x1x1000x64xf32> to vector<1000x64xf32>
    %add3A_26 = arith.addf %get3A_19, %get3A_25 : vector<1000x64xf32>
    %get3A_27 = arith.constant 0 : index
    %get3A_28 = arith.constant 2 : index
    %get3A_29 = arith.constant 0 : index
    %get3A_30 = arith.constant 0 : index
    %get3A_31 = vector.load %arg2[%get3A_27, %get3A_28, %get3A_29, %get3A_30] : memref<2x11x1000x64xf32, #tpu.memory_space<vmem>>, vector<1x1x1000x64xf32>
    %get3A_32 = vector.shape_cast %get3A_31 : vector<1x1x1000x64xf32> to vector<1000x64xf32>
    %get3A_33 = arith.constant 1 : index
    %get3A_34 = arith.constant 2 : index
    %get3A_35 = arith.constant 0 : index
    %get3A_36 = arith.constant 0 : index
    %get3A_37 = vector.load %arg2[%get3A_33, %get3A_34, %get3A_35, %get3A_36] : memref<2x11x1000x64xf32, #tpu.memory_space<vmem>>, vector<1x1x1000x64xf32>
    %get3A_38 = vector.shape_cast %get3A_37 : vector<1x1x1000x64xf32> to vector<1000x64xf32>
    %add3A_39 = arith.addf %get3A_32, %get3A_38 : vector<1000x64xf32>
    %get3A_40 = arith.constant 0 : index
    %get3A_41 = arith.constant 3 : index
    %get3A_42 = arith.constant 0 : index
    %get3A_43 = arith.constant 0 : index
    %get3A_44 = vector.load %arg2[%get3A_40, %get3A_41, %get3A_42, %get3A_43] : memref<2x11x1000x64xf32, #tpu.memory_space<vmem>>, vector<1x1x1000x64xf32>
    %get3A_45 = vector.shape_cast %get3A_44 : vector<1x1x1000x64xf32> to vector<1000x64xf32>
    %get3A_46 = arith.constant 1 : index
    %get3A_47 = arith.constant 3 : index
    %get3A_48 = arith.constant 0 : index
    %get3A_49 = arith.constant 0 : index
    %get3A_50 = vector.load %arg2[%get3A_46, %get3A_47, %get3A_48, %get3A_49] : memref<2x11x1000x64xf32, #tpu.memory_space<vmem>>, vector<1x1x1000x64xf32>
    %get3A_51 = vector.shape_cast %get3A_50 : vector<1x1x1000x64xf32> to vector<1000x64xf32>
    %add3A_52 = arith.addf %get3A_45, %get3A_51 : vector<1000x64xf32>
    %get3A_53 = arith.constant 0 : index
    %get3A_54 = arith.constant 4 : index
    %get3A_55 = arith.constant 0 : index
    %get3A_56 = arith.constant 0 : index
    %get3A_57 = vector.load %arg2[%get3A_53, %get3A_54, %get3A_55, %get3A_56] : memref<2x11x1000x64xf32, #tpu.memory_space<vmem>>, vector<1x1x1000x64xf32>
    %get3A_58 = vector.shape_cast %get3A_57 : vector<1x1x1000x64xf32> to vector<1000x64xf32>
    %get3A_59 = arith.constant 1 : index
    %get3A_60 = arith.constant 4 : index
    %get3A_61 = arith.constant 0 : index
    %get3A_62 = arith.constant 0 : index
    %get3A_63 = vector.load %arg2[%get3A_59, %get3A_60, %get3A_61, %get3A_62] : memref<2x11x1000x64xf32, #tpu.memory_space<vmem>>, vector<1x1x1000x64xf32>
    %get3A_64 = vector.shape_cast %get3A_63 : vector<1x1x1000x64xf32> to vector<1000x64xf32>
    %add3A_65 = arith.addf %get3A_58, %get3A_64 : vector<1000x64xf32>
    %get3A_66 = arith.constant 0 : index
    %get3A_67 = arith.constant 5 : index
    %get3A_68 = arith.constant 0 : index
    %get3A_69 = arith.constant 0 : index
    %get3A_70 = vector.load %arg2[%get3A_66, %get3A_67, %get3A_68, %get3A_69] : memref<2x11x1000x64xf32, #tpu.memory_space<vmem>>, vector<1x1x1000x64xf32>
    %get3A_71 = vector.shape_cast %get3A_70 : vector<1x1x1000x64xf32> to vector<1000x64xf32>
    %get3A_72 = arith.constant 1 : index
    %get3A_73 = arith.constant 5 : index
    %get3A_74 = arith.constant 0 : index
    %get3A_75 = arith.constant 0 : index
    %get3A_76 = vector.load %arg2[%get3A_72, %get3A_73, %get3A_74, %get3A_75] : memref<2x11x1000x64xf32, #tpu.memory_space<vmem>>, vector<1x1x1000x64xf32>
    %get3A_77 = vector.shape_cast %get3A_76 : vector<1x1x1000x64xf32> to vector<1000x64xf32>
    %add3A_78 = arith.addf %get3A_71, %get3A_77 : vector<1000x64xf32>
    %get3A_79 = arith.constant 0 : index
    %get3A_80 = arith.constant 6 : index
    %get3A_81 = arith.constant 0 : index
    %get3A_82 = arith.constant 0 : index
    %get3A_83 = vector.load %arg2[%get3A_79, %get3A_80, %get3A_81, %get3A_82] : memref<2x11x1000x64xf32, #tpu.memory_space<vmem>>, vector<1x1x1000x64xf32>
    %get3A_84 = vector.shape_cast %get3A_83 : vector<1x1x1000x64xf32> to vector<1000x64xf32>
    %get3A_85 = arith.constant 1 : index
    %get3A_86 = arith.constant 6 : index
    %get3A_87 = arith.constant 0 : index
    %get3A_88 = arith.constant 0 : index
    %get3A_89 = vector.load %arg2[%get3A_85, %get3A_86, %get3A_87, %get3A_88] : memref<2x11x1000x64xf32, #tpu.memory_space<vmem>>, vector<1x1x1000x64xf32>
    %get3A_90 = vector.shape_cast %get3A_89 : vector<1x1x1000x64xf32> to vector<1000x64xf32>
    %add3A_91 = arith.addf %get3A_84, %get3A_90 : vector<1000x64xf32>
    %get3A_92 = arith.constant 0 : index
    %get3A_93 = arith.constant 7 : index
    %get3A_94 = arith.constant 0 : index
    %get3A_95 = arith.constant 0 : index
    %get3A_96 = vector.load %arg2[%get3A_92, %get3A_93, %get3A_94, %get3A_95] : memref<2x11x1000x64xf32, #tpu.memory_space<vmem>>, vector<1x1x1000x64xf32>
    %get3A_97 = vector.shape_cast %get3A_96 : vector<1x1x1000x64xf32> to vector<1000x64xf32>
    %get3A_98 = arith.constant 1 : index
    %get3A_99 = arith.constant 7 : index
    %get3A_100 = arith.constant 0 : index
    %get3A_101 = arith.constant 0 : index
    %get3A_102 = vector.load %arg2[%get3A_98, %get3A_99, %get3A_100, %get3A_101] : memref<2x11x1000x64xf32, #tpu.memory_space<vmem>>, vector<1x1x1000x64xf32>
    %get3A_103 = vector.shape_cast %get3A_102 : vector<1x1x1000x64xf32> to vector<1000x64xf32>
    %add3A_104 = arith.addf %get3A_97, %get3A_103 : vector<1000x64xf32>
    %get3A_105 = arith.constant 0 : index
    %get3A_106 = arith.constant 8 : index
    %get3A_107 = arith.constant 0 : index
    %get3A_108 = arith.constant 0 : index
    %get3A_109 = vector.load %arg2[%get3A_105, %get3A_106, %get3A_107, %get3A_108] : memref<2x11x1000x64xf32, #tpu.memory_space<vmem>>, vector<1x1x1000x64xf32>
    %get3A_110 = vector.shape_cast %get3A_109 : vector<1x1x1000x64xf32> to vector<1000x64xf32>
    %get3A_111 = arith.constant 1 : index
    %get3A_112 = arith.constant 8 : index
    %get3A_113 = arith.constant 0 : index
    %get3A_114 = arith.constant 0 : index
    %get3A_115 = vector.load %arg2[%get3A_111, %get3A_112, %get3A_113, %get3A_114] : memref<2x11x1000x64xf32, #tpu.memory_space<vmem>>, vector<1x1x1000x64xf32>
    %get3A_116 = vector.shape_cast %get3A_115 : vector<1x1x1000x64xf32> to vector<1000x64xf32>
    %add3A_117 = arith.addf %get3A_110, %get3A_116 : vector<1000x64xf32>
    %get3A_118 = arith.constant 0 : index
    %get3A_119 = arith.constant 9 : index
    %get3A_120 = arith.constant 0 : index
    %get3A_121 = arith.constant 0 : index
    %get3A_122 = vector.load %arg2[%get3A_118, %get3A_119, %get3A_120, %get3A_121] : memref<2x11x1000x64xf32, #tpu.memory_space<vmem>>, vector<1x1x1000x64xf32>
    %get3A_123 = vector.shape_cast %get3A_122 : vector<1x1x1000x64xf32> to vector<1000x64xf32>
    %get3A_124 = arith.constant 1 : index
    %get3A_125 = arith.constant 9 : index
    %get3A_126 = arith.constant 0 : index
    %get3A_127 = arith.constant 0 : index
    %get3A_128 = vector.load %arg2[%get3A_124, %get3A_125, %get3A_126, %get3A_127] : memref<2x11x1000x64xf32, #tpu.memory_space<vmem>>, vector<1x1x1000x64xf32>
    %get3A_129 = vector.shape_cast %get3A_128 : vector<1x1x1000x64xf32> to vector<1000x64xf32>
    %add3A_130 = arith.addf %get3A_123, %get3A_129 : vector<1000x64xf32>
    %get3A_131 = arith.constant 0 : index
    %get3A_132 = arith.constant 10 : index
    %get3A_133 = arith.constant 0 : index
    %get3A_134 = arith.constant 0 : index
    %get3A_135 = vector.load %arg2[%get3A_131, %get3A_132, %get3A_133, %get3A_134] : memref<2x11x1000x64xf32, #tpu.memory_space<vmem>>, vector<1x1x1000x64xf32>
    %get3A_136 = vector.shape_cast %get3A_135 : vector<1x1x1000x64xf32> to vector<1000x64xf32>
    %get3A_137 = arith.constant 1 : index
    %get3A_138 = arith.constant 10 : index
    %get3A_139 = arith.constant 0 : index
    %get3A_140 = arith.constant 0 : index
    %get3A_141 = vector.load %arg2[%get3A_137, %get3A_138, %get3A_139, %get3A_140] : memref<2x11x1000x64xf32, #tpu.memory_space<vmem>>, vector<1x1x1000x64xf32>
    %get3A_142 = vector.shape_cast %get3A_141 : vector<1x1x1000x64xf32> to vector<1000x64xf32>
    %add3A_143 = arith.addf %get3A_136, %get3A_142 : vector<1000x64xf32>
    %concatenate3A = tpu.concatenate %get3A_1, %add3A, %add3A_26, %add3A_39, %add3A_52, %add3A_65, %add3A_78, %add3A_91, %add3A_104, %add3A_117, %add3A_130, %add3A_143 in 1 : vector<1000x432xf32>, vector<1000x64xf32>, vector<1000x64xf32>, vector<1000x64xf32>, vector<1000x64xf32>, vector<1000x64xf32>, vector<1000x64xf32>, vector<1000x64xf32>, vector<1000x64xf32>, vector<1000x64xf32>, vector<1000x64xf32>, vector<1000x64xf32> -> vector<1000x1136xf32>
    %get3A_144 = arith.constant 0 : index
    %get3A_145 = arith.constant 0 : index
    %get3A_146 = vector.load %arg3[%get3A_144, %get3A_145] : memref<1136x64xf32, #tpu.memory_space<vmem>>, vector<1136x64xf32>
    %dot_general3A = arith.constant dense<0.000000e+00> : vector<1000x64xf32>
    %dot_general3A_147 = tpu.matmul %concatenate3A, %get3A_146, %dot_general3A {dimension_numbers = #tpu.dot_dimension_numbers<[1], [0], [0], [1], [0, 0, 1, 1], [], []>, precision = #tpu.contract_precision<fp32>, transpose_lhs_hint = false} : vector<1000x1136xf32>, vector<1136x64xf32>, vector<1000x64xf32> -> vector<1000x64xf32>
    %get3A_148 = arith.constant 0 : index
    %get3A_149 = arith.constant 0 : index
    %get3A_150 = vector.load %arg4[%get3A_148, %get3A_149] : memref<1x64xf32, #tpu.memory_space<vmem>>, vector<1x64xf32>
    %add3A_151 = vector.broadcast %get3A_150 : vector<1x64xf32> to vector<1000x64xf32>
    %add3A_152 = arith.addf %dot_general3A_147, %add3A_151 : vector<1000x64xf32>
    %max3A = arith.constant 0.000000e+00 : f32
    %max3A_153 = vector.broadcast %max3A : f32 to vector<1000x64xf32>
    %max3A_154 = arith.maximumf %add3A_152, %max3A_153 : vector<1000x64xf32>
    %get3A_155 = arith.constant 0 : index
    %get3A_156 = arith.constant 0 : index
    %get3A_157 = vector.load %arg5[%get3A_155, %get3A_156] : memref<64x64xf32, #tpu.memory_space<vmem>>, vector<64x64xf32>
    %dot_general3A_158 = arith.constant dense<0.000000e+00> : vector<1000x64xf32>
    %dot_general3A_159 = tpu.matmul %max3A_154, %get3A_157, %dot_general3A_158 {dimension_numbers = #tpu.dot_dimension_numbers<[1], [0], [0], [1], [0, 0, 1, 1], [], []>, precision = #tpu.contract_precision<fp32>, transpose_lhs_hint = false} : vector<1000x64xf32>, vector<64x64xf32>, vector<1000x64xf32> -> vector<1000x64xf32>
    %get3A_160 = arith.constant 0 : index
    %get3A_161 = arith.constant 0 : index
    %get3A_162 = vector.load %arg6[%get3A_160, %get3A_161] : memref<1x64xf32, #tpu.memory_space<vmem>>, vector<1x64xf32>
    %add3A_163 = vector.broadcast %get3A_162 : vector<1x64xf32> to vector<1000x64xf32>
    %add3A_164 = arith.addf %dot_general3A_159, %add3A_163 : vector<1000x64xf32>
    %max3A_165 = arith.constant 0.000000e+00 : f32
    %max3A_166 = vector.broadcast %max3A_165 : f32 to vector<1000x64xf32>
    %max3A_167 = arith.maximumf %add3A_164, %max3A_166 : vector<1000x64xf32>
    %get3A_168 = arith.constant 0 : index
    %get3A_169 = arith.constant 0 : index
    %get3A_170 = vector.load %arg7[%get3A_168, %get3A_169] : memref<64x1xf32, #tpu.memory_space<vmem>>, vector<64x1xf32>
    %dot_general3A_171 = arith.constant dense<0.000000e+00> : vector<1000x1xf32>
    %dot_general3A_172 = tpu.matmul %max3A_167, %get3A_170, %dot_general3A_171 {dimension_numbers = #tpu.dot_dimension_numbers<[1], [0], [0], [1], [0, 0, 1, 1], [], []>, precision = #tpu.contract_precision<fp32>, transpose_lhs_hint = false} : vector<1000x64xf32>, vector<64x1xf32>, vector<1000x1xf32> -> vector<1000x1xf32>
    %get3A_173 = arith.constant 0 : index
    %get3A_174 = arith.constant 0 : index
    %get3A_175 = vector.load %arg8[%get3A_173, %get3A_174] : memref<1x1xf32, #tpu.memory_space<vmem>>, vector<1x1xf32>
    %add3A_176 = vector.broadcast %get3A_175 : vector<1x1xf32> to vector<1000x1xf32>
    %add3A_177 = arith.addf %dot_general3A_172, %add3A_176 : vector<1000x1xf32>
    %swap3A = arith.constant 0 : index
    %swap3A_178 = arith.constant 0 : index
    %swap3A_179 = vector.load %arg9[%swap3A, %swap3A_178] : memref<1000x1xf32, #tpu.memory_space<vmem>>, vector<1000x1xf32>
    tpu.vector_store %arg9[%swap3A, %swap3A_178], %add3A_177 {strides = array<i32>} : memref<1000x1xf32, #tpu.memory_space<vmem>>, vector<1000x1xf32>,
    return
  }
  func.func @transform_0(%arg0: i32) -> (i32, i32) {
    %c0_i32 = arith.constant 0 : i32
    %c0_i32_0 = arith.constant 0 : i32
    return %arg0, %c0_i32 : i32, i32
  }
  func.func @transform_1(%arg0: i32) -> (i32, i32, i32, i32) {
    %c0_i32 = arith.constant 0 : i32
    %c0_i32_0 = arith.constant 0 : i32
    %c0_i32_1 = arith.constant 0 : i32
    %c0_i32_2 = arith.constant 0 : i32
    return %c0_i32, %c0_i32_0, %arg0, %c0_i32_1 : i32, i32, i32, i32
  }
  func.func @transform_2(%arg0: i32) -> (i32, i32) {
    %c0_i32 = arith.constant 0 : i32
    %c0_i32_0 = arith.constant 0 : i32
    %c0_i32_1 = arith.constant 0 : i32
    return %c0_i32, %c0_i32_0 : i32, i32
  }
  func.func @transform_3(%arg0: i32) -> (i32, i32) {
    %c0_i32 = arith.constant 0 : i32
    %c0_i32_0 = arith.constant 0 : i32
    %c0_i32_1 = arith.constant 0 : i32
    return %c0_i32, %c0_i32_0 : i32, i32
  }
  func.func @transform_4(%arg0: i32) -> (i32, i32) {
    %c0_i32 = arith.constant 0 : i32
    %c0_i32_0 = arith.constant 0 : i32
    %c0_i32_1 = arith.constant 0 : i32
    return %c0_i32, %c0_i32_0 : i32, i32
  }
  func.func @transform_5(%arg0: i32) -> (i32, i32) {
    %c0_i32 = arith.constant 0 : i32
    %c0_i32_0 = arith.constant 0 : i32
    %c0_i32_1 = arith.constant 0 : i32
    return %c0_i32, %c0_i32_0 : i32, i32
  }
  func.func @transform_6(%arg0: i32) -> (i32, i32) {
    %c0_i32 = arith.constant 0 : i32
    %c0_i32_0 = arith.constant 0 : i32
    %c0_i32_1 = arith.constant 0 : i32
    return %c0_i32, %c0_i32_0 : i32, i32
  }
  func.func @transform_7(%arg0: i32) -> (i32, i32) {
    %c0_i32 = arith.constant 0 : i32
    %c0_i32_0 = arith.constant 0 : i32
    %c0_i32_1 = arith.constant 0 : i32
    return %c0_i32, %c0_i32_0 : i32, i32
  }
  func.func @transform_8(%arg0: i32) -> (i32, i32) {
    %c0_i32 = arith.constant 0 : i32
    %c0_i32_0 = arith.constant 0 : i32
    return %arg0, %c0_i32 : i32, i32
  }
}

</mosaic_0001>

<sc_bundles>
// kernel: kernel.11.cloned.1.call-start
scs
__scs_entry_jumppad:
0x0: {  	(pc) =	sbr.rel $0x88, $3  }
0x1: {  	(tag) =	ssettag $0x0;
	lr =	simm.s32 $0x1  }
0x2: {  	[smem:$0x3F5B] =	sst lr;
	_ =	strace $0xD0000000  }
0x3: {  	_ = 	snop  }
0x4: {  	_ = 	snop  }
0x5: {  	_ = 	snop  }
0x6: {  	_ = 	snop  }
0x7: {  	_ = 	snop  }
__scs_overlays_trampoline_lowered:
0x8: {  	[smem:$0x3F6A] =	sst s0  }
0x9: {  	[smem:$0x3F6B] =	sst s1  }
0xa: {  	[smem:$0x3F6C] =	sst s2  }
0xb: {  	[smem:$0x3F6D] =	sst s3  }
0xc: {  	[smem:$0x3F6E] =	sst s4  }
0xd: {  	[smem:$0x3F6F] =	sst s5  }
0xe: {  	[smem:$0x3F70] =	sst s6  }
0xf: {  	[smem:$0x3F71] =	sst s7  }
0x10: {  	[smem:$0x3F72] =	sst s8  }
0x11: {  	[smem:$0x3F73] =	sst s9;
	s0 =	simm.s32 @!p0 $0x0  }
0x12: {  	s1 =	sld [smem:$0x3F59];
	s0 =	simm.s32 @p0 $0x1  }
0x13: {  	[smem:$0x3F74] =	sst s0;
	s0 =	simm.s32 @!p1 $0x0  }
0x14: {  	s2 =	sld [smem:$0x3F58];
	s0 =	simm.s32 @p1 $0x1  }
0x15: {  	[smem:$0x3F75] =	sst s0;
	s0 =	simm.s32 @!p2 $0x0  }
0x16: {  	s3 =	sld [smem:$0x3FDB];
	s0 =	simm.s32 @p2 $0x1  }
0x17: {  	s4 =	simm.s32 $0x1BF5;
	[smem:$0x3F77] =	sst s0  }
0x18: {  	s0 =	sld [smem:$0x3F5A];
	_ =	swait.ge [sflag:s4], $0x0  }
0x19: {  	s7 =	sld [smem:$0x3F5B]  }
0x1a: {  	s8 =	sadd.s32 $0xFFFFE003, lr  }
0x1b: {  	s9 =	sadd.s32 $0xFFFFFEF7, lr;
	s5 =	simm.s32 $0xFFFFFFFF;
	p2 =	slt.u32 s8, $0xFFFFF086  }
0x1c: {  	p1 =	slt.u32 s9, $0xF7A;
	s5 =	simm.s32 @!p2 $0x0  }
0x1d: {  	s5 =	simm.s32 @p1 $0x1;
	p0 =	seq.s32 s7, s2  }
0x1e: {  	s7 =	smul.u32 @!p0 $0xF7A, s2;
	p2 =	seq.s32 @!p0 s5, $0x0  }
0x1f: {  	s9 =	smul.u32 $0xF7A, s1;
	s8 =	simm.s32 @!p0 $0x1BF5;
	p2 =	por !p2, p0  }
0x20: {  	[sflag:s8] =	ssyncset.s32 @!p0 $0xFFFFF086;
	s6 =	sadd.s32 @!p0 s3, s7;
	s7 =	simm.s32 @!p0 $0x108  }
0x21: {  	s3 =	sadd.s32 s3, s9;
	s6 =	sadd.s32 @!p0 $0x88, s6;
	s7 =	simm.s32 @p2 $0x1082  }
0x22: {  	[simem:s7], [sflag:s8] =	dma.local @!p0 [hbm:s6], $0xF7A  }
0x23: {  	s9 =	sor.u32 $0xD0000000, s2;
	s6 =	simm.s32 $0x108;
	_ =	swait.ge @!p0 [sflag:s8], $0x0  }
0x24: {  	s3 =	sadd.s32 $0x88, s3;
	s6 =	simm.s32 @!p1 $0x1082;
	[sflag:s4] =	ssyncset.s32 $0xFFFFF086  }
0x25: {  	[simem:s6], [sflag:s4] =	dma.local [hbm:s3], $0xF7A  }
0x26: {  	[smem:$0x3F5B] =	sst s1;
	(tag) =	ssettag s2;
	_ =	strace s9  }
0x27: {  	s1 =	sld [smem:$0x3F6B]  }
0x28: {  	s2 =	sld [smem:$0x3F6C]  }
0x29: {  	s4 =	sld [smem:$0x3F6E]  }
0x2a: {  	p0 =	seq.s32 s5, $0x0;
	s5 =	sld [smem:$0x3F6F]  }
0x2b: {  	s6 =	sld [smem:$0x3F70]  }
0x2c: {  	s7 =	sld [smem:$0x3F71]  }
0x2d: {  	s3 =	simm.s32 $0x108;
	s8 =	sld [smem:$0x3F72]  }
0x2e: {  	s3 =	simm.s32 @!p0 $0x1082;
	s9 =	sld [smem:$0x3F73]  }
0x2f: {  	lr =	sadd.s32 s0, s3;
	s0 =	sld [smem:$0x3F6A]  }
0x30: {  	s3 =	sld [smem:$0x3F6D]  }
0x31: {  	[smem:$0x3F76] =	sst s10  }
0x32: {  	s10 =	sld [smem:$0x3F74];
	_ =	sdelay $0x3  }
0x33: {  	p0 =	seq.s32 s10, $0x1;
	s10 =	sld [smem:$0x3F76];
	_ =	sdelay $0x3  }
0x34: {  	[smem:$0x3F76] =	sst s10  }
0x35: {  	s10 =	sld [smem:$0x3F75];
	_ =	sdelay $0x3  }
0x36: {  	p1 =	seq.s32 s10, $0x1;
	s10 =	sld [smem:$0x3F76];
	_ =	sdelay $0x3  }
0x37: {  	[smem:$0x3F76] =	sst s10  }
0x38: {  	s10 =	sld [smem:$0x3F77]  }
0x39: {  	_ = 	snop;
	(pc) =	sbr.ind lr, $3  }
0x3a: {  	_ = 	snop  }
0x3b: {  	_ = 	snop  }
0x3c: {  	p2 =	seq.s32 s10, $0x1;
	s10 =	sld [smem:$0x3F76]  }
0x3d: {  	_ =	shalt  }
0x3e: {  	_ =	shalt  }
0x3f: {  	_ =	shalt  }
0x40: {  	_ =	shalt  }
0x41: {  	_ =	shalt  }
0x42: {  	_ =	shalt  }
0x43: {  	_ =	shalt  }
0x44: {  	_ =	shalt  }
0x45: {  	_ =	shalt  }
0x46: {  	_ =	shalt  }
0x47: {  	_ =	shalt  }
0x48: {  	_ =	shalt  }
0x49: {  	_ =	shalt  }
0x4a: {  	_ =	shalt  }
0x4b: {  	_ =	shalt  }
0x4c: {  	_ =	shalt  }
0x4d: {  	_ =	shalt  }
0x4e: {  	_ =	shalt  }
0x4f: {  	_ =	shalt  }
0x50: {  	_ =	shalt  }
0x51: {  	_ =	shalt  }
0x52: {  	_ =	shalt  }
0x53: {  	_ =	shalt  }
0x54: {  	_ =	shalt  }
0x55: {  	_ =	shalt  }
0x56: {  	_ =	shalt  }
0x57: {  	_ =	shalt  }
0x58: {  	_ =	shalt  }
0x59: {  	_ =	shalt  }
0x5a: {  	_ =	shalt  }
0x5b: {  	_ =	shalt  }
0x5c: {  	_ =	shalt  }
0x5d: {  	_ =	shalt  }
0x5e: {  	_ =	shalt  }
0x5f: {  	_ =	shalt  }
0x60: {  	_ =	shalt  }
0x61: {  	_ =	shalt  }
0x62: {  	_ =	shalt  }
0x63: {  	_ =	shalt  }
0x64: {  	_ =	shalt  }
0x65: {  	_ =	shalt  }
0x66: {  	_ =	shalt  }
0x67: {  	_ =	shalt  }
0x68: {  	_ =	shalt  }
0x69: {  	_ =	shalt  }
0x6a: {  	_ =	shalt  }
0x6b: {  	_ =	shalt  }
0x6c: {  	_ =	shalt  }
0x6d: {  	_ =	shalt  }
0x6e: {  	_ =	shalt  }
0x6f: {  	_ =	shalt  }
0x70: {  	_ =	shalt  }
0x71: {  	_ =	shalt  }
0x72: {  	_ =	shalt  }
0x73: {  	_ =	shalt  }
0x74: {  	_ =	shalt  }
0x75: {  	_ =	shalt  }
0x76: {  	_ =	shalt  }
0x77: {  	_ =	shalt  }
0x78: {  	_ =	shalt  }
0x79: {  	_ =	shalt  }
0x7a: {  	_ =	shalt  }
0x7b: {  	_ =	shalt  }
0x7c: {  	_ =	shalt  }
0x7d: {  	_ =	shalt  }
0x7e: {  	_ =	shalt  }
0x7f: {  	_ =	shalt  }
0x80: {  	_ =	shalt  }
0x81: {  	_ =	shalt  }
0x82: {  	_ =	shalt  }
0x83: {  	_ =	shalt  }
0x84: {  	_ =	shalt  }
0x85: {  	_ =	shalt  }
0x86: {  	_ =	shalt  }
0x87: {  	_ =	shalt  }
.Lfunc_end0:
.L_simem_size_0:
called_computation.1_lowered:
.L_overlay_start_0:
0x88: {  	s2 =	sld [smem:$0x3FD9]  }
0x89: {  	s3 =	sld [smem:$0x3FFE];
	_ =	sdelay $0x1  }
0x8a: {  	s1 =	srdreg.scid  }
0x8b: {  	s0 =	sand.u32 $0x1, s1  }
0x8c: {  	s16 =	sshll.u32 s0, $0xA;
	s2 =	sadd.s32 s3, s2  }
0x8d: {  	s2 =	sadd.s32 s2, s16  }
0x8e: {  	[smem:$0x3F82] =	sst s2  }
0x8f: {  	_ = 	snop  }
0x90: {  	(tm) =	ssettm $0x1  }
0x91: {  	s17 =	sld [smem:$0x3FFB];
	_ =	sdelay $0x3  }
0x92: {  	_ =	strace s17  }
0x93: {  	s2 =	sld [smem:$0x3FFC];
	_ =	sdelay $0x3  }
0x94: {  	_ =	strace s2  }
0x95: {  	s2 =	sld [smem:$0x3FFD];
	_ =	sdelay $0x3  }
0x96: {  	_ =	strace s2  }
0x97: {  	_ =	strace $0x8FFFFFFF  }
0x98: {  	s18 =	sld [smem:$0x3FDB];
	_ =	sdelay $0x1  }
0x99: {  	s19 =	simm.s32 $_scs_section_size  }
0x9a: {  	s4 =	simm.s32 $_size__tile_overlayer_lowered;
	s5 =	simm.s32 $_tile_overlayer_lowered  }
0x9b: {  	s22 =	simm.s32 $0x1BFF;
	s21 =	sshll.u32 s5, $0x1;
	s2 =	sadd.s32 s19, s18  }
0x9c: {  	s6 =	simm.s32 $0x0;
	s20 =	sshll.u32 s4, $0x1;
	s4 =	sadd.s32 s21, s2  }
0x9d: {  	[timem:s6], [sflag:s22] =	dma.local [hbm:s4], s20  }
0x9e: {  	_ =	swait.ge [sflag:s22], s20  }
0x9f: {  	s3 =	ssub.s32 $0x0, s20;
	[sflag:s22] =	ssyncset.done $0x0  }
0xa0: {  	[sflag:s22] =	ssyncadd.s32 s3;
	_ =	sdelay $0x1  }
0xa1: {  	s23 =	simm.s32 $0x1B8B  }
0xa2: {  	_ =	swait.ge [sflag:s23], $0x1  }
0xa3: {  	[sflag:s23] =	ssyncset.done $0x0  }
0xa4: {  	s25 =	simm.s32 $0x1B8E;
	s24 =	sld [smem:$0x3FFE];
	[sflag:s23] =	ssyncadd.s32 $0xFFFFFFFF  }
0xa5: {  	s26 =	simm.s32 $execute0_lowered;
	[smem:$0x3FD2] =	sst s25  }
0xa6: {  	s4 =	sshll.u32 s26, $0x1;
	_ =	strace $0x80000049;
	[dreg:$0x1] =	wrdreg $0xFFFFFFFF  }
0xa7: {  	s28 =	simm.s32 $_size_execute0_lowered;
	s2 =	sadd.s32 s2, s4;
	[dreg:$0x0] =	wrdreg $0x0  }
0xa8: {  	s4 =	sshll.u32 s28, $0x1;
	[dreg:$0x2] =	wrdreg s2  }
0xa9: {  	[dreg:$0x3] =	wrdreg s4  }
0xaa: {  	[dreg:$0x4] =	wrdreg $0xC0  }
0xab: {  	_ =	task [dreg:s6], $0x5FFFF  }
0xac: {  	[dreg:$0x1] =	wrdreg $0xFFFFFFFF  }
0xad: {  	[dreg:$0x0] =	wrdreg $0x60  }
0xae: {  	[dreg:$0x2] =	wrdreg s24  }
0xaf: {  	[dreg:$0x3] =	wrdreg $0xE4200  }
0xb0: {  	[dreg:$0x4] =	wrdreg $0x180600  }
0xb1: {  	[dreg:$0x5] =	wrdreg $0x9  }
0xb2: {  	_ =	task.clear_ibuf [dreg:s6], $0x6FFFF;
	_ =	strace $0x90000049  }
0xb3: {  	s29 =	simm.s32 $0x9;
	_ =	strace $0x8000004B  }
0xb4: {  	_ =	swait.ge [sflag:s29], $0x1  }
0xb5: {  	[sflag:s29] =	ssyncadd.s32 $0xFFFFFFFF  }
0xb6: {  	_ =	strace $0x9000004B  }
0xb7: {  	_ =	sfence  }
0xb8: {  	s30 =	sld [smem:$0x0];
	_ =	sdelay $0x2  }
0xb9: {  	s31 =	sshll.u32 s1, $0xD;
	s1 =	sshrl.u32 s1, $0x2  }
0xba: {  	s3 =	sand.u32 $0x4000, s31;
	s1 =	sadd.s32 s1, s30  }
0xbb: {  	s0 =	sor.u32 s3, s0;
	s1 =	sshll.u32 s1, $0x11  }
0xbc: {  	s0 =	sor.u32 s1, s0  }
0xbd: {  	s0 =	sadd.s32 $0x8F2B, s0  }
0xbe: {  	[sflag:s0] =	ssyncadd.remote.s32 $0x1  }
0xbf: {  	_ =	sfence.sel $0xFFFF  }
0xc0: {  	[dreg:$0x0] =	wrdreg $0xFFFFFFFF;
	(pc) =	sbr.abs _section_cstart, $3  }
0xc1: {  	[dreg:$0x1] =	wrdreg $0xFFFFFFFF  }
0xc2: {  	_ =	task.clear_ibuf [dreg:s6], $0x2FFFF;
	_ =	strace $0x9FFFFFFF  }
0xc3: {  	(tm) =	ssettm $0x7FFFFFFF  }
tec
execute0_lowered:
.L_overlay_start_1:
0x0: {  	(tag) =	ssettag $0x1  }
0x1: {  	s0 =	rddreg [dreg:$0x0]  }
0x2: {  	s1 =	rddreg [dreg:$0x1]  }
0x3: {  	s2 =	rddreg [dreg:$0x2]  }
0x4: {  	s4 =	simm.s32 $0x0;
	s3 =	stileid.u32;
	s14 =	srdreg.scid  }
0x5: {  	s28 =	simm.s32 $0xCB20;
	s29 =	simm.s32 $0x0;
	[smem:$0x7FF] =	sst s4  }
0x6: {  	s5 =	sadd.s32 $0xDA800, s0;
	s6 =	sadd.s32 $0x50BA00, s0;
	s7 =	sadd.s32 $0xA4C00, s0  }
0x7: {  	s11 =	smul.u32 $0x9C40, s3;
	s8 =	sadd.s32 $0x39400, s0;
	s9 =	sadd.s32 $0x6F000, s0  }
0x8: {  	s12 =	smul.u32 $0x2710, s3;
	s10 =	sadd.s32 $0x3800, s0;
	s14 =	sand.u32 $0x1, s14  }
0x9: {  	s24 =	sadd.s32 $0x30EA00, s0;
	s17 =	ssub.s32 $0xD7, s3;
	s31 =	sshll.u32 s3, $0x6  }
0xa: {  	_ =	strace $0x8000004A;
	[dreg:$0x4] =	wrdreg s24;
	s19 =	smul.u32 $0x6B6C00, s14  }
0xb: {  	s25 =	ssub.s32 $0x2, s14;
	s20 =	smul.u32 $0x1ADB00, s14;
	s24 =	simm.s32 $0x190  }
0xc: {  	s13 =	sshrl.u32 s11, $0x3;
	s23 =	sshrl.u32 s12, $0x3;
	s26 =	sshrl.u32 s25, $0x1  }
0xd: {  	s30 =	sadd.s32 s11, s1;
	s18 =	sadd.s32 s12, s2;
	s15 =	sadd.s32 s13, s0  }
0xe: {  	s16 =	sadd.s32 s23, s0;
	s0 =	sadd.s32 $0x2A3200, s0;
	s13 =	sshrl.u32 s17, $0x4  }
0xf: {  	[dreg:$0x7] =	wrdreg s18;
	s18 =	smul.u32 $0x13880, s14;
	s19 =	sadd.s32 s19, s11  }
0x10: {  	s20 =	sadd.s32 s20, s12;
	s22 =	sshrl.u32 s30, $0x3;
	s23 =	simm.s32 $0x2  }
0x11: {  	s11 =	simm.s32 $0x0;
	[dreg:$0x5] =	wrdreg s0;
	s15 =	sadd.s32 $0x28A800, s15  }
0x12: {  	s0 =	ssub.s32 s25, s26;
	s16 =	sadd.s32 $0x29E200, s16;
	[dreg:$0x6] =	wrdreg s15  }
0x13: {  	s25 =	simm.s32 $0x1;
	[dreg:$0x8] =	wrdreg s16;
	s0 =	smax.u32 s0, $0x1  }
0x14: {  	v14 =	vlaneseq.u32;
	s26 =	simm.s32 $0x6590;
	s15 =	sor.u32 $0x1C02, s31;
	[dreg:$0x9] =	wrdreg s0  }
.LBB2_1:
0x15: {  	[dreg:$0xa] =	wrdreg s11;
	s30 =	simm.s32 $0x0  }
.LBB2_2:
0x16: {  	s0 =	rddreg [dreg:$0x6]  }
0x17: {  	[spmem:s22], [sflag:s15] =	dma.local [hbm:s0], $0x1388  }
0x18: {  	_ =	swait.ge [sflag:s23], $0x1388  }
0x19: {  	[sflag:s23] =	ssyncset.done $0x0;
	s17 =	rddreg [dreg:$0x7]  }
0x1a: {  	s21 =	rddreg [dreg:$0x8];
	[sflag:s23] =	ssyncadd.s32 $0xFFFFEC78;
	s31 =	sshrl.u32 s17, $0x3  }
0x1b: {  	[spmem:s31], [sflag:s15] =	dma.local [hbm:s21], $0x4E2  }
0x1c: {  	_ =	swait.ge [sflag:s23], $0x4E2  }
0x1d: {  	s0 =	smul.u32 $0x27100, s30;
	[sflag:s23] =	ssyncset.done $0x0  }
0x1e: {  	[sflag:s23] =	ssyncadd.s32 $0xFFFFFB1E  }
0x1f: {  	s11 =	simm.s32 $0x0;
	s21 =	sadd.s32 s18, s0;
	[bflag:$0x0] =	sbarrier.arrive $0xFFFF  }
.LBB2_3:
0x20: {  	s12 =	sshll.u32 s11, $0x4  }
0x21: {  	s12 =	sor.u32 s3, s12  }
0x22: {  	s12 =	smul.u32 $0x190, s12;
	_ =	sdelay $0x1  }
0x23: {  	s12 =	sadd.s32 s12, s21  }
0x24: {  	s12 =	sshrl.u32 s12, $0x3  }
0x25: {  	s14 =	sadd.s32 s7, s12  }
0x26: {  	[tilespmem:s29], [sflag:$0x2] =	stream.linear.gather [hbm4b:s14+s29], $0x190, $0x38;
	[tilespmem:$0x1A770] =	vst v63  }
0x27: {  	_ =	swait.ge [sflag:s23], $0x190  }
0x28: {  	[sflag:s23] =	ssyncset.done $0x0  }
0x29: {  	[sflag:s23] =	ssyncadd.s32 $0xFFFFFE70  }
0x2a: {  	[tilespmem:s24], [sflag:$0x1] =	stream.indirect.gather [hbm4b:s5+s24], $0x40, s29, s24, $0xb8;
	[tilespmem:$0x1A770] =	vst v63  }
0x2b: {  	_ =	swait.ge [sflag:s25], $0x6400  }
0x2c: {  	[sflag:s25] =	ssyncset.done $0x0  }
0x2d: {  	s17 =	sadd.s32 s8, s12;
	[sflag:s25] =	ssyncadd.s32 $0xFFFF9C00  }
0x2e: {  	[tilespmem:s29], [sflag:$0x2] =	stream.linear.gather [hbm4b:s17+s29], $0x190, $0x38;
	[tilespmem:$0x1A770] =	vst v63  }
0x2f: {  	_ =	swait.ge [sflag:s23], $0x190  }
0x30: {  	v1 =	vor.u32 s29, v14;
	[sflag:s23] =	ssyncset.done $0x0  }
0x31: {  	v2 =	vshll.u32 v1, $0x6;
	[sflag:s23] =	ssyncadd.s32 $0xFFFFFE70  }
0x32: {  	[tilespmem:s26], [sflag:$0x1] =	stream.indirect.gather [hbm4b:s5+s24], $0x40, s29, s24, $0xb8;
	[tilespmem:$0x1A770] =	vst v63  }
0x33: {  	v3 =	vor.u32 $0x1, v2;
	_ =	swait.ge [sflag:s25], $0x6400  }
0x34: {  	[sflag:s25] =	ssyncset.done $0x0  }
0x35: {  	v4 =	vor.u32 $0x2, v2;
	[sflag:s25] =	ssyncadd.s32 $0xFFFF9C00  }
0x36: {  	v5 =	vld.idx.msk [tilespmem:v2+s24+$0x0], $0xffff  }
0x37: {  	v6 =	vor.u32 $0x3, v2;
	v7 =	vld.idx.msk [tilespmem:v2+s26+$0x0], $0xffff  }
0x38: {  	v8 =	vld.idx.msk [tilespmem:v3+s26+$0x0], $0xffff  }
0x39: {  	v9 =	vor.u32 $0x4, v2;
	v3 =	vld.idx.msk [tilespmem:v3+s24+$0x0], $0xffff  }
0x3a: {  	v10 =	vld.idx.msk [tilespmem:v4+s26+$0x0], $0xffff  }
0x3b: {  	v11 =	vor.u32 $0x5, v2;
	v4 =	vld.idx.msk [tilespmem:v4+s24+$0x0], $0xffff  }
0x3c: {  	v12 =	vld.idx.msk [tilespmem:v6+s26+$0x0], $0xffff;
	v5 =	vmul.f32 v7, v5  }
0x3d: {  	v6 =	vld.idx.msk [tilespmem:v6+s24+$0x0], $0xffff;
	v7 =	vor.u32 $0x6, v2  }
0x3e: {  	v13 =	vld.idx.msk [tilespmem:v9+s26+$0x0], $0xffff;
	v3 =	vmul.f32 v8, v3;
	v5 =	vadd.f32 $0.0e+00, v5  }
0x3f: {  	v9 =	vld.idx.msk [tilespmem:v9+s24+$0x0], $0xffff;
	v8 =	vor.u32 $0x7, v2  }
0x40: {  	v4 =	vmul.f32 v10, v4;
	v10 =	vld.idx.msk [tilespmem:v11+s26+$0x0], $0xffff;
	v3 =	vadd.f32 v3, v5  }
0x41: {  	v11 =	vld.idx.msk [tilespmem:v11+s24+$0x0], $0xffff;
	v5 =	vor.u32 $0x8, v2  }
0x42: {  	v6 =	vmul.f32 v12, v6;
	v28 =	vld.idx.msk [tilespmem:v7+s26+$0x0], $0xffff;
	v3 =	vadd.f32 v4, v3  }
0x43: {  	v7 =	vld.idx.msk [tilespmem:v7+s24+$0x0], $0xffff;
	v4 =	vor.u32 $0x9, v2  }
0x44: {  	v9 =	vmul.f32 v13, v9;
	v29 =	vld.idx.msk [tilespmem:v8+s26+$0x0], $0xffff;
	v3 =	vadd.f32 v6, v3  }
0x45: {  	v8 =	vld.idx.msk [tilespmem:v8+s24+$0x0], $0xffff;
	v6 =	vor.u32 $0xA, v2  }
0x46: {  	v10 =	vmul.f32 v10, v11;
	v11 =	vld.idx.msk [tilespmem:v5+s26+$0x0], $0xffff;
	v3 =	vadd.f32 v9, v3  }
0x47: {  	v5 =	vld.idx.msk [tilespmem:v5+s24+$0x0], $0xffff;
	v9 =	vor.u32 $0xB, v2  }
0x48: {  	v7 =	vmul.f32 v28, v7;
	v30 =	vld.idx.msk [tilespmem:v4+s26+$0x0], $0xffff;
	v3 =	vadd.f32 v10, v3  }
0x49: {  	v4 =	vld.idx.msk [tilespmem:v4+s24+$0x0], $0xffff;
	v10 =	vor.u32 $0xC, v2  }
0x4a: {  	v8 =	vmul.f32 v29, v8;
	v31 =	vld.idx.msk [tilespmem:v6+s26+$0x0], $0xffff;
	v3 =	vadd.f32 v7, v3  }
0x4b: {  	v6 =	vld.idx.msk [tilespmem:v6+s24+$0x0], $0xffff;
	v7 =	vor.u32 $0xD, v2  }
0x4c: {  	v5 =	vmul.f32 v11, v5;
	v11 =	vld.idx.msk [tilespmem:v9+s26+$0x0], $0xffff;
	v3 =	vadd.f32 v8, v3  }
0x4d: {  	v9 =	vld.idx.msk [tilespmem:v9+s24+$0x0], $0xffff;
	v8 =	vor.u32 $0xE, v2  }
0x4e: {  	v4 =	vmul.f32 v30, v4;
	v32 =	vld.idx.msk [tilespmem:v10+s26+$0x0], $0xffff;
	v3 =	vadd.f32 v5, v3  }
0x4f: {  	v10 =	vld.idx.msk [tilespmem:v10+s24+$0x0], $0xffff;
	v5 =	vor.u32 $0xF, v2  }
0x50: {  	v6 =	vmul.f32 v31, v6;
	v33 =	vld.idx.msk [tilespmem:v7+s26+$0x0], $0xffff;
	v3 =	vadd.f32 v4, v3  }
0x51: {  	v7 =	vld.idx.msk [tilespmem:v7+s24+$0x0], $0xffff;
	v4 =	vor.u32 $0x10, v2  }
0x52: {  	v9 =	vmul.f32 v11, v9;
	v11 =	vld.idx.msk [tilespmem:v8+s26+$0x0], $0xffff;
	v3 =	vadd.f32 v6, v3  }
0x53: {  	v8 =	vld.idx.msk [tilespmem:v8+s24+$0x0], $0xffff;
	v6 =	vor.u32 $0x11, v2  }
0x54: {  	v10 =	vmul.f32 v32, v10;
	v34 =	vld.idx.msk [tilespmem:v5+s26+$0x0], $0xffff;
	v3 =	vadd.f32 v9, v3  }
0x55: {  	v5 =	vld.idx.msk [tilespmem:v5+s24+$0x0], $0xffff;
	v9 =	vor.u32 $0x12, v2  }
0x56: {  	v7 =	vmul.f32 v33, v7;
	v35 =	vld.idx.msk [tilespmem:v4+s26+$0x0], $0xffff;
	v3 =	vadd.f32 v10, v3  }
0x57: {  	v4 =	vld.idx.msk [tilespmem:v4+s24+$0x0], $0xffff;
	v10 =	vor.u32 $0x13, v2  }
0x58: {  	v8 =	vmul.f32 v11, v8;
	v11 =	vld.idx.msk [tilespmem:v6+s26+$0x0], $0xffff;
	v3 =	vadd.f32 v7, v3  }
0x59: {  	v6 =	vld.idx.msk [tilespmem:v6+s24+$0x0], $0xffff;
	v7 =	vor.u32 $0x14, v2  }
0x5a: {  	v5 =	vmul.f32 v34, v5;
	v36 =	vld.idx.msk [tilespmem:v9+s26+$0x0], $0xffff;
	v3 =	vadd.f32 v8, v3  }
0x5b: {  	v9 =	vld.idx.msk [tilespmem:v9+s24+$0x0], $0xffff;
	v8 =	vor.u32 $0x15, v2  }
0x5c: {  	v4 =	vmul.f32 v35, v4;
	v37 =	vld.idx.msk [tilespmem:v10+s26+$0x0], $0xffff;
	v3 =	vadd.f32 v5, v3  }
0x5d: {  	v10 =	vld.idx.msk [tilespmem:v10+s24+$0x0], $0xffff;
	v5 =	vor.u32 $0x16, v2  }
0x5e: {  	v6 =	vmul.f32 v11, v6;
	v11 =	vld.idx.msk [tilespmem:v7+s26+$0x0], $0xffff;
	v3 =	vadd.f32 v4, v3  }
0x5f: {  	v7 =	vld.idx.msk [tilespmem:v7+s24+$0x0], $0xffff;
	v4 =	vor.u32 $0x17, v2  }
0x60: {  	v9 =	vmul.f32 v36, v9;
	v38 =	vld.idx.msk [tilespmem:v8+s26+$0x0], $0xffff;
	v3 =	vadd.f32 v6, v3  }
0x61: {  	v8 =	vld.idx.msk [tilespmem:v8+s24+$0x0], $0xffff;
	v6 =	vor.u32 $0x18, v2  }
0x62: {  	v10 =	vmul.f32 v37, v10;
	v39 =	vld.idx.msk [tilespmem:v5+s26+$0x0], $0xffff;
	v3 =	vadd.f32 v9, v3  }
0x63: {  	v5 =	vld.idx.msk [tilespmem:v5+s24+$0x0], $0xffff;
	v9 =	vor.u32 $0x19, v2  }
0x64: {  	v7 =	vmul.f32 v11, v7;
	v11 =	vld.idx.msk [tilespmem:v4+s26+$0x0], $0xffff;
	v3 =	vadd.f32 v10, v3  }
0x65: {  	v4 =	vld.idx.msk [tilespmem:v4+s24+$0x0], $0xffff;
	v10 =	vor.u32 $0x1A, v2  }
0x66: {  	v8 =	vmul.f32 v38, v8;
	v40 =	vld.idx.msk [tilespmem:v6+s26+$0x0], $0xffff;
	v3 =	vadd.f32 v7, v3  }
0x67: {  	v6 =	vld.idx.msk [tilespmem:v6+s24+$0x0], $0xffff;
	v7 =	vor.u32 $0x1B, v2  }
0x68: {  	v5 =	vmul.f32 v39, v5;
	v41 =	vld.idx.msk [tilespmem:v9+s26+$0x0], $0xffff;
	v3 =	vadd.f32 v8, v3  }
0x69: {  	v9 =	vld.idx.msk [tilespmem:v9+s24+$0x0], $0xffff;
	v8 =	vor.u32 $0x1C, v2  }
0x6a: {  	v4 =	vmul.f32 v11, v4;
	v11 =	vld.idx.msk [tilespmem:v10+s26+$0x0], $0xffff;
	v3 =	vadd.f32 v5, v3  }
0x6b: {  	v10 =	vld.idx.msk [tilespmem:v10+s24+$0x0], $0xffff;
	v5 =	vor.u32 $0x1D, v2  }
0x6c: {  	v6 =	vmul.f32 v40, v6;
	v42 =	vld.idx.msk [tilespmem:v7+s26+$0x0], $0xffff;
	v3 =	vadd.f32 v4, v3  }
0x6d: {  	v7 =	vld.idx.msk [tilespmem:v7+s24+$0x0], $0xffff;
	v4 =	vor.u32 $0x1E, v2  }
0x6e: {  	v9 =	vmul.f32 v41, v9;
	v43 =	vld.idx.msk [tilespmem:v8+s26+$0x0], $0xffff;
	v3 =	vadd.f32 v6, v3  }
0x6f: {  	v8 =	vld.idx.msk [tilespmem:v8+s24+$0x0], $0xffff;
	v6 =	vor.u32 $0x1F, v2  }
0x70: {  	v10 =	vmul.f32 v11, v10;
	v11 =	vld.idx.msk [tilespmem:v5+s26+$0x0], $0xffff;
	v3 =	vadd.f32 v9, v3  }
0x71: {  	v5 =	vld.idx.msk [tilespmem:v5+s24+$0x0], $0xffff;
	v9 =	vor.u32 $0x20, v2  }
0x72: {  	v7 =	vmul.f32 v42, v7;
	v44 =	vld.idx.msk [tilespmem:v4+s26+$0x0], $0xffff;
	v3 =	vadd.f32 v10, v3  }
0x73: {  	v4 =	vld.idx.msk [tilespmem:v4+s24+$0x0], $0xffff;
	v10 =	vor.u32 $0x21, v2  }
0x74: {  	v8 =	vmul.f32 v43, v8;
	v45 =	vld.idx.msk [tilespmem:v6+s26+$0x0], $0xffff;
	v3 =	vadd.f32 v7, v3  }
0x75: {  	v6 =	vld.idx.msk [tilespmem:v6+s24+$0x0], $0xffff;
	v7 =	vor.u32 $0x22, v2  }
0x76: {  	v5 =	vmul.f32 v11, v5;
	v11 =	vld.idx.msk [tilespmem:v9+s26+$0x0], $0xffff;
	v3 =	vadd.f32 v8, v3  }
0x77: {  	v9 =	vld.idx.msk [tilespmem:v9+s24+$0x0], $0xffff;
	v8 =	vor.u32 $0x23, v2  }
0x78: {  	v4 =	vmul.f32 v44, v4;
	v46 =	vld.idx.msk [tilespmem:v10+s26+$0x0], $0xffff;
	v3 =	vadd.f32 v5, v3  }
0x79: {  	v10 =	vld.idx.msk [tilespmem:v10+s24+$0x0], $0xffff;
	v5 =	vor.u32 $0x24, v2  }
0x7a: {  	v6 =	vmul.f32 v45, v6;
	v47 =	vld.idx.msk [tilespmem:v7+s26+$0x0], $0xffff;
	v3 =	vadd.f32 v4, v3  }
0x7b: {  	v7 =	vld.idx.msk [tilespmem:v7+s24+$0x0], $0xffff;
	v4 =	vor.u32 $0x25, v2  }
0x7c: {  	v9 =	vmul.f32 v11, v9;
	v11 =	vld.idx.msk [tilespmem:v8+s26+$0x0], $0xffff;
	v3 =	vadd.f32 v6, v3  }
0x7d: {  	v8 =	vld.idx.msk [tilespmem:v8+s24+$0x0], $0xffff;
	v6 =	vor.u32 $0x26, v2  }
0x7e: {  	v10 =	vmul.f32 v46, v10;
	v48 =	vld.idx.msk [tilespmem:v5+s26+$0x0], $0xffff;
	v3 =	vadd.f32 v9, v3  }
0x7f: {  	v5 =	vld.idx.msk [tilespmem:v5+s24+$0x0], $0xffff;
	v9 =	vor.u32 $0x27, v2  }
0x80: {  	v7 =	vmul.f32 v47, v7;
	v49 =	vld.idx.msk [tilespmem:v4+s26+$0x0], $0xffff;
	v3 =	vadd.f32 v10, v3  }
0x81: {  	v4 =	vld.idx.msk [tilespmem:v4+s24+$0x0], $0xffff;
	v10 =	vor.u32 $0x28, v2  }
0x82: {  	v8 =	vmul.f32 v11, v8;
	v11 =	vld.idx.msk [tilespmem:v6+s26+$0x0], $0xffff;
	v3 =	vadd.f32 v7, v3  }
0x83: {  	v6 =	vld.idx.msk [tilespmem:v6+s24+$0x0], $0xffff;
	v7 =	vor.u32 $0x29, v2  }
0x84: {  	v5 =	vmul.f32 v48, v5;
	v50 =	vld.idx.msk [tilespmem:v9+s26+$0x0], $0xffff;
	v3 =	vadd.f32 v8, v3  }
0x85: {  	v9 =	vld.idx.msk [tilespmem:v9+s24+$0x0], $0xffff;
	v8 =	vor.u32 $0x2A, v2  }
0x86: {  	v4 =	vmul.f32 v49, v4;
	v51 =	vld.idx.msk [tilespmem:v10+s26+$0x0], $0xffff;
	v3 =	vadd.f32 v5, v3  }
0x87: {  	v10 =	vld.idx.msk [tilespmem:v10+s24+$0x0], $0xffff;
	v5 =	vor.u32 $0x2B, v2  }
0x88: {  	v6 =	vmul.f32 v11, v6;
	v11 =	vld.idx.msk [tilespmem:v7+s26+$0x0], $0xffff;
	v3 =	vadd.f32 v4, v3  }
0x89: {  	v7 =	vld.idx.msk [tilespmem:v7+s24+$0x0], $0xffff;
	v4 =	vor.u32 $0x2C, v2  }
0x8a: {  	v9 =	vmul.f32 v50, v9;
	v52 =	vld.idx.msk [tilespmem:v8+s26+$0x0], $0xffff;
	v3 =	vadd.f32 v6, v3  }
0x8b: {  	v8 =	vld.idx.msk [tilespmem:v8+s24+$0x0], $0xffff;
	v6 =	vor.u32 $0x2D, v2  }
0x8c: {  	v10 =	vmul.f32 v51, v10;
	v53 =	vld.idx.msk [tilespmem:v5+s26+$0x0], $0xffff;
	v3 =	vadd.f32 v9, v3  }
0x8d: {  	v5 =	vld.idx.msk [tilespmem:v5+s24+$0x0], $0xffff;
	v9 =	vor.u32 $0x2E, v2  }
0x8e: {  	v7 =	vmul.f32 v11, v7;
	v11 =	vld.idx.msk [tilespmem:v4+s26+$0x0], $0xffff;
	v3 =	vadd.f32 v10, v3  }
0x8f: {  	v4 =	vld.idx.msk [tilespmem:v4+s24+$0x0], $0xffff;
	v10 =	vor.u32 $0x2F, v2  }
0x90: {  	v8 =	vmul.f32 v52, v8;
	v54 =	vld.idx.msk [tilespmem:v6+s26+$0x0], $0xffff;
	v3 =	vadd.f32 v7, v3  }
0x91: {  	v6 =	vld.idx.msk [tilespmem:v6+s24+$0x0], $0xffff;
	v7 =	vor.u32 $0x30, v2  }
0x92: {  	v5 =	vmul.f32 v53, v5;
	v55 =	vld.idx.msk [tilespmem:v9+s26+$0x0], $0xffff;
	v3 =	vadd.f32 v8, v3  }
0x93: {  	v9 =	vld.idx.msk [tilespmem:v9+s24+$0x0], $0xffff;
	v8 =	vor.u32 $0x31, v2  }
0x94: {  	v4 =	vmul.f32 v11, v4;
	v11 =	vld.idx.msk [tilespmem:v10+s26+$0x0], $0xffff;
	v3 =	vadd.f32 v5, v3  }
0x95: {  	v10 =	vld.idx.msk [tilespmem:v10+s24+$0x0], $0xffff;
	v5 =	vor.u32 $0x32, v2  }
0x96: {  	v6 =	vmul.f32 v54, v6;
	v56 =	vld.idx.msk [tilespmem:v7+s26+$0x0], $0xffff;
	v3 =	vadd.f32 v4, v3  }
0x97: {  	v7 =	vld.idx.msk [tilespmem:v7+s24+$0x0], $0xffff;
	v4 =	vor.u32 $0x33, v2  }
0x98: {  	v9 =	vmul.f32 v55, v9;
	v57 =	vld.idx.msk [tilespmem:v8+s26+$0x0], $0xffff;
	v3 =	vadd.f32 v6, v3  }
0x99: {  	v8 =	vld.idx.msk [tilespmem:v8+s24+$0x0], $0xffff;
	v6 =	vor.u32 $0x34, v2  }
0x9a: {  	v10 =	vmul.f32 v11, v10;
	v11 =	vld.idx.msk [tilespmem:v5+s26+$0x0], $0xffff;
	v3 =	vadd.f32 v9, v3  }
0x9b: {  	v5 =	vld.idx.msk [tilespmem:v5+s24+$0x0], $0xffff;
	v9 =	vor.u32 $0x35, v2  }
0x9c: {  	v7 =	vmul.f32 v56, v7;
	v58 =	vld.idx.msk [tilespmem:v4+s26+$0x0], $0xffff;
	v3 =	vadd.f32 v10, v3  }
0x9d: {  	v4 =	vld.idx.msk [tilespmem:v4+s24+$0x0], $0xffff;
	v10 =	vor.u32 $0x36, v2  }
0x9e: {  	v8 =	vmul.f32 v57, v8;
	v59 =	vld.idx.msk [tilespmem:v6+s26+$0x0], $0xffff;
	v3 =	vadd.f32 v7, v3  }
0x9f: {  	v6 =	vld.idx.msk [tilespmem:v6+s24+$0x0], $0xffff;
	v7 =	vor.u32 $0x37, v2  }
0xa0: {  	v5 =	vmul.f32 v11, v5;
	v11 =	vld.idx.msk [tilespmem:v9+s26+$0x0], $0xffff;
	v3 =	vadd.f32 v8, v3  }
0xa1: {  	v9 =	vld.idx.msk [tilespmem:v9+s24+$0x0], $0xffff;
	v8 =	vor.u32 $0x38, v2  }
0xa2: {  	v4 =	vmul.f32 v58, v4;
	v60 =	vld.idx.msk [tilespmem:v10+s26+$0x0], $0xffff;
	v3 =	vadd.f32 v5, v3  }
0xa3: {  	v10 =	vld.idx.msk [tilespmem:v10+s24+$0x0], $0xffff;
	v5 =	vor.u32 $0x39, v2  }
0xa4: {  	v6 =	vmul.f32 v59, v6;
	v61 =	vld.idx.msk [tilespmem:v7+s26+$0x0], $0xffff;
	v3 =	vadd.f32 v4, v3  }
0xa5: {  	v7 =	vld.idx.msk [tilespmem:v7+s24+$0x0], $0xffff;
	v4 =	vor.u32 $0x3A, v2  }
0xa6: {  	v9 =	vmul.f32 v11, v9;
	v11 =	vld.idx.msk [tilespmem:v8+s26+$0x0], $0xffff;
	v3 =	vadd.f32 v6, v3  }
0xa7: {  	v8 =	vld.idx.msk [tilespmem:v8+s24+$0x0], $0xffff;
	v6 =	vor.u32 $0x3B, v2  }
0xa8: {  	v10 =	vmul.f32 v60, v10;
	v62 =	vld.idx.msk [tilespmem:v5+s26+$0x0], $0xffff;
	v3 =	vadd.f32 v9, v3  }
0xa9: {  	v5 =	vld.idx.msk [tilespmem:v5+s24+$0x0], $0xffff;
	v9 =	vor.u32 $0x3C, v2  }
0xaa: {  	v7 =	vmul.f32 v61, v7;
	v63 =	vld.idx.msk [tilespmem:v4+s26+$0x0], $0xffff;
	v3 =	vadd.f32 v10, v3  }
0xab: {  	v4 =	vld.idx.msk [tilespmem:v4+s24+$0x0], $0xffff;
	v10 =	vor.u32 $0x3D, v2  }
0xac: {  	v8 =	vmul.f32 v11, v8;
	v11 =	vld.idx.msk [tilespmem:v6+s26+$0x0], $0xffff;
	v3 =	vadd.f32 v7, v3  }
0xad: {  	v6 =	vld.idx.msk [tilespmem:v6+s24+$0x0], $0xffff;
	v7 =	vor.u32 $0x3E, v2  }
0xae: {  	v5 =	vmul.f32 v62, v5;
	v3 =	vadd.f32 v8, v3;
	v8 =	vld.idx.msk [tilespmem:v9+s26+$0x0], $0xffff  }
0xaf: {  	v2 =	vor.u32 $0x3F, v2;
	v9 =	vld.idx.msk [tilespmem:v9+s24+$0x0], $0xffff  }
0xb0: {  	v4 =	vmul.f32 v63, v4;
	v3 =	vadd.f32 v5, v3;
	v5 =	vld.idx.msk [tilespmem:v10+s26+$0x0], $0xffff  }
0xb1: {  	v10 =	vld.idx.msk [tilespmem:v10+s24+$0x0], $0xffff  }
0xb2: {  	v6 =	vmul.f32 v11, v6;
	v3 =	vadd.f32 v4, v3;
	v4 =	vld.idx.msk [tilespmem:v7+s26+$0x0], $0xffff  }
0xb3: {  	v7 =	vld.idx.msk [tilespmem:v7+s24+$0x0], $0xffff  }
0xb4: {  	v8 =	vmul.f32 v8, v9;
	v3 =	vadd.f32 v6, v3;
	v6 =	vld.idx.msk [tilespmem:v2+s26+$0x0], $0xffff  }
0xb5: {  	v2 =	vld.idx.msk [tilespmem:v2+s24+$0x0], $0xffff  }
0xb6: {  	v5 =	vmul.f32 v5, v10;
	v3 =	vadd.f32 v8, v3;
	_ =	sdelay $0x1  }
0xb7: {  	v4 =	vmul.f32 v4, v7;
	v3 =	vadd.f32 v5, v3;
	_ =	sdelay $0x1  }
0xb8: {  	v2 =	vmul.f32 v6, v2;
	v3 =	vadd.f32 v4, v3;
	_ =	sdelay $0x1  }
0xb9: {  	v2 =	vadd.f32 v2, v3;
	_ =	sdelay $0x1  }
0xba: {  	v2 =	vmul.f32 $1.250000000e-01, v2;
	_ =	sdelay $0x1  }
0xbb: {  	v2 =	vmul.f32 $1.442695020e+00, v2;
	_ =	sdelay $0x1  }
0xbc: {  	(erf) = vpow2.f32 v2;
	_ =	sdelay $0x5  }
0xbd: {  	v2 =	vshll.u32 v1, $0x4  }
0xbe: {  	v1 =	vor.u32 $0x1, v2  }
0xbf: {  	v4 =	vor.u32 $0x2, v2  }
0xc0: {  	s14 =	simm.s32 $0xC990;
	v5 =	vor.u32 $0x3, v2;
	v3 =	vpop (erf)  }
0xc1: {  	v6 =	vor.u32 $0x4, v2;
	[tilespmem:s14+$0x0] =	vst v3  }
0xc2: {  	v7 =	vor.u32 $0x5, v2;
	[tilespmem:v2+s28+$0x0] =	vst.idx.msk $0xffff, v3  }
0xc3: {  	v8 =	vor.u32 $0x6, v2;
	[tilespmem:v1+s28+$0x0] =	vst.idx.msk $0xffff, v3  }
0xc4: {  	v1 =	vor.u32 $0x7, v2;
	[tilespmem:v4+s28+$0x0] =	vst.idx.msk $0xffff, v3  }
0xc5: {  	v4 =	vor.u32 $0x8, v2;
	[tilespmem:v5+s28+$0x0] =	vst.idx.msk $0xffff, v3  }
0xc6: {  	v5 =	vor.u32 $0x9, v2;
	[tilespmem:v6+s28+$0x0] =	vst.idx.msk $0xffff, v3  }
0xc7: {  	v6 =	vor.u32 $0xA, v2;
	[tilespmem:v7+s28+$0x0] =	vst.idx.msk $0xffff, v3  }
0xc8: {  	v10 =	vor.u32 $0xB, v2;
	[tilespmem:v8+s28+$0x0] =	vst.idx.msk $0xffff, v3  }
0xc9: {  	v11 =	vor.u32 $0xC, v2;
	[tilespmem:v1+s28+$0x0] =	vst.idx.msk $0xffff, v3  }
0xca: {  	[tilespmem:v4+s28+$0x0] =	vst.idx.msk $0xffff, v3  }
0xcb: {  	s16 =	simm.s32 $0x10;
	v9 =	vor.u32 $0xD, v2;
	[tilespmem:v5+s28+$0x0] =	vst.idx.msk $0xffff, v3  }
0xcc: {  	v8 =	vor.u32 $0xE, v2;
	v1 =	vor.u32 s16, v14;
	[tilespmem:v6+s28+$0x0] =	vst.idx.msk $0xffff, v3  }
0xcd: {  	v7 =	vor.u32 $0xF, v2;
	v2 =	vshll.u32 v1, $0x6;
	[tilespmem:v10+s28+$0x0] =	vst.idx.msk $0xffff, v3  }
0xce: {  	s16 =	simm.s32 $0x20;
	v5 =	vor.u32 $0x2, v2;
	v4 =	vor.u32 $0x3, v2;
	v6 =	vor.u32 $0x1, v2;
	[tilespmem:v11+s28+$0x0] =	vst.idx.msk $0xffff, v3  }
.LBB2_4:
0xcf: {  	p0 =	sne.s32 s16, $0x180  }
0xd0: {  	v10 =	vor.u32 $0x4, v2;
	v11 =	vor.u32 $0x5, v2;
	v12 =	vor.u32 $0x6, v2;
	[tilespmem:v9+s28+$0x0] =	vst.idx.msk $0xffff, v3;
	s14 =	sadd.s32 $0x10, s14;
	s17 =	smov.u32 s16;
	s16 =	sadd.s32 $0x10, s16  }
0xd1: {  	v9 =	vor.u32 $0x7, v2;
	v52 =	vor.u32 $0x8, v2;
	v53 =	vor.u32 $0x9, v2;
	[tilespmem:v8+s28+$0x0] =	vst.idx.msk $0xffff, v3  }
0xd2: {  	v54 =	vor.u32 $0xA, v2;
	v55 =	vor.u32 $0xB, v2;
	v56 =	vor.u32 $0xC, v2;
	[tilespmem:v7+s28+$0x0] =	vst.idx.msk $0xffff, v3  }
0xd3: {  	v57 =	vor.u32 $0xD, v2;
	v51 =	vor.u32 $0xE, v2;
	v50 =	vor.u32 $0xF, v2;
	v3 =	vld.idx.msk [tilespmem:v2+s24+$0x0], $0xffff  }
0xd4: {  	v49 =	vor.u32 $0x10, v2;
	v48 =	vor.u32 $0x11, v2;
	v47 =	vor.u32 $0x12, v2;
	v7 =	vld.idx.msk [tilespmem:v6+s26+$0x0], $0xffff  }
0xd5: {  	v46 =	vor.u32 $0x13, v2;
	v45 =	vor.u32 $0x14, v2;
	v44 =	vor.u32 $0x15, v2;
	v8 =	vld.idx.msk [tilespmem:v2+s26+$0x0], $0xffff  }
0xd6: {  	v43 =	vor.u32 $0x16, v2;
	v42 =	vor.u32 $0x17, v2;
	v41 =	vor.u32 $0x18, v2;
	v6 =	vld.idx.msk [tilespmem:v6+s24+$0x0], $0xffff  }
0xd7: {  	v40 =	vor.u32 $0x19, v2;
	v39 =	vor.u32 $0x1A, v2;
	v38 =	vor.u32 $0x1B, v2;
	v13 =	vld.idx.msk [tilespmem:v5+s26+$0x0], $0xffff  }
0xd8: {  	v37 =	vor.u32 $0x1C, v2;
	v36 =	vor.u32 $0x1D, v2;
	v35 =	vor.u32 $0x1E, v2;
	v5 =	vld.idx.msk [tilespmem:v5+s24+$0x0], $0xffff  }
0xd9: {  	v34 =	vor.u32 $0x1F, v2;
	v33 =	vor.u32 $0x20, v2;
	v32 =	vor.u32 $0x21, v2;
	v14 =	vld.idx.msk [tilespmem:v4+s26+$0x0], $0xffff  }
0xda: {  	v31 =	vor.u32 $0x22, v2;
	v30 =	vor.u32 $0x23, v2;
	v29 =	vor.u32 $0x24, v2;
	v4 =	vld.idx.msk [tilespmem:v4+s24+$0x0], $0xffff  }
0xdb: {  	v28 =	vor.u32 $0x25, v2;
	v27 =	vor.u32 $0x26, v2;
	v3 =	vmul.f32 v8, v3;
	v8 =	vld.idx.msk [tilespmem:v10+s26+$0x0], $0xffff  }
0xdc: {  	v26 =	vor.u32 $0x27, v2;
	v25 =	vor.u32 $0x28, v2;
	v6 =	vmul.f32 v7, v6;
	v7 =	vld.idx.msk [tilespmem:v10+s24+$0x0], $0xffff  }
0xdd: {  	v24 =	vor.u32 $0x29, v2;
	v23 =	vor.u32 $0x2A, v2;
	v3 =	vadd.f32 $0.0e+00, v3;
	v10 =	vld.idx.msk [tilespmem:v11+s26+$0x0], $0xffff  }
0xde: {  	v22 =	vor.u32 $0x2B, v2;
	v21 =	vor.u32 $0x2C, v2;
	v5 =	vmul.f32 v13, v5;
	v58 =	vld.idx.msk [tilespmem:v11+s24+$0x0], $0xffff  }
0xdf: {  	v20 =	vor.u32 $0x2D, v2;
	v19 =	vor.u32 $0x2E, v2;
	v3 =	vadd.f32 v6, v3;
	v6 =	vld.idx.msk [tilespmem:v12+s26+$0x0], $0xffff  }
0xe0: {  	v18 =	vor.u32 $0x2F, v2;
	v17 =	vor.u32 $0x30, v2;
	v4 =	vmul.f32 v14, v4;
	v59 =	vld.idx.msk [tilespmem:v12+s24+$0x0], $0xffff  }
0xe1: {  	v16 =	vor.u32 $0x31, v2;
	v15 =	vor.u32 $0x32, v2;
	v3 =	vadd.f32 v5, v3;
	v60 =	vld.idx.msk [tilespmem:v9+s26+$0x0], $0xffff  }
0xe2: {  	v13 =	vor.u32 $0x34, v2;
	v14 =	vor.u32 $0x33, v2;
	v5 =	vmul.f32 v8, v7;
	v61 =	vld.idx.msk [tilespmem:v9+s24+$0x0], $0xffff  }
0xe3: {  	v11 =	vor.u32 $0x36, v2;
	v12 =	vor.u32 $0x35, v2;
	v3 =	vadd.f32 v4, v3;
	v62 =	vld.idx.msk [tilespmem:v52+s26+$0x0], $0xffff  }
0xe4: {  	v9 =	vor.u32 $0x38, v2;
	v4 =	vmul.f32 v10, v58;
	v10 =	vor.u32 $0x37, v2;
	v52 =	vld.idx.msk [tilespmem:v52+s24+$0x0], $0xffff  }
0xe5: {  	v8 =	vor.u32 $0x39, v2;
	v7 =	vor.u32 $0x3A, v2;
	v3 =	vadd.f32 v5, v3;
	v58 =	vld.idx.msk [tilespmem:v53+s26+$0x0], $0xffff  }
0xe6: {  	v5 =	vor.u32 $0x3C, v2;
	v59 =	vmul.f32 v6, v59;
	v6 =	vor.u32 $0x3B, v2;
	v53 =	vld.idx.msk [tilespmem:v53+s24+$0x0], $0xffff  }
0xe7: {  	v63 =	vadd.f32 v4, v3;
	v4 =	vor.u32 $0x3D, v2;
	v3 =	vor.u32 $0x3E, v2;
	v0 =	vld.idx.msk [tilespmem:v54+s26+$0x0], $0xffff  }
0xe8: {  	v2 =	vor.u32 $0x3F, v2;
	v60 =	vmul.f32 v60, v61;
	v54 =	vld.idx.msk [tilespmem:v54+s24+$0x0], $0xffff  }
0xe9: {  	v59 =	vadd.f32 v59, v63;
	v61 =	vld.idx.msk [tilespmem:v55+s26+$0x0], $0xffff  }
0xea: {  	v52 =	vmul.f32 v62, v52;
	v55 =	vld.idx.msk [tilespmem:v55+s24+$0x0], $0xffff  }
0xeb: {  	v59 =	vadd.f32 v60, v59;
	v60 =	vld.idx.msk [tilespmem:v56+s26+$0x0], $0xffff  }
0xec: {  	v53 =	vmul.f32 v58, v53;
	v56 =	vld.idx.msk [tilespmem:v56+s24+$0x0], $0xffff  }
0xed: {  	v52 =	vadd.f32 v52, v59;
	v58 =	vld.idx.msk [tilespmem:v57+s26+$0x0], $0xffff  }
0xee: {  	v0 =	vmul.f32 v0, v54;
	v54 =	vld.idx.msk [tilespmem:v57+s24+$0x0], $0xffff  }
0xef: {  	v52 =	vadd.f32 v53, v52;
	v53 =	vld.idx.msk [tilespmem:v51+s26+$0x0], $0xffff  }
0xf0: {  	v55 =	vmul.f32 v61, v55;
	v51 =	vld.idx.msk [tilespmem:v51+s24+$0x0], $0xffff  }
0xf1: {  	v0 =	vadd.f32 v0, v52;
	v52 =	vld.idx.msk [tilespmem:v50+s26+$0x0], $0xffff  }
0xf2: {  	v56 =	vmul.f32 v60, v56;
	v50 =	vld.idx.msk [tilespmem:v50+s24+$0x0], $0xffff  }
0xf3: {  	v0 =	vadd.f32 v55, v0;
	v55 =	vld.idx.msk [tilespmem:v49+s26+$0x0], $0xffff  }
0xf4: {  	v54 =	vmul.f32 v58, v54;
	v49 =	vld.idx.msk [tilespmem:v49+s24+$0x0], $0xffff  }
0xf5: {  	v0 =	vadd.f32 v56, v0;
	v56 =	vld.idx.msk [tilespmem:v48+s26+$0x0], $0xffff  }
0xf6: {  	v51 =	vmul.f32 v53, v51;
	v48 =	vld.idx.msk [tilespmem:v48+s24+$0x0], $0xffff  }
0xf7: {  	v0 =	vadd.f32 v54, v0;
	v53 =	vld.idx.msk [tilespmem:v47+s26+$0x0], $0xffff  }
0xf8: {  	v50 =	vmul.f32 v52, v50;
	v47 =	vld.idx.msk [tilespmem:v47+s24+$0x0], $0xffff  }
0xf9: {  	v0 =	vadd.f32 v51, v0;
	v51 =	vld.idx.msk [tilespmem:v46+s26+$0x0], $0xffff  }
0xfa: {  	v49 =	vmul.f32 v55, v49;
	v46 =	vld.idx.msk [tilespmem:v46+s24+$0x0], $0xffff  }
0xfb: {  	v0 =	vadd.f32 v50, v0;
	v50 =	vld.idx.msk [tilespmem:v45+s26+$0x0], $0xffff  }
0xfc: {  	v48 =	vmul.f32 v56, v48;
	v45 =	vld.idx.msk [tilespmem:v45+s24+$0x0], $0xffff  }
0xfd: {  	v0 =	vadd.f32 v49, v0;
	v49 =	vld.idx.msk [tilespmem:v44+s26+$0x0], $0xffff  }
0xfe: {  	v47 =	vmul.f32 v53, v47;
	v44 =	vld.idx.msk [tilespmem:v44+s24+$0x0], $0xffff  }
0xff: {  	v0 =	vadd.f32 v48, v0;
	v48 =	vld.idx.msk [tilespmem:v43+s26+$0x0], $0xffff  }
0x100: {  	v46 =	vmul.f32 v51, v46;
	v43 =	vld.idx.msk [tilespmem:v43+s24+$0x0], $0xffff  }
0x101: {  	v0 =	vadd.f32 v47, v0;
	v47 =	vld.idx.msk [tilespmem:v42+s26+$0x0], $0xffff  }
0x102: {  	v45 =	vmul.f32 v50, v45;
	v42 =	vld.idx.msk [tilespmem:v42+s24+$0x0], $0xffff  }
0x103: {  	v0 =	vadd.f32 v46, v0;
	v46 =	vld.idx.msk [tilespmem:v41+s26+$0x0], $0xffff  }
0x104: {  	v44 =	vmul.f32 v49, v44;
	v41 =	vld.idx.msk [tilespmem:v41+s24+$0x0], $0xffff  }
0x105: {  	v0 =	vadd.f32 v45, v0;
	v45 =	vld.idx.msk [tilespmem:v40+s26+$0x0], $0xffff  }
0x106: {  	v43 =	vmul.f32 v48, v43;
	v40 =	vld.idx.msk [tilespmem:v40+s24+$0x0], $0xffff  }
0x107: {  	v0 =	vadd.f32 v44, v0;
	v44 =	vld.idx.msk [tilespmem:v39+s26+$0x0], $0xffff  }
0x108: {  	v42 =	vmul.f32 v47, v42;
	v39 =	vld.idx.msk [tilespmem:v39+s24+$0x0], $0xffff  }
0x109: {  	v0 =	vadd.f32 v43, v0;
	v43 =	vld.idx.msk [tilespmem:v38+s26+$0x0], $0xffff  }
0x10a: {  	v41 =	vmul.f32 v46, v41;
	v38 =	vld.idx.msk [tilespmem:v38+s24+$0x0], $0xffff  }
0x10b: {  	v0 =	vadd.f32 v42, v0;
	v42 =	vld.idx.msk [tilespmem:v37+s26+$0x0], $0xffff  }
0x10c: {  	v40 =	vmul.f32 v45, v40;
	v37 =	vld.idx.msk [tilespmem:v37+s24+$0x0], $0xffff  }
0x10d: {  	v0 =	vadd.f32 v41, v0;
	v41 =	vld.idx.msk [tilespmem:v36+s26+$0x0], $0xffff  }
0x10e: {  	v39 =	vmul.f32 v44, v39;
	v36 =	vld.idx.msk [tilespmem:v36+s24+$0x0], $0xffff  }
0x10f: {  	v0 =	vadd.f32 v40, v0;
	v40 =	vld.idx.msk [tilespmem:v35+s26+$0x0], $0xffff  }
0x110: {  	v38 =	vmul.f32 v43, v38;
	v35 =	vld.idx.msk [tilespmem:v35+s24+$0x0], $0xffff  }
0x111: {  	v0 =	vadd.f32 v39, v0;
	v39 =	vld.idx.msk [tilespmem:v34+s26+$0x0], $0xffff  }
0x112: {  	v37 =	vmul.f32 v42, v37;
	v34 =	vld.idx.msk [tilespmem:v34+s24+$0x0], $0xffff  }
0x113: {  	v0 =	vadd.f32 v38, v0;
	v38 =	vld.idx.msk [tilespmem:v33+s26+$0x0], $0xffff  }
0x114: {  	v36 =	vmul.f32 v41, v36;
	v33 =	vld.idx.msk [tilespmem:v33+s24+$0x0], $0xffff  }
0x115: {  	v0 =	vadd.f32 v37, v0;
	v37 =	vld.idx.msk [tilespmem:v32+s26+$0x0], $0xffff  }
0x116: {  	v35 =	vmul.f32 v40, v35;
	v32 =	vld.idx.msk [tilespmem:v32+s24+$0x0], $0xffff  }
0x117: {  	v0 =	vadd.f32 v36, v0;
	v36 =	vld.idx.msk [tilespmem:v31+s26+$0x0], $0xffff  }
0x118: {  	v34 =	vmul.f32 v39, v34;
	v31 =	vld.idx.msk [tilespmem:v31+s24+$0x0], $0xffff  }
0x119: {  	v0 =	vadd.f32 v35, v0;
	v35 =	vld.idx.msk [tilespmem:v30+s26+$0x0], $0xffff  }
0x11a: {  	v33 =	vmul.f32 v38, v33;
	v30 =	vld.idx.msk [tilespmem:v30+s24+$0x0], $0xffff  }
0x11b: {  	v0 =	vadd.f32 v34, v0;
	v34 =	vld.idx.msk [tilespmem:v29+s26+$0x0], $0xffff  }
0x11c: {  	v32 =	vmul.f32 v37, v32;
	v29 =	vld.idx.msk [tilespmem:v29+s24+$0x0], $0xffff  }
0x11d: {  	v0 =	vadd.f32 v33, v0;
	v33 =	vld.idx.msk [tilespmem:v28+s26+$0x0], $0xffff  }
0x11e: {  	v31 =	vmul.f32 v36, v31;
	v28 =	vld.idx.msk [tilespmem:v28+s24+$0x0], $0xffff  }
0x11f: {  	v0 =	vadd.f32 v32, v0;
	v32 =	vld.idx.msk [tilespmem:v27+s26+$0x0], $0xffff  }
0x120: {  	v30 =	vmul.f32 v35, v30;
	v27 =	vld.idx.msk [tilespmem:v27+s24+$0x0], $0xffff  }
0x121: {  	v0 =	vadd.f32 v31, v0;
	v31 =	vld.idx.msk [tilespmem:v26+s26+$0x0], $0xffff  }
0x122: {  	v29 =	vmul.f32 v34, v29;
	v26 =	vld.idx.msk [tilespmem:v26+s24+$0x0], $0xffff  }
0x123: {  	v0 =	vadd.f32 v30, v0;
	v30 =	vld.idx.msk [tilespmem:v25+s26+$0x0], $0xffff  }
0x124: {  	v28 =	vmul.f32 v33, v28;
	v25 =	vld.idx.msk [tilespmem:v25+s24+$0x0], $0xffff  }
0x125: {  	v0 =	vadd.f32 v29, v0;
	v29 =	vld.idx.msk [tilespmem:v24+s26+$0x0], $0xffff  }
0x126: {  	v27 =	vmul.f32 v32, v27;
	v24 =	vld.idx.msk [tilespmem:v24+s24+$0x0], $0xffff  }
0x127: {  	v0 =	vadd.f32 v28, v0;
	v28 =	vld.idx.msk [tilespmem:v23+s26+$0x0], $0xffff  }
0x128: {  	v26 =	vmul.f32 v31, v26;
	v23 =	vld.idx.msk [tilespmem:v23+s24+$0x0], $0xffff  }
0x129: {  	v0 =	vadd.f32 v27, v0;
	v27 =	vld.idx.msk [tilespmem:v22+s26+$0x0], $0xffff  }
0x12a: {  	v25 =	vmul.f32 v30, v25;
	v22 =	vld.idx.msk [tilespmem:v22+s24+$0x0], $0xffff  }
0x12b: {  	v0 =	vadd.f32 v26, v0;
	v26 =	vld.idx.msk [tilespmem:v21+s26+$0x0], $0xffff  }
0x12c: {  	v24 =	vmul.f32 v29, v24;
	v21 =	vld.idx.msk [tilespmem:v21+s24+$0x0], $0xffff  }
0x12d: {  	v0 =	vadd.f32 v25, v0;
	v25 =	vld.idx.msk [tilespmem:v20+s26+$0x0], $0xffff  }
0x12e: {  	v23 =	vmul.f32 v28, v23;
	v20 =	vld.idx.msk [tilespmem:v20+s24+$0x0], $0xffff  }
0x12f: {  	v0 =	vadd.f32 v24, v0;
	v24 =	vld.idx.msk [tilespmem:v19+s26+$0x0], $0xffff  }
0x130: {  	v22 =	vmul.f32 v27, v22;
	v19 =	vld.idx.msk [tilespmem:v19+s24+$0x0], $0xffff  }
0x131: {  	v0 =	vadd.f32 v23, v0;
	v23 =	vld.idx.msk [tilespmem:v18+s26+$0x0], $0xffff  }
0x132: {  	v21 =	vmul.f32 v26, v21;
	v18 =	vld.idx.msk [tilespmem:v18+s24+$0x0], $0xffff  }
0x133: {  	v0 =	vadd.f32 v22, v0;
	v22 =	vld.idx.msk [tilespmem:v17+s26+$0x0], $0xffff  }
0x134: {  	v20 =	vmul.f32 v25, v20;
	v17 =	vld.idx.msk [tilespmem:v17+s24+$0x0], $0xffff  }
0x135: {  	v0 =	vadd.f32 v21, v0;
	v21 =	vld.idx.msk [tilespmem:v16+s26+$0x0], $0xffff  }
0x136: {  	v19 =	vmul.f32 v24, v19;
	v16 =	vld.idx.msk [tilespmem:v16+s24+$0x0], $0xffff  }
0x137: {  	v0 =	vadd.f32 v20, v0;
	v20 =	vld.idx.msk [tilespmem:v15+s26+$0x0], $0xffff  }
0x138: {  	v18 =	vmul.f32 v23, v18;
	v15 =	vld.idx.msk [tilespmem:v15+s24+$0x0], $0xffff  }
0x139: {  	v0 =	vadd.f32 v19, v0;
	v19 =	vld.idx.msk [tilespmem:v14+s26+$0x0], $0xffff  }
0x13a: {  	v17 =	vmul.f32 v22, v17;
	v14 =	vld.idx.msk [tilespmem:v14+s24+$0x0], $0xffff  }
0x13b: {  	v0 =	vadd.f32 v18, v0;
	v18 =	vld.idx.msk [tilespmem:v13+s26+$0x0], $0xffff  }
0x13c: {  	v16 =	vmul.f32 v21, v16;
	v13 =	vld.idx.msk [tilespmem:v13+s24+$0x0], $0xffff  }
0x13d: {  	v0 =	vadd.f32 v17, v0;
	v17 =	vld.idx.msk [tilespmem:v12+s26+$0x0], $0xffff  }
0x13e: {  	v15 =	vmul.f32 v20, v15;
	v12 =	vld.idx.msk [tilespmem:v12+s24+$0x0], $0xffff  }
0x13f: {  	v0 =	vadd.f32 v16, v0;
	v16 =	vld.idx.msk [tilespmem:v11+s26+$0x0], $0xffff  }
0x140: {  	v14 =	vmul.f32 v19, v14;
	v11 =	vld.idx.msk [tilespmem:v11+s24+$0x0], $0xffff  }
0x141: {  	v0 =	vadd.f32 v15, v0;
	v15 =	vld.idx.msk [tilespmem:v10+s26+$0x0], $0xffff  }
0x142: {  	v13 =	vmul.f32 v18, v13;
	v10 =	vld.idx.msk [tilespmem:v10+s24+$0x0], $0xffff  }
0x143: {  	v0 =	vadd.f32 v14, v0;
	v14 =	vld.idx.msk [tilespmem:v9+s26+$0x0], $0xffff  }
0x144: {  	v12 =	vmul.f32 v17, v12;
	v9 =	vld.idx.msk [tilespmem:v9+s24+$0x0], $0xffff  }
0x145: {  	v0 =	vadd.f32 v13, v0;
	v13 =	vld.idx.msk [tilespmem:v8+s26+$0x0], $0xffff  }
0x146: {  	v11 =	vmul.f32 v16, v11;
	v8 =	vld.idx.msk [tilespmem:v8+s24+$0x0], $0xffff  }
0x147: {  	v0 =	vadd.f32 v12, v0;
	v12 =	vld.idx.msk [tilespmem:v7+s26+$0x0], $0xffff  }
0x148: {  	v10 =	vmul.f32 v15, v10;
	v7 =	vld.idx.msk [tilespmem:v7+s24+$0x0], $0xffff  }
0x149: {  	v0 =	vadd.f32 v11, v0;
	v11 =	vld.idx.msk [tilespmem:v6+s26+$0x0], $0xffff  }
0x14a: {  	v9 =	vmul.f32 v14, v9;
	v14 =	vlaneseq.u32;
	v6 =	vld.idx.msk [tilespmem:v6+s24+$0x0], $0xffff  }
0x14b: {  	v0 =	vadd.f32 v10, v0;
	v10 =	vld.idx.msk [tilespmem:v5+s26+$0x0], $0xffff  }
0x14c: {  	v8 =	vmul.f32 v13, v8;
	v5 =	vld.idx.msk [tilespmem:v5+s24+$0x0], $0xffff  }
0x14d: {  	v0 =	vadd.f32 v9, v0;
	v9 =	vld.idx.msk [tilespmem:v4+s26+$0x0], $0xffff  }
0x14e: {  	v7 =	vmul.f32 v12, v7;
	v4 =	vld.idx.msk [tilespmem:v4+s24+$0x0], $0xffff  }
0x14f: {  	v0 =	vadd.f32 v8, v0;
	v8 =	vld.idx.msk [tilespmem:v3+s26+$0x0], $0xffff  }
0x150: {  	v6 =	vmul.f32 v11, v6;
	v3 =	vld.idx.msk [tilespmem:v3+s24+$0x0], $0xffff  }
0x151: {  	v0 =	vadd.f32 v7, v0;
	v7 =	vld.idx.msk [tilespmem:v2+s26+$0x0], $0xffff  }
0x152: {  	v5 =	vmul.f32 v10, v5;
	v2 =	vld.idx.msk [tilespmem:v2+s24+$0x0], $0xffff  }
0x153: {  	v0 =	vadd.f32 v6, v0  }
0x154: {  	v4 =	vmul.f32 v9, v4  }
0x155: {  	v0 =	vadd.f32 v5, v0  }
0x156: {  	v3 =	vmul.f32 v8, v3  }
0x157: {  	v0 =	vadd.f32 v4, v0  }
0x158: {  	v2 =	vmul.f32 v7, v2  }
0x159: {  	v0 =	vadd.f32 v3, v0;
	_ =	sdelay $0x1  }
0x15a: {  	v0 =	vadd.f32 v2, v0;
	_ =	sdelay $0x1  }
0x15b: {  	v0 =	vmul.f32 $1.250000000e-01, v0;
	_ =	sdelay $0x1  }
0x15c: {  	v0 =	vmul.f32 $1.442695020e+00, v0;
	_ =	sdelay $0x1  }
0x15d: {  	(erf) = vpow2.f32 v0;
	_ =	sdelay $0x4  }
0x15e: {  	v0 =	vshll.u32 v1, $0x4  }
0x15f: {  	v1 =	vor.u32 $0x1, v0  }
0x160: {  	v2 =	vor.u32 $0x2, v0  }
0x161: {  	v4 =	vor.u32 $0x3, v0  }
0x162: {  	v5 =	vor.u32 $0x4, v0;
	v3 =	vpop (erf)  }
0x163: {  	v6 =	vor.u32 $0x5, v0;
	[tilespmem:s14+$0x0] =	vst v3  }
0x164: {  	v7 =	vor.u32 $0x6, v0;
	[tilespmem:v0+s28+$0x0] =	vst.idx.msk $0xffff, v3  }
0x165: {  	[tilespmem:v1+s28+$0x0] =	vst.idx.msk $0xffff, v3;
	v1 =	vor.u32 $0x7, v0  }
0x166: {  	[tilespmem:v2+s28+$0x0] =	vst.idx.msk $0xffff, v3;
	v2 =	vor.u32 $0x8, v0  }
0x167: {  	[tilespmem:v4+s28+$0x0] =	vst.idx.msk $0xffff, v3;
	v4 =	vor.u32 $0x9, v0  }
0x168: {  	[tilespmem:v5+s28+$0x0] =	vst.idx.msk $0xffff, v3;
	v5 =	vor.u32 $0xA, v0  }
0x169: {  	[tilespmem:v6+s28+$0x0] =	vst.idx.msk $0xffff, v3;
	v6 =	vor.u32 $0xB, v0  }
0x16a: {  	v10 =	vor.u32 $0xC, v0;
	[tilespmem:v7+s28+$0x0] =	vst.idx.msk $0xffff, v3  }
0x16b: {  	v9 =	vor.u32 $0xD, v0;
	[tilespmem:v1+s28+$0x0] =	vst.idx.msk $0xffff, v3  }
.Ltmp0:
0x16c: {  	v8 =	vor.u32 $0xE, v0;
	[tilespmem:v2+s28+$0x0] =	vst.idx.msk $0xffff, v3;
	(pc) =	sbr.rel @p0 .LBB2_4-.Ltmp0, $4  }
0x16d: {  	v7 =	vor.u32 $0xF, v0;
	[tilespmem:v4+s28+$0x0] =	vst.idx.msk $0xffff, v3  }
0x16e: {  	v1 =	vor.u32 s17, v14;
	[tilespmem:v5+s28+$0x0] =	vst.idx.msk $0xffff, v3  }
0x16f: {  	v2 =	vshll.u32 v1, $0x6;
	[tilespmem:v6+s28+$0x0] =	vst.idx.msk $0xffff, v3  }
0x170: {  	v4 =	vor.u32 $0x3, v2;
	v5 =	vor.u32 $0x2, v2;
	v6 =	vor.u32 $0x1, v2;
	[tilespmem:v10+s28+$0x0] =	vst.idx.msk $0xffff, v3  }
0x171: {  	_ =	sdelay $0x3  }
0x172: {  	[tilespmem:v9+s28+$0x0] =	vst.idx.msk $0xffff, v3  }
0x173: {  	[tilespmem:v8+s28+$0x0] =	vst.idx.msk $0xffff, v3  }
0x174: {  	[tilespmem:v7+s28+$0x0] =	vst.idx.msk $0xffff, v3  }
0x175: {  	v0 =	vld.idx.msk [tilespmem:v2+s24+$0x0], $0xffff  }
0x176: {  	v3 =	vld.idx.msk [tilespmem:v2+s26+$0x0], $0xffff  }
0x177: {  	v7 =	vld.idx.msk [tilespmem:v6+s26+$0x0], $0xffff  }
0x178: {  	v48 =	vor.u32 $0x4, v2;
	v49 =	vld.idx.msk [tilespmem:v6+s24+$0x0], $0xffff  }
0x179: {  	v9 =	vld.idx.msk [tilespmem:v5+s26+$0x0], $0xffff  }
0x17a: {  	v10 =	vor.u32 $0x5, v2;
	v50 =	vld.idx.msk [tilespmem:v5+s24+$0x0], $0xffff  }
0x17b: {  	v11 =	vld.idx.msk [tilespmem:v4+s26+$0x0], $0xffff;
	v0 =	vmul.f32 v3, v0  }
0x17c: {  	v51 =	vor.u32 $0x6, v2;
	v52 =	vld.idx.msk [tilespmem:v4+s24+$0x0], $0xffff  }
0x17d: {  	v12 =	vld.idx.msk [tilespmem:v48+s26+$0x0], $0xffff;
	v6 =	vmul.f32 v7, v49;
	v0 =	vadd.f32 $0.0e+00, v0  }
0x17e: {  	v53 =	vor.u32 $0x7, v2;
	v8 =	vld.idx.msk [tilespmem:v48+s24+$0x0], $0xffff  }
0x17f: {  	v13 =	vld.idx.msk [tilespmem:v10+s26+$0x0], $0xffff;
	v5 =	vmul.f32 v9, v50;
	v0 =	vadd.f32 v6, v0  }
0x180: {  	v54 =	vor.u32 $0x8, v2;
	v55 =	vld.idx.msk [tilespmem:v10+s24+$0x0], $0xffff  }
0x181: {  	v56 =	vld.idx.msk [tilespmem:v51+s26+$0x0], $0xffff;
	v4 =	vmul.f32 v11, v52;
	v0 =	vadd.f32 v5, v0  }
0x182: {  	v57 =	vor.u32 $0x9, v2;
	v3 =	vld.idx.msk [tilespmem:v51+s24+$0x0], $0xffff  }
0x183: {  	v58 =	vld.idx.msk [tilespmem:v53+s26+$0x0], $0xffff;
	v8 =	vmul.f32 v12, v8;
	v0 =	vadd.f32 v4, v0  }
0x184: {  	v59 =	vor.u32 $0xA, v2;
	v7 =	vld.idx.msk [tilespmem:v53+s24+$0x0], $0xffff  }
0x185: {  	v12 =	vld.idx.msk [tilespmem:v54+s26+$0x0], $0xffff;
	v9 =	vmul.f32 v13, v55;
	v0 =	vadd.f32 v8, v0  }
0x186: {  	v60 =	vor.u32 $0xB, v2;
	v6 =	vld.idx.msk [tilespmem:v54+s24+$0x0], $0xffff  }
0x187: {  	v13 =	vld.idx.msk [tilespmem:v57+s26+$0x0], $0xffff;
	v3 =	vmul.f32 v56, v3;
	v0 =	vadd.f32 v9, v0  }
0x188: {  	v61 =	vor.u32 $0xC, v2;
	v5 =	vld.idx.msk [tilespmem:v57+s24+$0x0], $0xffff  }
0x189: {  	v62 =	vld.idx.msk [tilespmem:v59+s26+$0x0], $0xffff;
	v7 =	vmul.f32 v58, v7;
	v0 =	vadd.f32 v3, v0  }
0x18a: {  	v63 =	vor.u32 $0xD, v2;
	v4 =	vld.idx.msk [tilespmem:v59+s24+$0x0], $0xffff  }
0x18b: {  	v16 =	vld.idx.msk [tilespmem:v60+s26+$0x0], $0xffff;
	v6 =	vmul.f32 v12, v6;
	v0 =	vadd.f32 v7, v0  }
0x18c: {  	v17 =	vor.u32 $0xE, v2;
	v8 =	vld.idx.msk [tilespmem:v60+s24+$0x0], $0xffff  }
0x18d: {  	v12 =	vld.idx.msk [tilespmem:v61+s26+$0x0], $0xffff;
	v5 =	vmul.f32 v13, v5;
	v0 =	vadd.f32 v6, v0  }
0x18e: {  	v18 =	vor.u32 $0xF, v2;
	v9 =	vld.idx.msk [tilespmem:v61+s24+$0x0], $0xffff  }
0x18f: {  	v13 =	vld.idx.msk [tilespmem:v63+s26+$0x0], $0xffff;
	v4 =	vmul.f32 v62, v4;
	v0 =	vadd.f32 v5, v0  }
0x190: {  	v19 =	vor.u32 $0x10, v2;
	v3 =	vld.idx.msk [tilespmem:v63+s24+$0x0], $0xffff  }
0x191: {  	v20 =	vld.idx.msk [tilespmem:v17+s26+$0x0], $0xffff;
	v8 =	vmul.f32 v16, v8;
	v0 =	vadd.f32 v4, v0  }
0x192: {  	v21 =	vor.u32 $0x11, v2;
	v7 =	vld.idx.msk [tilespmem:v17+s24+$0x0], $0xffff  }
0x193: {  	v22 =	vld.idx.msk [tilespmem:v18+s26+$0x0], $0xffff;
	v9 =	vmul.f32 v12, v9;
	v0 =	vadd.f32 v8, v0  }
0x194: {  	v23 =	vor.u32 $0x12, v2;
	v6 =	vld.idx.msk [tilespmem:v18+s24+$0x0], $0xffff  }
0x195: {  	v12 =	vld.idx.msk [tilespmem:v19+s26+$0x0], $0xffff;
	v3 =	vmul.f32 v13, v3;
	v0 =	vadd.f32 v9, v0  }
0x196: {  	v24 =	vor.u32 $0x13, v2;
	v5 =	vld.idx.msk [tilespmem:v19+s24+$0x0], $0xffff  }
0x197: {  	v13 =	vld.idx.msk [tilespmem:v21+s26+$0x0], $0xffff;
	v7 =	vmul.f32 v20, v7;
	v0 =	vadd.f32 v3, v0  }
0x198: {  	v25 =	vor.u32 $0x14, v2;
	v4 =	vld.idx.msk [tilespmem:v21+s24+$0x0], $0xffff  }
0x199: {  	v26 =	vld.idx.msk [tilespmem:v23+s26+$0x0], $0xffff;
	v6 =	vmul.f32 v22, v6;
	v0 =	vadd.f32 v7, v0  }
0x19a: {  	v27 =	vor.u32 $0x15, v2;
	v8 =	vld.idx.msk [tilespmem:v23+s24+$0x0], $0xffff  }
0x19b: {  	v28 =	vld.idx.msk [tilespmem:v24+s26+$0x0], $0xffff;
	v5 =	vmul.f32 v12, v5;
	v0 =	vadd.f32 v6, v0  }
0x19c: {  	v29 =	vor.u32 $0x16, v2;
	v9 =	vld.idx.msk [tilespmem:v24+s24+$0x0], $0xffff  }
0x19d: {  	v12 =	vld.idx.msk [tilespmem:v25+s26+$0x0], $0xffff;
	v4 =	vmul.f32 v13, v4;
	v0 =	vadd.f32 v5, v0  }
0x19e: {  	v30 =	vor.u32 $0x17, v2;
	v3 =	vld.idx.msk [tilespmem:v25+s24+$0x0], $0xffff  }
0x19f: {  	v13 =	vld.idx.msk [tilespmem:v27+s26+$0x0], $0xffff;
	v8 =	vmul.f32 v26, v8;
	v0 =	vadd.f32 v4, v0  }
0x1a0: {  	v31 =	vor.u32 $0x18, v2;
	v7 =	vld.idx.msk [tilespmem:v27+s24+$0x0], $0xffff  }
0x1a1: {  	v32 =	vld.idx.msk [tilespmem:v29+s26+$0x0], $0xffff;
	v9 =	vmul.f32 v28, v9;
	v0 =	vadd.f32 v8, v0  }
0x1a2: {  	v33 =	vor.u32 $0x19, v2;
	v6 =	vld.idx.msk [tilespmem:v29+s24+$0x0], $0xffff  }
0x1a3: {  	v34 =	vld.idx.msk [tilespmem:v30+s26+$0x0], $0xffff;
	v3 =	vmul.f32 v12, v3;
	v0 =	vadd.f32 v9, v0  }
0x1a4: {  	v35 =	vor.u32 $0x1A, v2;
	v5 =	vld.idx.msk [tilespmem:v30+s24+$0x0], $0xffff  }
0x1a5: {  	v12 =	vld.idx.msk [tilespmem:v31+s26+$0x0], $0xffff;
	v7 =	vmul.f32 v13, v7;
	v0 =	vadd.f32 v3, v0  }
0x1a6: {  	v36 =	vor.u32 $0x1B, v2;
	v4 =	vld.idx.msk [tilespmem:v31+s24+$0x0], $0xffff  }
0x1a7: {  	v13 =	vld.idx.msk [tilespmem:v33+s26+$0x0], $0xffff;
	v6 =	vmul.f32 v32, v6;
	v0 =	vadd.f32 v7, v0  }
0x1a8: {  	v37 =	vor.u32 $0x1C, v2;
	v8 =	vld.idx.msk [tilespmem:v33+s24+$0x0], $0xffff  }
0x1a9: {  	v38 =	vld.idx.msk [tilespmem:v35+s26+$0x0], $0xffff;
	v5 =	vmul.f32 v34, v5;
	v0 =	vadd.f32 v6, v0  }
0x1aa: {  	v39 =	vor.u32 $0x1D, v2;
	v9 =	vld.idx.msk [tilespmem:v35+s24+$0x0], $0xffff  }
0x1ab: {  	v40 =	vld.idx.msk [tilespmem:v36+s26+$0x0], $0xffff;
	v4 =	vmul.f32 v12, v4;
	v0 =	vadd.f32 v5, v0  }
0x1ac: {  	v41 =	vor.u32 $0x1E, v2;
	v3 =	vld.idx.msk [tilespmem:v36+s24+$0x0], $0xffff  }
0x1ad: {  	v12 =	vld.idx.msk [tilespmem:v37+s26+$0x0], $0xffff;
	v8 =	vmul.f32 v13, v8;
	v0 =	vadd.f32 v4, v0  }
0x1ae: {  	v42 =	vor.u32 $0x1F, v2;
	v7 =	vld.idx.msk [tilespmem:v37+s24+$0x0], $0xffff  }
0x1af: {  	v13 =	vld.idx.msk [tilespmem:v39+s26+$0x0], $0xffff;
	v9 =	vmul.f32 v38, v9;
	v0 =	vadd.f32 v8, v0  }
0x1b0: {  	v43 =	vor.u32 $0x20, v2;
	v6 =	vld.idx.msk [tilespmem:v39+s24+$0x0], $0xffff  }
0x1b1: {  	v44 =	vld.idx.msk [tilespmem:v41+s26+$0x0], $0xffff;
	v3 =	vmul.f32 v40, v3;
	v0 =	vadd.f32 v9, v0  }
0x1b2: {  	v45 =	vor.u32 $0x21, v2;
	v5 =	vld.idx.msk [tilespmem:v41+s24+$0x0], $0xffff  }
0x1b3: {  	v46 =	vld.idx.msk [tilespmem:v42+s26+$0x0], $0xffff;
	v7 =	vmul.f32 v12, v7;
	v0 =	vadd.f32 v3, v0  }
0x1b4: {  	v47 =	vor.u32 $0x22, v2;
	v4 =	vld.idx.msk [tilespmem:v42+s24+$0x0], $0xffff  }
0x1b5: {  	v12 =	vld.idx.msk [tilespmem:v43+s26+$0x0], $0xffff;
	v6 =	vmul.f32 v13, v6;
	v0 =	vadd.f32 v7, v0  }
0x1b6: {  	v48 =	vor.u32 $0x23, v2;
	v8 =	vld.idx.msk [tilespmem:v43+s24+$0x0], $0xffff  }
0x1b7: {  	v13 =	vld.idx.msk [tilespmem:v45+s26+$0x0], $0xffff;
	v5 =	vmul.f32 v44, v5;
	v0 =	vadd.f32 v6, v0  }
0x1b8: {  	v49 =	vor.u32 $0x24, v2;
	v9 =	vld.idx.msk [tilespmem:v45+s24+$0x0], $0xffff  }
0x1b9: {  	v50 =	vld.idx.msk [tilespmem:v47+s26+$0x0], $0xffff;
	v4 =	vmul.f32 v46, v4;
	v0 =	vadd.f32 v5, v0  }
0x1ba: {  	v51 =	vor.u32 $0x25, v2;
	v3 =	vld.idx.msk [tilespmem:v47+s24+$0x0], $0xffff  }
0x1bb: {  	v52 =	vld.idx.msk [tilespmem:v48+s26+$0x0], $0xffff;
	v8 =	vmul.f32 v12, v8;
	v0 =	vadd.f32 v4, v0  }
0x1bc: {  	v53 =	vor.u32 $0x26, v2;
	v7 =	vld.idx.msk [tilespmem:v48+s24+$0x0], $0xffff  }
0x1bd: {  	v12 =	vld.idx.msk [tilespmem:v49+s26+$0x0], $0xffff;
	v9 =	vmul.f32 v13, v9;
	v0 =	vadd.f32 v8, v0  }
0x1be: {  	v54 =	vor.u32 $0x27, v2;
	v6 =	vld.idx.msk [tilespmem:v49+s24+$0x0], $0xffff  }
0x1bf: {  	v13 =	vld.idx.msk [tilespmem:v51+s26+$0x0], $0xffff;
	v3 =	vmul.f32 v50, v3;
	v0 =	vadd.f32 v9, v0  }
0x1c0: {  	v55 =	vor.u32 $0x28, v2;
	v5 =	vld.idx.msk [tilespmem:v51+s24+$0x0], $0xffff  }
0x1c1: {  	v56 =	vld.idx.msk [tilespmem:v53+s26+$0x0], $0xffff;
	v7 =	vmul.f32 v52, v7;
	v0 =	vadd.f32 v3, v0  }
0x1c2: {  	v57 =	vor.u32 $0x29, v2;
	v4 =	vld.idx.msk [tilespmem:v53+s24+$0x0], $0xffff  }
0x1c3: {  	v58 =	vld.idx.msk [tilespmem:v54+s26+$0x0], $0xffff;
	v6 =	vmul.f32 v12, v6;
	v0 =	vadd.f32 v7, v0  }
0x1c4: {  	v59 =	vor.u32 $0x2A, v2;
	v8 =	vld.idx.msk [tilespmem:v54+s24+$0x0], $0xffff  }
0x1c5: {  	v12 =	vld.idx.msk [tilespmem:v55+s26+$0x0], $0xffff;
	v5 =	vmul.f32 v13, v5;
	v0 =	vadd.f32 v6, v0  }
0x1c6: {  	v60 =	vor.u32 $0x2B, v2;
	v9 =	vld.idx.msk [tilespmem:v55+s24+$0x0], $0xffff  }
0x1c7: {  	v13 =	vld.idx.msk [tilespmem:v57+s26+$0x0], $0xffff;
	v4 =	vmul.f32 v56, v4;
	v0 =	vadd.f32 v5, v0  }
0x1c8: {  	v61 =	vor.u32 $0x2C, v2;
	v3 =	vld.idx.msk [tilespmem:v57+s24+$0x0], $0xffff  }
0x1c9: {  	v62 =	vld.idx.msk [tilespmem:v59+s26+$0x0], $0xffff;
	v8 =	vmul.f32 v58, v8;
	v0 =	vadd.f32 v4, v0  }
0x1ca: {  	v63 =	vor.u32 $0x2D, v2;
	v7 =	vld.idx.msk [tilespmem:v59+s24+$0x0], $0xffff  }
0x1cb: {  	v16 =	vld.idx.msk [tilespmem:v60+s26+$0x0], $0xffff;
	v9 =	vmul.f32 v12, v9;
	v0 =	vadd.f32 v8, v0  }
0x1cc: {  	v17 =	vor.u32 $0x2E, v2;
	v6 =	vld.idx.msk [tilespmem:v60+s24+$0x0], $0xffff  }
0x1cd: {  	v12 =	vld.idx.msk [tilespmem:v61+s26+$0x0], $0xffff;
	v3 =	vmul.f32 v13, v3;
	v0 =	vadd.f32 v9, v0  }
0x1ce: {  	v18 =	vor.u32 $0x2F, v2;
	v5 =	vld.idx.msk [tilespmem:v61+s24+$0x0], $0xffff  }
0x1cf: {  	v13 =	vld.idx.msk [tilespmem:v63+s26+$0x0], $0xffff;
	v7 =	vmul.f32 v62, v7;
	v0 =	vadd.f32 v3, v0  }
0x1d0: {  	v19 =	vor.u32 $0x30, v2;
	v4 =	vld.idx.msk [tilespmem:v63+s24+$0x0], $0xffff  }
0x1d1: {  	v20 =	vld.idx.msk [tilespmem:v17+s26+$0x0], $0xffff;
	v6 =	vmul.f32 v16, v6;
	v0 =	vadd.f32 v7, v0  }
0x1d2: {  	v21 =	vor.u32 $0x31, v2;
	v8 =	vld.idx.msk [tilespmem:v17+s24+$0x0], $0xffff  }
0x1d3: {  	v22 =	vld.idx.msk [tilespmem:v18+s26+$0x0], $0xffff;
	v5 =	vmul.f32 v12, v5;
	v0 =	vadd.f32 v6, v0  }
0x1d4: {  	v23 =	vor.u32 $0x32, v2;
	v9 =	vld.idx.msk [tilespmem:v18+s24+$0x0], $0xffff  }
0x1d5: {  	v12 =	vld.idx.msk [tilespmem:v19+s26+$0x0], $0xffff;
	v4 =	vmul.f32 v13, v4;
	v0 =	vadd.f32 v5, v0  }
0x1d6: {  	v24 =	vor.u32 $0x33, v2;
	v3 =	vld.idx.msk [tilespmem:v19+s24+$0x0], $0xffff  }
0x1d7: {  	v13 =	vld.idx.msk [tilespmem:v21+s26+$0x0], $0xffff;
	v8 =	vmul.f32 v20, v8;
	v0 =	vadd.f32 v4, v0  }
0x1d8: {  	v25 =	vor.u32 $0x34, v2;
	v7 =	vld.idx.msk [tilespmem:v21+s24+$0x0], $0xffff  }
0x1d9: {  	v26 =	vld.idx.msk [tilespmem:v23+s26+$0x0], $0xffff;
	v9 =	vmul.f32 v22, v9;
	v0 =	vadd.f32 v8, v0  }
0x1da: {  	v27 =	vor.u32 $0x35, v2;
	v6 =	vld.idx.msk [tilespmem:v23+s24+$0x0], $0xffff  }
0x1db: {  	v28 =	vld.idx.msk [tilespmem:v24+s26+$0x0], $0xffff;
	v3 =	vmul.f32 v12, v3;
	v0 =	vadd.f32 v9, v0  }
0x1dc: {  	v29 =	vor.u32 $0x36, v2;
	v5 =	vld.idx.msk [tilespmem:v24+s24+$0x0], $0xffff  }
0x1dd: {  	v12 =	vld.idx.msk [tilespmem:v25+s26+$0x0], $0xffff;
	v7 =	vmul.f32 v13, v7;
	v0 =	vadd.f32 v3, v0  }
0x1de: {  	v30 =	vor.u32 $0x37, v2;
	v4 =	vld.idx.msk [tilespmem:v25+s24+$0x0], $0xffff  }
0x1df: {  	v13 =	vld.idx.msk [tilespmem:v27+s26+$0x0], $0xffff;
	v6 =	vmul.f32 v26, v6;
	v0 =	vadd.f32 v7, v0  }
0x1e0: {  	v31 =	vor.u32 $0x38, v2;
	v8 =	vld.idx.msk [tilespmem:v27+s24+$0x0], $0xffff  }
0x1e1: {  	v32 =	vld.idx.msk [tilespmem:v29+s26+$0x0], $0xffff;
	v5 =	vmul.f32 v28, v5;
	v0 =	vadd.f32 v6, v0  }
0x1e2: {  	v33 =	vor.u32 $0x39, v2;
	v9 =	vld.idx.msk [tilespmem:v29+s24+$0x0], $0xffff  }
0x1e3: {  	v34 =	vld.idx.msk [tilespmem:v30+s26+$0x0], $0xffff;
	v4 =	vmul.f32 v12, v4;
	v0 =	vadd.f32 v5, v0  }
0x1e4: {  	v35 =	vor.u32 $0x3A, v2;
	v3 =	vld.idx.msk [tilespmem:v30+s24+$0x0], $0xffff  }
0x1e5: {  	v12 =	vld.idx.msk [tilespmem:v31+s26+$0x0], $0xffff;
	v8 =	vmul.f32 v13, v8;
	v0 =	vadd.f32 v4, v0  }
0x1e6: {  	v36 =	vor.u32 $0x3B, v2;
	v7 =	vld.idx.msk [tilespmem:v31+s24+$0x0], $0xffff  }
0x1e7: {  	v13 =	vld.idx.msk [tilespmem:v33+s26+$0x0], $0xffff;
	v9 =	vmul.f32 v32, v9;
	v0 =	vadd.f32 v8, v0  }
0x1e8: {  	v37 =	vor.u32 $0x3C, v2;
	v6 =	vld.idx.msk [tilespmem:v33+s24+$0x0], $0xffff  }
0x1e9: {  	v38 =	vld.idx.msk [tilespmem:v35+s26+$0x0], $0xffff;
	v3 =	vmul.f32 v34, v3;
	v0 =	vadd.f32 v9, v0  }
0x1ea: {  	v39 =	vor.u32 $0x3D, v2;
	v5 =	vld.idx.msk [tilespmem:v35+s24+$0x0], $0xffff  }
0x1eb: {  	v40 =	vld.idx.msk [tilespmem:v36+s26+$0x0], $0xffff;
	v7 =	vmul.f32 v12, v7;
	v0 =	vadd.f32 v3, v0  }
0x1ec: {  	v41 =	vor.u32 $0x3E, v2;
	v4 =	vld.idx.msk [tilespmem:v36+s24+$0x0], $0xffff  }
0x1ed: {  	v43 =	vld.idx.msk [tilespmem:v37+s24+$0x0], $0xffff;
	v6 =	vmul.f32 v13, v6;
	v0 =	vadd.f32 v7, v0  }
0x1ee: {  	v42 =	vor.u32 $0x3F, v2;
	v12 =	vld.idx.msk [tilespmem:v37+s26+$0x0], $0xffff  }
0x1ef: {  	v44 =	vld.idx.msk [tilespmem:v39+s26+$0x0], $0xffff;
	v5 =	vmul.f32 v38, v5;
	v0 =	vadd.f32 v6, v0  }
0x1f0: {  	v45 =	vld.idx.msk [tilespmem:v39+s24+$0x0], $0xffff  }
0x1f1: {  	v46 =	vld.idx.msk [tilespmem:v41+s26+$0x0], $0xffff;
	v4 =	vmul.f32 v40, v4;
	v0 =	vadd.f32 v5, v0  }
0x1f2: {  	v3 =	vld.idx.msk [tilespmem:v41+s24+$0x0], $0xffff  }
0x1f3: {  	v2 =	vld.idx.msk [tilespmem:v42+s24+$0x0], $0xffff;
	v7 =	vmul.f32 v12, v43;
	v0 =	vadd.f32 v4, v0  }
0x1f4: {  	v47 =	vld.idx.msk [tilespmem:v42+s26+$0x0], $0xffff  }
0x1f5: {  	v48 =	vmul.f32 v44, v45;
	v0 =	vadd.f32 v7, v0;
	_ =	sdelay $0x1  }
0x1f6: {  	v3 =	vmul.f32 v46, v3;
	v0 =	vadd.f32 v48, v0;
	_ =	sdelay $0x1  }
0x1f7: {  	v2 =	vmul.f32 v47, v2;
	v0 =	vadd.f32 v3, v0;
	_ =	sdelay $0x1  }
0x1f8: {  	v0 =	vadd.f32 v2, v0;
	_ =	sdelay $0x1  }
0x1f9: {  	v0 =	vmul.f32 $1.250000000e-01, v0;
	_ =	sdelay $0x1  }
0x1fa: {  	v0 =	vmul.f32 $1.442695020e+00, v0;
	_ =	sdelay $0x1  }
0x1fb: {  	(erf) = vpow2.f32 v0;
	_ =	sdelay $0x5  }
0x1fc: {  	v49 =	vshll.u32 v1, $0x4  }
0x1fd: {  	v1 =	vor.u32 $0x1, v49  }
0x1fe: {  	v50 =	vor.u32 $0x2, v49  }
0x1ff: {  	s14 =	sadd.s32 $0x10, s14;
	v51 =	vor.u32 $0x3, v49;
	v52 =	vpop (erf)  }
0x200: {  	v53 =	vor.u32 $0x4, v49;
	[tilespmem:s14+$0x0] =	vst v52  }
0x201: {  	v54 =	vor.u32 $0x5, v49;
	[tilespmem:v49+s28+$0x0] =	vst.idx.msk $0xffff, v52  }
0x202: {  	v55 =	vor.u32 $0x6, v49;
	[tilespmem:v1+s28+$0x0] =	vst.idx.msk $0xffff, v52  }
0x203: {  	v56 =	vor.u32 $0x7, v49;
	[tilespmem:v50+s28+$0x0] =	vst.idx.msk $0xffff, v52  }
0x204: {  	v57 =	vor.u32 $0x8, v49;
	[tilespmem:v51+s28+$0x0] =	vst.idx.msk $0xffff, v52  }
0x205: {  	v58 =	vor.u32 $0x9, v49;
	[tilespmem:v53+s28+$0x0] =	vst.idx.msk $0xffff, v52  }
0x206: {  	v59 =	vor.u32 $0xA, v49;
	[tilespmem:v54+s28+$0x0] =	vst.idx.msk $0xffff, v52  }
0x207: {  	v60 =	vor.u32 $0xB, v49;
	[tilespmem:v55+s28+$0x0] =	vst.idx.msk $0xffff, v52  }
0x208: {  	v61 =	vor.u32 $0xC, v49;
	[tilespmem:v56+s28+$0x0] =	vst.idx.msk $0xffff, v52  }
0x209: {  	v62 =	vor.u32 $0xD, v49;
	[tilespmem:v57+s28+$0x0] =	vst.idx.msk $0xffff, v52  }
0x20a: {  	v63 =	vor.u32 $0xE, v49;
	[tilespmem:v58+s28+$0x0] =	vst.idx.msk $0xffff, v52  }
0x20b: {  	v0 =	vor.u32 $0xF, v49;
	[tilespmem:v59+s28+$0x0] =	vst.idx.msk $0xffff, v52  }
0x20c: {  	[tilespmem:v60+s28+$0x0] =	vst.idx.msk $0xffff, v52  }
0x20d: {  	[tilespmem:v61+s28+$0x0] =	vst.idx.msk $0xffff, v52  }
0x20e: {  	[tilespmem:v62+s28+$0x0] =	vst.idx.msk $0xffff, v52  }
0x20f: {  	[tilespmem:v63+s28+$0x0] =	vst.idx.msk $0xffff, v52  }
0x210: {  	s16 =	sadd.s32 s9, s12;
	s14 =	simm.s32 $0x0;
	[tilespmem:v0+s28+$0x0] =	vst.idx.msk $0xffff, v52  }
0x211: {  	[tilespmem:s14], [sflag:$0x2] =	stream.linear.gather [hbm4b:s16+s14], $0x190, $0x38;
	[tilespmem:$0x1A770] =	vst v63  }
0x212: {  	_ =	swait.ge [sflag:s23], $0x190  }
0x213: {  	[sflag:s23] =	ssyncset.done $0x0  }
0x214: {  	[sflag:s23] =	ssyncadd.s32 $0xFFFFFE70  }
0x215: {  	[tilespmem:s26], [sflag:$0x1] =	stream.indirect.gather [hbm4b:s6+s24], $0x40, s14, s24, $0xb8;
	[tilespmem:$0x1A770] =	vst v63  }
0x216: {  	_ =	swait.ge [sflag:s25], $0x6400  }
0x217: {  	[sflag:s25] =	ssyncset.done $0x0  }
0x218: {  	s16 =	simm.s32 $0xC990;
	[sflag:s25] =	ssyncadd.s32 $0xFFFF9C00  }
.LBB2_6:
0x219: {  	v0 =	vmov s14;
	v1 =	vmul.u32 $0x40, v14  }
0x21a: {  	v0 =	vshll.u32 v0, $0x6  }
0x21b: {  	v2 =	vor.u32 v1, v0;
	_ =	sdelay $0x3  }
0x21c: {  	v1 =	vld [tilespmem:s16+$0x0]  }
0x21d: {  	v0 =	vld.idx.msk [tilespmem:v2+s26+$0x0], $0xffff;
	_ =	sdelay $0x2  }
0x21e: {  	v3 =	vor.u32 $0x1, v2;
	_ =	sdelay $0x1  }
0x21f: {  	v0 =	vmul.f32 v0, v1;
	_ =	sdelay $0x1  }
0x220: {  	[tilespmem:v2+s26+$0x0] =	vst.idx.msk $0xffff, v0  }
0x221: {  	v0 =	vld.idx.msk [tilespmem:v3+s26+$0x0], $0xffff;
	_ =	sdelay $0x2  }
0x222: {  	v4 =	vor.u32 $0x2, v2;
	_ =	sdelay $0x1  }
0x223: {  	v0 =	vmul.f32 v0, v1;
	_ =	sdelay $0x1  }
0x224: {  	[tilespmem:v3+s26+$0x0] =	vst.idx.msk $0xffff, v0  }
0x225: {  	v0 =	vld.idx.msk [tilespmem:v4+s26+$0x0], $0xffff;
	_ =	sdelay $0x2  }
0x226: {  	v56 =	vor.u32 $0x3, v2;
	_ =	sdelay $0x1  }
0x227: {  	v0 =	vmul.f32 v0, v1;
	_ =	sdelay $0x1  }
0x228: {  	[tilespmem:v4+s26+$0x0] =	vst.idx.msk $0xffff, v0  }
0x229: {  	v0 =	vld.idx.msk [tilespmem:v56+s26+$0x0], $0xffff;
	_ =	sdelay $0x2  }
0x22a: {  	v57 =	vor.u32 $0x4, v2;
	_ =	sdelay $0x1  }
0x22b: {  	v0 =	vmul.f32 v0, v1;
	_ =	sdelay $0x1  }
0x22c: {  	[tilespmem:v56+s26+$0x0] =	vst.idx.msk $0xffff, v0  }
0x22d: {  	v0 =	vld.idx.msk [tilespmem:v57+s26+$0x0], $0xffff;
	_ =	sdelay $0x2  }
0x22e: {  	v58 =	vor.u32 $0x5, v2;
	_ =	sdelay $0x1  }
0x22f: {  	v0 =	vmul.f32 v0, v1;
	_ =	sdelay $0x1  }
0x230: {  	[tilespmem:v57+s26+$0x0] =	vst.idx.msk $0xffff, v0  }
0x231: {  	v0 =	vld.idx.msk [tilespmem:v58+s26+$0x0], $0xffff;
	_ =	sdelay $0x2  }
0x232: {  	v59 =	vor.u32 $0x6, v2;
	_ =	sdelay $0x1  }
0x233: {  	v0 =	vmul.f32 v0, v1;
	_ =	sdelay $0x1  }
0x234: {  	[tilespmem:v58+s26+$0x0] =	vst.idx.msk $0xffff, v0  }
0x235: {  	v0 =	vld.idx.msk [tilespmem:v59+s26+$0x0], $0xffff;
	_ =	sdelay $0x2  }
0x236: {  	v60 =	vor.u32 $0x7, v2;
	_ =	sdelay $0x1  }
0x237: {  	v0 =	vmul.f32 v0, v1;
	_ =	sdelay $0x1  }
0x238: {  	[tilespmem:v59+s26+$0x0] =	vst.idx.msk $0xffff, v0  }
0x239: {  	v0 =	vld.idx.msk [tilespmem:v60+s26+$0x0], $0xffff;
	_ =	sdelay $0x2  }
0x23a: {  	v61 =	vor.u32 $0x8, v2;
	_ =	sdelay $0x1  }
0x23b: {  	v0 =	vmul.f32 v0, v1;
	_ =	sdelay $0x1  }
0x23c: {  	[tilespmem:v60+s26+$0x0] =	vst.idx.msk $0xffff, v0  }
0x23d: {  	v0 =	vld.idx.msk [tilespmem:v61+s26+$0x0], $0xffff;
	_ =	sdelay $0x2  }
0x23e: {  	v62 =	vor.u32 $0x9, v2;
	_ =	sdelay $0x1  }
0x23f: {  	v0 =	vmul.f32 v0, v1;
	_ =	sdelay $0x1  }
0x240: {  	[tilespmem:v61+s26+$0x0] =	vst.idx.msk $0xffff, v0  }
0x241: {  	v0 =	vld.idx.msk [tilespmem:v62+s26+$0x0], $0xffff;
	_ =	sdelay $0x2  }
0x242: {  	v63 =	vor.u32 $0xA, v2;
	_ =	sdelay $0x1  }
0x243: {  	v0 =	vmul.f32 v0, v1;
	_ =	sdelay $0x1  }
0x244: {  	[tilespmem:v62+s26+$0x0] =	vst.idx.msk $0xffff, v0  }
0x245: {  	v0 =	vld.idx.msk [tilespmem:v63+s26+$0x0], $0xffff;
	_ =	sdelay $0x2  }
0x246: {  	v8 =	vor.u32 $0xB, v2;
	_ =	sdelay $0x1  }
0x247: {  	v0 =	vmul.f32 v0, v1;
	_ =	sdelay $0x1  }
0x248: {  	[tilespmem:v63+s26+$0x0] =	vst.idx.msk $0xffff, v0  }
0x249: {  	v0 =	vld.idx.msk [tilespmem:v8+s26+$0x0], $0xffff;
	_ =	sdelay $0x2  }
0x24a: {  	v9 =	vor.u32 $0xC, v2;
	_ =	sdelay $0x1  }
0x24b: {  	v0 =	vmul.f32 v0, v1;
	_ =	sdelay $0x1  }
0x24c: {  	[tilespmem:v8+s26+$0x0] =	vst.idx.msk $0xffff, v0  }
0x24d: {  	v0 =	vld.idx.msk [tilespmem:v9+s26+$0x0], $0xffff;
	_ =	sdelay $0x2  }
0x24e: {  	v10 =	vor.u32 $0xD, v2;
	_ =	sdelay $0x1  }
0x24f: {  	v0 =	vmul.f32 v0, v1;
	_ =	sdelay $0x1  }
0x250: {  	[tilespmem:v9+s26+$0x0] =	vst.idx.msk $0xffff, v0  }
0x251: {  	v0 =	vld.idx.msk [tilespmem:v10+s26+$0x0], $0xffff;
	_ =	sdelay $0x2  }
0x252: {  	v11 =	vor.u32 $0xE, v2;
	_ =	sdelay $0x1  }
0x253: {  	v0 =	vmul.f32 v0, v1;
	_ =	sdelay $0x1  }
0x254: {  	[tilespmem:v10+s26+$0x0] =	vst.idx.msk $0xffff, v0  }
0x255: {  	v0 =	vld.idx.msk [tilespmem:v11+s26+$0x0], $0xffff;
	_ =	sdelay $0x2  }
0x256: {  	v16 =	vor.u32 $0xF, v2;
	_ =	sdelay $0x1  }
0x257: {  	v0 =	vmul.f32 v0, v1;
	_ =	sdelay $0x1  }
0x258: {  	[tilespmem:v11+s26+$0x0] =	vst.idx.msk $0xffff, v0  }
0x259: {  	v0 =	vld.idx.msk [tilespmem:v16+s26+$0x0], $0xffff;
	_ =	sdelay $0x2  }
0x25a: {  	v17 =	vor.u32 $0x10, v2;
	_ =	sdelay $0x1  }
0x25b: {  	v0 =	vmul.f32 v0, v1;
	_ =	sdelay $0x1  }
0x25c: {  	[tilespmem:v16+s26+$0x0] =	vst.idx.msk $0xffff, v0  }
0x25d: {  	v0 =	vld.idx.msk [tilespmem:v17+s26+$0x0], $0xffff;
	_ =	sdelay $0x2  }
0x25e: {  	v18 =	vor.u32 $0x11, v2;
	_ =	sdelay $0x1  }
0x25f: {  	v0 =	vmul.f32 v0, v1;
	_ =	sdelay $0x1  }
0x260: {  	[tilespmem:v17+s26+$0x0] =	vst.idx.msk $0xffff, v0  }
0x261: {  	v0 =	vld.idx.msk [tilespmem:v18+s26+$0x0], $0xffff;
	_ =	sdelay $0x2  }
0x262: {  	v19 =	vor.u32 $0x12, v2;
	_ =	sdelay $0x1  }
0x263: {  	v0 =	vmul.f32 v0, v1;
	_ =	sdelay $0x1  }
0x264: {  	[tilespmem:v18+s26+$0x0] =	vst.idx.msk $0xffff, v0  }
0x265: {  	v0 =	vld.idx.msk [tilespmem:v19+s26+$0x0], $0xffff;
	_ =	sdelay $0x2  }
0x266: {  	v20 =	vor.u32 $0x13, v2;
	_ =	sdelay $0x1  }
0x267: {  	v0 =	vmul.f32 v0, v1;
	_ =	sdelay $0x1  }
0x268: {  	[tilespmem:v19+s26+$0x0] =	vst.idx.msk $0xffff, v0  }
0x269: {  	v0 =	vld.idx.msk [tilespmem:v20+s26+$0x0], $0xffff;
	_ =	sdelay $0x2  }
0x26a: {  	v21 =	vor.u32 $0x14, v2;
	_ =	sdelay $0x1  }
0x26b: {  	v0 =	vmul.f32 v0, v1;
	_ =	sdelay $0x1  }
0x26c: {  	[tilespmem:v20+s26+$0x0] =	vst.idx.msk $0xffff, v0  }
0x26d: {  	v0 =	vld.idx.msk [tilespmem:v21+s26+$0x0], $0xffff;
	_ =	sdelay $0x2  }
0x26e: {  	v22 =	vor.u32 $0x15, v2;
	_ =	sdelay $0x1  }
0x26f: {  	v0 =	vmul.f32 v0, v1;
	_ =	sdelay $0x1  }
0x270: {  	[tilespmem:v21+s26+$0x0] =	vst.idx.msk $0xffff, v0  }
0x271: {  	v0 =	vld.idx.msk [tilespmem:v22+s26+$0x0], $0xffff;
	_ =	sdelay $0x2  }
0x272: {  	v23 =	vor.u32 $0x16, v2;
	_ =	sdelay $0x1  }
0x273: {  	v0 =	vmul.f32 v0, v1;
	_ =	sdelay $0x1  }
0x274: {  	[tilespmem:v22+s26+$0x0] =	vst.idx.msk $0xffff, v0  }
0x275: {  	v0 =	vld.idx.msk [tilespmem:v23+s26+$0x0], $0xffff;
	_ =	sdelay $0x2  }
0x276: {  	v24 =	vor.u32 $0x17, v2;
	_ =	sdelay $0x1  }
0x277: {  	v0 =	vmul.f32 v0, v1;
	_ =	sdelay $0x1  }
0x278: {  	[tilespmem:v23+s26+$0x0] =	vst.idx.msk $0xffff, v0  }
0x279: {  	v0 =	vld.idx.msk [tilespmem:v24+s26+$0x0], $0xffff;
	_ =	sdelay $0x2  }
0x27a: {  	v25 =	vor.u32 $0x18, v2;
	_ =	sdelay $0x1  }
0x27b: {  	v0 =	vmul.f32 v0, v1;
	_ =	sdelay $0x1  }
0x27c: {  	[tilespmem:v24+s26+$0x0] =	vst.idx.msk $0xffff, v0  }
0x27d: {  	v0 =	vld.idx.msk [tilespmem:v25+s26+$0x0], $0xffff;
	_ =	sdelay $0x2  }
0x27e: {  	v26 =	vor.u32 $0x19, v2;
	_ =	sdelay $0x1  }
0x27f: {  	v0 =	vmul.f32 v0, v1;
	_ =	sdelay $0x1  }
0x280: {  	[tilespmem:v25+s26+$0x0] =	vst.idx.msk $0xffff, v0  }
0x281: {  	v0 =	vld.idx.msk [tilespmem:v26+s26+$0x0], $0xffff;
	_ =	sdelay $0x2  }
0x282: {  	v27 =	vor.u32 $0x1A, v2;
	_ =	sdelay $0x1  }
0x283: {  	v0 =	vmul.f32 v0, v1;
	_ =	sdelay $0x1  }
0x284: {  	[tilespmem:v26+s26+$0x0] =	vst.idx.msk $0xffff, v0  }
0x285: {  	v0 =	vld.idx.msk [tilespmem:v27+s26+$0x0], $0xffff;
	_ =	sdelay $0x2  }
0x286: {  	v28 =	vor.u32 $0x1B, v2;
	_ =	sdelay $0x1  }
0x287: {  	v0 =	vmul.f32 v0, v1;
	_ =	sdelay $0x1  }
0x288: {  	[tilespmem:v27+s26+$0x0] =	vst.idx.msk $0xffff, v0  }
0x289: {  	v0 =	vld.idx.msk [tilespmem:v28+s26+$0x0], $0xffff;
	_ =	sdelay $0x2  }
0x28a: {  	v29 =	vor.u32 $0x1C, v2;
	_ =	sdelay $0x1  }
0x28b: {  	v0 =	vmul.f32 v0, v1;
	_ =	sdelay $0x1  }
0x28c: {  	[tilespmem:v28+s26+$0x0] =	vst.idx.msk $0xffff, v0  }
0x28d: {  	v0 =	vld.idx.msk [tilespmem:v29+s26+$0x0], $0xffff;
	_ =	sdelay $0x2  }
0x28e: {  	v30 =	vor.u32 $0x1D, v2;
	_ =	sdelay $0x1  }
0x28f: {  	v0 =	vmul.f32 v0, v1;
	_ =	sdelay $0x1  }
0x290: {  	[tilespmem:v29+s26+$0x0] =	vst.idx.msk $0xffff, v0  }
0x291: {  	v0 =	vld.idx.msk [tilespmem:v30+s26+$0x0], $0xffff;
	_ =	sdelay $0x2  }
0x292: {  	v31 =	vor.u32 $0x1E, v2;
	_ =	sdelay $0x1  }
0x293: {  	v0 =	vmul.f32 v0, v1;
	_ =	sdelay $0x1  }
0x294: {  	[tilespmem:v30+s26+$0x0] =	vst.idx.msk $0xffff, v0  }
0x295: {  	v0 =	vld.idx.msk [tilespmem:v31+s26+$0x0], $0xffff;
	_ =	sdelay $0x2  }
0x296: {  	v32 =	vor.u32 $0x1F, v2;
	_ =	sdelay $0x1  }
0x297: {  	v0 =	vmul.f32 v0, v1;
	_ =	sdelay $0x1  }
0x298: {  	[tilespmem:v31+s26+$0x0] =	vst.idx.msk $0xffff, v0  }
0x299: {  	v0 =	vld.idx.msk [tilespmem:v32+s26+$0x0], $0xffff;
	_ =	sdelay $0x2  }
0x29a: {  	v33 =	vor.u32 $0x20, v2;
	_ =	sdelay $0x1  }
0x29b: {  	v0 =	vmul.f32 v0, v1;
	_ =	sdelay $0x1  }
0x29c: {  	[tilespmem:v32+s26+$0x0] =	vst.idx.msk $0xffff, v0  }
0x29d: {  	v0 =	vld.idx.msk [tilespmem:v33+s26+$0x0], $0xffff;
	_ =	sdelay $0x2  }
0x29e: {  	v34 =	vor.u32 $0x21, v2;
	_ =	sdelay $0x1  }
0x29f: {  	v0 =	vmul.f32 v0, v1;
	_ =	sdelay $0x1  }
0x2a0: {  	[tilespmem:v33+s26+$0x0] =	vst.idx.msk $0xffff, v0  }
0x2a1: {  	v0 =	vld.idx.msk [tilespmem:v34+s26+$0x0], $0xffff;
	_ =	sdelay $0x2  }
0x2a2: {  	v35 =	vor.u32 $0x22, v2;
	_ =	sdelay $0x1  }
0x2a3: {  	v0 =	vmul.f32 v0, v1;
	_ =	sdelay $0x1  }
0x2a4: {  	[tilespmem:v34+s26+$0x0] =	vst.idx.msk $0xffff, v0  }
0x2a5: {  	v0 =	vld.idx.msk [tilespmem:v35+s26+$0x0], $0xffff;
	_ =	sdelay $0x2  }
0x2a6: {  	v36 =	vor.u32 $0x23, v2;
	_ =	sdelay $0x1  }
0x2a7: {  	v0 =	vmul.f32 v0, v1;
	_ =	sdelay $0x1  }
0x2a8: {  	[tilespmem:v35+s26+$0x0] =	vst.idx.msk $0xffff, v0  }
0x2a9: {  	v0 =	vld.idx.msk [tilespmem:v36+s26+$0x0], $0xffff;
	_ =	sdelay $0x2  }
0x2aa: {  	v37 =	vor.u32 $0x24, v2;
	_ =	sdelay $0x1  }
0x2ab: {  	v0 =	vmul.f32 v0, v1;
	_ =	sdelay $0x1  }
0x2ac: {  	[tilespmem:v36+s26+$0x0] =	vst.idx.msk $0xffff, v0  }
0x2ad: {  	v0 =	vld.idx.msk [tilespmem:v37+s26+$0x0], $0xffff;
	_ =	sdelay $0x2  }
0x2ae: {  	v38 =	vor.u32 $0x25, v2;
	_ =	sdelay $0x1  }
0x2af: {  	v0 =	vmul.f32 v0, v1;
	_ =	sdelay $0x1  }
0x2b0: {  	[tilespmem:v37+s26+$0x0] =	vst.idx.msk $0xffff, v0  }
0x2b1: {  	v0 =	vld.idx.msk [tilespmem:v38+s26+$0x0], $0xffff;
	_ =	sdelay $0x2  }
0x2b2: {  	v39 =	vor.u32 $0x26, v2;
	_ =	sdelay $0x1  }
0x2b3: {  	v0 =	vmul.f32 v0, v1;
	_ =	sdelay $0x1  }
0x2b4: {  	[tilespmem:v38+s26+$0x0] =	vst.idx.msk $0xffff, v0  }
0x2b5: {  	v0 =	vld.idx.msk [tilespmem:v39+s26+$0x0], $0xffff;
	_ =	sdelay $0x2  }
0x2b6: {  	v40 =	vor.u32 $0x27, v2;
	_ =	sdelay $0x1  }
0x2b7: {  	v0 =	vmul.f32 v0, v1;
	_ =	sdelay $0x1  }
0x2b8: {  	[tilespmem:v39+s26+$0x0] =	vst.idx.msk $0xffff, v0  }
0x2b9: {  	v0 =	vld.idx.msk [tilespmem:v40+s26+$0x0], $0xffff;
	_ =	sdelay $0x2  }
0x2ba: {  	v41 =	vor.u32 $0x28, v2;
	_ =	sdelay $0x1  }
0x2bb: {  	v0 =	vmul.f32 v0, v1;
	_ =	sdelay $0x1  }
0x2bc: {  	[tilespmem:v40+s26+$0x0] =	vst.idx.msk $0xffff, v0  }
0x2bd: {  	v0 =	vld.idx.msk [tilespmem:v41+s26+$0x0], $0xffff;
	_ =	sdelay $0x2  }
0x2be: {  	v42 =	vor.u32 $0x29, v2;
	_ =	sdelay $0x1  }
0x2bf: {  	v0 =	vmul.f32 v0, v1;
	_ =	sdelay $0x1  }
0x2c0: {  	[tilespmem:v41+s26+$0x0] =	vst.idx.msk $0xffff, v0  }
0x2c1: {  	v0 =	vld.idx.msk [tilespmem:v42+s26+$0x0], $0xffff;
	_ =	sdelay $0x2  }
0x2c2: {  	v43 =	vor.u32 $0x2A, v2;
	_ =	sdelay $0x1  }
0x2c3: {  	v0 =	vmul.f32 v0, v1;
	_ =	sdelay $0x1  }
0x2c4: {  	[tilespmem:v42+s26+$0x0] =	vst.idx.msk $0xffff, v0  }
0x2c5: {  	v0 =	vld.idx.msk [tilespmem:v43+s26+$0x0], $0xffff;
	_ =	sdelay $0x2  }
0x2c6: {  	v44 =	vor.u32 $0x2B, v2;
	_ =	sdelay $0x1  }
0x2c7: {  	v0 =	vmul.f32 v0, v1;
	_ =	sdelay $0x1  }
0x2c8: {  	[tilespmem:v43+s26+$0x0] =	vst.idx.msk $0xffff, v0  }
0x2c9: {  	v0 =	vld.idx.msk [tilespmem:v44+s26+$0x0], $0xffff;
	_ =	sdelay $0x2  }
0x2ca: {  	v45 =	vor.u32 $0x2C, v2;
	_ =	sdelay $0x1  }
0x2cb: {  	v0 =	vmul.f32 v0, v1;
	_ =	sdelay $0x1  }
0x2cc: {  	[tilespmem:v44+s26+$0x0] =	vst.idx.msk $0xffff, v0  }
0x2cd: {  	v0 =	vld.idx.msk [tilespmem:v45+s26+$0x0], $0xffff;
	_ =	sdelay $0x2  }
0x2ce: {  	v46 =	vor.u32 $0x2D, v2;
	_ =	sdelay $0x1  }
0x2cf: {  	v0 =	vmul.f32 v0, v1;
	_ =	sdelay $0x1  }
0x2d0: {  	[tilespmem:v45+s26+$0x0] =	vst.idx.msk $0xffff, v0  }
0x2d1: {  	v0 =	vld.idx.msk [tilespmem:v46+s26+$0x0], $0xffff;
	_ =	sdelay $0x2  }
0x2d2: {  	v47 =	vor.u32 $0x2E, v2;
	_ =	sdelay $0x1  }
0x2d3: {  	v0 =	vmul.f32 v0, v1;
	_ =	sdelay $0x1  }
0x2d4: {  	[tilespmem:v46+s26+$0x0] =	vst.idx.msk $0xffff, v0  }
0x2d5: {  	v0 =	vld.idx.msk [tilespmem:v47+s26+$0x0], $0xffff;
	_ =	sdelay $0x2  }
0x2d6: {  	v48 =	vor.u32 $0x2F, v2;
	_ =	sdelay $0x1  }
0x2d7: {  	v0 =	vmul.f32 v0, v1;
	_ =	sdelay $0x1  }
0x2d8: {  	[tilespmem:v47+s26+$0x0] =	vst.idx.msk $0xffff, v0  }
0x2d9: {  	v0 =	vld.idx.msk [tilespmem:v48+s26+$0x0], $0xffff;
	_ =	sdelay $0x2  }
0x2da: {  	v49 =	vor.u32 $0x30, v2;
	_ =	sdelay $0x1  }
0x2db: {  	v0 =	vmul.f32 v0, v1;
	_ =	sdelay $0x1  }
0x2dc: {  	[tilespmem:v48+s26+$0x0] =	vst.idx.msk $0xffff, v0  }
0x2dd: {  	v0 =	vld.idx.msk [tilespmem:v49+s26+$0x0], $0xffff;
	_ =	sdelay $0x2  }
0x2de: {  	v50 =	vor.u32 $0x31, v2;
	_ =	sdelay $0x1  }
0x2df: {  	v0 =	vmul.f32 v0, v1;
	_ =	sdelay $0x1  }
0x2e0: {  	[tilespmem:v49+s26+$0x0] =	vst.idx.msk $0xffff, v0  }
0x2e1: {  	v0 =	vld.idx.msk [tilespmem:v50+s26+$0x0], $0xffff;
	_ =	sdelay $0x2  }
0x2e2: {  	v51 =	vor.u32 $0x32, v2;
	_ =	sdelay $0x1  }
0x2e3: {  	v0 =	vmul.f32 v0, v1;
	_ =	sdelay $0x1  }
0x2e4: {  	[tilespmem:v50+s26+$0x0] =	vst.idx.msk $0xffff, v0  }
0x2e5: {  	v0 =	vld.idx.msk [tilespmem:v51+s26+$0x0], $0xffff;
	_ =	sdelay $0x2  }
0x2e6: {  	v52 =	vor.u32 $0x33, v2;
	_ =	sdelay $0x1  }
0x2e7: {  	v0 =	vmul.f32 v0, v1;
	_ =	sdelay $0x1  }
0x2e8: {  	[tilespmem:v51+s26+$0x0] =	vst.idx.msk $0xffff, v0  }
0x2e9: {  	v0 =	vld.idx.msk [tilespmem:v52+s26+$0x0], $0xffff;
	_ =	sdelay $0x2  }
0x2ea: {  	v53 =	vor.u32 $0x34, v2;
	_ =	sdelay $0x1  }
0x2eb: {  	v0 =	vmul.f32 v0, v1;
	_ =	sdelay $0x1  }
0x2ec: {  	[tilespmem:v52+s26+$0x0] =	vst.idx.msk $0xffff, v0  }
0x2ed: {  	v0 =	vld.idx.msk [tilespmem:v53+s26+$0x0], $0xffff;
	_ =	sdelay $0x2  }
0x2ee: {  	v54 =	vor.u32 $0x35, v2;
	_ =	sdelay $0x1  }
0x2ef: {  	v0 =	vmul.f32 v0, v1;
	_ =	sdelay $0x1  }
0x2f0: {  	[tilespmem:v53+s26+$0x0] =	vst.idx.msk $0xffff, v0  }
0x2f1: {  	v0 =	vld.idx.msk [tilespmem:v54+s26+$0x0], $0xffff;
	_ =	sdelay $0x2  }
0x2f2: {  	v55 =	vor.u32 $0x36, v2;
	_ =	sdelay $0x1  }
0x2f3: {  	v0 =	vmul.f32 v0, v1;
	_ =	sdelay $0x1  }
0x2f4: {  	[tilespmem:v54+s26+$0x0] =	vst.idx.msk $0xffff, v0  }
0x2f5: {  	v0 =	vld.idx.msk [tilespmem:v55+s26+$0x0], $0xffff;
	_ =	sdelay $0x2  }
0x2f6: {  	v56 =	vor.u32 $0x37, v2;
	_ =	sdelay $0x1  }
0x2f7: {  	v0 =	vmul.f32 v0, v1;
	_ =	sdelay $0x1  }
0x2f8: {  	[tilespmem:v55+s26+$0x0] =	vst.idx.msk $0xffff, v0  }
0x2f9: {  	v0 =	vld.idx.msk [tilespmem:v56+s26+$0x0], $0xffff;
	_ =	sdelay $0x2  }
0x2fa: {  	v57 =	vor.u32 $0x38, v2;
	_ =	sdelay $0x1  }
0x2fb: {  	v0 =	vmul.f32 v0, v1;
	_ =	sdelay $0x1  }
0x2fc: {  	[tilespmem:v56+s26+$0x0] =	vst.idx.msk $0xffff, v0  }
0x2fd: {  	v0 =	vld.idx.msk [tilespmem:v57+s26+$0x0], $0xffff;
	_ =	sdelay $0x2  }
0x2fe: {  	v58 =	vor.u32 $0x39, v2;
	_ =	sdelay $0x1  }
0x2ff: {  	v0 =	vmul.f32 v0, v1;
	_ =	sdelay $0x1  }
0x300: {  	[tilespmem:v57+s26+$0x0] =	vst.idx.msk $0xffff, v0  }
0x301: {  	v0 =	vld.idx.msk [tilespmem:v58+s26+$0x0], $0xffff;
	_ =	sdelay $0x2  }
0x302: {  	v59 =	vor.u32 $0x3A, v2;
	_ =	sdelay $0x1  }
0x303: {  	v0 =	vmul.f32 v0, v1;
	_ =	sdelay $0x1  }
0x304: {  	[tilespmem:v58+s26+$0x0] =	vst.idx.msk $0xffff, v0  }
0x305: {  	v0 =	vld.idx.msk [tilespmem:v59+s26+$0x0], $0xffff;
	_ =	sdelay $0x2  }
0x306: {  	v60 =	vor.u32 $0x3B, v2;
	_ =	sdelay $0x1  }
0x307: {  	v0 =	vmul.f32 v0, v1;
	_ =	sdelay $0x1  }
0x308: {  	[tilespmem:v59+s26+$0x0] =	vst.idx.msk $0xffff, v0  }
0x309: {  	v0 =	vld.idx.msk [tilespmem:v60+s26+$0x0], $0xffff;
	_ =	sdelay $0x2  }
0x30a: {  	v61 =	vor.u32 $0x3C, v2;
	_ =	sdelay $0x1  }
0x30b: {  	v0 =	vmul.f32 v0, v1;
	_ =	sdelay $0x1  }
0x30c: {  	[tilespmem:v60+s26+$0x0] =	vst.idx.msk $0xffff, v0  }
0x30d: {  	v0 =	vld.idx.msk [tilespmem:v61+s26+$0x0], $0xffff;
	_ =	sdelay $0x2  }
0x30e: {  	v62 =	vor.u32 $0x3D, v2;
	_ =	sdelay $0x1  }
0x30f: {  	v0 =	vmul.f32 v0, v1;
	_ =	sdelay $0x1  }
0x310: {  	[tilespmem:v61+s26+$0x0] =	vst.idx.msk $0xffff, v0  }
0x311: {  	v0 =	vld.idx.msk [tilespmem:v62+s26+$0x0], $0xffff;
	_ =	sdelay $0x2  }
0x312: {  	v63 =	vor.u32 $0x3E, v2;
	_ =	sdelay $0x1  }
0x313: {  	v0 =	vmul.f32 v0, v1;
	_ =	sdelay $0x1  }
0x314: {  	[tilespmem:v62+s26+$0x0] =	vst.idx.msk $0xffff, v0  }
0x315: {  	v0 =	vld.idx.msk [tilespmem:v63+s26+$0x0], $0xffff;
	_ =	sdelay $0x2  }
0x316: {  	v2 =	vor.u32 $0x3F, v2;
	_ =	sdelay $0x1  }
0x317: {  	v0 =	vmul.f32 v0, v1;
	_ =	sdelay $0x1  }
0x318: {  	[tilespmem:v63+s26+$0x0] =	vst.idx.msk $0xffff, v0  }
0x319: {  	v0 =	vld.idx.msk [tilespmem:v2+s26+$0x0], $0xffff;
	_ =	sdelay $0x1  }
0x31a: {  	p0 =	sne.s32 s14, $0x180  }
.Ltmp1:
0x31b: {  	_ = 	snop;
	(pc) =	sbr.rel @p0 .LBB2_6-.Ltmp1, $3  }
0x31c: {  	_ = 	snop  }
0x31d: {  	v0 =	vmul.f32 v0, v1;
	_ =	sdelay $0x1  }
0x31e: {  	s14 =	sadd.s32 $0x10, s14;
	s16 =	sadd.s32 $0x10, s16;
	[tilespmem:v2+s26+$0x0] =	vst.idx.msk $0xffff, v0  }
0x31f: {  	s12 =	sadd.s32 s10, s12  }
0x320: {  	[tilespmem:s4], [sflag:$0x2] =	stream.linear.gather [hbm4b:s12+s4], $0x190, $0x38;
	[tilespmem:$0x1A770] =	vst v63  }
0x321: {  	_ =	swait.ge [sflag:s23], $0x190  }
0x322: {  	[sflag:s23] =	ssyncset.done $0x0  }
0x323: {  	[sflag:s23] =	ssyncadd.s32 $0xFFFFFE70  }
0x324: {  	[spmem:s1] =	stream.indirect.scatter.add.f32 [tilespmem:s26], [sflag:$0x2], $0x40, s4, s24, $0xb8;
	[tilespmem:$0x1A770] =	vst v63  }
0x325: {  	s11 =	sadd.s32 $0x1, s11;
	_ =	swait.ge [sflag:s23], $0x6400  }
0x326: {  	p0 =	sne.s32 s11, s13;
	[sflag:s23] =	ssyncset.done $0x0  }
.Ltmp2:
0x327: {  	[sflag:s23] =	ssyncadd.s32 $0xFFFF9C00;
	(pc) =	sbr.rel @p0 .LBB2_3-.Ltmp2, $4  }
0x328: {  	[spmem:s2] =	stream.indirect.scatter.add.f32 [tilespmem:s28], [sflag:$0x2], $0x10, s4, s24, $0xb8;
	[tilespmem:$0x1A770] =	vst v63  }
0x329: {  	_ =	swait.ge [sflag:s23], $0x1900  }
0x32a: {  	[sflag:s23] =	ssyncset.done $0x0  }
0x32b: {  	[sflag:s23] =	ssyncadd.s32 $0xFFFFE700  }
0x32c: {  	s11 =	smul.u32 $0x9C400, s30;
	_ =	sdelay $0x1  }
0x32d: {  	[bflag:$0x0] =	sbarrier.arrive $0xFFFF;
	s11 =	sadd.s32 s11, s19  }
0x32e: {  	s12 =	rddreg [dreg:$0x4];
	s11 =	sshrl.u32 s11, $0x3  }
0x32f: {  	s11 =	sadd.s32 s12, s11  }
0x330: {  	[hbm:s11], [sflag:s15] =	dma.local [spmem:s22], $0x1388  }
0x331: {  	s0 =	sadd.s32 s0, s20;
	s30 =	sadd.s32 $0x1, s30;
	_ =	swait.ge [sflag:s23], $0x1388  }
0x332: {  	s0 =	sshrl.u32 s0, $0x3;
	[sflag:s23] =	ssyncset.done $0x0;
	s21 =	rddreg [dreg:$0x5]  }
0x333: {  	p0 =	sne.s32 s30, $0xB;
	[sflag:s23] =	ssyncadd.s32 $0xFFFFEC78;
	s0 =	sadd.s32 s21, s0  }
0x334: {  	[hbm:s0], [sflag:s15] =	dma.local [spmem:s31], $0x4E2  }
.Ltmp3:
0x335: {  	_ =	swait.ge [sflag:s23], $0x4E2;
	(pc) =	sbr.rel @p0 .LBB2_2-.Ltmp3, $3  }
0x336: {  	[sflag:s23] =	ssyncset.done $0x0  }
0x337: {  	[sflag:s23] =	ssyncadd.s32 $0xFFFFFB1E  }
0x338: {  	[bflag:$0x0] =	sbarrier.arrive $0xFFFF;
	_ =	sdelay $0x1  }
0x339: {  	s11 =	rddreg [dreg:$0xa]  }
0x33a: {  	s0 =	rddreg [dreg:$0x9];
	s11 =	sadd.s32 $0x1, s11  }
0x33b: {  	p0 =	sne.s32 s11, s0  }
.Ltmp4:
0x33c: {  	_ = 	snop;
	(pc) =	sbr.rel @p0 .LBB2_1-.Ltmp4, $1  }
0x33d: {  	_ =	sdelay $0x3  }
0x33e: {  	_ =	sfence.sel $0x180000  }
0x33f: {  	[bflag:$0x0] =	sbarrier.arrive $0xFFFF  }
0x340: {  	_ =	strace $0x9000004A  }
0x341: {  	[bflag:$0x2] =	sbarrier.arrive $0xFFFF  }
0x342: {  	p0 =	sne.s32 s3, $0x0;
	s0 =	rddreg [dreg:$0x3]  }
0x343: {  	s0 =	sadd.s32 @!p0 $0x100000, s0  }
0x344: {  	[sflag:s0] =	ssyncadd.tile.s32 @!p0 $0x1;
	_ =	shalt  }
.Lfunc_end2:
_tile_overlayer_lowered:
.L_overlay_start_2:
0x345: {  	(tag) =	ssettag $0x2  }
0x346: {  	s0 =	rddreg [dreg:$0x0];
	s2 =	stileid.u32  }
0x347: {  	s1 =	rddreg [dreg:$0x1];
	p0 =	sne.s32 s2, $0x0  }
0x348: {  	s3 =	rddreg [dreg:$0x2];
	[bflag:$0x3] =	sbarrier.arrive $0xFFFF;
	s2 =	simm.s32 @!p0 $0x1C02  }
0x349: {  	[timem:s3], [sflag:s2] =	dma.local @!p0 [hbm:s0], s1  }
0x34a: {  	s0 =	simm.s32 @!p0 $0x2  }
0x34b: {  	_ =	swait.ge @!p0 [sflag:s0], s1  }
0x34c: {  	s1 =	ssub.s32 @!p0 $0x0, s1;
	[sflag:s0] =	ssyncset.done @!p0 $0x0  }
0x34d: {  	[sflag:s0] =	ssyncadd.s32 @!p0 s1  }
0x34e: {  	[bflag:$0x3] =	sbarrier.arrive $0xFFFF  }
0x34f: {  	_ =	shalt  }

// kernel: kernel.14.cloned.1.call-start
scs
__scs_entry_jumppad:
0x0: {  	(pc) =	sbr.rel $0x88, $3  }
0x1: {  	(tag) =	ssettag $0x0;
	lr =	simm.s32 $0x1  }
0x2: {  	[smem:$0x3F5B] =	sst lr;
	_ =	strace $0xD0000000  }
0x3: {  	_ = 	snop  }
0x4: {  	_ = 	snop  }
0x5: {  	_ = 	snop  }
0x6: {  	_ = 	snop  }
0x7: {  	_ = 	snop  }
__scs_overlays_trampoline_lowered:
0x8: {  	[smem:$0x3F6A] =	sst s0  }
0x9: {  	[smem:$0x3F6B] =	sst s1  }
0xa: {  	[smem:$0x3F6C] =	sst s2  }
0xb: {  	[smem:$0x3F6D] =	sst s3  }
0xc: {  	[smem:$0x3F6E] =	sst s4  }
0xd: {  	[smem:$0x3F6F] =	sst s5  }
0xe: {  	[smem:$0x3F70] =	sst s6  }
0xf: {  	[smem:$0x3F71] =	sst s7  }
0x10: {  	[smem:$0x3F72] =	sst s8  }
0x11: {  	[smem:$0x3F73] =	sst s9;
	s0 =	simm.s32 @!p0 $0x0  }
0x12: {  	s1 =	sld [smem:$0x3F59];
	s0 =	simm.s32 @p0 $0x1  }
0x13: {  	[smem:$0x3F74] =	sst s0;
	s0 =	simm.s32 @!p1 $0x0  }
0x14: {  	s2 =	sld [smem:$0x3F58];
	s0 =	simm.s32 @p1 $0x1  }
0x15: {  	[smem:$0x3F75] =	sst s0;
	s0 =	simm.s32 @!p2 $0x0  }
0x16: {  	s3 =	sld [smem:$0x3FDB];
	s0 =	simm.s32 @p2 $0x1  }
0x17: {  	s4 =	simm.s32 $0x1BF5;
	[smem:$0x3F77] =	sst s0  }
0x18: {  	s0 =	sld [smem:$0x3F5A];
	_ =	swait.ge [sflag:s4], $0x0  }
0x19: {  	s7 =	sld [smem:$0x3F5B]  }
0x1a: {  	s8 =	sadd.s32 $0xFFFFE003, lr  }
0x1b: {  	s9 =	sadd.s32 $0xFFFFFEF7, lr;
	s5 =	simm.s32 $0xFFFFFFFF;
	p2 =	slt.u32 s8, $0xFFFFF086  }
0x1c: {  	p1 =	slt.u32 s9, $0xF7A;
	s5 =	simm.s32 @!p2 $0x0  }
0x1d: {  	s5 =	simm.s32 @p1 $0x1;
	p0 =	seq.s32 s7, s2  }
0x1e: {  	s7 =	smul.u32 @!p0 $0xF7A, s2;
	p2 =	seq.s32 @!p0 s5, $0x0  }
0x1f: {  	s9 =	smul.u32 $0xF7A, s1;
	s8 =	simm.s32 @!p0 $0x1BF5;
	p2 =	por !p2, p0  }
0x20: {  	[sflag:s8] =	ssyncset.s32 @!p0 $0xFFFFF086;
	s6 =	sadd.s32 @!p0 s3, s7;
	s7 =	simm.s32 @!p0 $0x108  }
0x21: {  	s3 =	sadd.s32 s3, s9;
	s6 =	sadd.s32 @!p0 $0x88, s6;
	s7 =	simm.s32 @p2 $0x1082  }
0x22: {  	[simem:s7], [sflag:s8] =	dma.local @!p0 [hbm:s6], $0xF7A  }
0x23: {  	s9 =	sor.u32 $0xD0000000, s2;
	s6 =	simm.s32 $0x108;
	_ =	swait.ge @!p0 [sflag:s8], $0x0  }
0x24: {  	s3 =	sadd.s32 $0x88, s3;
	s6 =	simm.s32 @!p1 $0x1082;
	[sflag:s4] =	ssyncset.s32 $0xFFFFF086  }
0x25: {  	[simem:s6], [sflag:s4] =	dma.local [hbm:s3], $0xF7A  }
0x26: {  	[smem:$0x3F5B] =	sst s1;
	(tag) =	ssettag s2;
	_ =	strace s9  }
0x27: {  	s1 =	sld [smem:$0x3F6B]  }
0x28: {  	s2 =	sld [smem:$0x3F6C]  }
0x29: {  	s4 =	sld [smem:$0x3F6E]  }
0x2a: {  	p0 =	seq.s32 s5, $0x0;
	s5 =	sld [smem:$0x3F6F]  }
0x2b: {  	s6 =	sld [smem:$0x3F70]  }
0x2c: {  	s7 =	sld [smem:$0x3F71]  }
0x2d: {  	s3 =	simm.s32 $0x108;
	s8 =	sld [smem:$0x3F72]  }
0x2e: {  	s3 =	simm.s32 @!p0 $0x1082;
	s9 =	sld [smem:$0x3F73]  }
0x2f: {  	lr =	sadd.s32 s0, s3;
	s0 =	sld [smem:$0x3F6A]  }
0x30: {  	s3 =	sld [smem:$0x3F6D]  }
0x31: {  	[smem:$0x3F76] =	sst s10  }
0x32: {  	s10 =	sld [smem:$0x3F74];
	_ =	sdelay $0x3  }
0x33: {  	p0 =	seq.s32 s10, $0x1;
	s10 =	sld [smem:$0x3F76];
	_ =	sdelay $0x3  }
0x34: {  	[smem:$0x3F76] =	sst s10  }
0x35: {  	s10 =	sld [smem:$0x3F75];
	_ =	sdelay $0x3  }
0x36: {  	p1 =	seq.s32 s10, $0x1;
	s10 =	sld [smem:$0x3F76];
	_ =	sdelay $0x3  }
0x37: {  	[smem:$0x3F76] =	sst s10  }
0x38: {  	s10 =	sld [smem:$0x3F77]  }
0x39: {  	_ = 	snop;
	(pc) =	sbr.ind lr, $3  }
0x3a: {  	_ = 	snop  }
0x3b: {  	_ = 	snop  }
0x3c: {  	p2 =	seq.s32 s10, $0x1;
	s10 =	sld [smem:$0x3F76]  }
0x3d: {  	_ =	shalt  }
0x3e: {  	_ =	shalt  }
0x3f: {  	_ =	shalt  }
0x40: {  	_ =	shalt  }
0x41: {  	_ =	shalt  }
0x42: {  	_ =	shalt  }
0x43: {  	_ =	shalt  }
0x44: {  	_ =	shalt  }
0x45: {  	_ =	shalt  }
0x46: {  	_ =	shalt  }
0x47: {  	_ =	shalt  }
0x48: {  	_ =	shalt  }
0x49: {  	_ =	shalt  }
0x4a: {  	_ =	shalt  }
0x4b: {  	_ =	shalt  }
0x4c: {  	_ =	shalt  }
0x4d: {  	_ =	shalt  }
0x4e: {  	_ =	shalt  }
0x4f: {  	_ =	shalt  }
0x50: {  	_ =	shalt  }
0x51: {  	_ =	shalt  }
0x52: {  	_ =	shalt  }
0x53: {  	_ =	shalt  }
0x54: {  	_ =	shalt  }
0x55: {  	_ =	shalt  }
0x56: {  	_ =	shalt  }
0x57: {  	_ =	shalt  }
0x58: {  	_ =	shalt  }
0x59: {  	_ =	shalt  }
0x5a: {  	_ =	shalt  }
0x5b: {  	_ =	shalt  }
0x5c: {  	_ =	shalt  }
0x5d: {  	_ =	shalt  }
0x5e: {  	_ =	shalt  }
0x5f: {  	_ =	shalt  }
0x60: {  	_ =	shalt  }
0x61: {  	_ =	shalt  }
0x62: {  	_ =	shalt  }
0x63: {  	_ =	shalt  }
0x64: {  	_ =	shalt  }
0x65: {  	_ =	shalt  }
0x66: {  	_ =	shalt  }
0x67: {  	_ =	shalt  }
0x68: {  	_ =	shalt  }
0x69: {  	_ =	shalt  }
0x6a: {  	_ =	shalt  }
0x6b: {  	_ =	shalt  }
0x6c: {  	_ =	shalt  }
0x6d: {  	_ =	shalt  }
0x6e: {  	_ =	shalt  }
0x6f: {  	_ =	shalt  }
0x70: {  	_ =	shalt  }
0x71: {  	_ =	shalt  }
0x72: {  	_ =	shalt  }
0x73: {  	_ =	shalt  }
0x74: {  	_ =	shalt  }
0x75: {  	_ =	shalt  }
0x76: {  	_ =	shalt  }
0x77: {  	_ =	shalt  }
0x78: {  	_ =	shalt  }
0x79: {  	_ =	shalt  }
0x7a: {  	_ =	shalt  }
0x7b: {  	_ =	shalt  }
0x7c: {  	_ =	shalt  }
0x7d: {  	_ =	shalt  }
0x7e: {  	_ =	shalt  }
0x7f: {  	_ =	shalt  }
0x80: {  	_ =	shalt  }
0x81: {  	_ =	shalt  }
0x82: {  	_ =	shalt  }
0x83: {  	_ =	shalt  }
0x84: {  	_ =	shalt  }
0x85: {  	_ =	shalt  }
0x86: {  	_ =	shalt  }
0x87: {  	_ =	shalt  }
.Lfunc_end0:
.L_simem_size_0:
called_computation.2_lowered:
.L_overlay_start_0:
0x88: {  	s2 =	sld [smem:$0x3FD9]  }
0x89: {  	s3 =	sld [smem:$0x3FFE];
	_ =	sdelay $0x1  }
0x8a: {  	s1 =	srdreg.scid  }
0x8b: {  	s0 =	sand.u32 $0x1, s1  }
0x8c: {  	s16 =	sshll.u32 s0, $0xA;
	s2 =	sadd.s32 s3, s2  }
0x8d: {  	s2 =	sadd.s32 s2, s16  }
0x8e: {  	[smem:$0x3F82] =	sst s2  }
0x8f: {  	_ = 	snop  }
0x90: {  	(tm) =	ssettm $0x1  }
0x91: {  	s17 =	sld [smem:$0x3FFB];
	_ =	sdelay $0x3  }
0x92: {  	_ =	strace s17  }
0x93: {  	s2 =	sld [smem:$0x3FFC];
	_ =	sdelay $0x3  }
0x94: {  	_ =	strace s2  }
0x95: {  	s2 =	sld [smem:$0x3FFD];
	_ =	sdelay $0x3  }
0x96: {  	_ =	strace s2  }
0x97: {  	_ =	strace $0x8FFFFFFF  }
0x98: {  	s18 =	sld [smem:$0x3FDB];
	_ =	sdelay $0x1  }
0x99: {  	s19 =	simm.s32 $_scs_section_size  }
0x9a: {  	s4 =	simm.s32 $_size__tile_overlayer_lowered;
	s5 =	simm.s32 $_tile_overlayer_lowered  }
0x9b: {  	s22 =	simm.s32 $0x1BFF;
	s21 =	sshll.u32 s5, $0x1;
	s2 =	sadd.s32 s19, s18  }
0x9c: {  	s6 =	simm.s32 $0x0;
	s20 =	sshll.u32 s4, $0x1;
	s4 =	sadd.s32 s21, s2  }
0x9d: {  	[timem:s6], [sflag:s22] =	dma.local [hbm:s4], s20  }
0x9e: {  	_ =	swait.ge [sflag:s22], s20  }
0x9f: {  	s3 =	ssub.s32 $0x0, s20;
	[sflag:s22] =	ssyncset.done $0x0  }
0xa0: {  	[sflag:s22] =	ssyncadd.s32 s3;
	_ =	sdelay $0x1  }
0xa1: {  	s23 =	simm.s32 $0x1B8B  }
0xa2: {  	_ =	swait.ge [sflag:s23], $0x1  }
0xa3: {  	[sflag:s23] =	ssyncset.done $0x0  }
0xa4: {  	s25 =	simm.s32 $0x1B8E;
	s24 =	sld [smem:$0x3FFE];
	[sflag:s23] =	ssyncadd.s32 $0xFFFFFFFF  }
0xa5: {  	s26 =	simm.s32 $execute0_lowered;
	[smem:$0x3FD2] =	sst s25  }
0xa6: {  	s4 =	sshll.u32 s26, $0x1;
	_ =	strace $0x8000004C;
	[dreg:$0x1] =	wrdreg $0xFFFFFFFF  }
0xa7: {  	s28 =	simm.s32 $_size_execute0_lowered;
	s2 =	sadd.s32 s2, s4;
	[dreg:$0x0] =	wrdreg $0x0  }
0xa8: {  	s4 =	sshll.u32 s28, $0x1;
	[dreg:$0x2] =	wrdreg s2  }
0xa9: {  	[dreg:$0x3] =	wrdreg s4  }
0xaa: {  	[dreg:$0x4] =	wrdreg $0xC0  }
0xab: {  	_ =	task [dreg:s6], $0x5FFFF  }
0xac: {  	[dreg:$0x1] =	wrdreg $0xFFFFFFFF  }
0xad: {  	[dreg:$0x0] =	wrdreg $0x60  }
0xae: {  	[dreg:$0x2] =	wrdreg s24  }
0xaf: {  	[dreg:$0x3] =	wrdreg $0x67200  }
0xb0: {  	[dreg:$0x4] =	wrdreg $0x9  }
0xb1: {  	_ =	task.clear_ibuf [dreg:s6], $0x5FFFF;
	_ =	strace $0x9000004C  }
0xb2: {  	s29 =	simm.s32 $0x9;
	_ =	strace $0x8000004E  }
0xb3: {  	_ =	swait.ge [sflag:s29], $0x1  }
0xb4: {  	[sflag:s29] =	ssyncadd.s32 $0xFFFFFFFF  }
0xb5: {  	_ =	strace $0x9000004E  }
0xb6: {  	_ =	sfence  }
0xb7: {  	s30 =	sld [smem:$0x0];
	_ =	sdelay $0x2  }
0xb8: {  	s31 =	sshll.u32 s1, $0xD;
	s1 =	sshrl.u32 s1, $0x2  }
0xb9: {  	s3 =	sand.u32 $0x4000, s31;
	s1 =	sadd.s32 s1, s30  }
0xba: {  	s0 =	sor.u32 s3, s0;
	s1 =	sshll.u32 s1, $0x11  }
0xbb: {  	s0 =	sor.u32 s1, s0  }
0xbc: {  	s0 =	sadd.s32 $0x8F2B, s0  }
0xbd: {  	[sflag:s0] =	ssyncadd.remote.s32 $0x1  }
0xbe: {  	_ =	sfence.sel $0xFFFF  }
0xbf: {  	[dreg:$0x0] =	wrdreg $0xFFFFFFFF;
	(pc) =	sbr.abs _section_cstart, $3  }
0xc0: {  	[dreg:$0x1] =	wrdreg $0xFFFFFFFF  }
0xc1: {  	_ =	task.clear_ibuf [dreg:s6], $0x2FFFF;
	_ =	strace $0x9FFFFFFF  }
0xc2: {  	(tm) =	ssettm $0x7FFFFFFF  }
0xc3: {  	_ =	shalt  }
tec
execute0_lowered:
.L_overlay_start_1:
0x0: {  	(tag) =	ssettag $0x1  }
0x1: {  	s5 =	rddreg [dreg:$0x0]  }
0x2: {  	s0 =	srdreg.scid;
	s2 =	rddreg [dreg:$0x1]  }
0x3: {  	s1 =	rddreg [dreg:$0x2];
	s3 =	simm.s32 $0x0;
	s14 =	simm.s32 $0x2  }
0x4: {  	s15 =	simm.s32 $0x190;
	s16 =	simm.s32 $0x320;
	s6 =	sand.u32 $0x1, s0  }
0x5: {  	s17 =	simm.s32 $0x1;
	s0 =	stileid.u32;
	s4 =	smul.u32 $0x13880, s6  }
0x6: {  	s18 =	simm.s32 $0x0;
	[smem:$0x7FF] =	sst s3;
	s7 =	smul.u32 $0x190, s0  }
0x7: {  	s9 =	smul.u32 $0x9C40, s0;
	_ =	strace $0x8000004D;
	s8 =	ssub.s32 $0x2, s6  }
0x8: {  	s30 =	ssub.s32 $0xD7, s0;
	s11 =	smul.u32 $0x6B6C00, s6;
	s31 =	sshll.u32 s0, $0x6  }
0x9: {  	s10 =	sshrl.u32 s8, $0x1;
	s6 =	sshrl.u32 s30, $0x4;
	s7 =	sadd.s32 s7, s4  }
0xa: {  	s4 =	sadd.s32 $0xA4C00, s5;
	s29 =	sshrl.u32 s9, $0x3;
	s10 =	ssub.s32 s8, s10  }
0xb: {  	s13 =	sadd.s32 s9, s2;
	s8 =	sor.u32 $0x1C02, s31;
	s9 =	sadd.s32 s11, s9  }
0xc: {  	s7 =	sshrl.u32 s7, $0x3;
	s10 =	smax.u32 s10, $0x1;
	s13 =	sshrl.u32 s13, $0x3  }
0xd: {  	s12 =	sadd.s32 s7, s5;
	s7 =	sadd.s32 s29, s5;
	s5 =	sadd.s32 $0x29E200, s5  }
0xe: {  	s7 =	sadd.s32 $0x28A800, s7;
	s11 =	sadd.s32 $0x3800, s12;
	s12 =	sadd.s32 $0x6F000, s12  }
.LBB2_1:
0xf: {  	s19 =	smov.u32 s12;
	s20 =	smov.u32 s11;
	s21 =	simm.s32 $0x0  }
.LBB2_2:
0x10: {  	[spmem:s13], [sflag:s8] =	dma.local [hbm:s7], $0x1388  }
0x11: {  	_ =	swait.ge [sflag:s14], $0x1388  }
0x12: {  	[sflag:s14] =	ssyncset.done $0x0  }
0x13: {  	[sflag:s14] =	ssyncadd.s32 $0xFFFFEC78  }
0x14: {  	[bflag:$0x0] =	sbarrier.arrive $0xFFFF  }
0x15: {  	[tilespmem:s3], [sflag:$0x2] =	stream.linear.gather [hbm4b:s19+s3], $0x190, $0x38;
	[tilespmem:$0x10360] =	vst v63  }
0x16: {  	_ =	swait.ge [sflag:s14], $0x190  }
0x17: {  	[sflag:s14] =	ssyncset.done $0x0  }
0x18: {  	[sflag:s14] =	ssyncadd.s32 $0xFFFFFE70  }
0x19: {  	[tilespmem:s15], [sflag:$0x2] =	stream.linear.gather [hbm4b:s20+s3], $0x190, $0x38;
	[tilespmem:$0x10360] =	vst v63  }
0x1a: {  	_ =	swait.ge [sflag:s14], $0x190  }
0x1b: {  	[sflag:s14] =	ssyncset.done $0x0  }
0x1c: {  	[sflag:s14] =	ssyncadd.s32 $0xFFFFFE70  }
0x1d: {  	[tilespmem:s16], [sflag:$0x1] =	stream.indirect.gather [hbm4b:s4+s15], $0x40, s3, s15, $0xb8;
	[tilespmem:$0x10360] =	vst v63  }
0x1e: {  	p0 =	sne.s32 s6, $0x1;
	_ =	swait.ge [sflag:s17], $0x6400  }
.Ltmp0:
0x1f: {  	[sflag:s17] =	ssyncset.done $0x0;
	(pc) =	sbr.rel @!p0 .LBB2_4-.Ltmp0, $4  }
0x20: {  	[sflag:s17] =	ssyncadd.s32 $0xFFFF9C00  }
0x21: {  	[spmem:s2] =	stream.indirect.scatter.add.f32 [tilespmem:s16], [sflag:$0x2], $0x40, s15, s15, $0xb8;
	[tilespmem:$0x10360] =	vst v63  }
0x22: {  	s22 =	sadd.s32 $0xFFFFFFFF, s6;
	_ =	swait.ge [sflag:s14], $0x6400  }
0x23: {  	s23 =	smov.u32 s20;
	s24 =	smov.u32 s19;
	[sflag:s14] =	ssyncset.done $0x0  }
.LBB2_3:
0x24: {  	[sflag:s14] =	ssyncadd.s32 $0xFFFF9C00;
	s23 =	sadd.s32 $0x320, s23;
	s24 =	sadd.s32 $0x320, s24  }
0x25: {  	[tilespmem:s3], [sflag:$0x2] =	stream.linear.gather [hbm4b:s24+s3], $0x190, $0x38;
	[tilespmem:$0x10360] =	vst v63  }
0x26: {  	p0 =	sne.s32 s22, $0x1;
	s22 =	sadd.s32 $0xFFFFFFFF, s22;
	_ =	swait.ge [sflag:s14], $0x190  }
0x27: {  	[sflag:s14] =	ssyncset.done $0x0  }
0x28: {  	[sflag:s14] =	ssyncadd.s32 $0xFFFFFE70  }
0x29: {  	[tilespmem:s15], [sflag:$0x2] =	stream.linear.gather [hbm4b:s23+s3], $0x190, $0x38;
	[tilespmem:$0x10360] =	vst v63  }
0x2a: {  	_ =	swait.ge [sflag:s14], $0x190  }
0x2b: {  	[sflag:s14] =	ssyncset.done $0x0  }
0x2c: {  	[sflag:s14] =	ssyncadd.s32 $0xFFFFFE70  }
0x2d: {  	[tilespmem:s16], [sflag:$0x1] =	stream.indirect.gather [hbm4b:s4+s15], $0x40, s3, s15, $0xb8;
	[tilespmem:$0x10360] =	vst v63  }
0x2e: {  	_ =	swait.ge [sflag:s17], $0x6400  }
.Ltmp1:
0x2f: {  	[sflag:s17] =	ssyncset.done $0x0;
	(pc) =	sbr.rel @p0 .LBB2_3-.Ltmp1, $4  }
0x30: {  	[sflag:s17] =	ssyncadd.s32 $0xFFFF9C00  }
0x31: {  	[spmem:s2] =	stream.indirect.scatter.add.f32 [tilespmem:s16], [sflag:$0x2], $0x40, s15, s15, $0xb8;
	[tilespmem:$0x10360] =	vst v63  }
0x32: {  	_ =	swait.ge [sflag:s14], $0x6400  }
0x33: {  	[sflag:s14] =	ssyncset.done $0x0  }
.LBB2_4:
0x34: {  	s22 =	smul.u32 $0x9C400, s21;
	_ =	sdelay $0x1  }
0x35: {  	s22 =	sadd.s32 s22, s9  }
0x36: {  	[sflag:s14] =	ssyncadd.s32 $0xFFFF9C00;
	s21 =	sadd.s32 $0x1, s21;
	s22 =	sshrl.u32 s22, $0x3  }
0x37: {  	[bflag:$0x0] =	sbarrier.arrive $0xFFFF;
	p0 =	sne.s32 s21, $0xB;
	s22 =	sadd.s32 s5, s22  }
0x38: {  	[hbm:s22], [sflag:s8] =	dma.local [spmem:s13], $0x1388  }
.Ltmp2:
0x39: {  	_ =	swait.ge [sflag:s14], $0x1388;
	(pc) =	sbr.rel @p0 .LBB2_2-.Ltmp2, $4  }
0x3a: {  	[sflag:s14] =	ssyncset.done $0x0  }
0x3b: {  	[sflag:s14] =	ssyncadd.s32 $0xFFFFEC78  }
0x3c: {  	[bflag:$0x0] =	sbarrier.arrive $0xFFFF  }
0x3d: {  	s20 =	sadd.s32 $0x4E20, s20;
	s19 =	sadd.s32 $0x4E20, s19  }
0x3e: {  	s18 =	sadd.s32 $0x1, s18  }
0x3f: {  	p0 =	sne.s32 s18, s10  }
.Ltmp3:
0x40: {  	_ = 	snop;
	(pc) =	sbr.rel @p0 .LBB2_1-.Ltmp3, $1  }
0x41: {  	_ =	sdelay $0x3  }
0x42: {  	_ =	sfence.sel $0x180000  }
0x43: {  	[bflag:$0x0] =	sbarrier.arrive $0xFFFF  }
0x44: {  	p0 =	sne.s32 s0, $0x0;
	_ =	strace $0x9000004D  }
0x45: {  	s0 =	sadd.s32 @!p0 $0x100000, s1;
	[bflag:$0x2] =	sbarrier.arrive $0xFFFF  }
0x46: {  	[sflag:s0] =	ssyncadd.tile.s32 @!p0 $0x1;
	_ =	shalt  }
.Lfunc_end2:
_tile_overlayer_lowered:
.L_overlay_start_2:
0x47: {  	(tag) =	ssettag $0x2  }
0x48: {  	s0 =	rddreg [dreg:$0x0];
	s2 =	stileid.u32  }
0x49: {  	s1 =	rddreg [dreg:$0x1];
	p0 =	sne.s32 s2, $0x0  }
0x4a: {  	s3 =	rddreg [dreg:$0x2];
	[bflag:$0x3] =	sbarrier.arrive $0xFFFF;
	s2 =	simm.s32 @!p0 $0x1C02  }
0x4b: {  	[timem:s3], [sflag:s2] =	dma.local @!p0 [hbm:s0], s1  }
0x4c: {  	s0 =	simm.s32 @!p0 $0x2  }
0x4d: {  	_ =	swait.ge @!p0 [sflag:s0], s1  }
0x4e: {  	s1 =	ssub.s32 @!p0 $0x0, s1;
	[sflag:s0] =	ssyncset.done @!p0 $0x0  }
0x4f: {  	[sflag:s0] =	ssyncadd.s32 @!p0 s1  }
0x50: {  	[bflag:$0x3] =	sbarrier.arrive $0xFFFF  }
0x51: {  	_ =	shalt  }

// kernel: kernel.8.cloned.1.call-start
scs
__scs_entry_jumppad:
0x0: {  	(pc) =	sbr.rel $0x88, $3  }
0x1: {  	(tag) =	ssettag $0x0;
	lr =	simm.s32 $0x1  }
0x2: {  	[smem:$0x3F5B] =	sst lr;
	_ =	strace $0xD0000000  }
0x3: {  	_ = 	snop  }
0x4: {  	_ = 	snop  }
0x5: {  	_ = 	snop  }
0x6: {  	_ = 	snop  }
0x7: {  	_ = 	snop  }
__scs_overlays_trampoline_lowered:
0x8: {  	[smem:$0x3F6A] =	sst s0  }
0x9: {  	[smem:$0x3F6B] =	sst s1  }
0xa: {  	[smem:$0x3F6C] =	sst s2  }
0xb: {  	[smem:$0x3F6D] =	sst s3  }
0xc: {  	[smem:$0x3F6E] =	sst s4  }
0xd: {  	[smem:$0x3F6F] =	sst s5  }
0xe: {  	[smem:$0x3F70] =	sst s6  }
0xf: {  	[smem:$0x3F71] =	sst s7  }
0x10: {  	[smem:$0x3F72] =	sst s8  }
0x11: {  	[smem:$0x3F73] =	sst s9;
	s0 =	simm.s32 @!p0 $0x0  }
0x12: {  	s1 =	sld [smem:$0x3F59];
	s0 =	simm.s32 @p0 $0x1  }
0x13: {  	[smem:$0x3F74] =	sst s0;
	s0 =	simm.s32 @!p1 $0x0  }
0x14: {  	s2 =	sld [smem:$0x3F58];
	s0 =	simm.s32 @p1 $0x1  }
0x15: {  	[smem:$0x3F75] =	sst s0;
	s0 =	simm.s32 @!p2 $0x0  }
0x16: {  	s3 =	sld [smem:$0x3FDB];
	s0 =	simm.s32 @p2 $0x1  }
0x17: {  	s4 =	simm.s32 $0x1BF5;
	[smem:$0x3F77] =	sst s0  }
0x18: {  	s0 =	sld [smem:$0x3F5A];
	_ =	swait.ge [sflag:s4], $0x0  }
0x19: {  	s7 =	sld [smem:$0x3F5B]  }
0x1a: {  	s8 =	sadd.s32 $0xFFFFE003, lr  }
0x1b: {  	s9 =	sadd.s32 $0xFFFFFEF7, lr;
	s5 =	simm.s32 $0xFFFFFFFF;
	p2 =	slt.u32 s8, $0xFFFFF086  }
0x1c: {  	p1 =	slt.u32 s9, $0xF7A;
	s5 =	simm.s32 @!p2 $0x0  }
0x1d: {  	s5 =	simm.s32 @p1 $0x1;
	p0 =	seq.s32 s7, s2  }
0x1e: {  	s7 =	smul.u32 @!p0 $0xF7A, s2;
	p2 =	seq.s32 @!p0 s5, $0x0  }
0x1f: {  	s9 =	smul.u32 $0xF7A, s1;
	s8 =	simm.s32 @!p0 $0x1BF5;
	p2 =	por !p2, p0  }
0x20: {  	[sflag:s8] =	ssyncset.s32 @!p0 $0xFFFFF086;
	s6 =	sadd.s32 @!p0 s3, s7;
	s7 =	simm.s32 @!p0 $0x108  }
0x21: {  	s3 =	sadd.s32 s3, s9;
	s6 =	sadd.s32 @!p0 $0x88, s6;
	s7 =	simm.s32 @p2 $0x1082  }
0x22: {  	[simem:s7], [sflag:s8] =	dma.local @!p0 [hbm:s6], $0xF7A  }
0x23: {  	s9 =	sor.u32 $0xD0000000, s2;
	s6 =	simm.s32 $0x108;
	_ =	swait.ge @!p0 [sflag:s8], $0x0  }
0x24: {  	s3 =	sadd.s32 $0x88, s3;
	s6 =	simm.s32 @!p1 $0x1082;
	[sflag:s4] =	ssyncset.s32 $0xFFFFF086  }
0x25: {  	[simem:s6], [sflag:s4] =	dma.local [hbm:s3], $0xF7A  }
0x26: {  	[smem:$0x3F5B] =	sst s1;
	(tag) =	ssettag s2;
	_ =	strace s9  }
0x27: {  	s1 =	sld [smem:$0x3F6B]  }
0x28: {  	s2 =	sld [smem:$0x3F6C]  }
0x29: {  	s4 =	sld [smem:$0x3F6E]  }
0x2a: {  	p0 =	seq.s32 s5, $0x0;
	s5 =	sld [smem:$0x3F6F]  }
0x2b: {  	s6 =	sld [smem:$0x3F70]  }
0x2c: {  	s7 =	sld [smem:$0x3F71]  }
0x2d: {  	s3 =	simm.s32 $0x108;
	s8 =	sld [smem:$0x3F72]  }
0x2e: {  	s3 =	simm.s32 @!p0 $0x1082;
	s9 =	sld [smem:$0x3F73]  }
0x2f: {  	lr =	sadd.s32 s0, s3;
	s0 =	sld [smem:$0x3F6A]  }
0x30: {  	s3 =	sld [smem:$0x3F6D]  }
0x31: {  	[smem:$0x3F76] =	sst s10  }
0x32: {  	s10 =	sld [smem:$0x3F74];
	_ =	sdelay $0x3  }
0x33: {  	p0 =	seq.s32 s10, $0x1;
	s10 =	sld [smem:$0x3F76];
	_ =	sdelay $0x3  }
0x34: {  	[smem:$0x3F76] =	sst s10  }
0x35: {  	s10 =	sld [smem:$0x3F75];
	_ =	sdelay $0x3  }
0x36: {  	p1 =	seq.s32 s10, $0x1;
	s10 =	sld [smem:$0x3F76];
	_ =	sdelay $0x3  }
0x37: {  	[smem:$0x3F76] =	sst s10  }
0x38: {  	s10 =	sld [smem:$0x3F77]  }
0x39: {  	_ = 	snop;
	(pc) =	sbr.ind lr, $3  }
0x3a: {  	_ = 	snop  }
0x3b: {  	_ = 	snop  }
0x3c: {  	p2 =	seq.s32 s10, $0x1;
	s10 =	sld [smem:$0x3F76]  }
0x3d: {  	_ =	shalt  }
0x3e: {  	_ =	shalt  }
0x3f: {  	_ =	shalt  }
0x40: {  	_ =	shalt  }
0x41: {  	_ =	shalt  }
0x42: {  	_ =	shalt  }
0x43: {  	_ =	shalt  }
0x44: {  	_ =	shalt  }
0x45: {  	_ =	shalt  }
0x46: {  	_ =	shalt  }
0x47: {  	_ =	shalt  }
0x48: {  	_ =	shalt  }
0x49: {  	_ =	shalt  }
0x4a: {  	_ =	shalt  }
0x4b: {  	_ =	shalt  }
0x4c: {  	_ =	shalt  }
0x4d: {  	_ =	shalt  }
0x4e: {  	_ =	shalt  }
0x4f: {  	_ =	shalt  }
0x50: {  	_ =	shalt  }
0x51: {  	_ =	shalt  }
0x52: {  	_ =	shalt  }
0x53: {  	_ =	shalt  }
0x54: {  	_ =	shalt  }
0x55: {  	_ =	shalt  }
0x56: {  	_ =	shalt  }
0x57: {  	_ =	shalt  }
0x58: {  	_ =	shalt  }
0x59: {  	_ =	shalt  }
0x5a: {  	_ =	shalt  }
0x5b: {  	_ =	shalt  }
0x5c: {  	_ =	shalt  }
0x5d: {  	_ =	shalt  }
0x5e: {  	_ =	shalt  }
0x5f: {  	_ =	shalt  }
0x60: {  	_ =	shalt  }
0x61: {  	_ =	shalt  }
0x62: {  	_ =	shalt  }
0x63: {  	_ =	shalt  }
0x64: {  	_ =	shalt  }
0x65: {  	_ =	shalt  }
0x66: {  	_ =	shalt  }
0x67: {  	_ =	shalt  }
0x68: {  	_ =	shalt  }
0x69: {  	_ =	shalt  }
0x6a: {  	_ =	shalt  }
0x6b: {  	_ =	shalt  }
0x6c: {  	_ =	shalt  }
0x6d: {  	_ =	shalt  }
0x6e: {  	_ =	shalt  }
0x6f: {  	_ =	shalt  }
0x70: {  	_ =	shalt  }
0x71: {  	_ =	shalt  }
0x72: {  	_ =	shalt  }
0x73: {  	_ =	shalt  }
0x74: {  	_ =	shalt  }
0x75: {  	_ =	shalt  }
0x76: {  	_ =	shalt  }
0x77: {  	_ =	shalt  }
0x78: {  	_ =	shalt  }
0x79: {  	_ =	shalt  }
0x7a: {  	_ =	shalt  }
0x7b: {  	_ =	shalt  }
0x7c: {  	_ =	shalt  }
0x7d: {  	_ =	shalt  }
0x7e: {  	_ =	shalt  }
0x7f: {  	_ =	shalt  }
0x80: {  	_ =	shalt  }
0x81: {  	_ =	shalt  }
0x82: {  	_ =	shalt  }
0x83: {  	_ =	shalt  }
0x84: {  	_ =	shalt  }
0x85: {  	_ =	shalt  }
0x86: {  	_ =	shalt  }
0x87: {  	_ =	shalt  }
.Lfunc_end0:
.L_simem_size_0:
called_computation_lowered:
.L_overlay_start_0:
0x88: {  	s2 =	sld [smem:$0x3FD9]  }
0x89: {  	s3 =	sld [smem:$0x3FFE];
	_ =	sdelay $0x1  }
0x8a: {  	s1 =	srdreg.scid  }
0x8b: {  	s0 =	sand.u32 $0x1, s1  }
0x8c: {  	s16 =	sshll.u32 s0, $0xA;
	s2 =	sadd.s32 s3, s2  }
0x8d: {  	s2 =	sadd.s32 s2, s16  }
0x8e: {  	[smem:$0x3F82] =	sst s2  }
0x8f: {  	_ = 	snop  }
0x90: {  	(tm) =	ssettm $0x1  }
0x91: {  	s17 =	sld [smem:$0x3FFB];
	_ =	sdelay $0x3  }
0x92: {  	_ =	strace s17  }
0x93: {  	s2 =	sld [smem:$0x3FFC];
	_ =	sdelay $0x3  }
0x94: {  	_ =	strace s2  }
0x95: {  	s2 =	sld [smem:$0x3FFD];
	_ =	sdelay $0x3  }
0x96: {  	_ =	strace s2  }
0x97: {  	_ =	strace $0x8FFFFFFF  }
0x98: {  	s18 =	sld [smem:$0x3FDB];
	_ =	sdelay $0x1  }
0x99: {  	s19 =	simm.s32 $_scs_section_size  }
0x9a: {  	s4 =	simm.s32 $_size__tile_overlayer_lowered;
	s5 =	simm.s32 $_tile_overlayer_lowered  }
0x9b: {  	s22 =	simm.s32 $0x1BFF;
	s21 =	sshll.u32 s5, $0x1;
	s2 =	sadd.s32 s19, s18  }
0x9c: {  	s6 =	simm.s32 $0x0;
	s20 =	sshll.u32 s4, $0x1;
	s4 =	sadd.s32 s21, s2  }
0x9d: {  	[timem:s6], [sflag:s22] =	dma.local [hbm:s4], s20  }
0x9e: {  	_ =	swait.ge [sflag:s22], s20  }
0x9f: {  	s3 =	ssub.s32 $0x0, s20;
	[sflag:s22] =	ssyncset.done $0x0  }
0xa0: {  	[sflag:s22] =	ssyncadd.s32 s3;
	_ =	sdelay $0x1  }
0xa1: {  	s23 =	simm.s32 $0x1B8B  }
0xa2: {  	_ =	swait.ge [sflag:s23], $0x1  }
0xa3: {  	[sflag:s23] =	ssyncset.done $0x0  }
0xa4: {  	s25 =	simm.s32 $0x1B8E;
	s24 =	sld [smem:$0x3FFE];
	[sflag:s23] =	ssyncadd.s32 $0xFFFFFFFF  }
0xa5: {  	s26 =	simm.s32 $execute0_lowered;
	[smem:$0x3FD2] =	sst s25  }
0xa6: {  	s4 =	sshll.u32 s26, $0x1;
	_ =	strace $0x80000046;
	[dreg:$0x1] =	wrdreg $0xFFFFFFFF  }
0xa7: {  	s28 =	simm.s32 $_size_execute0_lowered;
	s2 =	sadd.s32 s2, s4;
	[dreg:$0x0] =	wrdreg $0x0  }
0xa8: {  	s4 =	sshll.u32 s28, $0x1;
	[dreg:$0x2] =	wrdreg s2  }
0xa9: {  	[dreg:$0x3] =	wrdreg s4  }
0xaa: {  	[dreg:$0x4] =	wrdreg $0xC0  }
0xab: {  	_ =	task [dreg:s6], $0x5FFFF  }
0xac: {  	[dreg:$0x1] =	wrdreg $0xFFFFFFFF  }
0xad: {  	[dreg:$0x0] =	wrdreg $0x60  }
0xae: {  	[dreg:$0x2] =	wrdreg s24  }
0xaf: {  	[dreg:$0x3] =	wrdreg $0x9  }
0xb0: {  	_ =	task.clear_ibuf [dreg:s6], $0x4FFFF;
	_ =	strace $0x90000046  }
0xb1: {  	s29 =	simm.s32 $0x9;
	_ =	strace $0x80000048  }
0xb2: {  	_ =	swait.ge [sflag:s29], $0x1  }
0xb3: {  	[sflag:s29] =	ssyncadd.s32 $0xFFFFFFFF  }
0xb4: {  	_ =	strace $0x90000048  }
0xb5: {  	_ =	sfence  }
0xb6: {  	s30 =	sld [smem:$0x0];
	_ =	sdelay $0x2  }
0xb7: {  	s31 =	sshll.u32 s1, $0xD;
	s1 =	sshrl.u32 s1, $0x2  }
0xb8: {  	s3 =	sand.u32 $0x4000, s31;
	s1 =	sadd.s32 s1, s30  }
0xb9: {  	s0 =	sor.u32 s3, s0;
	s1 =	sshll.u32 s1, $0x11  }
0xba: {  	s0 =	sor.u32 s1, s0  }
0xbb: {  	s0 =	sadd.s32 $0x8F2B, s0  }
0xbc: {  	[sflag:s0] =	ssyncadd.remote.s32 $0x1  }
0xbd: {  	_ =	sfence.sel $0xFFFF  }
0xbe: {  	[dreg:$0x0] =	wrdreg $0xFFFFFFFF;
	(pc) =	sbr.abs _section_cstart, $3  }
0xbf: {  	[dreg:$0x1] =	wrdreg $0xFFFFFFFF  }
0xc0: {  	_ =	task.clear_ibuf [dreg:s6], $0x2FFFF;
	_ =	strace $0x9FFFFFFF  }
0xc1: {  	(tm) =	ssettm $0x7FFFFFFF  }
tec
execute0_lowered:
.L_overlay_start_1:
0x0: {  	(tag) =	ssettag $0x1  }
0x1: {  	s1 =	srdreg.scid;
	s0 =	stileid.u32  }
0x2: {  	s17 =	sand.u32 $0x1, s1;
	s31 =	sshll.u32 s0, $0x1  }
0x3: {  	s6 =	sor.u32 s17, s31  }
0x4: {  	s9 =	rddreg [dreg:$0x0];
	s3 =	smul.u32 $0x1B0, s6  }
0x5: {  	s2 =	simm.s32 $0x0;
	s1 =	rddreg [dreg:$0x1]  }
0x6: {  	[smem:$0x7FF] =	sst s2;
	s3 =	sadd.s32 s3, s9  }
0x7: {  	_ =	strace $0x80000047;
	s4 =	sadd.s32 $0x200, s3;
	s3 =	simm.s32 $0x2  }
0x8: {  	[tilespmem:s2], [sflag:$0x2] =	stream.linear.gather [hbm4b:s4+s2], $0xD80, $0x38;
	[tilespmem:$0x12D80] =	vst v63  }
0x9: {  	s7 =	simm.s32 $0xD80;
	_ =	swait.ge [sflag:s3], $0xD80  }
0xa: {  	s8 =	simm.s32 $0x1;
	s5 =	sadd.s32 $0x1ADE00, s9;
	[sflag:s3] =	ssyncset.done $0x0  }
0xb: {  	s10 =	smul.u32 $0xD800, s6;
	s6 =	simm.s32 $0x240;
	[sflag:s3] =	ssyncadd.s32 $0xFFFFF280  }
0xc: {  	[tilespmem:s7], [sflag:$0x1] =	stream.indirect.gather [hbm4b:s5+s6], $0x80, s2, s6, $0xb8;
	[tilespmem:$0x12D80] =	vst v63  }
0xd: {  	_ =	swait.ge [sflag:s8], $0x12000  }
0xe: {  	s18 =	sadd.s32 s10, s9;
	[sflag:s8] =	ssyncset.done $0x0  }
0xf: {  	s9 =	sadd.s32 $0x35BA00, s18;
	[sflag:s8] =	ssyncadd.s32 $0xFFFEE000  }
0x10: {  	[hbm4b:s9+s2] =	stream.linear.scatter [tilespmem:s7], [sflag:$0x2], $0x12000, $0x38;
	[tilespmem:$0x12D80] =	vst v63  }
0x11: {  	_ =	swait.ge [sflag:s3], $0x12000  }
0x12: {  	[sflag:s3] =	ssyncset.done $0x0  }
0x13: {  	[sflag:s3] =	ssyncadd.s32 $0xFFFEE000  }
0x14: {  	[tilespmem:s7], [sflag:$0x1] =	stream.indirect.gather [hbm4b:s5+s6], $0x80, s6, s6, $0xb8;
	[tilespmem:$0x12D80] =	vst v63  }
0x15: {  	_ =	swait.ge [sflag:s8], $0x12000  }
0x16: {  	[sflag:s8] =	ssyncset.done $0x0  }
0x17: {  	s10 =	sadd.s32 $0x35DE00, s18;
	[sflag:s8] =	ssyncadd.s32 $0xFFFEE000  }
0x18: {  	[hbm4b:s10+s2] =	stream.linear.scatter [tilespmem:s7], [sflag:$0x2], $0x12000, $0x38;
	[tilespmem:$0x12D80] =	vst v63  }
0x19: {  	_ =	swait.ge [sflag:s3], $0x12000  }
0x1a: {  	[sflag:s3] =	ssyncset.done $0x0  }
0x1b: {  	s11 =	simm.s32 $0x480;
	[sflag:s3] =	ssyncadd.s32 $0xFFFEE000  }
0x1c: {  	[tilespmem:s7], [sflag:$0x1] =	stream.indirect.gather [hbm4b:s5+s6], $0x80, s11, s6, $0xb8;
	[tilespmem:$0x12D80] =	vst v63  }
0x1d: {  	_ =	swait.ge [sflag:s8], $0x12000  }
0x1e: {  	[sflag:s8] =	ssyncset.done $0x0  }
0x1f: {  	s12 =	sadd.s32 $0x360200, s18;
	[sflag:s8] =	ssyncadd.s32 $0xFFFEE000  }
0x20: {  	[hbm4b:s12+s2] =	stream.linear.scatter [tilespmem:s7], [sflag:$0x2], $0x12000, $0x38;
	[tilespmem:$0x12D80] =	vst v63  }
0x21: {  	_ =	swait.ge [sflag:s3], $0x12000  }
0x22: {  	[sflag:s3] =	ssyncset.done $0x0  }
0x23: {  	s13 =	simm.s32 $0x6C0;
	[sflag:s3] =	ssyncadd.s32 $0xFFFEE000  }
0x24: {  	[tilespmem:s7], [sflag:$0x1] =	stream.indirect.gather [hbm4b:s5+s6], $0x80, s13, s6, $0xb8;
	[tilespmem:$0x12D80] =	vst v63  }
0x25: {  	_ =	swait.ge [sflag:s8], $0x12000  }
0x26: {  	[sflag:s8] =	ssyncset.done $0x0  }
0x27: {  	s14 =	sadd.s32 $0x362600, s18;
	[sflag:s8] =	ssyncadd.s32 $0xFFFEE000  }
0x28: {  	[hbm4b:s14+s2] =	stream.linear.scatter [tilespmem:s7], [sflag:$0x2], $0x12000, $0x38;
	[tilespmem:$0x12D80] =	vst v63  }
0x29: {  	_ =	swait.ge [sflag:s3], $0x12000  }
0x2a: {  	[sflag:s3] =	ssyncset.done $0x0  }
0x2b: {  	s15 =	simm.s32 $0x900;
	[sflag:s3] =	ssyncadd.s32 $0xFFFEE000  }
0x2c: {  	[tilespmem:s7], [sflag:$0x1] =	stream.indirect.gather [hbm4b:s5+s6], $0x80, s15, s6, $0xb8;
	[tilespmem:$0x12D80] =	vst v63  }
0x2d: {  	_ =	swait.ge [sflag:s8], $0x12000  }
0x2e: {  	[sflag:s8] =	ssyncset.done $0x0  }
0x2f: {  	s19 =	ssub.s32 $0x2, s17;
	s16 =	sadd.s32 $0x364A00, s18;
	[sflag:s8] =	ssyncadd.s32 $0xFFFEE000  }
0x30: {  	[hbm4b:s16+s2] =	stream.linear.scatter [tilespmem:s7], [sflag:$0x2], $0x12000, $0x38;
	[tilespmem:$0x12D80] =	vst v63  }
0x31: {  	s20 =	sshrl.u32 s19, $0x1;
	_ =	swait.ge [sflag:s3], $0x12000  }
0x32: {  	s19 =	ssub.s32 s19, s20;
	[sflag:s3] =	ssyncset.done $0x0  }
0x33: {  	s17 =	simm.s32 $0xB40;
	s19 =	smax.u32 s19, $0x1;
	[sflag:s3] =	ssyncadd.s32 $0xFFFEE000  }
0x34: {  	[tilespmem:s7], [sflag:$0x1] =	stream.indirect.gather [hbm4b:s5+s6], $0x80, s17, s6, $0xb8;
	[tilespmem:$0x12D80] =	vst v63  }
0x35: {  	p0 =	sne.s32 s19, $0x1;
	_ =	swait.ge [sflag:s8], $0x12000  }
.Ltmp0:
0x36: {  	[sflag:s8] =	ssyncset.done $0x0;
	(pc) =	sbr.rel @!p0 .LBB2_2-.Ltmp0, $4  }
0x37: {  	s18 =	sadd.s32 $0x366E00, s18;
	[sflag:s8] =	ssyncadd.s32 $0xFFFEE000  }
0x38: {  	[hbm4b:s18+s2] =	stream.linear.scatter [tilespmem:s7], [sflag:$0x2], $0x12000, $0x38;
	[tilespmem:$0x12D80] =	vst v63  }
0x39: {  	_ =	swait.ge [sflag:s3], $0x12000  }
0x3a: {  	s19 =	sadd.s32 $0xFFFFFFFF, s19;
	[sflag:s3] =	ssyncset.done $0x0  }
.LBB2_1:
0x3b: {  	p0 =	sne.s32 s19, $0x1;
	s19 =	sadd.s32 $0xFFFFFFFF, s19;
	[sflag:s3] =	ssyncadd.s32 $0xFFFEE000  }
0x3c: {  	[tilespmem:s2], [sflag:$0x2] =	stream.linear.gather [hbm4b:s4+s2], $0xD80, $0x38;
	[tilespmem:$0x12D80] =	vst v63  }
0x3d: {  	_ =	swait.ge [sflag:s3], $0xD80  }
0x3e: {  	[sflag:s3] =	ssyncset.done $0x0  }
0x3f: {  	[sflag:s3] =	ssyncadd.s32 $0xFFFFF280  }
0x40: {  	[tilespmem:s7], [sflag:$0x1] =	stream.indirect.gather [hbm4b:s5+s6], $0x80, s2, s6, $0xb8;
	[tilespmem:$0x12D80] =	vst v63  }
0x41: {  	_ =	swait.ge [sflag:s8], $0x12000  }
0x42: {  	[sflag:s8] =	ssyncset.done $0x0  }
0x43: {  	[sflag:s8] =	ssyncadd.s32 $0xFFFEE000  }
0x44: {  	[hbm4b:s9+s2] =	stream.linear.scatter [tilespmem:s7], [sflag:$0x2], $0x12000, $0x38;
	[tilespmem:$0x12D80] =	vst v63  }
0x45: {  	_ =	swait.ge [sflag:s3], $0x12000  }
0x46: {  	[sflag:s3] =	ssyncset.done $0x0  }
0x47: {  	[sflag:s3] =	ssyncadd.s32 $0xFFFEE000  }
0x48: {  	[tilespmem:s7], [sflag:$0x1] =	stream.indirect.gather [hbm4b:s5+s6], $0x80, s6, s6, $0xb8;
	[tilespmem:$0x12D80] =	vst v63  }
0x49: {  	_ =	swait.ge [sflag:s8], $0x12000  }
0x4a: {  	[sflag:s8] =	ssyncset.done $0x0  }
0x4b: {  	[sflag:s8] =	ssyncadd.s32 $0xFFFEE000  }
0x4c: {  	[hbm4b:s10+s2] =	stream.linear.scatter [tilespmem:s7], [sflag:$0x2], $0x12000, $0x38;
	[tilespmem:$0x12D80] =	vst v63  }
0x4d: {  	_ =	swait.ge [sflag:s3], $0x12000  }
0x4e: {  	[sflag:s3] =	ssyncset.done $0x0  }
0x4f: {  	[sflag:s3] =	ssyncadd.s32 $0xFFFEE000  }
0x50: {  	[tilespmem:s7], [sflag:$0x1] =	stream.indirect.gather [hbm4b:s5+s6], $0x80, s11, s6, $0xb8;
	[tilespmem:$0x12D80] =	vst v63  }
0x51: {  	_ =	swait.ge [sflag:s8], $0x12000  }
0x52: {  	[sflag:s8] =	ssyncset.done $0x0  }
0x53: {  	[sflag:s8] =	ssyncadd.s32 $0xFFFEE000  }
0x54: {  	[hbm4b:s12+s2] =	stream.linear.scatter [tilespmem:s7], [sflag:$0x2], $0x12000, $0x38;
	[tilespmem:$0x12D80] =	vst v63  }
0x55: {  	_ =	swait.ge [sflag:s3], $0x12000  }
0x56: {  	[sflag:s3] =	ssyncset.done $0x0  }
0x57: {  	[sflag:s3] =	ssyncadd.s32 $0xFFFEE000  }
0x58: {  	[tilespmem:s7], [sflag:$0x1] =	stream.indirect.gather [hbm4b:s5+s6], $0x80, s13, s6, $0xb8;
	[tilespmem:$0x12D80] =	vst v63  }
0x59: {  	_ =	swait.ge [sflag:s8], $0x12000  }
0x5a: {  	[sflag:s8] =	ssyncset.done $0x0  }
0x5b: {  	[sflag:s8] =	ssyncadd.s32 $0xFFFEE000  }
0x5c: {  	[hbm4b:s14+s2] =	stream.linear.scatter [tilespmem:s7], [sflag:$0x2], $0x12000, $0x38;
	[tilespmem:$0x12D80] =	vst v63  }
0x5d: {  	_ =	swait.ge [sflag:s3], $0x12000  }
0x5e: {  	[sflag:s3] =	ssyncset.done $0x0  }
0x5f: {  	[sflag:s3] =	ssyncadd.s32 $0xFFFEE000  }
0x60: {  	[tilespmem:s7], [sflag:$0x1] =	stream.indirect.gather [hbm4b:s5+s6], $0x80, s15, s6, $0xb8;
	[tilespmem:$0x12D80] =	vst v63  }
0x61: {  	_ =	swait.ge [sflag:s8], $0x12000  }
0x62: {  	[sflag:s8] =	ssyncset.done $0x0  }
0x63: {  	[sflag:s8] =	ssyncadd.s32 $0xFFFEE000  }
0x64: {  	[hbm4b:s16+s2] =	stream.linear.scatter [tilespmem:s7], [sflag:$0x2], $0x12000, $0x38;
	[tilespmem:$0x12D80] =	vst v63  }
0x65: {  	_ =	swait.ge [sflag:s3], $0x12000  }
0x66: {  	[sflag:s3] =	ssyncset.done $0x0  }
0x67: {  	[sflag:s3] =	ssyncadd.s32 $0xFFFEE000  }
0x68: {  	[tilespmem:s7], [sflag:$0x1] =	stream.indirect.gather [hbm4b:s5+s6], $0x80, s17, s6, $0xb8;
	[tilespmem:$0x12D80] =	vst v63  }
0x69: {  	_ =	swait.ge [sflag:s8], $0x12000  }
.Ltmp1:
0x6a: {  	[sflag:s8] =	ssyncset.done $0x0;
	(pc) =	sbr.rel @p0 .LBB2_1-.Ltmp1, $4  }
0x6b: {  	[sflag:s8] =	ssyncadd.s32 $0xFFFEE000  }
0x6c: {  	[hbm4b:s18+s2] =	stream.linear.scatter [tilespmem:s7], [sflag:$0x2], $0x12000, $0x38;
	[tilespmem:$0x12D80] =	vst v63  }
0x6d: {  	_ =	swait.ge [sflag:s3], $0x12000  }
0x6e: {  	[sflag:s3] =	ssyncset.done $0x0  }
.LBB2_2:
0x6f: {  	[sflag:s3] =	ssyncadd.s32 $0xFFFEE000  }
0x70: {  	_ =	sfence.sel $0x180000  }
0x71: {  	[bflag:$0x0] =	sbarrier.arrive $0xFFFF  }
0x72: {  	p0 =	sne.s32 s0, $0x0;
	_ =	strace $0x90000047  }
0x73: {  	s0 =	sadd.s32 @!p0 $0x100000, s1;
	[bflag:$0x2] =	sbarrier.arrive $0xFFFF  }
0x74: {  	[sflag:s0] =	ssyncadd.tile.s32 @!p0 $0x1;
	_ =	shalt  }
.Lfunc_end2:
_tile_overlayer_lowered:
.L_overlay_start_2:
0x75: {  	(tag) =	ssettag $0x2  }
0x76: {  	s0 =	rddreg [dreg:$0x0];
	s2 =	stileid.u32  }
0x77: {  	s1 =	rddreg [dreg:$0x1];
	p0 =	sne.s32 s2, $0x0  }
0x78: {  	s3 =	rddreg [dreg:$0x2];
	[bflag:$0x3] =	sbarrier.arrive $0xFFFF;
	s2 =	simm.s32 @!p0 $0x1C02  }
0x79: {  	[timem:s3], [sflag:s2] =	dma.local @!p0 [hbm:s0], s1  }
0x7a: {  	s0 =	simm.s32 @!p0 $0x2  }
0x7b: {  	_ =	swait.ge @!p0 [sflag:s0], s1  }
0x7c: {  	s1 =	ssub.s32 @!p0 $0x0, s1;
	[sflag:s0] =	ssyncset.done @!p0 $0x0  }
0x7d: {  	[sflag:s0] =	ssyncadd.s32 @!p0 s1  }
0x7e: {  	[bflag:$0x3] =	sbarrier.arrive $0xFFFF  }
0x7f: {  	_ =	shalt  }

</sc_bundles>
